<compile_context>
chip_gen: v7x
topology: tpu7x:2x2x1
jax: 0.10.2.dev20260603
libtpu: 0.0.44.dev20260713+nightly
codegen_flags: <defaults>
</compile_context>

<pallas_src>
import dataclasses
import functools

import jax
import jax.numpy as jnp
from jax import lax
from jax.experimental import pallas as pl
from jax.experimental.pallas import tpu as pltpu
from jax.experimental.pallas import tpu_sc as plsc

F32 = jnp.float32
I32 = jnp.int32
L = 16
NCORE = 2
NSUB = 16
NW = NCORE * NSUB
CHUNK = 128
SUBS = 9
BIGE = CHUNK * SUBS


def _vmesh():
    return plsc.VectorSubcoreMesh(core_axis_name="c", subcore_axis_name="s")


def _sc_params():
    cp = pltpu.CompilerParams()
    if "needs_layout_passes" in pltpu.CompilerParams.__dataclass_fields__:
        cp = dataclasses.replace(cp, needs_layout_passes=False)
    return cp



def _tc_prep1(x, W1, A1, NT):
    N, D = x.shape
    F = W1.shape[1]
    HP = F // 128
    BN = 2000
    nb = N // BN

    def body(x_ref, w_ref, a_ref, t_ref, asd_ref):
        h = jnp.dot(x_ref[...], w_ref[...], preferred_element_type=F32)
        for j in range(HP):
            t_ref[j] = h[:, j * 128:(j + 1) * 128]
        asd_ref[...] = jnp.dot(h, a_ref[...], preferred_element_type=F32)

    return pl.pallas_call(
        body,
        grid=(nb,),
        in_specs=[
            pl.BlockSpec((BN, D), lambda i: (i, 0)),
            pl.BlockSpec((D, F), lambda i: (0, 0)),
            pl.BlockSpec((F, 128), lambda i: (0, 0)),
        ],
        out_specs=[
            pl.BlockSpec((HP, BN, 128), lambda i: (0, i, 0)),
            pl.BlockSpec((BN, 128), lambda i: (i, 0)),
        ],
        out_shape=[
            jax.ShapeDtypeStruct((HP, NT, 128), F32),
            jax.ShapeDtypeStruct((N, 128), F32),
        ],
    )(x, W1, A1)


def _tc_dinv(dp):
    _, H, NT = dp.shape

    def body(dp_ref, dinv_ref):
        s = jnp.sum(dp_ref[...], axis=0)
        dinv_ref[...] = 1.0 / (s + 1e-16)

    return pl.pallas_call(
        body,
        grid=(1,),
        in_specs=[pl.BlockSpec((NCORE, H, NT), lambda i: (0, 0, 0))],
        out_specs=pl.BlockSpec((H, NT), lambda i: (0, 0)),
        out_shape=jax.ShapeDtypeStruct((H, NT), F32),
    )(dp)


def _tc_mid(p1, dinvT, b1r, W2r, A2):
    _, HPn, NT, CF = p1.shape
    CO = W2r.shape[-1]
    N = 10000 if NT >= 10000 else NT
    BN = 2000
    nb = N // BN

    def body(p_ref, d_ref, b_ref, w_ref, a_ref, h2_ref, asd_ref):
        dv = d_ref[...]
        acc = jnp.zeros((BN, CO), F32)
        for j in range(HPn):
            d0 = jnp.broadcast_to(dv[:, 2 * j:2 * j + 1], (BN, CF // 2))
            d1 = jnp.broadcast_to(dv[:, 2 * j + 1:2 * j + 2], (BN, CF // 2))
            dj = jnp.concatenate([d0, d1], axis=1)
            s = (p_ref[0, j] + p_ref[1, j]) * dj + b_ref[j][None, :]
            x1 = jnp.where(s > 0, s, jnp.exp(s) - 1.0)
            acc = acc + jnp.dot(x1, w_ref[j], preferred_element_type=F32)
        h2_ref[0, :, :CO] = acc
        h2_ref[0, :, CO:] = jnp.zeros((BN, CF - CO), F32)
        asd_ref[...] = jnp.dot(acc, a_ref[...], preferred_element_type=F32)

    return pl.pallas_call(
        body,
        grid=(nb,),
        in_specs=[
            pl.BlockSpec((2, HPn, BN, CF), lambda i: (0, 0, i, 0)),
            pl.BlockSpec((BN, 2 * HPn), lambda i: (i, 0)),
            pl.BlockSpec((HPn, CF), lambda i: (0, 0)),
            pl.BlockSpec((HPn, CF, CO), lambda i: (0, 0, 0)),
            pl.BlockSpec((CO, 128), lambda i: (0, 0)),
        ],
        out_specs=[
            pl.BlockSpec((1, BN, CF), lambda i: (0, i, 0)),
            pl.BlockSpec((BN, 128), lambda i: (i, 0)),
        ],
        out_shape=[
            jax.ShapeDtypeStruct((1, NT, CF), F32),
            jax.ShapeDtypeStruct((N, 128), F32),
        ],
    )(p1, dinvT, b1r, W2r, A2)


def _tc_final(p2, dinvP2, b2r, Wl, blr):
    _, _, NT, CF = p2.shape
    CI = Wl.shape[0]
    N = 10000 if NT >= 10000 else NT
    BN = 2000
    nb = N // BN
    DO = Wl.shape[1]

    def body(p_ref, d_ref, b_ref, w_ref, bl_ref, y_ref):
        s = p_ref[0, 0, :, :CI] + p_ref[1, 0, :, :CI]
        s = s * d_ref[...] + b_ref[...]
        x2 = jnp.where(s > 0, s, jnp.exp(s) - 1.0)
        y_ref[...] = jnp.dot(x2, w_ref[...], preferred_element_type=F32) + bl_ref[...]

    return pl.pallas_call(
        body,
        grid=(nb,),
        in_specs=[
            pl.BlockSpec((2, 1, BN, CF), lambda i: (0, 0, i, 0)),
            pl.BlockSpec((BN, CI), lambda i: (i, 0)),
            pl.BlockSpec((1, CI), lambda i: (0, 0)),
            pl.BlockSpec((CI, DO), lambda i: (0, 0)),
            pl.BlockSpec((1, DO), lambda i: (0, 0)),
        ],
        out_specs=pl.BlockSpec((BN, DO), lambda i: (i, 0)),
        out_shape=jax.ShapeDtypeStruct((N, DO), F32),
    )(p2, dinvP2, b2r, Wl, blr)



def _sc_denom(asT, adT, srcp, dstp):
    H, NT = asT.shape
    EPAD = srcp.shape[0]
    EPT = EPAD // NW
    CH = EPT // CHUNK
    ZW = (H * NT) // NSUB
    ZB = 2560 if ZW % 2560 == 0 else ZW
    assert ZW % ZB == 0

    @functools.partial(
        pl.kernel,
        out_type=[jax.ShapeDtypeStruct((H, NW, EPT), F32),
                  jax.ShapeDtypeStruct((NCORE, H * NT), F32)],
        mesh=_vmesh(),
        compiler_params=_sc_params(),
        scratch_types=[
            pltpu.VMEM((NT,), F32),
            pltpu.VMEM((NT,), F32),
            pltpu.VMEM((EPT,), I32),
            pltpu.VMEM((EPT,), I32),
            pltpu.VMEM((EPT,), F32),
            pltpu.VMEM((2, CHUNK), I32),
            pltpu.VMEM((ZB,), F32),
            pltpu.VMEM_SHARED((H * NT,), F32),
            pltpu.SemaphoreType.DMA((2,)),
        ],
    )
    def k(asT_hbm, adT_hbm, src_hbm, dst_hbm, ex_hbm, dp_hbm,
          asv, adv, srcv, dstv, exv, idxd, zb, accS, ssem):
        c = lax.axis_index("c")
        s = lax.axis_index("s")
        w = s * NCORE + c
        base = w * EPT
        pltpu.sync_copy(src_hbm.at[pl.ds(base, EPT)], srcv)
        pltpu.sync_copy(dst_hbm.at[pl.ds(base, EPT)], dstv)

        zero = jnp.zeros((L,), F32)

        @pl.loop(0, ZB, step=4 * L)
        def _(i):
            for u in range(4):
                zb[pl.ds(i + u * L, L)] = zero

        w0 = s * ZW
        for t in range(ZW // ZB):
            pltpu.sync_copy(zb, accS.at[pl.ds(w0 + t * ZB, ZB)])
        plsc.subcore_barrier()

        @pl.loop(0, H)
        def _heads(h):
            pltpu.sync_copy(asT_hbm.at[h], asv)
            pltpu.sync_copy(adT_hbm.at[h], adv)
            hNT = h * NT

            @pl.loop(0, CH)
            def _chunks(g):
                p = lax.rem(g, 2)

                @pl.when(g >= 2)
                def _():
                    pltpu.make_async_copy(exv.at[pl.ds(0, CHUNK)],
                                          accS.at[idxd.at[p]],
                                          ssem.at[p]).wait()

                @pl.loop(0, CHUNK, step=8 * L)
                def _(i):
                    for u in range(8):
                        si = srcv[pl.ds(g * CHUNK + i + u * L, L)]
                        di = dstv[pl.ds(g * CHUNK + i + u * L, L)]
                        av = plsc.load_gather(asv, [si])
                        bv = plsc.load_gather(adv, [di])
                        al = av + bv
                        al = jnp.where(al > 0, al, al * 0.2)
                        ev = jnp.exp(al)
                        exv[pl.ds(g * CHUNK + i + u * L, L)] = ev
                        idxd[p, pl.ds(i + u * L, L)] = di + hNT

                pltpu.async_copy(exv.at[pl.ds(g * CHUNK, CHUNK)],
                                 accS.at[idxd.at[p]], ssem.at[p], add=True)

            pltpu.make_async_copy(exv.at[pl.ds(0, CHUNK)], accS.at[idxd.at[0]],
                                  ssem.at[0]).wait()
            pltpu.make_async_copy(exv.at[pl.ds(0, CHUNK)], accS.at[idxd.at[1]],
                                  ssem.at[1]).wait()
            pltpu.sync_copy(exv, ex_hbm.at[h, w])

        plsc.subcore_barrier()
        pltpu.sync_copy(accS.at[pl.ds(w0, ZW)], dp_hbm.at[c, pl.ds(w0, ZW)])

    return k(asT, adT, srcp, dstp)


def _sc_aggregate(tbl, ex3, srcp, dstp, HP, PH):
    _, NT, C2 = tbl.shape
    EPAD = srcp.shape[0]
    EPT = EPAD // NW
    NBIG = EPT // BIGE
    RPT = NT // NSUB
    ZR = 40
    assert RPT % ZR == 0 and EPT % BIGE == 0

    @functools.partial(
        pl.kernel,
        out_type=jax.ShapeDtypeStruct((NCORE, HP, NT, C2), F32),
        mesh=_vmesh(),
        compiler_params=_sc_params(),
        scratch_types=[
            pltpu.VMEM((2, CHUNK, C2), F32),
            pltpu.VMEM((2, BIGE), I32),
            pltpu.VMEM((2, BIGE), I32),
            pltpu.VMEM((2, CHUNK), I32),
            pltpu.VMEM((2, PH, BIGE), F32),
            pltpu.VMEM((ZR, C2), F32),
            pltpu.VMEM_SHARED((NT, C2), F32),
            pltpu.SemaphoreType.DMA((2,)),
            pltpu.SemaphoreType.DMA((2,)),
            pltpu.SemaphoreType.DMA((2,)),
        ],
    )
    def k(tbl_hbm, ex_hbm, src_hbm, dst_hbm, out_hbm,
          rows, srcb, dstfull, dstb, coefb, zb, accS, gsem, ssem, lsem):

        def load_block(j, B, q):
            wv = lax.axis_index("s") * NCORE + lax.axis_index("c")
            cb = wv * EPT + B * BIGE
            pltpu.async_copy(src_hbm.at[pl.ds(cb, BIGE)], srcb.at[q],
                             lsem.at[q])
            pltpu.async_copy(dst_hbm.at[pl.ds(cb, BIGE)], dstfull.at[q],
                             lsem.at[q])
            for kx in range(PH):
                pltpu.async_copy(
                    ex_hbm.at[j * PH + kx, wv, pl.ds(B * BIGE, BIGE)],
                    coefb.at[q, kx], lsem.at[q])

        def wait_block(q):
            pltpu.make_async_copy(src_hbm.at[pl.ds(0, BIGE)], srcb.at[q],
                                  lsem.at[q]).wait()
            pltpu.make_async_copy(dst_hbm.at[pl.ds(0, BIGE)], dstfull.at[q],
                                  lsem.at[q]).wait()
            for kx in range(PH):
                pltpu.make_async_copy(ex_hbm.at[0, 0, pl.ds(0, BIGE)],
                                      coefb.at[q, kx], lsem.at[q]).wait()

        c = lax.axis_index("c")
        s = lax.axis_index("s")

        zero = jnp.zeros((L,), F32)

        @pl.loop(0, ZR)
        def _(r):
            for kk in range(C2 // L):
                zb[r, pl.ds(kk * L, L)] = zero

        row0 = s * RPT
        z0 = jnp.full((L,), 0, I32)
        z1 = jnp.full((L,), 1, I32)

        @pl.loop(0, HP)
        def _pairs(j):
            for t in range(RPT // ZR):
                pltpu.sync_copy(zb, accS.at[pl.ds(row0 + t * ZR, ZR)])
            plsc.subcore_barrier()

            load_block(j, 0, 0)

            @pl.loop(0, NBIG)
            def _big(B):
                q = lax.rem(B, 2)
                qn = lax.rem(B + 1, 2)

                @pl.when(B < NBIG - 1)
                def _():
                    load_block(j, B + 1, qn)

                wait_block(q)
                qv = jnp.full((L,), q, I32)

                pltpu.async_copy(
                    tbl_hbm.at[j].at[srcb.at[q].at[pl.ds(0, CHUNK)]],
                    rows.at[0], gsem.at[0])

                @pl.loop(0, SUBS)
                def _s(sb):
                    p = lax.rem(sb, 2)
                    pn = lax.rem(sb + 1, 2)

                    @pl.when(sb < SUBS - 1)
                    def _():
                        @pl.when(sb >= 1)
                        def _():
                            pltpu.make_async_copy(
                                rows.at[pn], accS.at[dstb.at[pn]],
                                ssem.at[pn]).wait()
                        pltpu.async_copy(
                            tbl_hbm.at[j].at[
                                srcb.at[q].at[pl.ds((sb + 1) * CHUNK, CHUNK)]],
                            rows.at[pn], gsem.at[pn])

                    pltpu.make_async_copy(
                        tbl_hbm.at[j].at[
                            srcb.at[q].at[pl.ds(sb * CHUNK, CHUNK)]],
                        rows.at[p], gsem.at[p]).wait()

                    @pl.loop(0, CHUNK, step=L)
                    def _(i):
                        dstb[p, pl.ds(i, L)] = dstfull[q, pl.ds(sb * CHUNK + i, L)]

                    @pl.loop(0, CHUNK, step=2)
                    def _(e0):
                        for u in range(2):
                            e = e0 + u
                            fe = jnp.full((L,), sb * CHUNK + e, I32)
                            c0 = plsc.load_gather(coefb, [qv, z0, fe])
                            c1 = (plsc.load_gather(coefb, [qv, z1, fe])
                                  if PH == 2 else c0)
                            for kk in range(C2 // L):
                                sl = pl.ds(kk * L, L)
                                cv = c0 if kk < (C2 // L // 2) else c1
                                rows[p, e, sl] = rows[p, e, sl] * cv

                    pltpu.async_copy(rows.at[p], accS.at[dstb.at[p]],
                                     ssem.at[p], add=True)

                pltpu.make_async_copy(rows.at[0], accS.at[dstb.at[0]],
                                      ssem.at[0]).wait()
                pltpu.make_async_copy(rows.at[1], accS.at[dstb.at[1]],
                                      ssem.at[1]).wait()

            plsc.subcore_barrier()
            pltpu.sync_copy(accS.at[pl.ds(row0, RPT)],
                            out_hbm.at[c, j, pl.ds(row0, RPT)])
            plsc.subcore_barrier()

    return k(tbl, ex3, srcp, dstp)



def kernel(x, edge_index, W1, att_src1, att_dst1, b1, W2, att_src2, att_dst2,
           b2, Wl, bl):
    N, D = x.shape
    H1 = att_src1.shape[0]
    C = att_src1.shape[1]
    NT = ((N + 1 + 255) // 256) * 256
    E = edge_index.shape[1]
    EP = E + N
    EPAD = ((EP + NW * BIGE - 1) // (NW * BIGE)) * (NW * BIGE)
    EPT = EPAD // NW
    CH = EPT // CHUNK

    loops = jnp.arange(N, dtype=edge_index.dtype)
    src = jnp.concatenate([edge_index[0], loops]).astype(I32)
    dst = jnp.concatenate([edge_index[1], loops]).astype(I32)
    pad = EPAD - EP
    src = jnp.concatenate([src, jnp.full((pad,), N, I32)])
    dst = jnp.concatenate([dst, jnp.full((pad,), N, I32)])

    ih = jnp.arange(H1)
    Z = jnp.zeros((H1, C, 128), F32)
    Z = Z.at[ih, :, ih].set(att_src1)
    Z = Z.at[ih, :, H1 + ih].set(att_dst1)
    A1 = Z.reshape(H1 * C, 128)
    A2 = jnp.zeros((C, 128), F32)
    A2 = A2.at[:, 0].set(att_src2[0])
    A2 = A2.at[:, 1].set(att_dst2[0])

    HP1 = H1 // 2
    tbl1, asd1 = _tc_prep1(x, W1, A1, NT)
    asT1 = jnp.pad(asd1[:, :H1].T, ((0, 0), (0, NT - N)))
    adT1 = jnp.pad(asd1[:, H1:2 * H1].T, ((0, 0), (0, NT - N)))

    ex1, dp1 = _sc_denom(asT1, adT1, src, dst)
    dinv1 = _tc_dinv(dp1.reshape(NCORE, H1, NT))
    p1 = _sc_aggregate(tbl1, ex1, src, dst, HP1, 2)

    tbl2, asd2 = _tc_mid(p1, dinv1.T, b1.reshape(HP1, 2 * C),
                         W2.reshape(HP1, 2 * C, C), A2)
    asT2 = jnp.pad(asd2[:, :1].T, ((0, 0), (0, NT - N)))
    adT2 = jnp.pad(asd2[:, 1:2].T, ((0, 0), (0, NT - N)))

    ex2, dp2 = _sc_denom(asT2, adT2, src, dst)
    dinv2 = _tc_dinv(dp2.reshape(NCORE, 1, NT))
    p2 = _sc_aggregate(tbl2, ex2, src, dst, 1, 1)

    dinvP2 = jnp.broadcast_to(dinv2[0][:, None], (NT, C))
    return _tc_final(p2, dinvP2, b2.reshape(1, C), Wl,
                     bl.reshape(1, Wl.shape[1]))

# --- scband reference (transcript-rebuilt; emitter-appended) ---
"""Pipeline reference for scband-gatsby-59047210385934 (READ-ONLY COPY).

The authoritative reference and input builder live on the scoring server;
editing this copy changes nothing except your own understanding.
"""

import jax, jax.numpy as jnp
import numpy as np

N = 10000
E = 320000
D = 128


def setup_inputs(seed: int = 0):
    key = jax.random.key(seed)
    ks = jax.random.split(key, 12)
    inp = {}
    inp['x'] = jax.random.normal(ks[0], (N, D), dtype=jnp.float32)
    inp['edge_index'] = jax.random.randint(ks[1], (2, E), 0, N)
    inp['W1'] = jax.random.normal(ks[2], (D, 8 * 64), dtype=jnp.float32) * 0.05
    inp['att_src1'] = jax.random.normal(ks[3], (8, 64), dtype=jnp.float32) * 0.05
    inp['att_dst1'] = jax.random.normal(ks[4], (8, 64), dtype=jnp.float32) * 0.05
    inp['b1'] = jnp.zeros((8 * 64,), dtype=jnp.float32)
    inp['W2'] = jax.random.normal(ks[5], (8 * 64, 64), dtype=jnp.float32) * 0.05
    inp['att_src2'] = jax.random.normal(ks[6], (1, 64), dtype=jnp.float32) * 0.05
    inp['att_dst2'] = jax.random.normal(ks[7], (1, 64), dtype=jnp.float32) * 0.05
    inp['b2'] = jnp.zeros((64,), dtype=jnp.float32)
    inp['Wl'] = jax.random.normal(ks[8], (64, D), dtype=jnp.float32) * 0.05
    inp['bl'] = jnp.zeros((D,), dtype=jnp.float32)
    return inp


def _gat_conv(x, src, dst, W, att_src, att_dst, bias, heads, out_ch, concat, n):
    # PyG GATConv (v1) semantics, eval mode (dropout off), negative_slope=0.2
    h = (x @ W).reshape(n, heads, out_ch)
    a_s = (h * att_src[None, :, :]).sum(-1)  # [n, heads]
    a_d = (h * att_dst[None, :, :]).sum(-1)  # [n, heads]
    alpha = a_s[src] + a_d[dst]              # [e, heads]
    alpha = jax.nn.leaky_relu(alpha, 0.2)
    amax = jax.ops.segment_max(alpha, dst, num_segments=n)
    amax = jnp.where(jnp.isfinite(amax), amax, 0.0)
    ex = jnp.exp(alpha - amax[dst])
    denom = jax.ops.segment_sum(ex, dst, num_segments=n)
    coef = ex / (denom[dst] + 1e-16)
    msg = h[src] * coef[:, :, None]
    out = jax.ops.segment_sum(msg, dst, num_segments=n)
    if concat:
        out = out.reshape(n, heads * out_ch)
    else:
        out = out.mean(axis=1)
    return out + bias


def reference(x, edge_index, W1, att_src1, att_dst1, b1, W2, att_src2, att_dst2, b2, Wl, bl):
    n = x.shape[0]
    loops = jnp.arange(n, dtype=edge_index.dtype)
    src = jnp.concatenate([edge_index[0], loops])  # add_self_loops=True (PyG default)
    dst = jnp.concatenate([edge_index[1], loops])
    h1 = _gat_conv(x, src, dst, W1, att_src1, att_dst1, b1, 8, 64, True, n)
    x1 = jax.nn.elu(h1)
    h2 = _gat_conv(x1, src, dst, W2, att_src2, att_dst2, b2, 1, 64, False, n)
    x2 = jax.nn.elu(h2)
    return x2 @ Wl + bl

if __name__ == "__main__":
    import jax
    _d = setup_inputs()
    print(jax.jit(kernel)(*tuple(_d.values())))

</pallas_src>

<mosaic_0001>
#map = affine_map<(d0, d1) -> (0, 0)>
#map1 = affine_map<(d0, d1) -> (0)>
#map2 = affine_map<(d0, d1) -> (0, 0, 0)>
module attributes {stable_mosaic.version = 14 : i64} {
  func.func @k(%arg0: i32, %arg1: i32, %arg2: memref<8x10240xf32, #tpu.memory_space<hbm>>, %arg3: memref<8x10240xf32, #tpu.memory_space<hbm>>, %arg4: memref<331776xi32, #tpu.memory_space<hbm>>, %arg5: memref<331776xi32, #tpu.memory_space<hbm>>, %arg6: memref<8x32x10368xf32, #tpu.memory_space<hbm>>, %arg7: memref<2x81920xf32, #tpu.memory_space<hbm>>, %arg8: memref<10240xf32, #tpu.memory_space<vmem>>, %arg9: memref<10240xf32, #tpu.memory_space<vmem>>, %arg10: memref<10368xi32, #tpu.memory_space<vmem>>, %arg11: memref<10368xi32, #tpu.memory_space<vmem>>, %arg12: memref<10368xf32, #tpu.memory_space<vmem>>, %arg13: memref<2x128xi32, #tpu.memory_space<vmem>>, %arg14: memref<2560xf32, #tpu.memory_space<vmem>>, %arg15: memref<81920xf32, #tpu.memory_space<vmem_shared>>, %arg16: memref<2x!tpu.dma_semaphore, #tpu.memory_space<semaphore_mem>>) attributes {dimension_semantics = [#tpu.dimension_semantics<core_parallel>, #tpu.dimension_semantics<subcore_parallel>], iteration_bounds = array<i64: 2, 16>, scalar_prefetch = 0 : i64, scratch_operands = 9 : i64, tpu.core_type = #tpu.core_type<sc_vector_subcore>, window_params = [{transform_indices = #map}, {transform_indices = #map}, {transform_indices = #map1}, {transform_indices = #map1}, {transform_indices = #map2}, {transform_indices = #map}]} {
    %mul3A = arith.constant 2 : i32
    %mul3A_0 = arith.muli %arg1, %mul3A : i32
    %add3A = arith.addi %mul3A_0, %arg0 : i32
    %mul3A_1 = arith.constant 10368 : i32
    %mul3A_2 = arith.muli %add3A, %mul3A_1 : i32
    "tpu.region"() ({
      %run_scoped3A = tpu.sem_alloc : memref<!tpu.dma_semaphore, #tpu.memory_space<semaphore_mem>>
      %dma_start3A = tpu.memref_slice %arg4[%mul3A_2] : memref<331776xi32, #tpu.memory_space<hbm>> -> memref<10368xi32, #tpu.memory_space<hbm>>
      %dma_start3A_20 = tpu.memref_slice %arg4[%mul3A_2] : memref<331776xi32, #tpu.memory_space<hbm>> -> memref<10368xi32, #tpu.memory_space<hbm>>
      tpu.enqueue_dma source(%dma_start3A_20 : memref<10368xi32, #tpu.memory_space<hbm>>) target(%arg10 : memref<10368xi32, #tpu.memory_space<vmem>>) target_semaphore(%run_scoped3A : memref<!tpu.dma_semaphore, #tpu.memory_space<semaphore_mem>>)
      %dma_wait3A = tpu.memref_slice %arg4[%mul3A_2] : memref<331776xi32, #tpu.memory_space<hbm>> -> memref<10368xi32, #tpu.memory_space<hbm>>
      %dma_wait3A_21 = tpu.memref_slice %arg4[%mul3A_2] : memref<331776xi32, #tpu.memory_space<hbm>> -> memref<10368xi32, #tpu.memory_space<hbm>>
      tpu.wait_dma2 semaphore(%run_scoped3A : memref<!tpu.dma_semaphore, #tpu.memory_space<semaphore_mem>>) src(%dma_wait3A_21 : memref<10368xi32, #tpu.memory_space<hbm>>) dst(%arg10 : memref<10368xi32, #tpu.memory_space<vmem>>)
      tpu.yield
    }) : () -> ()
    "tpu.region"() ({
      %run_scoped3A = tpu.sem_alloc : memref<!tpu.dma_semaphore, #tpu.memory_space<semaphore_mem>>
      %dma_start3A = tpu.memref_slice %arg5[%mul3A_2] : memref<331776xi32, #tpu.memory_space<hbm>> -> memref<10368xi32, #tpu.memory_space<hbm>>
      %dma_start3A_20 = tpu.memref_slice %arg5[%mul3A_2] : memref<331776xi32, #tpu.memory_space<hbm>> -> memref<10368xi32, #tpu.memory_space<hbm>>
      tpu.enqueue_dma source(%dma_start3A_20 : memref<10368xi32, #tpu.memory_space<hbm>>) target(%arg11 : memref<10368xi32, #tpu.memory_space<vmem>>) target_semaphore(%run_scoped3A : memref<!tpu.dma_semaphore, #tpu.memory_space<semaphore_mem>>)
      %dma_wait3A = tpu.memref_slice %arg5[%mul3A_2] : memref<331776xi32, #tpu.memory_space<hbm>> -> memref<10368xi32, #tpu.memory_space<hbm>>
      %dma_wait3A_21 = tpu.memref_slice %arg5[%mul3A_2] : memref<331776xi32, #tpu.memory_space<hbm>> -> memref<10368xi32, #tpu.memory_space<hbm>>
      tpu.wait_dma2 semaphore(%run_scoped3A : memref<!tpu.dma_semaphore, #tpu.memory_space<semaphore_mem>>) src(%dma_wait3A_21 : memref<10368xi32, #tpu.memory_space<hbm>>) dst(%arg11 : memref<10368xi32, #tpu.memory_space<vmem>>)
      tpu.yield
    }) : () -> ()
    %broadcast_in_dim3A = arith.constant 0.000000e+00 : f32
    %broadcast_in_dim3A_3 = vector.broadcast %broadcast_in_dim3A : f32 to vector<16xf32>
    %scan3A = arith.constant 0 : i32
    %scan3A_4 = arith.constant 40 : i32
    %scan3A_5 = arith.addi %scan3A, %scan3A_4 : i32
    %scan3A_6 = arith.constant 1 : i32
    scf.for %scan3A_20 = %scan3A to %scan3A_5 step %scan3A_6  : i32 {
      %mul3A_21 = arith.constant 64 : i32
      %mul3A_22 = arith.muli %scan3A_20, %mul3A_21 : i32
      %add3A_23 = arith.constant 0 : i32
      %add3A_24 = arith.addi %add3A_23, %mul3A_22 : i32
      %add3A_25 = arith.constant 0 : i32
      %add3A_26 = arith.addi %add3A_24, %add3A_25 : i32
      %swap3A = arith.index_cast %add3A_26 : i32 to index
      %swap3A_27 = tpu.vector_load %arg14[%swap3A] {strides = array<i32>} : memref<2560xf32, #tpu.memory_space<vmem>>, vector<16xf32>,
      tpu.vector_store %arg14[%swap3A], %broadcast_in_dim3A_3 {strides = array<i32>} : memref<2560xf32, #tpu.memory_space<vmem>>, vector<16xf32>,
      %add3A_28 = arith.constant 16 : i32
      %add3A_29 = arith.addi %add3A_24, %add3A_28 : i32
      %swap3A_30 = arith.index_cast %add3A_29 : i32 to index
      %swap3A_31 = tpu.vector_load %arg14[%swap3A_30] {strides = array<i32>} : memref<2560xf32, #tpu.memory_space<vmem>>, vector<16xf32>,
      tpu.vector_store %arg14[%swap3A_30], %broadcast_in_dim3A_3 {strides = array<i32>} : memref<2560xf32, #tpu.memory_space<vmem>>, vector<16xf32>,
      %add3A_32 = arith.constant 32 : i32
      %add3A_33 = arith.addi %add3A_24, %add3A_32 : i32
      %swap3A_34 = arith.index_cast %add3A_33 : i32 to index
      %swap3A_35 = tpu.vector_load %arg14[%swap3A_34] {strides = array<i32>} : memref<2560xf32, #tpu.memory_space<vmem>>, vector<16xf32>,
      tpu.vector_store %arg14[%swap3A_34], %broadcast_in_dim3A_3 {strides = array<i32>} : memref<2560xf32, #tpu.memory_space<vmem>>, vector<16xf32>,
      %add3A_36 = arith.constant 48 : i32
      %add3A_37 = arith.addi %add3A_24, %add3A_36 : i32
      %swap3A_38 = arith.index_cast %add3A_37 : i32 to index
      %swap3A_39 = tpu.vector_load %arg14[%swap3A_38] {strides = array<i32>} : memref<2560xf32, #tpu.memory_space<vmem>>, vector<16xf32>,
      tpu.vector_store %arg14[%swap3A_38], %broadcast_in_dim3A_3 {strides = array<i32>} : memref<2560xf32, #tpu.memory_space<vmem>>, vector<16xf32>,
    }
    %scan3A_7 = arith.constant 40 : i32
    %mul3A_8 = arith.constant 5120 : i32
    %mul3A_9 = arith.muli %arg1, %mul3A_8 : i32
    %add3A_10 = arith.constant 0 : i32
    %add3A_11 = arith.addi %mul3A_9, %add3A_10 : i32
    "tpu.region"() ({
      %run_scoped3A = tpu.sem_alloc : memref<!tpu.dma_semaphore, #tpu.memory_space<semaphore_mem>>
      %dma_start3A = tpu.memref_slice %arg15[%add3A_11] : memref<81920xf32, #tpu.memory_space<vmem_shared>> -> memref<2560xf32, #tpu.memory_space<vmem_shared>>
      %dma_start3A_20 = tpu.memref_slice %arg15[%add3A_11] : memref<81920xf32, #tpu.memory_space<vmem_shared>> -> memref<2560xf32, #tpu.memory_space<vmem_shared>>
      tpu.enqueue_dma source(%arg14 : memref<2560xf32, #tpu.memory_space<vmem>>) target(%dma_start3A_20 : memref<2560xf32, #tpu.memory_space<vmem_shared>>) target_semaphore(%run_scoped3A : memref<!tpu.dma_semaphore, #tpu.memory_space<semaphore_mem>>)
      %dma_wait3A = tpu.memref_slice %arg15[%add3A_11] : memref<81920xf32, #tpu.memory_space<vmem_shared>> -> memref<2560xf32, #tpu.memory_space<vmem_shared>>
      %dma_wait3A_21 = tpu.memref_slice %arg15[%add3A_11] : memref<81920xf32, #tpu.memory_space<vmem_shared>> -> memref<2560xf32, #tpu.memory_space<vmem_shared>>
      tpu.wait_dma2 semaphore(%run_scoped3A : memref<!tpu.dma_semaphore, #tpu.memory_space<semaphore_mem>>) src(%arg14 : memref<2560xf32, #tpu.memory_space<vmem>>) dst(%dma_wait3A_21 : memref<2560xf32, #tpu.memory_space<vmem_shared>>)
      tpu.yield
    }) : () -> ()
    %add3A_12 = arith.constant 2560 : i32
    %add3A_13 = arith.addi %mul3A_9, %add3A_12 : i32
    "tpu.region"() ({
      %run_scoped3A = tpu.sem_alloc : memref<!tpu.dma_semaphore, #tpu.memory_space<semaphore_mem>>
      %dma_start3A = tpu.memref_slice %arg15[%add3A_13] : memref<81920xf32, #tpu.memory_space<vmem_shared>> -> memref<2560xf32, #tpu.memory_space<vmem_shared>>
      %dma_start3A_20 = tpu.memref_slice %arg15[%add3A_13] : memref<81920xf32, #tpu.memory_space<vmem_shared>> -> memref<2560xf32, #tpu.memory_space<vmem_shared>>
      tpu.enqueue_dma source(%arg14 : memref<2560xf32, #tpu.memory_space<vmem>>) target(%dma_start3A_20 : memref<2560xf32, #tpu.memory_space<vmem_shared>>) target_semaphore(%run_scoped3A : memref<!tpu.dma_semaphore, #tpu.memory_space<semaphore_mem>>)
      %dma_wait3A = tpu.memref_slice %arg15[%add3A_13] : memref<81920xf32, #tpu.memory_space<vmem_shared>> -> memref<2560xf32, #tpu.memory_space<vmem_shared>>
      %dma_wait3A_21 = tpu.memref_slice %arg15[%add3A_13] : memref<81920xf32, #tpu.memory_space<vmem_shared>> -> memref<2560xf32, #tpu.memory_space<vmem_shared>>
      tpu.wait_dma2 semaphore(%run_scoped3A : memref<!tpu.dma_semaphore, #tpu.memory_space<semaphore_mem>>) src(%arg14 : memref<2560xf32, #tpu.memory_space<vmem>>) dst(%dma_wait3A_21 : memref<2560xf32, #tpu.memory_space<vmem_shared>>)
      tpu.yield
    }) : () -> ()
    %barrier3A = arith.constant 0 : index
    tpu.barrier barrier_id(%barrier3A)
    %scan3A_14 = arith.constant 0 : i32
    %scan3A_15 = arith.constant 8 : i32
    %scan3A_16 = arith.addi %scan3A_14, %scan3A_15 : i32
    %scan3A_17 = arith.constant 1 : i32
    scf.for %scan3A_20 = %scan3A_14 to %scan3A_16 step %scan3A_17  : i32 {
      %mul3A_21 = arith.constant 1 : i32
      %mul3A_22 = arith.muli %scan3A_20, %mul3A_21 : i32
      %add3A_23 = arith.constant 0 : i32
      %add3A_24 = arith.addi %add3A_23, %mul3A_22 : i32
      "tpu.region"() ({
        %run_scoped3A = tpu.sem_alloc : memref<!tpu.dma_semaphore, #tpu.memory_space<semaphore_mem>>
        %dma_start3A = arith.constant 0 : i32
        %dma_start3A_53 = tpu.memref_slice %arg2[%add3A_24, %dma_start3A] : memref<8x10240xf32, #tpu.memory_space<hbm>> -> memref<1x10240xf32, #tpu.memory_space<hbm>>
        %dma_start3A_54 = tpu.memref_squeeze %dma_start3A_53 : memref<1x10240xf32, #tpu.memory_space<hbm>> -> memref<10240xf32, #tpu.memory_space<hbm>>
        %dma_start3A_55 = arith.constant 0 : i32
        %dma_start3A_56 = tpu.memref_slice %arg2[%add3A_24, %dma_start3A_55] : memref<8x10240xf32, #tpu.memory_space<hbm>> -> memref<1x10240xf32, #tpu.memory_space<hbm>>
        %dma_start3A_57 = tpu.memref_squeeze %dma_start3A_56 : memref<1x10240xf32, #tpu.memory_space<hbm>> -> memref<10240xf32, #tpu.memory_space<hbm>>
        tpu.enqueue_dma source(%dma_start3A_57 : memref<10240xf32, #tpu.memory_space<hbm>>) target(%arg8 : memref<10240xf32, #tpu.memory_space<vmem>>) target_semaphore(%run_scoped3A : memref<!tpu.dma_semaphore, #tpu.memory_space<semaphore_mem>>)
        %dma_wait3A_58 = arith.constant 0 : i32
        %dma_wait3A_59 = tpu.memref_slice %arg2[%add3A_24, %dma_wait3A_58] : memref<8x10240xf32, #tpu.memory_space<hbm>> -> memref<1x10240xf32, #tpu.memory_space<hbm>>
        %dma_wait3A_60 = tpu.memref_squeeze %dma_wait3A_59 : memref<1x10240xf32, #tpu.memory_space<hbm>> -> memref<10240xf32, #tpu.memory_space<hbm>>
        %dma_wait3A_61 = arith.constant 0 : i32
        %dma_wait3A_62 = tpu.memref_slice %arg2[%add3A_24, %dma_wait3A_61] : memref<8x10240xf32, #tpu.memory_space<hbm>> -> memref<1x10240xf32, #tpu.memory_space<hbm>>
        %dma_wait3A_63 = tpu.memref_squeeze %dma_wait3A_62 : memref<1x10240xf32, #tpu.memory_space<hbm>> -> memref<10240xf32, #tpu.memory_space<hbm>>
        tpu.wait_dma2 semaphore(%run_scoped3A : memref<!tpu.dma_semaphore, #tpu.memory_space<semaphore_mem>>) src(%dma_wait3A_63 : memref<10240xf32, #tpu.memory_space<hbm>>) dst(%arg8 : memref<10240xf32, #tpu.memory_space<vmem>>)
        tpu.yield
      }) : () -> ()
      "tpu.region"() ({
        %run_scoped3A = tpu.sem_alloc : memref<!tpu.dma_semaphore, #tpu.memory_space<semaphore_mem>>
        %dma_start3A = arith.constant 0 : i32
        %dma_start3A_53 = tpu.memref_slice %arg3[%add3A_24, %dma_start3A] : memref<8x10240xf32, #tpu.memory_space<hbm>> -> memref<1x10240xf32, #tpu.memory_space<hbm>>
        %dma_start3A_54 = tpu.memref_squeeze %dma_start3A_53 : memref<1x10240xf32, #tpu.memory_space<hbm>> -> memref<10240xf32, #tpu.memory_space<hbm>>
        %dma_start3A_55 = arith.constant 0 : i32
        %dma_start3A_56 = tpu.memref_slice %arg3[%add3A_24, %dma_start3A_55] : memref<8x10240xf32, #tpu.memory_space<hbm>> -> memref<1x10240xf32, #tpu.memory_space<hbm>>
        %dma_start3A_57 = tpu.memref_squeeze %dma_start3A_56 : memref<1x10240xf32, #tpu.memory_space<hbm>> -> memref<10240xf32, #tpu.memory_space<hbm>>
        tpu.enqueue_dma source(%dma_start3A_57 : memref<10240xf32, #tpu.memory_space<hbm>>) target(%arg9 : memref<10240xf32, #tpu.memory_space<vmem>>) target_semaphore(%run_scoped3A : memref<!tpu.dma_semaphore, #tpu.memory_space<semaphore_mem>>)
        %dma_wait3A_58 = arith.constant 0 : i32
        %dma_wait3A_59 = tpu.memref_slice %arg3[%add3A_24, %dma_wait3A_58] : memref<8x10240xf32, #tpu.memory_space<hbm>> -> memref<1x10240xf32, #tpu.memory_space<hbm>>
        %dma_wait3A_60 = tpu.memref_squeeze %dma_wait3A_59 : memref<1x10240xf32, #tpu.memory_space<hbm>> -> memref<10240xf32, #tpu.memory_space<hbm>>
        %dma_wait3A_61 = arith.constant 0 : i32
        %dma_wait3A_62 = tpu.memref_slice %arg3[%add3A_24, %dma_wait3A_61] : memref<8x10240xf32, #tpu.memory_space<hbm>> -> memref<1x10240xf32, #tpu.memory_space<hbm>>
        %dma_wait3A_63 = tpu.memref_squeeze %dma_wait3A_62 : memref<1x10240xf32, #tpu.memory_space<hbm>> -> memref<10240xf32, #tpu.memory_space<hbm>>
        tpu.wait_dma2 semaphore(%run_scoped3A : memref<!tpu.dma_semaphore, #tpu.memory_space<semaphore_mem>>) src(%dma_wait3A_63 : memref<10240xf32, #tpu.memory_space<hbm>>) dst(%arg9 : memref<10240xf32, #tpu.memory_space<vmem>>)
        tpu.yield
      }) : () -> ()
      %mul3A_25 = arith.constant 10240 : i32
      %mul3A_26 = arith.muli %add3A_24, %mul3A_25 : i32
      %scan3A_27 = arith.constant 0 : i32
      %scan3A_28 = arith.constant 81 : i32
      %scan3A_29 = arith.addi %scan3A_27, %scan3A_28 : i32
      %scan3A_30 = arith.constant 1 : i32
      scf.for %scan3A_53 = %scan3A_27 to %scan3A_29 step %scan3A_30  : i32 {
        %mul3A_54 = arith.constant 1 : i32
        %mul3A_55 = arith.muli %scan3A_53, %mul3A_54 : i32
        %add3A_56 = arith.constant 0 : i32
        %add3A_57 = arith.addi %add3A_56, %mul3A_55 : i32
        %rem3A = arith.constant 2 : i32
        %rem3A_58 = arith.remsi %add3A_57, %rem3A : i32
        %ge3A = arith.constant 2 : i32
        %ge3A_59 = arith.cmpi sge, %add3A_57, %ge3A : i32
        %convert_element_type3A = arith.extui %ge3A_59 : i1 to i32
        %cond3A = arith.constant 0 : i32
        %cond3A_60 = arith.cmpi ne, %convert_element_type3A, %cond3A : i32
        scf.if %cond3A_60 {
          %dma_wait3A_382 = arith.constant 0 : i32
          %dma_wait3A_383 = tpu.memref_slice %arg12[%dma_wait3A_382] : memref<10368xf32, #tpu.memory_space<vmem>> -> memref<128xf32, #tpu.memory_space<vmem>>
          %dma_wait3A_384 = arith.constant 0 : i32
          %dma_wait3A_385 = tpu.memref_slice %arg13[%rem3A_58, %dma_wait3A_384] : memref<2x128xi32, #tpu.memory_space<vmem>> -> memref<1x128xi32, #tpu.memory_space<vmem>>
          %dma_wait3A_386 = tpu.memref_squeeze %dma_wait3A_385 : memref<1x128xi32, #tpu.memory_space<vmem>> -> memref<128xi32, #tpu.memory_space<vmem>>
          %dma_wait3A_387 = arith.constant 0 : i32
          %dma_wait3A_388 = tpu.memref_slice %arg15[%dma_wait3A_387] : memref<81920xf32, #tpu.memory_space<vmem_shared>> -> memref<81920xf32, #tpu.memory_space<vmem_shared>>
          %dma_wait3A_389 = tpu.memref_slice %arg16[%rem3A_58] : memref<2x!tpu.dma_semaphore, #tpu.memory_space<semaphore_mem>> -> memref<1x!tpu.dma_semaphore, #tpu.memory_space<semaphore_mem>>
          %dma_wait3A_390 = tpu.memref_squeeze %dma_wait3A_389 : memref<1x!tpu.dma_semaphore, #tpu.memory_space<semaphore_mem>> -> memref<!tpu.dma_semaphore, #tpu.memory_space<semaphore_mem>>
          tpu.wait_indirect_dma semaphore(%dma_wait3A_390 : memref<!tpu.dma_semaphore, #tpu.memory_space<semaphore_mem>>) src(%dma_wait3A_383 : memref<128xf32, #tpu.memory_space<vmem>>) dst(%dma_wait3A_388 : memref<81920xf32, #tpu.memory_space<vmem_shared>>)
        } else {
        }
        %scan3A_61 = arith.constant 0 : i32
        %mul3A_62 = arith.constant 128 : i32
        %mul3A_63 = arith.muli %scan3A_61, %mul3A_62 : i32
        %add3A_64 = arith.constant 0 : i32
        %add3A_65 = arith.addi %add3A_64, %mul3A_63 : i32
        %mul3A_66 = arith.constant 128 : i32
        %mul3A_67 = arith.muli %add3A_57, %mul3A_66 : i32
        %add3A_68 = arith.addi %mul3A_67, %add3A_65 : i32
        %add3A_69 = arith.constant 0 : i32
        %add3A_70 = arith.addi %add3A_68, %add3A_69 : i32
        %get3A = arith.index_cast %add3A_70 : i32 to index
        %get3A_71 = tpu.vector_load %arg10[%get3A] {strides = array<i32>} : memref<10368xi32, #tpu.memory_space<vmem>>, vector<16xi32>,
        %mul3A_72 = arith.constant 128 : i32
        %mul3A_73 = arith.muli %add3A_57, %mul3A_72 : i32
        %add3A_74 = arith.addi %mul3A_73, %add3A_65 : i32
        %add3A_75 = arith.constant 0 : i32
        %add3A_76 = arith.addi %add3A_74, %add3A_75 : i32
        %get3A_77 = arith.index_cast %add3A_76 : i32 to index
        %get3A_78 = tpu.vector_load %arg11[%get3A_77] {strides = array<i32>} : memref<10368xi32, #tpu.memory_space<vmem>>, vector<16xi32>,
        %gather3A = tpu.vector_load_idx %arg8[%get3A_71] : memref<10240xf32, #tpu.memory_space<vmem>>[vector<16xi32>], vector<16xf32>,
        %gather3A_79 = tpu.vector_load_idx %arg9[%get3A_78] : memref<10240xf32, #tpu.memory_space<vmem>>[vector<16xi32>], vector<16xf32>,
        %add3A_80 = arith.addf %gather3A, %gather3A_79 : vector<16xf32>
        %gt3A = arith.constant 0.000000e+00 : f32
        %gt3A_81 = vector.broadcast %gt3A : f32 to vector<16xf32>
        %gt3A_82 = arith.cmpf ogt, %add3A_80, %gt3A_81 : vector<16xf32>
        %mul3A_83 = arith.constant 2.000000e-01 : f32
        %mul3A_84 = vector.broadcast %mul3A_83 : f32 to vector<16xf32>
        %mul3A_85 = arith.mulf %add3A_80, %mul3A_84 : vector<16xf32>
        %select_n3A = arith.select %gt3A_82, %add3A_80, %mul3A_85 : vector<16xi1>, vector<16xf32>
        %exp3A = math.exp %select_n3A : vector<16xf32>
        %mul3A_86 = arith.constant 128 : i32
        %mul3A_87 = arith.muli %add3A_57, %mul3A_86 : i32
        %add3A_88 = arith.addi %mul3A_87, %add3A_65 : i32
        %add3A_89 = arith.constant 0 : i32
        %add3A_90 = arith.addi %add3A_88, %add3A_89 : i32
        %swap3A = arith.index_cast %add3A_90 : i32 to index
        %swap3A_91 = tpu.vector_load %arg12[%swap3A] {strides = array<i32>} : memref<10368xf32, #tpu.memory_space<vmem>>, vector<16xf32>,
        tpu.vector_store %arg12[%swap3A], %exp3A {strides = array<i32>} : memref<10368xf32, #tpu.memory_space<vmem>>, vector<16xf32>,
        %add3A_92 = vector.broadcast %mul3A_26 : i32 to vector<16xi32>
        %add3A_93 = arith.addi %get3A_78, %add3A_92 : vector<16xi32>
        %add3A_94 = arith.constant 0 : i32
        %add3A_95 = arith.addi %add3A_65, %add3A_94 : i32
        %swap3A_96 = arith.index_cast %rem3A_58 : i32 to index
        %swap3A_97 = arith.index_cast %add3A_95 : i32 to index
        %swap3A_98 = tpu.vector_load %arg13[%swap3A_96, %swap3A_97] {strides = array<i32>} : memref<2x128xi32, #tpu.memory_space<vmem>>, vector<16xi32>,
        tpu.vector_store %arg13[%swap3A_96, %swap3A_97], %add3A_93 {strides = array<i32>} : memref<2x128xi32, #tpu.memory_space<vmem>>, vector<16xi32>,
        %mul3A_99 = arith.constant 128 : i32
        %mul3A_100 = arith.muli %add3A_57, %mul3A_99 : i32
        %add3A_101 = arith.addi %mul3A_100, %add3A_65 : i32
        %add3A_102 = arith.constant 16 : i32
        %add3A_103 = arith.addi %add3A_101, %add3A_102 : i32
        %get3A_104 = arith.index_cast %add3A_103 : i32 to index
        %get3A_105 = tpu.vector_load %arg10[%get3A_104] {strides = array<i32>} : memref<10368xi32, #tpu.memory_space<vmem>>, vector<16xi32>,
        %mul3A_106 = arith.constant 128 : i32
        %mul3A_107 = arith.muli %add3A_57, %mul3A_106 : i32
        %add3A_108 = arith.addi %mul3A_107, %add3A_65 : i32
        %add3A_109 = arith.constant 16 : i32
        %add3A_110 = arith.addi %add3A_108, %add3A_109 : i32
        %get3A_111 = arith.index_cast %add3A_110 : i32 to index
        %get3A_112 = tpu.vector_load %arg11[%get3A_111] {strides = array<i32>} : memref<10368xi32, #tpu.memory_space<vmem>>, vector<16xi32>,
        %gather3A_113 = tpu.vector_load_idx %arg8[%get3A_105] : memref<10240xf32, #tpu.memory_space<vmem>>[vector<16xi32>], vector<16xf32>,
        %gather3A_114 = tpu.vector_load_idx %arg9[%get3A_112] : memref<10240xf32, #tpu.memory_space<vmem>>[vector<16xi32>], vector<16xf32>,
        %add3A_115 = arith.addf %gather3A_113, %gather3A_114 : vector<16xf32>
        %gt3A_116 = arith.constant 0.000000e+00 : f32
        %gt3A_117 = vector.broadcast %gt3A_116 : f32 to vector<16xf32>
        %gt3A_118 = arith.cmpf ogt, %add3A_115, %gt3A_117 : vector<16xf32>
        %mul3A_119 = arith.constant 2.000000e-01 : f32
        %mul3A_120 = vector.broadcast %mul3A_119 : f32 to vector<16xf32>
        %mul3A_121 = arith.mulf %add3A_115, %mul3A_120 : vector<16xf32>
        %select_n3A_122 = arith.select %gt3A_118, %add3A_115, %mul3A_121 : vector<16xi1>, vector<16xf32>
        %exp3A_123 = math.exp %select_n3A_122 : vector<16xf32>
        %mul3A_124 = arith.constant 128 : i32
        %mul3A_125 = arith.muli %add3A_57, %mul3A_124 : i32
        %add3A_126 = arith.addi %mul3A_125, %add3A_65 : i32
        %add3A_127 = arith.constant 16 : i32
        %add3A_128 = arith.addi %add3A_126, %add3A_127 : i32
        %swap3A_129 = arith.index_cast %add3A_128 : i32 to index
        %swap3A_130 = tpu.vector_load %arg12[%swap3A_129] {strides = array<i32>} : memref<10368xf32, #tpu.memory_space<vmem>>, vector<16xf32>,
        tpu.vector_store %arg12[%swap3A_129], %exp3A_123 {strides = array<i32>} : memref<10368xf32, #tpu.memory_space<vmem>>, vector<16xf32>,
        %add3A_131 = vector.broadcast %mul3A_26 : i32 to vector<16xi32>
        %add3A_132 = arith.addi %get3A_112, %add3A_131 : vector<16xi32>
        %add3A_133 = arith.constant 16 : i32
        %add3A_134 = arith.addi %add3A_65, %add3A_133 : i32
        %swap3A_135 = arith.index_cast %rem3A_58 : i32 to index
        %swap3A_136 = arith.index_cast %add3A_134 : i32 to index
        %swap3A_137 = tpu.vector_load %arg13[%swap3A_135, %swap3A_136] {strides = array<i32>} : memref<2x128xi32, #tpu.memory_space<vmem>>, vector<16xi32>,
        tpu.vector_store %arg13[%swap3A_135, %swap3A_136], %add3A_132 {strides = array<i32>} : memref<2x128xi32, #tpu.memory_space<vmem>>, vector<16xi32>,
        %mul3A_138 = arith.constant 128 : i32
        %mul3A_139 = arith.muli %add3A_57, %mul3A_138 : i32
        %add3A_140 = arith.addi %mul3A_139, %add3A_65 : i32
        %add3A_141 = arith.constant 32 : i32
        %add3A_142 = arith.addi %add3A_140, %add3A_141 : i32
        %get3A_143 = arith.index_cast %add3A_142 : i32 to index
        %get3A_144 = tpu.vector_load %arg10[%get3A_143] {strides = array<i32>} : memref<10368xi32, #tpu.memory_space<vmem>>, vector<16xi32>,
        %mul3A_145 = arith.constant 128 : i32
        %mul3A_146 = arith.muli %add3A_57, %mul3A_145 : i32
        %add3A_147 = arith.addi %mul3A_146, %add3A_65 : i32
        %add3A_148 = arith.constant 32 : i32
        %add3A_149 = arith.addi %add3A_147, %add3A_148 : i32
        %get3A_150 = arith.index_cast %add3A_149 : i32 to index
        %get3A_151 = tpu.vector_load %arg11[%get3A_150] {strides = array<i32>} : memref<10368xi32, #tpu.memory_space<vmem>>, vector<16xi32>,
        %gather3A_152 = tpu.vector_load_idx %arg8[%get3A_144] : memref<10240xf32, #tpu.memory_space<vmem>>[vector<16xi32>], vector<16xf32>,
        %gather3A_153 = tpu.vector_load_idx %arg9[%get3A_151] : memref<10240xf32, #tpu.memory_space<vmem>>[vector<16xi32>], vector<16xf32>,
        %add3A_154 = arith.addf %gather3A_152, %gather3A_153 : vector<16xf32>
        %gt3A_155 = arith.constant 0.000000e+00 : f32
        %gt3A_156 = vector.broadcast %gt3A_155 : f32 to vector<16xf32>
        %gt3A_157 = arith.cmpf ogt, %add3A_154, %gt3A_156 : vector<16xf32>
        %mul3A_158 = arith.constant 2.000000e-01 : f32
        %mul3A_159 = vector.broadcast %mul3A_158 : f32 to vector<16xf32>
        %mul3A_160 = arith.mulf %add3A_154, %mul3A_159 : vector<16xf32>
        %select_n3A_161 = arith.select %gt3A_157, %add3A_154, %mul3A_160 : vector<16xi1>, vector<16xf32>
        %exp3A_162 = math.exp %select_n3A_161 : vector<16xf32>
        %mul3A_163 = arith.constant 128 : i32
        %mul3A_164 = arith.muli %add3A_57, %mul3A_163 : i32
        %add3A_165 = arith.addi %mul3A_164, %add3A_65 : i32
        %add3A_166 = arith.constant 32 : i32
        %add3A_167 = arith.addi %add3A_165, %add3A_166 : i32
        %swap3A_168 = arith.index_cast %add3A_167 : i32 to index
        %swap3A_169 = tpu.vector_load %arg12[%swap3A_168] {strides = array<i32>} : memref<10368xf32, #tpu.memory_space<vmem>>, vector<16xf32>,
        tpu.vector_store %arg12[%swap3A_168], %exp3A_162 {strides = array<i32>} : memref<10368xf32, #tpu.memory_space<vmem>>, vector<16xf32>,
        %add3A_170 = vector.broadcast %mul3A_26 : i32 to vector<16xi32>
        %add3A_171 = arith.addi %get3A_151, %add3A_170 : vector<16xi32>
        %add3A_172 = arith.constant 32 : i32
        %add3A_173 = arith.addi %add3A_65, %add3A_172 : i32
        %swap3A_174 = arith.index_cast %rem3A_58 : i32 to index
        %swap3A_175 = arith.index_cast %add3A_173 : i32 to index
        %swap3A_176 = tpu.vector_load %arg13[%swap3A_174, %swap3A_175] {strides = array<i32>} : memref<2x128xi32, #tpu.memory_space<vmem>>, vector<16xi32>,
        tpu.vector_store %arg13[%swap3A_174, %swap3A_175], %add3A_171 {strides = array<i32>} : memref<2x128xi32, #tpu.memory_space<vmem>>, vector<16xi32>,
        %mul3A_177 = arith.constant 128 : i32
        %mul3A_178 = arith.muli %add3A_57, %mul3A_177 : i32
        %add3A_179 = arith.addi %mul3A_178, %add3A_65 : i32
        %add3A_180 = arith.constant 48 : i32
        %add3A_181 = arith.addi %add3A_179, %add3A_180 : i32
        %get3A_182 = arith.index_cast %add3A_181 : i32 to index
        %get3A_183 = tpu.vector_load %arg10[%get3A_182] {strides = array<i32>} : memref<10368xi32, #tpu.memory_space<vmem>>, vector<16xi32>,
        %mul3A_184 = arith.constant 128 : i32
        %mul3A_185 = arith.muli %add3A_57, %mul3A_184 : i32
        %add3A_186 = arith.addi %mul3A_185, %add3A_65 : i32
        %add3A_187 = arith.constant 48 : i32
        %add3A_188 = arith.addi %add3A_186, %add3A_187 : i32
        %get3A_189 = arith.index_cast %add3A_188 : i32 to index
        %get3A_190 = tpu.vector_load %arg11[%get3A_189] {strides = array<i32>} : memref<10368xi32, #tpu.memory_space<vmem>>, vector<16xi32>,
        %gather3A_191 = tpu.vector_load_idx %arg8[%get3A_183] : memref<10240xf32, #tpu.memory_space<vmem>>[vector<16xi32>], vector<16xf32>,
        %gather3A_192 = tpu.vector_load_idx %arg9[%get3A_190] : memref<10240xf32, #tpu.memory_space<vmem>>[vector<16xi32>], vector<16xf32>,
        %add3A_193 = arith.addf %gather3A_191, %gather3A_192 : vector<16xf32>
        %gt3A_194 = arith.constant 0.000000e+00 : f32
        %gt3A_195 = vector.broadcast %gt3A_194 : f32 to vector<16xf32>
        %gt3A_196 = arith.cmpf ogt, %add3A_193, %gt3A_195 : vector<16xf32>
        %mul3A_197 = arith.constant 2.000000e-01 : f32
        %mul3A_198 = vector.broadcast %mul3A_197 : f32 to vector<16xf32>
        %mul3A_199 = arith.mulf %add3A_193, %mul3A_198 : vector<16xf32>
        %select_n3A_200 = arith.select %gt3A_196, %add3A_193, %mul3A_199 : vector<16xi1>, vector<16xf32>
        %exp3A_201 = math.exp %select_n3A_200 : vector<16xf32>
        %mul3A_202 = arith.constant 128 : i32
        %mul3A_203 = arith.muli %add3A_57, %mul3A_202 : i32
        %add3A_204 = arith.addi %mul3A_203, %add3A_65 : i32
        %add3A_205 = arith.constant 48 : i32
        %add3A_206 = arith.addi %add3A_204, %add3A_205 : i32
        %swap3A_207 = arith.index_cast %add3A_206 : i32 to index
        %swap3A_208 = tpu.vector_load %arg12[%swap3A_207] {strides = array<i32>} : memref<10368xf32, #tpu.memory_space<vmem>>, vector<16xf32>,
        tpu.vector_store %arg12[%swap3A_207], %exp3A_201 {strides = array<i32>} : memref<10368xf32, #tpu.memory_space<vmem>>, vector<16xf32>,
        %add3A_209 = vector.broadcast %mul3A_26 : i32 to vector<16xi32>
        %add3A_210 = arith.addi %get3A_190, %add3A_209 : vector<16xi32>
        %add3A_211 = arith.constant 48 : i32
        %add3A_212 = arith.addi %add3A_65, %add3A_211 : i32
        %swap3A_213 = arith.index_cast %rem3A_58 : i32 to index
        %swap3A_214 = arith.index_cast %add3A_212 : i32 to index
        %swap3A_215 = tpu.vector_load %arg13[%swap3A_213, %swap3A_214] {strides = array<i32>} : memref<2x128xi32, #tpu.memory_space<vmem>>, vector<16xi32>,
        tpu.vector_store %arg13[%swap3A_213, %swap3A_214], %add3A_210 {strides = array<i32>} : memref<2x128xi32, #tpu.memory_space<vmem>>, vector<16xi32>,
        %mul3A_216 = arith.constant 128 : i32
        %mul3A_217 = arith.muli %add3A_57, %mul3A_216 : i32
        %add3A_218 = arith.addi %mul3A_217, %add3A_65 : i32
        %add3A_219 = arith.constant 64 : i32
        %add3A_220 = arith.addi %add3A_218, %add3A_219 : i32
        %get3A_221 = arith.index_cast %add3A_220 : i32 to index
        %get3A_222 = tpu.vector_load %arg10[%get3A_221] {strides = array<i32>} : memref<10368xi32, #tpu.memory_space<vmem>>, vector<16xi32>,
        %mul3A_223 = arith.constant 128 : i32
        %mul3A_224 = arith.muli %add3A_57, %mul3A_223 : i32
        %add3A_225 = arith.addi %mul3A_224, %add3A_65 : i32
        %add3A_226 = arith.constant 64 : i32
        %add3A_227 = arith.addi %add3A_225, %add3A_226 : i32
        %get3A_228 = arith.index_cast %add3A_227 : i32 to index
        %get3A_229 = tpu.vector_load %arg11[%get3A_228] {strides = array<i32>} : memref<10368xi32, #tpu.memory_space<vmem>>, vector<16xi32>,
        %gather3A_230 = tpu.vector_load_idx %arg8[%get3A_222] : memref<10240xf32, #tpu.memory_space<vmem>>[vector<16xi32>], vector<16xf32>,
        %gather3A_231 = tpu.vector_load_idx %arg9[%get3A_229] : memref<10240xf32, #tpu.memory_space<vmem>>[vector<16xi32>], vector<16xf32>,
        %add3A_232 = arith.addf %gather3A_230, %gather3A_231 : vector<16xf32>
        %gt3A_233 = arith.constant 0.000000e+00 : f32
        %gt3A_234 = vector.broadcast %gt3A_233 : f32 to vector<16xf32>
        %gt3A_235 = arith.cmpf ogt, %add3A_232, %gt3A_234 : vector<16xf32>
        %mul3A_236 = arith.constant 2.000000e-01 : f32
        %mul3A_237 = vector.broadcast %mul3A_236 : f32 to vector<16xf32>
        %mul3A_238 = arith.mulf %add3A_232, %mul3A_237 : vector<16xf32>
        %select_n3A_239 = arith.select %gt3A_235, %add3A_232, %mul3A_238 : vector<16xi1>, vector<16xf32>
        %exp3A_240 = math.exp %select_n3A_239 : vector<16xf32>
        %mul3A_241 = arith.constant 128 : i32
        %mul3A_242 = arith.muli %add3A_57, %mul3A_241 : i32
        %add3A_243 = arith.addi %mul3A_242, %add3A_65 : i32
        %add3A_244 = arith.constant 64 : i32
        %add3A_245 = arith.addi %add3A_243, %add3A_244 : i32
        %swap3A_246 = arith.index_cast %add3A_245 : i32 to index
        %swap3A_247 = tpu.vector_load %arg12[%swap3A_246] {strides = array<i32>} : memref<10368xf32, #tpu.memory_space<vmem>>, vector<16xf32>,
        tpu.vector_store %arg12[%swap3A_246], %exp3A_240 {strides = array<i32>} : memref<10368xf32, #tpu.memory_space<vmem>>, vector<16xf32>,
        %add3A_248 = vector.broadcast %mul3A_26 : i32 to vector<16xi32>
        %add3A_249 = arith.addi %get3A_229, %add3A_248 : vector<16xi32>
        %add3A_250 = arith.constant 64 : i32
        %add3A_251 = arith.addi %add3A_65, %add3A_250 : i32
        %swap3A_252 = arith.index_cast %rem3A_58 : i32 to index
        %swap3A_253 = arith.index_cast %add3A_251 : i32 to index
        %swap3A_254 = tpu.vector_load %arg13[%swap3A_252, %swap3A_253] {strides = array<i32>} : memref<2x128xi32, #tpu.memory_space<vmem>>, vector<16xi32>,
        tpu.vector_store %arg13[%swap3A_252, %swap3A_253], %add3A_249 {strides = array<i32>} : memref<2x128xi32, #tpu.memory_space<vmem>>, vector<16xi32>,
        %mul3A_255 = arith.constant 128 : i32
        %mul3A_256 = arith.muli %add3A_57, %mul3A_255 : i32
        %add3A_257 = arith.addi %mul3A_256, %add3A_65 : i32
        %add3A_258 = arith.constant 80 : i32
        %add3A_259 = arith.addi %add3A_257, %add3A_258 : i32
        %get3A_260 = arith.index_cast %add3A_259 : i32 to index
        %get3A_261 = tpu.vector_load %arg10[%get3A_260] {strides = array<i32>} : memref<10368xi32, #tpu.memory_space<vmem>>, vector<16xi32>,
        %mul3A_262 = arith.constant 128 : i32
        %mul3A_263 = arith.muli %add3A_57, %mul3A_262 : i32
        %add3A_264 = arith.addi %mul3A_263, %add3A_65 : i32
        %add3A_265 = arith.constant 80 : i32
        %add3A_266 = arith.addi %add3A_264, %add3A_265 : i32
        %get3A_267 = arith.index_cast %add3A_266 : i32 to index
        %get3A_268 = tpu.vector_load %arg11[%get3A_267] {strides = array<i32>} : memref<10368xi32, #tpu.memory_space<vmem>>, vector<16xi32>,
        %gather3A_269 = tpu.vector_load_idx %arg8[%get3A_261] : memref<10240xf32, #tpu.memory_space<vmem>>[vector<16xi32>], vector<16xf32>,
        %gather3A_270 = tpu.vector_load_idx %arg9[%get3A_268] : memref<10240xf32, #tpu.memory_space<vmem>>[vector<16xi32>], vector<16xf32>,
        %add3A_271 = arith.addf %gather3A_269, %gather3A_270 : vector<16xf32>
        %gt3A_272 = arith.constant 0.000000e+00 : f32
        %gt3A_273 = vector.broadcast %gt3A_272 : f32 to vector<16xf32>
        %gt3A_274 = arith.cmpf ogt, %add3A_271, %gt3A_273 : vector<16xf32>
        %mul3A_275 = arith.constant 2.000000e-01 : f32
        %mul3A_276 = vector.broadcast %mul3A_275 : f32 to vector<16xf32>
        %mul3A_277 = arith.mulf %add3A_271, %mul3A_276 : vector<16xf32>
        %select_n3A_278 = arith.select %gt3A_274, %add3A_271, %mul3A_277 : vector<16xi1>, vector<16xf32>
        %exp3A_279 = math.exp %select_n3A_278 : vector<16xf32>
        %mul3A_280 = arith.constant 128 : i32
        %mul3A_281 = arith.muli %add3A_57, %mul3A_280 : i32
        %add3A_282 = arith.addi %mul3A_281, %add3A_65 : i32
        %add3A_283 = arith.constant 80 : i32
        %add3A_284 = arith.addi %add3A_282, %add3A_283 : i32
        %swap3A_285 = arith.index_cast %add3A_284 : i32 to index
        %swap3A_286 = tpu.vector_load %arg12[%swap3A_285] {strides = array<i32>} : memref<10368xf32, #tpu.memory_space<vmem>>, vector<16xf32>,
        tpu.vector_store %arg12[%swap3A_285], %exp3A_279 {strides = array<i32>} : memref<10368xf32, #tpu.memory_space<vmem>>, vector<16xf32>,
        %add3A_287 = vector.broadcast %mul3A_26 : i32 to vector<16xi32>
        %add3A_288 = arith.addi %get3A_268, %add3A_287 : vector<16xi32>
        %add3A_289 = arith.constant 80 : i32
        %add3A_290 = arith.addi %add3A_65, %add3A_289 : i32
        %swap3A_291 = arith.index_cast %rem3A_58 : i32 to index
        %swap3A_292 = arith.index_cast %add3A_290 : i32 to index
        %swap3A_293 = tpu.vector_load %arg13[%swap3A_291, %swap3A_292] {strides = array<i32>} : memref<2x128xi32, #tpu.memory_space<vmem>>, vector<16xi32>,
        tpu.vector_store %arg13[%swap3A_291, %swap3A_292], %add3A_288 {strides = array<i32>} : memref<2x128xi32, #tpu.memory_space<vmem>>, vector<16xi32>,
        %mul3A_294 = arith.constant 128 : i32
        %mul3A_295 = arith.muli %add3A_57, %mul3A_294 : i32
        %add3A_296 = arith.addi %mul3A_295, %add3A_65 : i32
        %add3A_297 = arith.constant 96 : i32
        %add3A_298 = arith.addi %add3A_296, %add3A_297 : i32
        %get3A_299 = arith.index_cast %add3A_298 : i32 to index
        %get3A_300 = tpu.vector_load %arg10[%get3A_299] {strides = array<i32>} : memref<10368xi32, #tpu.memory_space<vmem>>, vector<16xi32>,
        %mul3A_301 = arith.constant 128 : i32
        %mul3A_302 = arith.muli %add3A_57, %mul3A_301 : i32
        %add3A_303 = arith.addi %mul3A_302, %add3A_65 : i32
        %add3A_304 = arith.constant 96 : i32
        %add3A_305 = arith.addi %add3A_303, %add3A_304 : i32
        %get3A_306 = arith.index_cast %add3A_305 : i32 to index
        %get3A_307 = tpu.vector_load %arg11[%get3A_306] {strides = array<i32>} : memref<10368xi32, #tpu.memory_space<vmem>>, vector<16xi32>,
        %gather3A_308 = tpu.vector_load_idx %arg8[%get3A_300] : memref<10240xf32, #tpu.memory_space<vmem>>[vector<16xi32>], vector<16xf32>,
        %gather3A_309 = tpu.vector_load_idx %arg9[%get3A_307] : memref<10240xf32, #tpu.memory_space<vmem>>[vector<16xi32>], vector<16xf32>,
        %add3A_310 = arith.addf %gather3A_308, %gather3A_309 : vector<16xf32>
        %gt3A_311 = arith.constant 0.000000e+00 : f32
        %gt3A_312 = vector.broadcast %gt3A_311 : f32 to vector<16xf32>
        %gt3A_313 = arith.cmpf ogt, %add3A_310, %gt3A_312 : vector<16xf32>
        %mul3A_314 = arith.constant 2.000000e-01 : f32
        %mul3A_315 = vector.broadcast %mul3A_314 : f32 to vector<16xf32>
        %mul3A_316 = arith.mulf %add3A_310, %mul3A_315 : vector<16xf32>
        %select_n3A_317 = arith.select %gt3A_313, %add3A_310, %mul3A_316 : vector<16xi1>, vector<16xf32>
        %exp3A_318 = math.exp %select_n3A_317 : vector<16xf32>
        %mul3A_319 = arith.constant 128 : i32
        %mul3A_320 = arith.muli %add3A_57, %mul3A_319 : i32
        %add3A_321 = arith.addi %mul3A_320, %add3A_65 : i32
        %add3A_322 = arith.constant 96 : i32
        %add3A_323 = arith.addi %add3A_321, %add3A_322 : i32
        %swap3A_324 = arith.index_cast %add3A_323 : i32 to index
        %swap3A_325 = tpu.vector_load %arg12[%swap3A_324] {strides = array<i32>} : memref<10368xf32, #tpu.memory_space<vmem>>, vector<16xf32>,
        tpu.vector_store %arg12[%swap3A_324], %exp3A_318 {strides = array<i32>} : memref<10368xf32, #tpu.memory_space<vmem>>, vector<16xf32>,
        %add3A_326 = vector.broadcast %mul3A_26 : i32 to vector<16xi32>
        %add3A_327 = arith.addi %get3A_307, %add3A_326 : vector<16xi32>
        %add3A_328 = arith.constant 96 : i32
        %add3A_329 = arith.addi %add3A_65, %add3A_328 : i32
        %swap3A_330 = arith.index_cast %rem3A_58 : i32 to index
        %swap3A_331 = arith.index_cast %add3A_329 : i32 to index
        %swap3A_332 = tpu.vector_load %arg13[%swap3A_330, %swap3A_331] {strides = array<i32>} : memref<2x128xi32, #tpu.memory_space<vmem>>, vector<16xi32>,
        tpu.vector_store %arg13[%swap3A_330, %swap3A_331], %add3A_327 {strides = array<i32>} : memref<2x128xi32, #tpu.memory_space<vmem>>, vector<16xi32>,
        %mul3A_333 = arith.constant 128 : i32
        %mul3A_334 = arith.muli %add3A_57, %mul3A_333 : i32
        %add3A_335 = arith.addi %mul3A_334, %add3A_65 : i32
        %add3A_336 = arith.constant 112 : i32
        %add3A_337 = arith.addi %add3A_335, %add3A_336 : i32
        %get3A_338 = arith.index_cast %add3A_337 : i32 to index
        %get3A_339 = tpu.vector_load %arg10[%get3A_338] {strides = array<i32>} : memref<10368xi32, #tpu.memory_space<vmem>>, vector<16xi32>,
        %mul3A_340 = arith.constant 128 : i32
        %mul3A_341 = arith.muli %add3A_57, %mul3A_340 : i32
        %add3A_342 = arith.addi %mul3A_341, %add3A_65 : i32
        %add3A_343 = arith.constant 112 : i32
        %add3A_344 = arith.addi %add3A_342, %add3A_343 : i32
        %get3A_345 = arith.index_cast %add3A_344 : i32 to index
        %get3A_346 = tpu.vector_load %arg11[%get3A_345] {strides = array<i32>} : memref<10368xi32, #tpu.memory_space<vmem>>, vector<16xi32>,
        %gather3A_347 = tpu.vector_load_idx %arg8[%get3A_339] : memref<10240xf32, #tpu.memory_space<vmem>>[vector<16xi32>], vector<16xf32>,
        %gather3A_348 = tpu.vector_load_idx %arg9[%get3A_346] : memref<10240xf32, #tpu.memory_space<vmem>>[vector<16xi32>], vector<16xf32>,
        %add3A_349 = arith.addf %gather3A_347, %gather3A_348 : vector<16xf32>
        %gt3A_350 = arith.constant 0.000000e+00 : f32
        %gt3A_351 = vector.broadcast %gt3A_350 : f32 to vector<16xf32>
        %gt3A_352 = arith.cmpf ogt, %add3A_349, %gt3A_351 : vector<16xf32>
        %mul3A_353 = arith.constant 2.000000e-01 : f32
        %mul3A_354 = vector.broadcast %mul3A_353 : f32 to vector<16xf32>
        %mul3A_355 = arith.mulf %add3A_349, %mul3A_354 : vector<16xf32>
        %select_n3A_356 = arith.select %gt3A_352, %add3A_349, %mul3A_355 : vector<16xi1>, vector<16xf32>
        %exp3A_357 = math.exp %select_n3A_356 : vector<16xf32>
        %mul3A_358 = arith.constant 128 : i32
        %mul3A_359 = arith.muli %add3A_57, %mul3A_358 : i32
        %add3A_360 = arith.addi %mul3A_359, %add3A_65 : i32
        %add3A_361 = arith.constant 112 : i32
        %add3A_362 = arith.addi %add3A_360, %add3A_361 : i32
        %swap3A_363 = arith.index_cast %add3A_362 : i32 to index
        %swap3A_364 = tpu.vector_load %arg12[%swap3A_363] {strides = array<i32>} : memref<10368xf32, #tpu.memory_space<vmem>>, vector<16xf32>,
        tpu.vector_store %arg12[%swap3A_363], %exp3A_357 {strides = array<i32>} : memref<10368xf32, #tpu.memory_space<vmem>>, vector<16xf32>,
        %add3A_365 = vector.broadcast %mul3A_26 : i32 to vector<16xi32>
        %add3A_366 = arith.addi %get3A_346, %add3A_365 : vector<16xi32>
        %add3A_367 = arith.constant 112 : i32
        %add3A_368 = arith.addi %add3A_65, %add3A_367 : i32
        %swap3A_369 = arith.index_cast %rem3A_58 : i32 to index
        %swap3A_370 = arith.index_cast %add3A_368 : i32 to index
        %swap3A_371 = tpu.vector_load %arg13[%swap3A_369, %swap3A_370] {strides = array<i32>} : memref<2x128xi32, #tpu.memory_space<vmem>>, vector<16xi32>,
        tpu.vector_store %arg13[%swap3A_369, %swap3A_370], %add3A_366 {strides = array<i32>} : memref<2x128xi32, #tpu.memory_space<vmem>>, vector<16xi32>,
        %scan3A_372 = arith.constant 1 : i32
        %mul3A_373 = arith.constant 128 : i32
        %mul3A_374 = arith.muli %add3A_57, %mul3A_373 : i32
        %dma_start3A = tpu.memref_slice %arg12[%mul3A_374] : memref<10368xf32, #tpu.memory_space<vmem>> -> memref<128xf32, #tpu.memory_space<vmem>>
        %dma_start3A_375 = arith.constant 0 : i32
        %dma_start3A_376 = tpu.memref_slice %arg13[%rem3A_58, %dma_start3A_375] : memref<2x128xi32, #tpu.memory_space<vmem>> -> memref<1x128xi32, #tpu.memory_space<vmem>>
        %dma_start3A_377 = tpu.memref_squeeze %dma_start3A_376 : memref<1x128xi32, #tpu.memory_space<vmem>> -> memref<128xi32, #tpu.memory_space<vmem>>
        %dma_start3A_378 = arith.constant 0 : i32
        %dma_start3A_379 = tpu.memref_slice %arg15[%dma_start3A_378] : memref<81920xf32, #tpu.memory_space<vmem_shared>> -> memref<81920xf32, #tpu.memory_space<vmem_shared>>
        %dma_start3A_380 = tpu.memref_slice %arg16[%rem3A_58] : memref<2x!tpu.dma_semaphore, #tpu.memory_space<semaphore_mem>> -> memref<1x!tpu.dma_semaphore, #tpu.memory_space<semaphore_mem>>
        %dma_start3A_381 = tpu.memref_squeeze %dma_start3A_380 : memref<1x!tpu.dma_semaphore, #tpu.memory_space<semaphore_mem>> -> memref<!tpu.dma_semaphore, #tpu.memory_space<semaphore_mem>>
        tpu.enqueue_indirect_dma source(%dma_start3A : memref<128xf32, #tpu.memory_space<vmem>>) target(%dma_start3A_379 : memref<81920xf32, #tpu.memory_space<vmem_shared>>) offsets(%dma_start3A_377 : memref<128xi32, #tpu.memory_space<vmem>>) semaphore(%dma_start3A_381 : memref<!tpu.dma_semaphore, #tpu.memory_space<semaphore_mem>>) {add = true}
      }
      %scan3A_31 = arith.constant 81 : i32
      %dma_wait3A = arith.constant 0 : i32
      %dma_wait3A_32 = arith.constant 0 : i32
      %dma_wait3A_33 = arith.constant 0 : i32
      %dma_wait3A_34 = tpu.memref_slice %arg12[%dma_wait3A_33] : memref<10368xf32, #tpu.memory_space<vmem>> -> memref<128xf32, #tpu.memory_space<vmem>>
      %dma_wait3A_35 = arith.constant 0 : i32
      %dma_wait3A_36 = tpu.memref_slice %arg13[%dma_wait3A, %dma_wait3A_35] : memref<2x128xi32, #tpu.memory_space<vmem>> -> memref<1x128xi32, #tpu.memory_space<vmem>>
      %dma_wait3A_37 = tpu.memref_squeeze %dma_wait3A_36 : memref<1x128xi32, #tpu.memory_space<vmem>> -> memref<128xi32, #tpu.memory_space<vmem>>
      %dma_wait3A_38 = arith.constant 0 : i32
      %dma_wait3A_39 = tpu.memref_slice %arg15[%dma_wait3A_38] : memref<81920xf32, #tpu.memory_space<vmem_shared>> -> memref<81920xf32, #tpu.memory_space<vmem_shared>>
      %dma_wait3A_40 = tpu.memref_slice %arg16[%dma_wait3A_32] : memref<2x!tpu.dma_semaphore, #tpu.memory_space<semaphore_mem>> -> memref<1x!tpu.dma_semaphore, #tpu.memory_space<semaphore_mem>>
      %dma_wait3A_41 = tpu.memref_squeeze %dma_wait3A_40 : memref<1x!tpu.dma_semaphore, #tpu.memory_space<semaphore_mem>> -> memref<!tpu.dma_semaphore, #tpu.memory_space<semaphore_mem>>
      tpu.wait_indirect_dma semaphore(%dma_wait3A_41 : memref<!tpu.dma_semaphore, #tpu.memory_space<semaphore_mem>>) src(%dma_wait3A_34 : memref<128xf32, #tpu.memory_space<vmem>>) dst(%dma_wait3A_39 : memref<81920xf32, #tpu.memory_space<vmem_shared>>)
      %dma_wait3A_42 = arith.constant 1 : i32
      %dma_wait3A_43 = arith.constant 1 : i32
      %dma_wait3A_44 = arith.constant 0 : i32
      %dma_wait3A_45 = tpu.memref_slice %arg12[%dma_wait3A_44] : memref<10368xf32, #tpu.memory_space<vmem>> -> memref<128xf32, #tpu.memory_space<vmem>>
      %dma_wait3A_46 = arith.constant 0 : i32
      %dma_wait3A_47 = tpu.memref_slice %arg13[%dma_wait3A_42, %dma_wait3A_46] : memref<2x128xi32, #tpu.memory_space<vmem>> -> memref<1x128xi32, #tpu.memory_space<vmem>>
      %dma_wait3A_48 = tpu.memref_squeeze %dma_wait3A_47 : memref<1x128xi32, #tpu.memory_space<vmem>> -> memref<128xi32, #tpu.memory_space<vmem>>
      %dma_wait3A_49 = arith.constant 0 : i32
      %dma_wait3A_50 = tpu.memref_slice %arg15[%dma_wait3A_49] : memref<81920xf32, #tpu.memory_space<vmem_shared>> -> memref<81920xf32, #tpu.memory_space<vmem_shared>>
      %dma_wait3A_51 = tpu.memref_slice %arg16[%dma_wait3A_43] : memref<2x!tpu.dma_semaphore, #tpu.memory_space<semaphore_mem>> -> memref<1x!tpu.dma_semaphore, #tpu.memory_space<semaphore_mem>>
      %dma_wait3A_52 = tpu.memref_squeeze %dma_wait3A_51 : memref<1x!tpu.dma_semaphore, #tpu.memory_space<semaphore_mem>> -> memref<!tpu.dma_semaphore, #tpu.memory_space<semaphore_mem>>
      tpu.wait_indirect_dma semaphore(%dma_wait3A_52 : memref<!tpu.dma_semaphore, #tpu.memory_space<semaphore_mem>>) src(%dma_wait3A_45 : memref<128xf32, #tpu.memory_space<vmem>>) dst(%dma_wait3A_50 : memref<81920xf32, #tpu.memory_space<vmem_shared>>)
      "tpu.region"() ({
        %run_scoped3A = tpu.sem_alloc : memref<!tpu.dma_semaphore, #tpu.memory_space<semaphore_mem>>
        %dma_start3A = arith.constant 0 : i32
        %dma_start3A_53 = tpu.memref_slice %arg6[%add3A_24, %add3A, %dma_start3A] : memref<8x32x10368xf32, #tpu.memory_space<hbm>> -> memref<1x1x10368xf32, #tpu.memory_space<hbm>>
        %dma_start3A_54 = tpu.memref_squeeze %dma_start3A_53 : memref<1x1x10368xf32, #tpu.memory_space<hbm>> -> memref<10368xf32, #tpu.memory_space<hbm>>
        %dma_start3A_55 = arith.constant 0 : i32
        %dma_start3A_56 = tpu.memref_slice %arg6[%add3A_24, %add3A, %dma_start3A_55] : memref<8x32x10368xf32, #tpu.memory_space<hbm>> -> memref<1x1x10368xf32, #tpu.memory_space<hbm>>
        %dma_start3A_57 = tpu.memref_squeeze %dma_start3A_56 : memref<1x1x10368xf32, #tpu.memory_space<hbm>> -> memref<10368xf32, #tpu.memory_space<hbm>>
        tpu.enqueue_dma source(%arg12 : memref<10368xf32, #tpu.memory_space<vmem>>) target(%dma_start3A_57 : memref<10368xf32, #tpu.memory_space<hbm>>) target_semaphore(%run_scoped3A : memref<!tpu.dma_semaphore, #tpu.memory_space<semaphore_mem>>)
        %dma_wait3A_58 = arith.constant 0 : i32
        %dma_wait3A_59 = tpu.memref_slice %arg6[%add3A_24, %add3A, %dma_wait3A_58] : memref<8x32x10368xf32, #tpu.memory_space<hbm>> -> memref<1x1x10368xf32, #tpu.memory_space<hbm>>
        %dma_wait3A_60 = tpu.memref_squeeze %dma_wait3A_59 : memref<1x1x10368xf32, #tpu.memory_space<hbm>> -> memref<10368xf32, #tpu.memory_space<hbm>>
        %dma_wait3A_61 = arith.constant 0 : i32
        %dma_wait3A_62 = tpu.memref_slice %arg6[%add3A_24, %add3A, %dma_wait3A_61] : memref<8x32x10368xf32, #tpu.memory_space<hbm>> -> memref<1x1x10368xf32, #tpu.memory_space<hbm>>
        %dma_wait3A_63 = tpu.memref_squeeze %dma_wait3A_62 : memref<1x1x10368xf32, #tpu.memory_space<hbm>> -> memref<10368xf32, #tpu.memory_space<hbm>>
        tpu.wait_dma2 semaphore(%run_scoped3A : memref<!tpu.dma_semaphore, #tpu.memory_space<semaphore_mem>>) src(%arg12 : memref<10368xf32, #tpu.memory_space<vmem>>) dst(%dma_wait3A_63 : memref<10368xf32, #tpu.memory_space<hbm>>)
        tpu.yield
      }) : () -> ()
    }
    %scan3A_18 = arith.constant 8 : i32
    %barrier3A_19 = arith.constant 0 : index
    tpu.barrier barrier_id(%barrier3A_19)
    "tpu.region"() ({
      %run_scoped3A = tpu.sem_alloc : memref<!tpu.dma_semaphore, #tpu.memory_space<semaphore_mem>>
      %dma_start3A = tpu.memref_slice %arg7[%arg0, %mul3A_9] : memref<2x81920xf32, #tpu.memory_space<hbm>> -> memref<1x5120xf32, #tpu.memory_space<hbm>>
      %dma_start3A_20 = tpu.memref_squeeze %dma_start3A : memref<1x5120xf32, #tpu.memory_space<hbm>> -> memref<5120xf32, #tpu.memory_space<hbm>>
      %dma_start3A_21 = tpu.memref_slice %arg15[%mul3A_9] : memref<81920xf32, #tpu.memory_space<vmem_shared>> -> memref<5120xf32, #tpu.memory_space<vmem_shared>>
      tpu.enqueue_dma source(%dma_start3A_21 : memref<5120xf32, #tpu.memory_space<vmem_shared>>) target(%dma_start3A_20 : memref<5120xf32, #tpu.memory_space<hbm>>) target_semaphore(%run_scoped3A : memref<!tpu.dma_semaphore, #tpu.memory_space<semaphore_mem>>)
      %dma_wait3A = tpu.memref_slice %arg7[%arg0, %mul3A_9] : memref<2x81920xf32, #tpu.memory_space<hbm>> -> memref<1x5120xf32, #tpu.memory_space<hbm>>
      %dma_wait3A_22 = tpu.memref_squeeze %dma_wait3A : memref<1x5120xf32, #tpu.memory_space<hbm>> -> memref<5120xf32, #tpu.memory_space<hbm>>
      %dma_wait3A_23 = tpu.memref_slice %arg15[%mul3A_9] : memref<81920xf32, #tpu.memory_space<vmem_shared>> -> memref<5120xf32, #tpu.memory_space<vmem_shared>>
      tpu.wait_dma2 semaphore(%run_scoped3A : memref<!tpu.dma_semaphore, #tpu.memory_space<semaphore_mem>>) src(%dma_wait3A_23 : memref<5120xf32, #tpu.memory_space<vmem_shared>>) dst(%dma_wait3A_22 : memref<5120xf32, #tpu.memory_space<hbm>>)
      tpu.yield
    }) : () -> ()
    return
  }
}

#map = affine_map<(d0, d1) -> (0, 0)>
#map1 = affine_map<(d0, d1) -> (0)>
#map2 = affine_map<(d0, d1) -> (0, 0, 0)>
module attributes {stable_mosaic.version = 14 : i64} {
  func.func @k(%arg0: i32, %arg1: i32, %arg2: memref<1x10240xf32, #tpu.memory_space<hbm>>, %arg3: memref<1x10240xf32, #tpu.memory_space<hbm>>, %arg4: memref<331776xi32, #tpu.memory_space<hbm>>, %arg5: memref<331776xi32, #tpu.memory_space<hbm>>, %arg6: memref<1x32x10368xf32, #tpu.memory_space<hbm>>, %arg7: memref<2x10240xf32, #tpu.memory_space<hbm>>, %arg8: memref<10240xf32, #tpu.memory_space<vmem>>, %arg9: memref<10240xf32, #tpu.memory_space<vmem>>, %arg10: memref<10368xi32, #tpu.memory_space<vmem>>, %arg11: memref<10368xi32, #tpu.memory_space<vmem>>, %arg12: memref<10368xf32, #tpu.memory_space<vmem>>, %arg13: memref<2x128xi32, #tpu.memory_space<vmem>>, %arg14: memref<640xf32, #tpu.memory_space<vmem>>, %arg15: memref<10240xf32, #tpu.memory_space<vmem_shared>>, %arg16: memref<2x!tpu.dma_semaphore, #tpu.memory_space<semaphore_mem>>) attributes {dimension_semantics = [#tpu.dimension_semantics<core_parallel>, #tpu.dimension_semantics<subcore_parallel>], iteration_bounds = array<i64: 2, 16>, scalar_prefetch = 0 : i64, scratch_operands = 9 : i64, tpu.core_type = #tpu.core_type<sc_vector_subcore>, window_params = [{transform_indices = #map}, {transform_indices = #map}, {transform_indices = #map1}, {transform_indices = #map1}, {transform_indices = #map2}, {transform_indices = #map}]} {
    %mul3A = arith.constant 2 : i32
    %mul3A_0 = arith.muli %arg1, %mul3A : i32
    %add3A = arith.addi %mul3A_0, %arg0 : i32
    %mul3A_1 = arith.constant 10368 : i32
    %mul3A_2 = arith.muli %add3A, %mul3A_1 : i32
    "tpu.region"() ({
      %run_scoped3A = tpu.sem_alloc : memref<!tpu.dma_semaphore, #tpu.memory_space<semaphore_mem>>
      %dma_start3A = tpu.memref_slice %arg4[%mul3A_2] : memref<331776xi32, #tpu.memory_space<hbm>> -> memref<10368xi32, #tpu.memory_space<hbm>>
      %dma_start3A_47 = tpu.memref_slice %arg4[%mul3A_2] : memref<331776xi32, #tpu.memory_space<hbm>> -> memref<10368xi32, #tpu.memory_space<hbm>>
      tpu.enqueue_dma source(%dma_start3A_47 : memref<10368xi32, #tpu.memory_space<hbm>>) target(%arg10 : memref<10368xi32, #tpu.memory_space<vmem>>) target_semaphore(%run_scoped3A : memref<!tpu.dma_semaphore, #tpu.memory_space<semaphore_mem>>)
      %dma_wait3A_48 = tpu.memref_slice %arg4[%mul3A_2] : memref<331776xi32, #tpu.memory_space<hbm>> -> memref<10368xi32, #tpu.memory_space<hbm>>
      %dma_wait3A_49 = tpu.memref_slice %arg4[%mul3A_2] : memref<331776xi32, #tpu.memory_space<hbm>> -> memref<10368xi32, #tpu.memory_space<hbm>>
      tpu.wait_dma2 semaphore(%run_scoped3A : memref<!tpu.dma_semaphore, #tpu.memory_space<semaphore_mem>>) src(%dma_wait3A_49 : memref<10368xi32, #tpu.memory_space<hbm>>) dst(%arg10 : memref<10368xi32, #tpu.memory_space<vmem>>)
      tpu.yield
    }) : () -> ()
    "tpu.region"() ({
      %run_scoped3A = tpu.sem_alloc : memref<!tpu.dma_semaphore, #tpu.memory_space<semaphore_mem>>
      %dma_start3A = tpu.memref_slice %arg5[%mul3A_2] : memref<331776xi32, #tpu.memory_space<hbm>> -> memref<10368xi32, #tpu.memory_space<hbm>>
      %dma_start3A_47 = tpu.memref_slice %arg5[%mul3A_2] : memref<331776xi32, #tpu.memory_space<hbm>> -> memref<10368xi32, #tpu.memory_space<hbm>>
      tpu.enqueue_dma source(%dma_start3A_47 : memref<10368xi32, #tpu.memory_space<hbm>>) target(%arg11 : memref<10368xi32, #tpu.memory_space<vmem>>) target_semaphore(%run_scoped3A : memref<!tpu.dma_semaphore, #tpu.memory_space<semaphore_mem>>)
      %dma_wait3A_48 = tpu.memref_slice %arg5[%mul3A_2] : memref<331776xi32, #tpu.memory_space<hbm>> -> memref<10368xi32, #tpu.memory_space<hbm>>
      %dma_wait3A_49 = tpu.memref_slice %arg5[%mul3A_2] : memref<331776xi32, #tpu.memory_space<hbm>> -> memref<10368xi32, #tpu.memory_space<hbm>>
      tpu.wait_dma2 semaphore(%run_scoped3A : memref<!tpu.dma_semaphore, #tpu.memory_space<semaphore_mem>>) src(%dma_wait3A_49 : memref<10368xi32, #tpu.memory_space<hbm>>) dst(%arg11 : memref<10368xi32, #tpu.memory_space<vmem>>)
      tpu.yield
    }) : () -> ()
    %broadcast_in_dim3A = arith.constant 0.000000e+00 : f32
    %broadcast_in_dim3A_3 = vector.broadcast %broadcast_in_dim3A : f32 to vector<16xf32>
    %scan3A = arith.constant 0 : i32
    %scan3A_4 = arith.constant 10 : i32
    %scan3A_5 = arith.addi %scan3A, %scan3A_4 : i32
    %scan3A_6 = arith.constant 1 : i32
    scf.for %scan3A_47 = %scan3A to %scan3A_5 step %scan3A_6  : i32 {
      %mul3A_48 = arith.constant 64 : i32
      %mul3A_49 = arith.muli %scan3A_47, %mul3A_48 : i32
      %add3A_50 = arith.constant 0 : i32
      %add3A_51 = arith.addi %add3A_50, %mul3A_49 : i32
      %add3A_52 = arith.constant 0 : i32
      %add3A_53 = arith.addi %add3A_51, %add3A_52 : i32
      %swap3A = arith.index_cast %add3A_53 : i32 to index
      %swap3A_54 = tpu.vector_load %arg14[%swap3A] {strides = array<i32>} : memref<640xf32, #tpu.memory_space<vmem>>, vector<16xf32>,
      tpu.vector_store %arg14[%swap3A], %broadcast_in_dim3A_3 {strides = array<i32>} : memref<640xf32, #tpu.memory_space<vmem>>, vector<16xf32>,
      %add3A_55 = arith.constant 16 : i32
      %add3A_56 = arith.addi %add3A_51, %add3A_55 : i32
      %swap3A_57 = arith.index_cast %add3A_56 : i32 to index
      %swap3A_58 = tpu.vector_load %arg14[%swap3A_57] {strides = array<i32>} : memref<640xf32, #tpu.memory_space<vmem>>, vector<16xf32>,
      tpu.vector_store %arg14[%swap3A_57], %broadcast_in_dim3A_3 {strides = array<i32>} : memref<640xf32, #tpu.memory_space<vmem>>, vector<16xf32>,
      %add3A_59 = arith.constant 32 : i32
      %add3A_60 = arith.addi %add3A_51, %add3A_59 : i32
      %swap3A_61 = arith.index_cast %add3A_60 : i32 to index
      %swap3A_62 = tpu.vector_load %arg14[%swap3A_61] {strides = array<i32>} : memref<640xf32, #tpu.memory_space<vmem>>, vector<16xf32>,
      tpu.vector_store %arg14[%swap3A_61], %broadcast_in_dim3A_3 {strides = array<i32>} : memref<640xf32, #tpu.memory_space<vmem>>, vector<16xf32>,
      %add3A_63 = arith.constant 48 : i32
      %add3A_64 = arith.addi %add3A_51, %add3A_63 : i32
      %swap3A_65 = arith.index_cast %add3A_64 : i32 to index
      %swap3A_66 = tpu.vector_load %arg14[%swap3A_65] {strides = array<i32>} : memref<640xf32, #tpu.memory_space<vmem>>, vector<16xf32>,
      tpu.vector_store %arg14[%swap3A_65], %broadcast_in_dim3A_3 {strides = array<i32>} : memref<640xf32, #tpu.memory_space<vmem>>, vector<16xf32>,
    }
    %scan3A_7 = arith.constant 10 : i32
    %mul3A_8 = arith.constant 640 : i32
    %mul3A_9 = arith.muli %arg1, %mul3A_8 : i32
    %add3A_10 = arith.constant 0 : i32
    %add3A_11 = arith.addi %mul3A_9, %add3A_10 : i32
    "tpu.region"() ({
      %run_scoped3A = tpu.sem_alloc : memref<!tpu.dma_semaphore, #tpu.memory_space<semaphore_mem>>
      %dma_start3A = tpu.memref_slice %arg15[%add3A_11] : memref<10240xf32, #tpu.memory_space<vmem_shared>> -> memref<640xf32, #tpu.memory_space<vmem_shared>>
      %dma_start3A_47 = tpu.memref_slice %arg15[%add3A_11] : memref<10240xf32, #tpu.memory_space<vmem_shared>> -> memref<640xf32, #tpu.memory_space<vmem_shared>>
      tpu.enqueue_dma source(%arg14 : memref<640xf32, #tpu.memory_space<vmem>>) target(%dma_start3A_47 : memref<640xf32, #tpu.memory_space<vmem_shared>>) target_semaphore(%run_scoped3A : memref<!tpu.dma_semaphore, #tpu.memory_space<semaphore_mem>>)
      %dma_wait3A_48 = tpu.memref_slice %arg15[%add3A_11] : memref<10240xf32, #tpu.memory_space<vmem_shared>> -> memref<640xf32, #tpu.memory_space<vmem_shared>>
      %dma_wait3A_49 = tpu.memref_slice %arg15[%add3A_11] : memref<10240xf32, #tpu.memory_space<vmem_shared>> -> memref<640xf32, #tpu.memory_space<vmem_shared>>
      tpu.wait_dma2 semaphore(%run_scoped3A : memref<!tpu.dma_semaphore, #tpu.memory_space<semaphore_mem>>) src(%arg14 : memref<640xf32, #tpu.memory_space<vmem>>) dst(%dma_wait3A_49 : memref<640xf32, #tpu.memory_space<vmem_shared>>)
      tpu.yield
    }) : () -> ()
    %barrier3A = arith.constant 0 : index
    tpu.barrier barrier_id(%barrier3A)
    %scan3A_12 = arith.constant 0 : i32
    %mul3A_13 = arith.constant 1 : i32
    %mul3A_14 = arith.muli %scan3A_12, %mul3A_13 : i32
    %add3A_15 = arith.constant 0 : i32
    %add3A_16 = arith.addi %add3A_15, %mul3A_14 : i32
    "tpu.region"() ({
      %run_scoped3A = tpu.sem_alloc : memref<!tpu.dma_semaphore, #tpu.memory_space<semaphore_mem>>
      %dma_start3A = arith.constant 0 : i32
      %dma_start3A_47 = tpu.memref_slice %arg2[%add3A_16, %dma_start3A] : memref<1x10240xf32, #tpu.memory_space<hbm>> -> memref<1x10240xf32, #tpu.memory_space<hbm>>
      %dma_start3A_48 = tpu.memref_squeeze %dma_start3A_47 : memref<1x10240xf32, #tpu.memory_space<hbm>> -> memref<10240xf32, #tpu.memory_space<hbm>>
      %dma_start3A_49 = arith.constant 0 : i32
      %dma_start3A_50 = tpu.memref_slice %arg2[%add3A_16, %dma_start3A_49] : memref<1x10240xf32, #tpu.memory_space<hbm>> -> memref<1x10240xf32, #tpu.memory_space<hbm>>
      %dma_start3A_51 = tpu.memref_squeeze %dma_start3A_50 : memref<1x10240xf32, #tpu.memory_space<hbm>> -> memref<10240xf32, #tpu.memory_space<hbm>>
      tpu.enqueue_dma source(%dma_start3A_51 : memref<10240xf32, #tpu.memory_space<hbm>>) target(%arg8 : memref<10240xf32, #tpu.memory_space<vmem>>) target_semaphore(%run_scoped3A : memref<!tpu.dma_semaphore, #tpu.memory_space<semaphore_mem>>)
      %dma_wait3A_52 = arith.constant 0 : i32
      %dma_wait3A_53 = tpu.memref_slice %arg2[%add3A_16, %dma_wait3A_52] : memref<1x10240xf32, #tpu.memory_space<hbm>> -> memref<1x10240xf32, #tpu.memory_space<hbm>>
      %dma_wait3A_54 = tpu.memref_squeeze %dma_wait3A_53 : memref<1x10240xf32, #tpu.memory_space<hbm>> -> memref<10240xf32, #tpu.memory_space<hbm>>
      %dma_wait3A_55 = arith.constant 0 : i32
      %dma_wait3A_56 = tpu.memref_slice %arg2[%add3A_16, %dma_wait3A_55] : memref<1x10240xf32, #tpu.memory_space<hbm>> -> memref<1x10240xf32, #tpu.memory_space<hbm>>
      %dma_wait3A_57 = tpu.memref_squeeze %dma_wait3A_56 : memref<1x10240xf32, #tpu.memory_space<hbm>> -> memref<10240xf32, #tpu.memory_space<hbm>>
      tpu.wait_dma2 semaphore(%run_scoped3A : memref<!tpu.dma_semaphore, #tpu.memory_space<semaphore_mem>>) src(%dma_wait3A_57 : memref<10240xf32, #tpu.memory_space<hbm>>) dst(%arg8 : memref<10240xf32, #tpu.memory_space<vmem>>)
      tpu.yield
    }) : () -> ()
    "tpu.region"() ({
      %run_scoped3A = tpu.sem_alloc : memref<!tpu.dma_semaphore, #tpu.memory_space<semaphore_mem>>
      %dma_start3A = arith.constant 0 : i32
      %dma_start3A_47 = tpu.memref_slice %arg3[%add3A_16, %dma_start3A] : memref<1x10240xf32, #tpu.memory_space<hbm>> -> memref<1x10240xf32, #tpu.memory_space<hbm>>
      %dma_start3A_48 = tpu.memref_squeeze %dma_start3A_47 : memref<1x10240xf32, #tpu.memory_space<hbm>> -> memref<10240xf32, #tpu.memory_space<hbm>>
      %dma_start3A_49 = arith.constant 0 : i32
      %dma_start3A_50 = tpu.memref_slice %arg3[%add3A_16, %dma_start3A_49] : memref<1x10240xf32, #tpu.memory_space<hbm>> -> memref<1x10240xf32, #tpu.memory_space<hbm>>
      %dma_start3A_51 = tpu.memref_squeeze %dma_start3A_50 : memref<1x10240xf32, #tpu.memory_space<hbm>> -> memref<10240xf32, #tpu.memory_space<hbm>>
      tpu.enqueue_dma source(%dma_start3A_51 : memref<10240xf32, #tpu.memory_space<hbm>>) target(%arg9 : memref<10240xf32, #tpu.memory_space<vmem>>) target_semaphore(%run_scoped3A : memref<!tpu.dma_semaphore, #tpu.memory_space<semaphore_mem>>)
      %dma_wait3A_52 = arith.constant 0 : i32
      %dma_wait3A_53 = tpu.memref_slice %arg3[%add3A_16, %dma_wait3A_52] : memref<1x10240xf32, #tpu.memory_space<hbm>> -> memref<1x10240xf32, #tpu.memory_space<hbm>>
      %dma_wait3A_54 = tpu.memref_squeeze %dma_wait3A_53 : memref<1x10240xf32, #tpu.memory_space<hbm>> -> memref<10240xf32, #tpu.memory_space<hbm>>
      %dma_wait3A_55 = arith.constant 0 : i32
      %dma_wait3A_56 = tpu.memref_slice %arg3[%add3A_16, %dma_wait3A_55] : memref<1x10240xf32, #tpu.memory_space<hbm>> -> memref<1x10240xf32, #tpu.memory_space<hbm>>
      %dma_wait3A_57 = tpu.memref_squeeze %dma_wait3A_56 : memref<1x10240xf32, #tpu.memory_space<hbm>> -> memref<10240xf32, #tpu.memory_space<hbm>>
      tpu.wait_dma2 semaphore(%run_scoped3A : memref<!tpu.dma_semaphore, #tpu.memory_space<semaphore_mem>>) src(%dma_wait3A_57 : memref<10240xf32, #tpu.memory_space<hbm>>) dst(%arg9 : memref<10240xf32, #tpu.memory_space<vmem>>)
      tpu.yield
    }) : () -> ()
    %mul3A_17 = arith.constant 10240 : i32
    %mul3A_18 = arith.muli %add3A_16, %mul3A_17 : i32
    %scan3A_19 = arith.constant 0 : i32
    %scan3A_20 = arith.constant 81 : i32
    %scan3A_21 = arith.addi %scan3A_19, %scan3A_20 : i32
    %scan3A_22 = arith.constant 1 : i32
    scf.for %scan3A_47 = %scan3A_19 to %scan3A_21 step %scan3A_22  : i32 {
      %mul3A_48 = arith.constant 1 : i32
      %mul3A_49 = arith.muli %scan3A_47, %mul3A_48 : i32
      %add3A_50 = arith.constant 0 : i32
      %add3A_51 = arith.addi %add3A_50, %mul3A_49 : i32
      %rem3A = arith.constant 2 : i32
      %rem3A_52 = arith.remsi %add3A_51, %rem3A : i32
      %ge3A = arith.constant 2 : i32
      %ge3A_53 = arith.cmpi sge, %add3A_51, %ge3A : i32
      %convert_element_type3A = arith.extui %ge3A_53 : i1 to i32
      %cond3A = arith.constant 0 : i32
      %cond3A_54 = arith.cmpi ne, %convert_element_type3A, %cond3A : i32
      scf.if %cond3A_54 {
        %dma_wait3A_376 = arith.constant 0 : i32
        %dma_wait3A_377 = tpu.memref_slice %arg12[%dma_wait3A_376] : memref<10368xf32, #tpu.memory_space<vmem>> -> memref<128xf32, #tpu.memory_space<vmem>>
        %dma_wait3A_378 = arith.constant 0 : i32
        %dma_wait3A_379 = tpu.memref_slice %arg13[%rem3A_52, %dma_wait3A_378] : memref<2x128xi32, #tpu.memory_space<vmem>> -> memref<1x128xi32, #tpu.memory_space<vmem>>
        %dma_wait3A_380 = tpu.memref_squeeze %dma_wait3A_379 : memref<1x128xi32, #tpu.memory_space<vmem>> -> memref<128xi32, #tpu.memory_space<vmem>>
        %dma_wait3A_381 = arith.constant 0 : i32
        %dma_wait3A_382 = tpu.memref_slice %arg15[%dma_wait3A_381] : memref<10240xf32, #tpu.memory_space<vmem_shared>> -> memref<10240xf32, #tpu.memory_space<vmem_shared>>
        %dma_wait3A_383 = tpu.memref_slice %arg16[%rem3A_52] : memref<2x!tpu.dma_semaphore, #tpu.memory_space<semaphore_mem>> -> memref<1x!tpu.dma_semaphore, #tpu.memory_space<semaphore_mem>>
        %dma_wait3A_384 = tpu.memref_squeeze %dma_wait3A_383 : memref<1x!tpu.dma_semaphore, #tpu.memory_space<semaphore_mem>> -> memref<!tpu.dma_semaphore, #tpu.memory_space<semaphore_mem>>
        tpu.wait_indirect_dma semaphore(%dma_wait3A_384 : memref<!tpu.dma_semaphore, #tpu.memory_space<semaphore_mem>>) src(%dma_wait3A_377 : memref<128xf32, #tpu.memory_space<vmem>>) dst(%dma_wait3A_382 : memref<10240xf32, #tpu.memory_space<vmem_shared>>)
      } else {
      }
      %scan3A_55 = arith.constant 0 : i32
      %mul3A_56 = arith.constant 128 : i32
      %mul3A_57 = arith.muli %scan3A_55, %mul3A_56 : i32
      %add3A_58 = arith.constant 0 : i32
      %add3A_59 = arith.addi %add3A_58, %mul3A_57 : i32
      %mul3A_60 = arith.constant 128 : i32
      %mul3A_61 = arith.muli %add3A_51, %mul3A_60 : i32
      %add3A_62 = arith.addi %mul3A_61, %add3A_59 : i32
      %add3A_63 = arith.constant 0 : i32
      %add3A_64 = arith.addi %add3A_62, %add3A_63 : i32
      %get3A = arith.index_cast %add3A_64 : i32 to index
      %get3A_65 = tpu.vector_load %arg10[%get3A] {strides = array<i32>} : memref<10368xi32, #tpu.memory_space<vmem>>, vector<16xi32>,
      %mul3A_66 = arith.constant 128 : i32
      %mul3A_67 = arith.muli %add3A_51, %mul3A_66 : i32
      %add3A_68 = arith.addi %mul3A_67, %add3A_59 : i32
      %add3A_69 = arith.constant 0 : i32
      %add3A_70 = arith.addi %add3A_68, %add3A_69 : i32
      %get3A_71 = arith.index_cast %add3A_70 : i32 to index
      %get3A_72 = tpu.vector_load %arg11[%get3A_71] {strides = array<i32>} : memref<10368xi32, #tpu.memory_space<vmem>>, vector<16xi32>,
      %gather3A = tpu.vector_load_idx %arg8[%get3A_65] : memref<10240xf32, #tpu.memory_space<vmem>>[vector<16xi32>], vector<16xf32>,
      %gather3A_73 = tpu.vector_load_idx %arg9[%get3A_72] : memref<10240xf32, #tpu.memory_space<vmem>>[vector<16xi32>], vector<16xf32>,
      %add3A_74 = arith.addf %gather3A, %gather3A_73 : vector<16xf32>
      %gt3A = arith.constant 0.000000e+00 : f32
      %gt3A_75 = vector.broadcast %gt3A : f32 to vector<16xf32>
      %gt3A_76 = arith.cmpf ogt, %add3A_74, %gt3A_75 : vector<16xf32>
      %mul3A_77 = arith.constant 2.000000e-01 : f32
      %mul3A_78 = vector.broadcast %mul3A_77 : f32 to vector<16xf32>
      %mul3A_79 = arith.mulf %add3A_74, %mul3A_78 : vector<16xf32>
      %select_n3A = arith.select %gt3A_76, %add3A_74, %mul3A_79 : vector<16xi1>, vector<16xf32>
      %exp3A = math.exp %select_n3A : vector<16xf32>
      %mul3A_80 = arith.constant 128 : i32
      %mul3A_81 = arith.muli %add3A_51, %mul3A_80 : i32
      %add3A_82 = arith.addi %mul3A_81, %add3A_59 : i32
      %add3A_83 = arith.constant 0 : i32
      %add3A_84 = arith.addi %add3A_82, %add3A_83 : i32
      %swap3A = arith.index_cast %add3A_84 : i32 to index
      %swap3A_85 = tpu.vector_load %arg12[%swap3A] {strides = array<i32>} : memref<10368xf32, #tpu.memory_space<vmem>>, vector<16xf32>,
      tpu.vector_store %arg12[%swap3A], %exp3A {strides = array<i32>} : memref<10368xf32, #tpu.memory_space<vmem>>, vector<16xf32>,
      %add3A_86 = vector.broadcast %mul3A_18 : i32 to vector<16xi32>
      %add3A_87 = arith.addi %get3A_72, %add3A_86 : vector<16xi32>
      %add3A_88 = arith.constant 0 : i32
      %add3A_89 = arith.addi %add3A_59, %add3A_88 : i32
      %swap3A_90 = arith.index_cast %rem3A_52 : i32 to index
      %swap3A_91 = arith.index_cast %add3A_89 : i32 to index
      %swap3A_92 = tpu.vector_load %arg13[%swap3A_90, %swap3A_91] {strides = array<i32>} : memref<2x128xi32, #tpu.memory_space<vmem>>, vector<16xi32>,
      tpu.vector_store %arg13[%swap3A_90, %swap3A_91], %add3A_87 {strides = array<i32>} : memref<2x128xi32, #tpu.memory_space<vmem>>, vector<16xi32>,
      %mul3A_93 = arith.constant 128 : i32
      %mul3A_94 = arith.muli %add3A_51, %mul3A_93 : i32
      %add3A_95 = arith.addi %mul3A_94, %add3A_59 : i32
      %add3A_96 = arith.constant 16 : i32
      %add3A_97 = arith.addi %add3A_95, %add3A_96 : i32
      %get3A_98 = arith.index_cast %add3A_97 : i32 to index
      %get3A_99 = tpu.vector_load %arg10[%get3A_98] {strides = array<i32>} : memref<10368xi32, #tpu.memory_space<vmem>>, vector<16xi32>,
      %mul3A_100 = arith.constant 128 : i32
      %mul3A_101 = arith.muli %add3A_51, %mul3A_100 : i32
      %add3A_102 = arith.addi %mul3A_101, %add3A_59 : i32
      %add3A_103 = arith.constant 16 : i32
      %add3A_104 = arith.addi %add3A_102, %add3A_103 : i32
      %get3A_105 = arith.index_cast %add3A_104 : i32 to index
      %get3A_106 = tpu.vector_load %arg11[%get3A_105] {strides = array<i32>} : memref<10368xi32, #tpu.memory_space<vmem>>, vector<16xi32>,
      %gather3A_107 = tpu.vector_load_idx %arg8[%get3A_99] : memref<10240xf32, #tpu.memory_space<vmem>>[vector<16xi32>], vector<16xf32>,
      %gather3A_108 = tpu.vector_load_idx %arg9[%get3A_106] : memref<10240xf32, #tpu.memory_space<vmem>>[vector<16xi32>], vector<16xf32>,
      %add3A_109 = arith.addf %gather3A_107, %gather3A_108 : vector<16xf32>
      %gt3A_110 = arith.constant 0.000000e+00 : f32
      %gt3A_111 = vector.broadcast %gt3A_110 : f32 to vector<16xf32>
      %gt3A_112 = arith.cmpf ogt, %add3A_109, %gt3A_111 : vector<16xf32>
      %mul3A_113 = arith.constant 2.000000e-01 : f32
      %mul3A_114 = vector.broadcast %mul3A_113 : f32 to vector<16xf32>
      %mul3A_115 = arith.mulf %add3A_109, %mul3A_114 : vector<16xf32>
      %select_n3A_116 = arith.select %gt3A_112, %add3A_109, %mul3A_115 : vector<16xi1>, vector<16xf32>
      %exp3A_117 = math.exp %select_n3A_116 : vector<16xf32>
      %mul3A_118 = arith.constant 128 : i32
      %mul3A_119 = arith.muli %add3A_51, %mul3A_118 : i32
      %add3A_120 = arith.addi %mul3A_119, %add3A_59 : i32
      %add3A_121 = arith.constant 16 : i32
      %add3A_122 = arith.addi %add3A_120, %add3A_121 : i32
      %swap3A_123 = arith.index_cast %add3A_122 : i32 to index
      %swap3A_124 = tpu.vector_load %arg12[%swap3A_123] {strides = array<i32>} : memref<10368xf32, #tpu.memory_space<vmem>>, vector<16xf32>,
      tpu.vector_store %arg12[%swap3A_123], %exp3A_117 {strides = array<i32>} : memref<10368xf32, #tpu.memory_space<vmem>>, vector<16xf32>,
      %add3A_125 = vector.broadcast %mul3A_18 : i32 to vector<16xi32>
      %add3A_126 = arith.addi %get3A_106, %add3A_125 : vector<16xi32>
      %add3A_127 = arith.constant 16 : i32
      %add3A_128 = arith.addi %add3A_59, %add3A_127 : i32
      %swap3A_129 = arith.index_cast %rem3A_52 : i32 to index
      %swap3A_130 = arith.index_cast %add3A_128 : i32 to index
      %swap3A_131 = tpu.vector_load %arg13[%swap3A_129, %swap3A_130] {strides = array<i32>} : memref<2x128xi32, #tpu.memory_space<vmem>>, vector<16xi32>,
      tpu.vector_store %arg13[%swap3A_129, %swap3A_130], %add3A_126 {strides = array<i32>} : memref<2x128xi32, #tpu.memory_space<vmem>>, vector<16xi32>,
      %mul3A_132 = arith.constant 128 : i32
      %mul3A_133 = arith.muli %add3A_51, %mul3A_132 : i32
      %add3A_134 = arith.addi %mul3A_133, %add3A_59 : i32
      %add3A_135 = arith.constant 32 : i32
      %add3A_136 = arith.addi %add3A_134, %add3A_135 : i32
      %get3A_137 = arith.index_cast %add3A_136 : i32 to index
      %get3A_138 = tpu.vector_load %arg10[%get3A_137] {strides = array<i32>} : memref<10368xi32, #tpu.memory_space<vmem>>, vector<16xi32>,
      %mul3A_139 = arith.constant 128 : i32
      %mul3A_140 = arith.muli %add3A_51, %mul3A_139 : i32
      %add3A_141 = arith.addi %mul3A_140, %add3A_59 : i32
      %add3A_142 = arith.constant 32 : i32
      %add3A_143 = arith.addi %add3A_141, %add3A_142 : i32
      %get3A_144 = arith.index_cast %add3A_143 : i32 to index
      %get3A_145 = tpu.vector_load %arg11[%get3A_144] {strides = array<i32>} : memref<10368xi32, #tpu.memory_space<vmem>>, vector<16xi32>,
      %gather3A_146 = tpu.vector_load_idx %arg8[%get3A_138] : memref<10240xf32, #tpu.memory_space<vmem>>[vector<16xi32>], vector<16xf32>,
      %gather3A_147 = tpu.vector_load_idx %arg9[%get3A_145] : memref<10240xf32, #tpu.memory_space<vmem>>[vector<16xi32>], vector<16xf32>,
      %add3A_148 = arith.addf %gather3A_146, %gather3A_147 : vector<16xf32>
      %gt3A_149 = arith.constant 0.000000e+00 : f32
      %gt3A_150 = vector.broadcast %gt3A_149 : f32 to vector<16xf32>
      %gt3A_151 = arith.cmpf ogt, %add3A_148, %gt3A_150 : vector<16xf32>
      %mul3A_152 = arith.constant 2.000000e-01 : f32
      %mul3A_153 = vector.broadcast %mul3A_152 : f32 to vector<16xf32>
      %mul3A_154 = arith.mulf %add3A_148, %mul3A_153 : vector<16xf32>
      %select_n3A_155 = arith.select %gt3A_151, %add3A_148, %mul3A_154 : vector<16xi1>, vector<16xf32>
      %exp3A_156 = math.exp %select_n3A_155 : vector<16xf32>
      %mul3A_157 = arith.constant 128 : i32
      %mul3A_158 = arith.muli %add3A_51, %mul3A_157 : i32
      %add3A_159 = arith.addi %mul3A_158, %add3A_59 : i32
      %add3A_160 = arith.constant 32 : i32
      %add3A_161 = arith.addi %add3A_159, %add3A_160 : i32
      %swap3A_162 = arith.index_cast %add3A_161 : i32 to index
      %swap3A_163 = tpu.vector_load %arg12[%swap3A_162] {strides = array<i32>} : memref<10368xf32, #tpu.memory_space<vmem>>, vector<16xf32>,
      tpu.vector_store %arg12[%swap3A_162], %exp3A_156 {strides = array<i32>} : memref<10368xf32, #tpu.memory_space<vmem>>, vector<16xf32>,
      %add3A_164 = vector.broadcast %mul3A_18 : i32 to vector<16xi32>
      %add3A_165 = arith.addi %get3A_145, %add3A_164 : vector<16xi32>
      %add3A_166 = arith.constant 32 : i32
      %add3A_167 = arith.addi %add3A_59, %add3A_166 : i32
      %swap3A_168 = arith.index_cast %rem3A_52 : i32 to index
      %swap3A_169 = arith.index_cast %add3A_167 : i32 to index
      %swap3A_170 = tpu.vector_load %arg13[%swap3A_168, %swap3A_169] {strides = array<i32>} : memref<2x128xi32, #tpu.memory_space<vmem>>, vector<16xi32>,
      tpu.vector_store %arg13[%swap3A_168, %swap3A_169], %add3A_165 {strides = array<i32>} : memref<2x128xi32, #tpu.memory_space<vmem>>, vector<16xi32>,
      %mul3A_171 = arith.constant 128 : i32
      %mul3A_172 = arith.muli %add3A_51, %mul3A_171 : i32
      %add3A_173 = arith.addi %mul3A_172, %add3A_59 : i32
      %add3A_174 = arith.constant 48 : i32
      %add3A_175 = arith.addi %add3A_173, %add3A_174 : i32
      %get3A_176 = arith.index_cast %add3A_175 : i32 to index
      %get3A_177 = tpu.vector_load %arg10[%get3A_176] {strides = array<i32>} : memref<10368xi32, #tpu.memory_space<vmem>>, vector<16xi32>,
      %mul3A_178 = arith.constant 128 : i32
      %mul3A_179 = arith.muli %add3A_51, %mul3A_178 : i32
      %add3A_180 = arith.addi %mul3A_179, %add3A_59 : i32
      %add3A_181 = arith.constant 48 : i32
      %add3A_182 = arith.addi %add3A_180, %add3A_181 : i32
      %get3A_183 = arith.index_cast %add3A_182 : i32 to index
      %get3A_184 = tpu.vector_load %arg11[%get3A_183] {strides = array<i32>} : memref<10368xi32, #tpu.memory_space<vmem>>, vector<16xi32>,
      %gather3A_185 = tpu.vector_load_idx %arg8[%get3A_177] : memref<10240xf32, #tpu.memory_space<vmem>>[vector<16xi32>], vector<16xf32>,
      %gather3A_186 = tpu.vector_load_idx %arg9[%get3A_184] : memref<10240xf32, #tpu.memory_space<vmem>>[vector<16xi32>], vector<16xf32>,
      %add3A_187 = arith.addf %gather3A_185, %gather3A_186 : vector<16xf32>
      %gt3A_188 = arith.constant 0.000000e+00 : f32
      %gt3A_189 = vector.broadcast %gt3A_188 : f32 to vector<16xf32>
      %gt3A_190 = arith.cmpf ogt, %add3A_187, %gt3A_189 : vector<16xf32>
      %mul3A_191 = arith.constant 2.000000e-01 : f32
      %mul3A_192 = vector.broadcast %mul3A_191 : f32 to vector<16xf32>
      %mul3A_193 = arith.mulf %add3A_187, %mul3A_192 : vector<16xf32>
      %select_n3A_194 = arith.select %gt3A_190, %add3A_187, %mul3A_193 : vector<16xi1>, vector<16xf32>
      %exp3A_195 = math.exp %select_n3A_194 : vector<16xf32>
      %mul3A_196 = arith.constant 128 : i32
      %mul3A_197 = arith.muli %add3A_51, %mul3A_196 : i32
      %add3A_198 = arith.addi %mul3A_197, %add3A_59 : i32
      %add3A_199 = arith.constant 48 : i32
      %add3A_200 = arith.addi %add3A_198, %add3A_199 : i32
      %swap3A_201 = arith.index_cast %add3A_200 : i32 to index
      %swap3A_202 = tpu.vector_load %arg12[%swap3A_201] {strides = array<i32>} : memref<10368xf32, #tpu.memory_space<vmem>>, vector<16xf32>,
      tpu.vector_store %arg12[%swap3A_201], %exp3A_195 {strides = array<i32>} : memref<10368xf32, #tpu.memory_space<vmem>>, vector<16xf32>,
      %add3A_203 = vector.broadcast %mul3A_18 : i32 to vector<16xi32>
      %add3A_204 = arith.addi %get3A_184, %add3A_203 : vector<16xi32>
      %add3A_205 = arith.constant 48 : i32
      %add3A_206 = arith.addi %add3A_59, %add3A_205 : i32
      %swap3A_207 = arith.index_cast %rem3A_52 : i32 to index
      %swap3A_208 = arith.index_cast %add3A_206 : i32 to index
      %swap3A_209 = tpu.vector_load %arg13[%swap3A_207, %swap3A_208] {strides = array<i32>} : memref<2x128xi32, #tpu.memory_space<vmem>>, vector<16xi32>,
      tpu.vector_store %arg13[%swap3A_207, %swap3A_208], %add3A_204 {strides = array<i32>} : memref<2x128xi32, #tpu.memory_space<vmem>>, vector<16xi32>,
      %mul3A_210 = arith.constant 128 : i32
      %mul3A_211 = arith.muli %add3A_51, %mul3A_210 : i32
      %add3A_212 = arith.addi %mul3A_211, %add3A_59 : i32
      %add3A_213 = arith.constant 64 : i32
      %add3A_214 = arith.addi %add3A_212, %add3A_213 : i32
      %get3A_215 = arith.index_cast %add3A_214 : i32 to index
      %get3A_216 = tpu.vector_load %arg10[%get3A_215] {strides = array<i32>} : memref<10368xi32, #tpu.memory_space<vmem>>, vector<16xi32>,
      %mul3A_217 = arith.constant 128 : i32
      %mul3A_218 = arith.muli %add3A_51, %mul3A_217 : i32
      %add3A_219 = arith.addi %mul3A_218, %add3A_59 : i32
      %add3A_220 = arith.constant 64 : i32
      %add3A_221 = arith.addi %add3A_219, %add3A_220 : i32
      %get3A_222 = arith.index_cast %add3A_221 : i32 to index
      %get3A_223 = tpu.vector_load %arg11[%get3A_222] {strides = array<i32>} : memref<10368xi32, #tpu.memory_space<vmem>>, vector<16xi32>,
      %gather3A_224 = tpu.vector_load_idx %arg8[%get3A_216] : memref<10240xf32, #tpu.memory_space<vmem>>[vector<16xi32>], vector<16xf32>,
      %gather3A_225 = tpu.vector_load_idx %arg9[%get3A_223] : memref<10240xf32, #tpu.memory_space<vmem>>[vector<16xi32>], vector<16xf32>,
      %add3A_226 = arith.addf %gather3A_224, %gather3A_225 : vector<16xf32>
      %gt3A_227 = arith.constant 0.000000e+00 : f32
      %gt3A_228 = vector.broadcast %gt3A_227 : f32 to vector<16xf32>
      %gt3A_229 = arith.cmpf ogt, %add3A_226, %gt3A_228 : vector<16xf32>
      %mul3A_230 = arith.constant 2.000000e-01 : f32
      %mul3A_231 = vector.broadcast %mul3A_230 : f32 to vector<16xf32>
      %mul3A_232 = arith.mulf %add3A_226, %mul3A_231 : vector<16xf32>
      %select_n3A_233 = arith.select %gt3A_229, %add3A_226, %mul3A_232 : vector<16xi1>, vector<16xf32>
      %exp3A_234 = math.exp %select_n3A_233 : vector<16xf32>
      %mul3A_235 = arith.constant 128 : i32
      %mul3A_236 = arith.muli %add3A_51, %mul3A_235 : i32
      %add3A_237 = arith.addi %mul3A_236, %add3A_59 : i32
      %add3A_238 = arith.constant 64 : i32
      %add3A_239 = arith.addi %add3A_237, %add3A_238 : i32
      %swap3A_240 = arith.index_cast %add3A_239 : i32 to index
      %swap3A_241 = tpu.vector_load %arg12[%swap3A_240] {strides = array<i32>} : memref<10368xf32, #tpu.memory_space<vmem>>, vector<16xf32>,
      tpu.vector_store %arg12[%swap3A_240], %exp3A_234 {strides = array<i32>} : memref<10368xf32, #tpu.memory_space<vmem>>, vector<16xf32>,
      %add3A_242 = vector.broadcast %mul3A_18 : i32 to vector<16xi32>
      %add3A_243 = arith.addi %get3A_223, %add3A_242 : vector<16xi32>
      %add3A_244 = arith.constant 64 : i32
      %add3A_245 = arith.addi %add3A_59, %add3A_244 : i32
      %swap3A_246 = arith.index_cast %rem3A_52 : i32 to index
      %swap3A_247 = arith.index_cast %add3A_245 : i32 to index
      %swap3A_248 = tpu.vector_load %arg13[%swap3A_246, %swap3A_247] {strides = array<i32>} : memref<2x128xi32, #tpu.memory_space<vmem>>, vector<16xi32>,
      tpu.vector_store %arg13[%swap3A_246, %swap3A_247], %add3A_243 {strides = array<i32>} : memref<2x128xi32, #tpu.memory_space<vmem>>, vector<16xi32>,
      %mul3A_249 = arith.constant 128 : i32
      %mul3A_250 = arith.muli %add3A_51, %mul3A_249 : i32
      %add3A_251 = arith.addi %mul3A_250, %add3A_59 : i32
      %add3A_252 = arith.constant 80 : i32
      %add3A_253 = arith.addi %add3A_251, %add3A_252 : i32
      %get3A_254 = arith.index_cast %add3A_253 : i32 to index
      %get3A_255 = tpu.vector_load %arg10[%get3A_254] {strides = array<i32>} : memref<10368xi32, #tpu.memory_space<vmem>>, vector<16xi32>,
      %mul3A_256 = arith.constant 128 : i32
      %mul3A_257 = arith.muli %add3A_51, %mul3A_256 : i32
      %add3A_258 = arith.addi %mul3A_257, %add3A_59 : i32
      %add3A_259 = arith.constant 80 : i32
      %add3A_260 = arith.addi %add3A_258, %add3A_259 : i32
      %get3A_261 = arith.index_cast %add3A_260 : i32 to index
      %get3A_262 = tpu.vector_load %arg11[%get3A_261] {strides = array<i32>} : memref<10368xi32, #tpu.memory_space<vmem>>, vector<16xi32>,
      %gather3A_263 = tpu.vector_load_idx %arg8[%get3A_255] : memref<10240xf32, #tpu.memory_space<vmem>>[vector<16xi32>], vector<16xf32>,
      %gather3A_264 = tpu.vector_load_idx %arg9[%get3A_262] : memref<10240xf32, #tpu.memory_space<vmem>>[vector<16xi32>], vector<16xf32>,
      %add3A_265 = arith.addf %gather3A_263, %gather3A_264 : vector<16xf32>
      %gt3A_266 = arith.constant 0.000000e+00 : f32
      %gt3A_267 = vector.broadcast %gt3A_266 : f32 to vector<16xf32>
      %gt3A_268 = arith.cmpf ogt, %add3A_265, %gt3A_267 : vector<16xf32>
      %mul3A_269 = arith.constant 2.000000e-01 : f32
      %mul3A_270 = vector.broadcast %mul3A_269 : f32 to vector<16xf32>
      %mul3A_271 = arith.mulf %add3A_265, %mul3A_270 : vector<16xf32>
      %select_n3A_272 = arith.select %gt3A_268, %add3A_265, %mul3A_271 : vector<16xi1>, vector<16xf32>
      %exp3A_273 = math.exp %select_n3A_272 : vector<16xf32>
      %mul3A_274 = arith.constant 128 : i32
      %mul3A_275 = arith.muli %add3A_51, %mul3A_274 : i32
      %add3A_276 = arith.addi %mul3A_275, %add3A_59 : i32
      %add3A_277 = arith.constant 80 : i32
      %add3A_278 = arith.addi %add3A_276, %add3A_277 : i32
      %swap3A_279 = arith.index_cast %add3A_278 : i32 to index
      %swap3A_280 = tpu.vector_load %arg12[%swap3A_279] {strides = array<i32>} : memref<10368xf32, #tpu.memory_space<vmem>>, vector<16xf32>,
      tpu.vector_store %arg12[%swap3A_279], %exp3A_273 {strides = array<i32>} : memref<10368xf32, #tpu.memory_space<vmem>>, vector<16xf32>,
      %add3A_281 = vector.broadcast %mul3A_18 : i32 to vector<16xi32>
      %add3A_282 = arith.addi %get3A_262, %add3A_281 : vector<16xi32>
      %add3A_283 = arith.constant 80 : i32
      %add3A_284 = arith.addi %add3A_59, %add3A_283 : i32
      %swap3A_285 = arith.index_cast %rem3A_52 : i32 to index
      %swap3A_286 = arith.index_cast %add3A_284 : i32 to index
      %swap3A_287 = tpu.vector_load %arg13[%swap3A_285, %swap3A_286] {strides = array<i32>} : memref<2x128xi32, #tpu.memory_space<vmem>>, vector<16xi32>,
      tpu.vector_store %arg13[%swap3A_285, %swap3A_286], %add3A_282 {strides = array<i32>} : memref<2x128xi32, #tpu.memory_space<vmem>>, vector<16xi32>,
      %mul3A_288 = arith.constant 128 : i32
      %mul3A_289 = arith.muli %add3A_51, %mul3A_288 : i32
      %add3A_290 = arith.addi %mul3A_289, %add3A_59 : i32
      %add3A_291 = arith.constant 96 : i32
      %add3A_292 = arith.addi %add3A_290, %add3A_291 : i32
      %get3A_293 = arith.index_cast %add3A_292 : i32 to index
      %get3A_294 = tpu.vector_load %arg10[%get3A_293] {strides = array<i32>} : memref<10368xi32, #tpu.memory_space<vmem>>, vector<16xi32>,
      %mul3A_295 = arith.constant 128 : i32
      %mul3A_296 = arith.muli %add3A_51, %mul3A_295 : i32
      %add3A_297 = arith.addi %mul3A_296, %add3A_59 : i32
      %add3A_298 = arith.constant 96 : i32
      %add3A_299 = arith.addi %add3A_297, %add3A_298 : i32
      %get3A_300 = arith.index_cast %add3A_299 : i32 to index
      %get3A_301 = tpu.vector_load %arg11[%get3A_300] {strides = array<i32>} : memref<10368xi32, #tpu.memory_space<vmem>>, vector<16xi32>,
      %gather3A_302 = tpu.vector_load_idx %arg8[%get3A_294] : memref<10240xf32, #tpu.memory_space<vmem>>[vector<16xi32>], vector<16xf32>,
      %gather3A_303 = tpu.vector_load_idx %arg9[%get3A_301] : memref<10240xf32, #tpu.memory_space<vmem>>[vector<16xi32>], vector<16xf32>,
      %add3A_304 = arith.addf %gather3A_302, %gather3A_303 : vector<16xf32>
      %gt3A_305 = arith.constant 0.000000e+00 : f32
      %gt3A_306 = vector.broadcast %gt3A_305 : f32 to vector<16xf32>
      %gt3A_307 = arith.cmpf ogt, %add3A_304, %gt3A_306 : vector<16xf32>
      %mul3A_308 = arith.constant 2.000000e-01 : f32
      %mul3A_309 = vector.broadcast %mul3A_308 : f32 to vector<16xf32>
      %mul3A_310 = arith.mulf %add3A_304, %mul3A_309 : vector<16xf32>
      %select_n3A_311 = arith.select %gt3A_307, %add3A_304, %mul3A_310 : vector<16xi1>, vector<16xf32>
      %exp3A_312 = math.exp %select_n3A_311 : vector<16xf32>
      %mul3A_313 = arith.constant 128 : i32
      %mul3A_314 = arith.muli %add3A_51, %mul3A_313 : i32
      %add3A_315 = arith.addi %mul3A_314, %add3A_59 : i32
      %add3A_316 = arith.constant 96 : i32
      %add3A_317 = arith.addi %add3A_315, %add3A_316 : i32
      %swap3A_318 = arith.index_cast %add3A_317 : i32 to index
      %swap3A_319 = tpu.vector_load %arg12[%swap3A_318] {strides = array<i32>} : memref<10368xf32, #tpu.memory_space<vmem>>, vector<16xf32>,
      tpu.vector_store %arg12[%swap3A_318], %exp3A_312 {strides = array<i32>} : memref<10368xf32, #tpu.memory_space<vmem>>, vector<16xf32>,
      %add3A_320 = vector.broadcast %mul3A_18 : i32 to vector<16xi32>
      %add3A_321 = arith.addi %get3A_301, %add3A_320 : vector<16xi32>
      %add3A_322 = arith.constant 96 : i32
      %add3A_323 = arith.addi %add3A_59, %add3A_322 : i32
      %swap3A_324 = arith.index_cast %rem3A_52 : i32 to index
      %swap3A_325 = arith.index_cast %add3A_323 : i32 to index
      %swap3A_326 = tpu.vector_load %arg13[%swap3A_324, %swap3A_325] {strides = array<i32>} : memref<2x128xi32, #tpu.memory_space<vmem>>, vector<16xi32>,
      tpu.vector_store %arg13[%swap3A_324, %swap3A_325], %add3A_321 {strides = array<i32>} : memref<2x128xi32, #tpu.memory_space<vmem>>, vector<16xi32>,
      %mul3A_327 = arith.constant 128 : i32
      %mul3A_328 = arith.muli %add3A_51, %mul3A_327 : i32
      %add3A_329 = arith.addi %mul3A_328, %add3A_59 : i32
      %add3A_330 = arith.constant 112 : i32
      %add3A_331 = arith.addi %add3A_329, %add3A_330 : i32
      %get3A_332 = arith.index_cast %add3A_331 : i32 to index
      %get3A_333 = tpu.vector_load %arg10[%get3A_332] {strides = array<i32>} : memref<10368xi32, #tpu.memory_space<vmem>>, vector<16xi32>,
      %mul3A_334 = arith.constant 128 : i32
      %mul3A_335 = arith.muli %add3A_51, %mul3A_334 : i32
      %add3A_336 = arith.addi %mul3A_335, %add3A_59 : i32
      %add3A_337 = arith.constant 112 : i32
      %add3A_338 = arith.addi %add3A_336, %add3A_337 : i32
      %get3A_339 = arith.index_cast %add3A_338 : i32 to index
      %get3A_340 = tpu.vector_load %arg11[%get3A_339] {strides = array<i32>} : memref<10368xi32, #tpu.memory_space<vmem>>, vector<16xi32>,
      %gather3A_341 = tpu.vector_load_idx %arg8[%get3A_333] : memref<10240xf32, #tpu.memory_space<vmem>>[vector<16xi32>], vector<16xf32>,
      %gather3A_342 = tpu.vector_load_idx %arg9[%get3A_340] : memref<10240xf32, #tpu.memory_space<vmem>>[vector<16xi32>], vector<16xf32>,
      %add3A_343 = arith.addf %gather3A_341, %gather3A_342 : vector<16xf32>
      %gt3A_344 = arith.constant 0.000000e+00 : f32
      %gt3A_345 = vector.broadcast %gt3A_344 : f32 to vector<16xf32>
      %gt3A_346 = arith.cmpf ogt, %add3A_343, %gt3A_345 : vector<16xf32>
      %mul3A_347 = arith.constant 2.000000e-01 : f32
      %mul3A_348 = vector.broadcast %mul3A_347 : f32 to vector<16xf32>
      %mul3A_349 = arith.mulf %add3A_343, %mul3A_348 : vector<16xf32>
      %select_n3A_350 = arith.select %gt3A_346, %add3A_343, %mul3A_349 : vector<16xi1>, vector<16xf32>
      %exp3A_351 = math.exp %select_n3A_350 : vector<16xf32>
      %mul3A_352 = arith.constant 128 : i32
      %mul3A_353 = arith.muli %add3A_51, %mul3A_352 : i32
      %add3A_354 = arith.addi %mul3A_353, %add3A_59 : i32
      %add3A_355 = arith.constant 112 : i32
      %add3A_356 = arith.addi %add3A_354, %add3A_355 : i32
      %swap3A_357 = arith.index_cast %add3A_356 : i32 to index
      %swap3A_358 = tpu.vector_load %arg12[%swap3A_357] {strides = array<i32>} : memref<10368xf32, #tpu.memory_space<vmem>>, vector<16xf32>,
      tpu.vector_store %arg12[%swap3A_357], %exp3A_351 {strides = array<i32>} : memref<10368xf32, #tpu.memory_space<vmem>>, vector<16xf32>,
      %add3A_359 = vector.broadcast %mul3A_18 : i32 to vector<16xi32>
      %add3A_360 = arith.addi %get3A_340, %add3A_359 : vector<16xi32>
      %add3A_361 = arith.constant 112 : i32
      %add3A_362 = arith.addi %add3A_59, %add3A_361 : i32
      %swap3A_363 = arith.index_cast %rem3A_52 : i32 to index
      %swap3A_364 = arith.index_cast %add3A_362 : i32 to index
      %swap3A_365 = tpu.vector_load %arg13[%swap3A_363, %swap3A_364] {strides = array<i32>} : memref<2x128xi32, #tpu.memory_space<vmem>>, vector<16xi32>,
      tpu.vector_store %arg13[%swap3A_363, %swap3A_364], %add3A_360 {strides = array<i32>} : memref<2x128xi32, #tpu.memory_space<vmem>>, vector<16xi32>,
      %scan3A_366 = arith.constant 1 : i32
      %mul3A_367 = arith.constant 128 : i32
      %mul3A_368 = arith.muli %add3A_51, %mul3A_367 : i32
      %dma_start3A = tpu.memref_slice %arg12[%mul3A_368] : memref<10368xf32, #tpu.memory_space<vmem>> -> memref<128xf32, #tpu.memory_space<vmem>>
      %dma_start3A_369 = arith.constant 0 : i32
      %dma_start3A_370 = tpu.memref_slice %arg13[%rem3A_52, %dma_start3A_369] : memref<2x128xi32, #tpu.memory_space<vmem>> -> memref<1x128xi32, #tpu.memory_space<vmem>>
      %dma_start3A_371 = tpu.memref_squeeze %dma_start3A_370 : memref<1x128xi32, #tpu.memory_space<vmem>> -> memref<128xi32, #tpu.memory_space<vmem>>
      %dma_start3A_372 = arith.constant 0 : i32
      %dma_start3A_373 = tpu.memref_slice %arg15[%dma_start3A_372] : memref<10240xf32, #tpu.memory_space<vmem_shared>> -> memref<10240xf32, #tpu.memory_space<vmem_shared>>
      %dma_start3A_374 = tpu.memref_slice %arg16[%rem3A_52] : memref<2x!tpu.dma_semaphore, #tpu.memory_space<semaphore_mem>> -> memref<1x!tpu.dma_semaphore, #tpu.memory_space<semaphore_mem>>
      %dma_start3A_375 = tpu.memref_squeeze %dma_start3A_374 : memref<1x!tpu.dma_semaphore, #tpu.memory_space<semaphore_mem>> -> memref<!tpu.dma_semaphore, #tpu.memory_space<semaphore_mem>>
      tpu.enqueue_indirect_dma source(%dma_start3A : memref<128xf32, #tpu.memory_space<vmem>>) target(%dma_start3A_373 : memref<10240xf32, #tpu.memory_space<vmem_shared>>) offsets(%dma_start3A_371 : memref<128xi32, #tpu.memory_space<vmem>>) semaphore(%dma_start3A_375 : memref<!tpu.dma_semaphore, #tpu.memory_space<semaphore_mem>>) {add = true}
    }
    %scan3A_23 = arith.constant 81 : i32
    %dma_wait3A = arith.constant 0 : i32
    %dma_wait3A_24 = arith.constant 0 : i32
    %dma_wait3A_25 = arith.constant 0 : i32
    %dma_wait3A_26 = tpu.memref_slice %arg12[%dma_wait3A_25] : memref<10368xf32, #tpu.memory_space<vmem>> -> memref<128xf32, #tpu.memory_space<vmem>>
    %dma_wait3A_27 = arith.constant 0 : i32
    %dma_wait3A_28 = tpu.memref_slice %arg13[%dma_wait3A, %dma_wait3A_27] : memref<2x128xi32, #tpu.memory_space<vmem>> -> memref<1x128xi32, #tpu.memory_space<vmem>>
    %dma_wait3A_29 = tpu.memref_squeeze %dma_wait3A_28 : memref<1x128xi32, #tpu.memory_space<vmem>> -> memref<128xi32, #tpu.memory_space<vmem>>
    %dma_wait3A_30 = arith.constant 0 : i32
    %dma_wait3A_31 = tpu.memref_slice %arg15[%dma_wait3A_30] : memref<10240xf32, #tpu.memory_space<vmem_shared>> -> memref<10240xf32, #tpu.memory_space<vmem_shared>>
    %dma_wait3A_32 = tpu.memref_slice %arg16[%dma_wait3A_24] : memref<2x!tpu.dma_semaphore, #tpu.memory_space<semaphore_mem>> -> memref<1x!tpu.dma_semaphore, #tpu.memory_space<semaphore_mem>>
    %dma_wait3A_33 = tpu.memref_squeeze %dma_wait3A_32 : memref<1x!tpu.dma_semaphore, #tpu.memory_space<semaphore_mem>> -> memref<!tpu.dma_semaphore, #tpu.memory_space<semaphore_mem>>
    tpu.wait_indirect_dma semaphore(%dma_wait3A_33 : memref<!tpu.dma_semaphore, #tpu.memory_space<semaphore_mem>>) src(%dma_wait3A_26 : memref<128xf32, #tpu.memory_space<vmem>>) dst(%dma_wait3A_31 : memref<10240xf32, #tpu.memory_space<vmem_shared>>)
    %dma_wait3A_34 = arith.constant 1 : i32
    %dma_wait3A_35 = arith.constant 1 : i32
    %dma_wait3A_36 = arith.constant 0 : i32
    %dma_wait3A_37 = tpu.memref_slice %arg12[%dma_wait3A_36] : memref<10368xf32, #tpu.memory_space<vmem>> -> memref<128xf32, #tpu.memory_space<vmem>>
    %dma_wait3A_38 = arith.constant 0 : i32
    %dma_wait3A_39 = tpu.memref_slice %arg13[%dma_wait3A_34, %dma_wait3A_38] : memref<2x128xi32, #tpu.memory_space<vmem>> -> memref<1x128xi32, #tpu.memory_space<vmem>>
    %dma_wait3A_40 = tpu.memref_squeeze %dma_wait3A_39 : memref<1x128xi32, #tpu.memory_space<vmem>> -> memref<128xi32, #tpu.memory_space<vmem>>
    %dma_wait3A_41 = arith.constant 0 : i32
    %dma_wait3A_42 = tpu.memref_slice %arg15[%dma_wait3A_41] : memref<10240xf32, #tpu.memory_space<vmem_shared>> -> memref<10240xf32, #tpu.memory_space<vmem_shared>>
    %dma_wait3A_43 = tpu.memref_slice %arg16[%dma_wait3A_35] : memref<2x!tpu.dma_semaphore, #tpu.memory_space<semaphore_mem>> -> memref<1x!tpu.dma_semaphore, #tpu.memory_space<semaphore_mem>>
    %dma_wait3A_44 = tpu.memref_squeeze %dma_wait3A_43 : memref<1x!tpu.dma_semaphore, #tpu.memory_space<semaphore_mem>> -> memref<!tpu.dma_semaphore, #tpu.memory_space<semaphore_mem>>
    tpu.wait_indirect_dma semaphore(%dma_wait3A_44 : memref<!tpu.dma_semaphore, #tpu.memory_space<semaphore_mem>>) src(%dma_wait3A_37 : memref<128xf32, #tpu.memory_space<vmem>>) dst(%dma_wait3A_42 : memref<10240xf32, #tpu.memory_space<vmem_shared>>)
    "tpu.region"() ({
      %run_scoped3A = tpu.sem_alloc : memref<!tpu.dma_semaphore, #tpu.memory_space<semaphore_mem>>
      %dma_start3A = arith.constant 0 : i32
      %dma_start3A_47 = tpu.memref_slice %arg6[%add3A_16, %add3A, %dma_start3A] : memref<1x32x10368xf32, #tpu.memory_space<hbm>> -> memref<1x1x10368xf32, #tpu.memory_space<hbm>>
      %dma_start3A_48 = tpu.memref_squeeze %dma_start3A_47 : memref<1x1x10368xf32, #tpu.memory_space<hbm>> -> memref<10368xf32, #tpu.memory_space<hbm>>
      %dma_start3A_49 = arith.constant 0 : i32
      %dma_start3A_50 = tpu.memref_slice %arg6[%add3A_16, %add3A, %dma_start3A_49] : memref<1x32x10368xf32, #tpu.memory_space<hbm>> -> memref<1x1x10368xf32, #tpu.memory_space<hbm>>
      %dma_start3A_51 = tpu.memref_squeeze %dma_start3A_50 : memref<1x1x10368xf32, #tpu.memory_space<hbm>> -> memref<10368xf32, #tpu.memory_space<hbm>>
      tpu.enqueue_dma source(%arg12 : memref<10368xf32, #tpu.memory_space<vmem>>) target(%dma_start3A_51 : memref<10368xf32, #tpu.memory_space<hbm>>) target_semaphore(%run_scoped3A : memref<!tpu.dma_semaphore, #tpu.memory_space<semaphore_mem>>)
      %dma_wait3A_52 = arith.constant 0 : i32
      %dma_wait3A_53 = tpu.memref_slice %arg6[%add3A_16, %add3A, %dma_wait3A_52] : memref<1x32x10368xf32, #tpu.memory_space<hbm>> -> memref<1x1x10368xf32, #tpu.memory_space<hbm>>
      %dma_wait3A_54 = tpu.memref_squeeze %dma_wait3A_53 : memref<1x1x10368xf32, #tpu.memory_space<hbm>> -> memref<10368xf32, #tpu.memory_space<hbm>>
      %dma_wait3A_55 = arith.constant 0 : i32
      %dma_wait3A_56 = tpu.memref_slice %arg6[%add3A_16, %add3A, %dma_wait3A_55] : memref<1x32x10368xf32, #tpu.memory_space<hbm>> -> memref<1x1x10368xf32, #tpu.memory_space<hbm>>
      %dma_wait3A_57 = tpu.memref_squeeze %dma_wait3A_56 : memref<1x1x10368xf32, #tpu.memory_space<hbm>> -> memref<10368xf32, #tpu.memory_space<hbm>>
      tpu.wait_dma2 semaphore(%run_scoped3A : memref<!tpu.dma_semaphore, #tpu.memory_space<semaphore_mem>>) src(%arg12 : memref<10368xf32, #tpu.memory_space<vmem>>) dst(%dma_wait3A_57 : memref<10368xf32, #tpu.memory_space<hbm>>)
      tpu.yield
    }) : () -> ()
    %scan3A_45 = arith.constant 1 : i32
    %barrier3A_46 = arith.constant 0 : index
    tpu.barrier barrier_id(%barrier3A_46)
    "tpu.region"() ({
      %run_scoped3A = tpu.sem_alloc : memref<!tpu.dma_semaphore, #tpu.memory_space<semaphore_mem>>
      %dma_start3A = tpu.memref_slice %arg7[%arg0, %mul3A_9] : memref<2x10240xf32, #tpu.memory_space<hbm>> -> memref<1x640xf32, #tpu.memory_space<hbm>>
      %dma_start3A_47 = tpu.memref_squeeze %dma_start3A : memref<1x640xf32, #tpu.memory_space<hbm>> -> memref<640xf32, #tpu.memory_space<hbm>>
      %dma_start3A_48 = tpu.memref_slice %arg15[%mul3A_9] : memref<10240xf32, #tpu.memory_space<vmem_shared>> -> memref<640xf32, #tpu.memory_space<vmem_shared>>
      tpu.enqueue_dma source(%dma_start3A_48 : memref<640xf32, #tpu.memory_space<vmem_shared>>) target(%dma_start3A_47 : memref<640xf32, #tpu.memory_space<hbm>>) target_semaphore(%run_scoped3A : memref<!tpu.dma_semaphore, #tpu.memory_space<semaphore_mem>>)
      %dma_wait3A_49 = tpu.memref_slice %arg7[%arg0, %mul3A_9] : memref<2x10240xf32, #tpu.memory_space<hbm>> -> memref<1x640xf32, #tpu.memory_space<hbm>>
      %dma_wait3A_50 = tpu.memref_squeeze %dma_wait3A_49 : memref<1x640xf32, #tpu.memory_space<hbm>> -> memref<640xf32, #tpu.memory_space<hbm>>
      %dma_wait3A_51 = tpu.memref_slice %arg15[%mul3A_9] : memref<10240xf32, #tpu.memory_space<vmem_shared>> -> memref<640xf32, #tpu.memory_space<vmem_shared>>
      tpu.wait_dma2 semaphore(%run_scoped3A : memref<!tpu.dma_semaphore, #tpu.memory_space<semaphore_mem>>) src(%dma_wait3A_51 : memref<640xf32, #tpu.memory_space<vmem_shared>>) dst(%dma_wait3A_50 : memref<640xf32, #tpu.memory_space<hbm>>)
      tpu.yield
    }) : () -> ()
    return
  }
}

#map = affine_map<(d0, d1) -> (0, 0, 0)>
#map1 = affine_map<(d0, d1) -> (0)>
#map2 = affine_map<(d0, d1) -> (0, 0, 0, 0)>
module attributes {stable_mosaic.version = 14 : i64} {
  func.func @k(%arg0: i32, %arg1: i32, %arg2: memref<4x10240x128xf32, #tpu.memory_space<hbm>>, %arg3: memref<8x32x10368xf32, #tpu.memory_space<hbm>>, %arg4: memref<331776xi32, #tpu.memory_space<hbm>>, %arg5: memref<331776xi32, #tpu.memory_space<hbm>>, %arg6: memref<2x4x10240x128xf32, #tpu.memory_space<hbm>>, %arg7: memref<2x128x128xf32, #tpu.memory_space<vmem>>, %arg8: memref<2x1152xi32, #tpu.memory_space<vmem>>, %arg9: memref<2x1152xi32, #tpu.memory_space<vmem>>, %arg10: memref<2x128xi32, #tpu.memory_space<vmem>>, %arg11: memref<2x2x1152xf32, #tpu.memory_space<vmem>>, %arg12: memref<40x128xf32, #tpu.memory_space<vmem>>, %arg13: memref<10240x128xf32, #tpu.memory_space<vmem_shared>>, %arg14: memref<2x!tpu.dma_semaphore, #tpu.memory_space<semaphore_mem>>, %arg15: memref<2x!tpu.dma_semaphore, #tpu.memory_space<semaphore_mem>>, %arg16: memref<2x!tpu.dma_semaphore, #tpu.memory_space<semaphore_mem>>) attributes {dimension_semantics = [#tpu.dimension_semantics<core_parallel>, #tpu.dimension_semantics<subcore_parallel>], iteration_bounds = array<i64: 2, 16>, scalar_prefetch = 0 : i64, scratch_operands = 10 : i64, tpu.core_type = #tpu.core_type<sc_vector_subcore>, window_params = [{transform_indices = #map}, {transform_indices = #map}, {transform_indices = #map1}, {transform_indices = #map1}, {transform_indices = #map2}]} {
    %broadcast_in_dim3A = arith.constant 0.000000e+00 : f32
    %broadcast_in_dim3A_0 = vector.broadcast %broadcast_in_dim3A : f32 to vector<16xf32>
    %scan3A = arith.constant 0 : i32
    %scan3A_1 = arith.constant 40 : i32
    %scan3A_2 = arith.addi %scan3A, %scan3A_1 : i32
    %scan3A_3 = arith.constant 1 : i32
    scf.for %scan3A_15 = %scan3A to %scan3A_2 step %scan3A_3  : i32 {
      %mul3A_16 = arith.constant 1 : i32
      %mul3A_17 = arith.muli %scan3A_15, %mul3A_16 : i32
      %add3A = arith.constant 0 : i32
      %add3A_18 = arith.addi %add3A, %mul3A_17 : i32
      %swap3A = arith.index_cast %add3A_18 : i32 to index
      %swap3A_19 = arith.constant 0 : index
      %swap3A_20 = tpu.vector_load %arg12[%swap3A, %swap3A_19] {strides = array<i32>} : memref<40x128xf32, #tpu.memory_space<vmem>>, vector<16xf32>,
      tpu.vector_store %arg12[%swap3A, %swap3A_19], %broadcast_in_dim3A_0 {strides = array<i32>} : memref<40x128xf32, #tpu.memory_space<vmem>>, vector<16xf32>,
      %swap3A_21 = arith.index_cast %add3A_18 : i32 to index
      %swap3A_22 = arith.constant 16 : index
      %swap3A_23 = tpu.vector_load %arg12[%swap3A_21, %swap3A_22] {strides = array<i32>} : memref<40x128xf32, #tpu.memory_space<vmem>>, vector<16xf32>,
      tpu.vector_store %arg12[%swap3A_21, %swap3A_22], %broadcast_in_dim3A_0 {strides = array<i32>} : memref<40x128xf32, #tpu.memory_space<vmem>>, vector<16xf32>,
      %swap3A_24 = arith.index_cast %add3A_18 : i32 to index
      %swap3A_25 = arith.constant 32 : index
      %swap3A_26 = tpu.vector_load %arg12[%swap3A_24, %swap3A_25] {strides = array<i32>} : memref<40x128xf32, #tpu.memory_space<vmem>>, vector<16xf32>,
      tpu.vector_store %arg12[%swap3A_24, %swap3A_25], %broadcast_in_dim3A_0 {strides = array<i32>} : memref<40x128xf32, #tpu.memory_space<vmem>>, vector<16xf32>,
      %swap3A_27 = arith.index_cast %add3A_18 : i32 to index
      %swap3A_28 = arith.constant 48 : index
      %swap3A_29 = tpu.vector_load %arg12[%swap3A_27, %swap3A_28] {strides = array<i32>} : memref<40x128xf32, #tpu.memory_space<vmem>>, vector<16xf32>,
      tpu.vector_store %arg12[%swap3A_27, %swap3A_28], %broadcast_in_dim3A_0 {strides = array<i32>} : memref<40x128xf32, #tpu.memory_space<vmem>>, vector<16xf32>,
      %swap3A_30 = arith.index_cast %add3A_18 : i32 to index
      %swap3A_31 = arith.constant 64 : index
      %swap3A_32 = tpu.vector_load %arg12[%swap3A_30, %swap3A_31] {strides = array<i32>} : memref<40x128xf32, #tpu.memory_space<vmem>>, vector<16xf32>,
      tpu.vector_store %arg12[%swap3A_30, %swap3A_31], %broadcast_in_dim3A_0 {strides = array<i32>} : memref<40x128xf32, #tpu.memory_space<vmem>>, vector<16xf32>,
      %swap3A_33 = arith.index_cast %add3A_18 : i32 to index
      %swap3A_34 = arith.constant 80 : index
      %swap3A_35 = tpu.vector_load %arg12[%swap3A_33, %swap3A_34] {strides = array<i32>} : memref<40x128xf32, #tpu.memory_space<vmem>>, vector<16xf32>,
      tpu.vector_store %arg12[%swap3A_33, %swap3A_34], %broadcast_in_dim3A_0 {strides = array<i32>} : memref<40x128xf32, #tpu.memory_space<vmem>>, vector<16xf32>,
      %swap3A_36 = arith.index_cast %add3A_18 : i32 to index
      %swap3A_37 = arith.constant 96 : index
      %swap3A_38 = tpu.vector_load %arg12[%swap3A_36, %swap3A_37] {strides = array<i32>} : memref<40x128xf32, #tpu.memory_space<vmem>>, vector<16xf32>,
      tpu.vector_store %arg12[%swap3A_36, %swap3A_37], %broadcast_in_dim3A_0 {strides = array<i32>} : memref<40x128xf32, #tpu.memory_space<vmem>>, vector<16xf32>,
      %swap3A_39 = arith.index_cast %add3A_18 : i32 to index
      %swap3A_40 = arith.constant 112 : index
      %swap3A_41 = tpu.vector_load %arg12[%swap3A_39, %swap3A_40] {strides = array<i32>} : memref<40x128xf32, #tpu.memory_space<vmem>>, vector<16xf32>,
      tpu.vector_store %arg12[%swap3A_39, %swap3A_40], %broadcast_in_dim3A_0 {strides = array<i32>} : memref<40x128xf32, #tpu.memory_space<vmem>>, vector<16xf32>,
    }
    %scan3A_4 = arith.constant 40 : i32
    %mul3A = arith.constant 640 : i32
    %mul3A_5 = arith.muli %arg1, %mul3A : i32
    %broadcast_in_dim3A_6 = arith.constant 0 : i32
    %broadcast_in_dim3A_7 = vector.broadcast %broadcast_in_dim3A_6 : i32 to vector<16xi32>
    %broadcast_in_dim3A_8 = arith.constant 1 : i32
    %broadcast_in_dim3A_9 = vector.broadcast %broadcast_in_dim3A_8 : i32 to vector<16xi32>
    %scan3A_10 = arith.constant 0 : i32
    %scan3A_11 = arith.constant 4 : i32
    %scan3A_12 = arith.addi %scan3A_10, %scan3A_11 : i32
    %scan3A_13 = arith.constant 1 : i32
    scf.for %scan3A_15 = %scan3A_10 to %scan3A_12 step %scan3A_13  : i32 {
      %mul3A_16 = arith.constant 1 : i32
      %mul3A_17 = arith.muli %scan3A_15, %mul3A_16 : i32
      %add3A = arith.constant 0 : i32
      %add3A_18 = arith.addi %add3A, %mul3A_17 : i32
      %add3A_19 = arith.constant 0 : i32
      %add3A_20 = arith.addi %mul3A_5, %add3A_19 : i32
      "tpu.region"() ({
        %run_scoped3A = tpu.sem_alloc : memref<!tpu.dma_semaphore, #tpu.memory_space<semaphore_mem>>
        %dma_start3A_130 = arith.constant 0 : i32
        %dma_start3A_131 = tpu.memref_slice %arg13[%add3A_20, %dma_start3A_130] : memref<10240x128xf32, #tpu.memory_space<vmem_shared>> -> memref<40x128xf32, #tpu.memory_space<vmem_shared>>
        %dma_start3A_132 = arith.constant 0 : i32
        %dma_start3A_133 = tpu.memref_slice %arg13[%add3A_20, %dma_start3A_132] : memref<10240x128xf32, #tpu.memory_space<vmem_shared>> -> memref<40x128xf32, #tpu.memory_space<vmem_shared>>
        tpu.enqueue_dma source(%arg12 : memref<40x128xf32, #tpu.memory_space<vmem>>) target(%dma_start3A_133 : memref<40x128xf32, #tpu.memory_space<vmem_shared>>) target_semaphore(%run_scoped3A : memref<!tpu.dma_semaphore, #tpu.memory_space<semaphore_mem>>)
        %dma_wait3A = arith.constant 0 : i32
        %dma_wait3A_134 = tpu.memref_slice %arg13[%add3A_20, %dma_wait3A] : memref<10240x128xf32, #tpu.memory_space<vmem_shared>> -> memref<40x128xf32, #tpu.memory_space<vmem_shared>>
        %dma_wait3A_135 = arith.constant 0 : i32
        %dma_wait3A_136 = tpu.memref_slice %arg13[%add3A_20, %dma_wait3A_135] : memref<10240x128xf32, #tpu.memory_space<vmem_shared>> -> memref<40x128xf32, #tpu.memory_space<vmem_shared>>
        tpu.wait_dma2 semaphore(%run_scoped3A : memref<!tpu.dma_semaphore, #tpu.memory_space<semaphore_mem>>) src(%arg12 : memref<40x128xf32, #tpu.memory_space<vmem>>) dst(%dma_wait3A_136 : memref<40x128xf32, #tpu.memory_space<vmem_shared>>)
        tpu.yield
      }) : () -> ()
      %add3A_21 = arith.constant 40 : i32
      %add3A_22 = arith.addi %mul3A_5, %add3A_21 : i32
      "tpu.region"() ({
        %run_scoped3A = tpu.sem_alloc : memref<!tpu.dma_semaphore, #tpu.memory_space<semaphore_mem>>
        %dma_start3A_130 = arith.constant 0 : i32
        %dma_start3A_131 = tpu.memref_slice %arg13[%add3A_22, %dma_start3A_130] : memref<10240x128xf32, #tpu.memory_space<vmem_shared>> -> memref<40x128xf32, #tpu.memory_space<vmem_shared>>
        %dma_start3A_132 = arith.constant 0 : i32
        %dma_start3A_133 = tpu.memref_slice %arg13[%add3A_22, %dma_start3A_132] : memref<10240x128xf32, #tpu.memory_space<vmem_shared>> -> memref<40x128xf32, #tpu.memory_space<vmem_shared>>
        tpu.enqueue_dma source(%arg12 : memref<40x128xf32, #tpu.memory_space<vmem>>) target(%dma_start3A_133 : memref<40x128xf32, #tpu.memory_space<vmem_shared>>) target_semaphore(%run_scoped3A : memref<!tpu.dma_semaphore, #tpu.memory_space<semaphore_mem>>)
        %dma_wait3A = arith.constant 0 : i32
        %dma_wait3A_134 = tpu.memref_slice %arg13[%add3A_22, %dma_wait3A] : memref<10240x128xf32, #tpu.memory_space<vmem_shared>> -> memref<40x128xf32, #tpu.memory_space<vmem_shared>>
        %dma_wait3A_135 = arith.constant 0 : i32
        %dma_wait3A_136 = tpu.memref_slice %arg13[%add3A_22, %dma_wait3A_135] : memref<10240x128xf32, #tpu.memory_space<vmem_shared>> -> memref<40x128xf32, #tpu.memory_space<vmem_shared>>
        tpu.wait_dma2 semaphore(%run_scoped3A : memref<!tpu.dma_semaphore, #tpu.memory_space<semaphore_mem>>) src(%arg12 : memref<40x128xf32, #tpu.memory_space<vmem>>) dst(%dma_wait3A_136 : memref<40x128xf32, #tpu.memory_space<vmem_shared>>)
        tpu.yield
      }) : () -> ()
      %add3A_23 = arith.constant 80 : i32
      %add3A_24 = arith.addi %mul3A_5, %add3A_23 : i32
      "tpu.region"() ({
        %run_scoped3A = tpu.sem_alloc : memref<!tpu.dma_semaphore, #tpu.memory_space<semaphore_mem>>
        %dma_start3A_130 = arith.constant 0 : i32
        %dma_start3A_131 = tpu.memref_slice %arg13[%add3A_24, %dma_start3A_130] : memref<10240x128xf32, #tpu.memory_space<vmem_shared>> -> memref<40x128xf32, #tpu.memory_space<vmem_shared>>
        %dma_start3A_132 = arith.constant 0 : i32
        %dma_start3A_133 = tpu.memref_slice %arg13[%add3A_24, %dma_start3A_132] : memref<10240x128xf32, #tpu.memory_space<vmem_shared>> -> memref<40x128xf32, #tpu.memory_space<vmem_shared>>
        tpu.enqueue_dma source(%arg12 : memref<40x128xf32, #tpu.memory_space<vmem>>) target(%dma_start3A_133 : memref<40x128xf32, #tpu.memory_space<vmem_shared>>) target_semaphore(%run_scoped3A : memref<!tpu.dma_semaphore, #tpu.memory_space<semaphore_mem>>)
        %dma_wait3A = arith.constant 0 : i32
        %dma_wait3A_134 = tpu.memref_slice %arg13[%add3A_24, %dma_wait3A] : memref<10240x128xf32, #tpu.memory_space<vmem_shared>> -> memref<40x128xf32, #tpu.memory_space<vmem_shared>>
        %dma_wait3A_135 = arith.constant 0 : i32
        %dma_wait3A_136 = tpu.memref_slice %arg13[%add3A_24, %dma_wait3A_135] : memref<10240x128xf32, #tpu.memory_space<vmem_shared>> -> memref<40x128xf32, #tpu.memory_space<vmem_shared>>
        tpu.wait_dma2 semaphore(%run_scoped3A : memref<!tpu.dma_semaphore, #tpu.memory_space<semaphore_mem>>) src(%arg12 : memref<40x128xf32, #tpu.memory_space<vmem>>) dst(%dma_wait3A_136 : memref<40x128xf32, #tpu.memory_space<vmem_shared>>)
        tpu.yield
      }) : () -> ()
      %add3A_25 = arith.constant 120 : i32
      %add3A_26 = arith.addi %mul3A_5, %add3A_25 : i32
      "tpu.region"() ({
        %run_scoped3A = tpu.sem_alloc : memref<!tpu.dma_semaphore, #tpu.memory_space<semaphore_mem>>
        %dma_start3A_130 = arith.constant 0 : i32
        %dma_start3A_131 = tpu.memref_slice %arg13[%add3A_26, %dma_start3A_130] : memref<10240x128xf32, #tpu.memory_space<vmem_shared>> -> memref<40x128xf32, #tpu.memory_space<vmem_shared>>
        %dma_start3A_132 = arith.constant 0 : i32
        %dma_start3A_133 = tpu.memref_slice %arg13[%add3A_26, %dma_start3A_132] : memref<10240x128xf32, #tpu.memory_space<vmem_shared>> -> memref<40x128xf32, #tpu.memory_space<vmem_shared>>
        tpu.enqueue_dma source(%arg12 : memref<40x128xf32, #tpu.memory_space<vmem>>) target(%dma_start3A_133 : memref<40x128xf32, #tpu.memory_space<vmem_shared>>) target_semaphore(%run_scoped3A : memref<!tpu.dma_semaphore, #tpu.memory_space<semaphore_mem>>)
        %dma_wait3A = arith.constant 0 : i32
        %dma_wait3A_134 = tpu.memref_slice %arg13[%add3A_26, %dma_wait3A] : memref<10240x128xf32, #tpu.memory_space<vmem_shared>> -> memref<40x128xf32, #tpu.memory_space<vmem_shared>>
        %dma_wait3A_135 = arith.constant 0 : i32
        %dma_wait3A_136 = tpu.memref_slice %arg13[%add3A_26, %dma_wait3A_135] : memref<10240x128xf32, #tpu.memory_space<vmem_shared>> -> memref<40x128xf32, #tpu.memory_space<vmem_shared>>
        tpu.wait_dma2 semaphore(%run_scoped3A : memref<!tpu.dma_semaphore, #tpu.memory_space<semaphore_mem>>) src(%arg12 : memref<40x128xf32, #tpu.memory_space<vmem>>) dst(%dma_wait3A_136 : memref<40x128xf32, #tpu.memory_space<vmem_shared>>)
        tpu.yield
      }) : () -> ()
      %add3A_27 = arith.constant 160 : i32
      %add3A_28 = arith.addi %mul3A_5, %add3A_27 : i32
      "tpu.region"() ({
        %run_scoped3A = tpu.sem_alloc : memref<!tpu.dma_semaphore, #tpu.memory_space<semaphore_mem>>
        %dma_start3A_130 = arith.constant 0 : i32
        %dma_start3A_131 = tpu.memref_slice %arg13[%add3A_28, %dma_start3A_130] : memref<10240x128xf32, #tpu.memory_space<vmem_shared>> -> memref<40x128xf32, #tpu.memory_space<vmem_shared>>
        %dma_start3A_132 = arith.constant 0 : i32
        %dma_start3A_133 = tpu.memref_slice %arg13[%add3A_28, %dma_start3A_132] : memref<10240x128xf32, #tpu.memory_space<vmem_shared>> -> memref<40x128xf32, #tpu.memory_space<vmem_shared>>
        tpu.enqueue_dma source(%arg12 : memref<40x128xf32, #tpu.memory_space<vmem>>) target(%dma_start3A_133 : memref<40x128xf32, #tpu.memory_space<vmem_shared>>) target_semaphore(%run_scoped3A : memref<!tpu.dma_semaphore, #tpu.memory_space<semaphore_mem>>)
        %dma_wait3A = arith.constant 0 : i32
        %dma_wait3A_134 = tpu.memref_slice %arg13[%add3A_28, %dma_wait3A] : memref<10240x128xf32, #tpu.memory_space<vmem_shared>> -> memref<40x128xf32, #tpu.memory_space<vmem_shared>>
        %dma_wait3A_135 = arith.constant 0 : i32
        %dma_wait3A_136 = tpu.memref_slice %arg13[%add3A_28, %dma_wait3A_135] : memref<10240x128xf32, #tpu.memory_space<vmem_shared>> -> memref<40x128xf32, #tpu.memory_space<vmem_shared>>
        tpu.wait_dma2 semaphore(%run_scoped3A : memref<!tpu.dma_semaphore, #tpu.memory_space<semaphore_mem>>) src(%arg12 : memref<40x128xf32, #tpu.memory_space<vmem>>) dst(%dma_wait3A_136 : memref<40x128xf32, #tpu.memory_space<vmem_shared>>)
        tpu.yield
      }) : () -> ()
      %add3A_29 = arith.constant 200 : i32
      %add3A_30 = arith.addi %mul3A_5, %add3A_29 : i32
      "tpu.region"() ({
        %run_scoped3A = tpu.sem_alloc : memref<!tpu.dma_semaphore, #tpu.memory_space<semaphore_mem>>
        %dma_start3A_130 = arith.constant 0 : i32
        %dma_start3A_131 = tpu.memref_slice %arg13[%add3A_30, %dma_start3A_130] : memref<10240x128xf32, #tpu.memory_space<vmem_shared>> -> memref<40x128xf32, #tpu.memory_space<vmem_shared>>
        %dma_start3A_132 = arith.constant 0 : i32
        %dma_start3A_133 = tpu.memref_slice %arg13[%add3A_30, %dma_start3A_132] : memref<10240x128xf32, #tpu.memory_space<vmem_shared>> -> memref<40x128xf32, #tpu.memory_space<vmem_shared>>
        tpu.enqueue_dma source(%arg12 : memref<40x128xf32, #tpu.memory_space<vmem>>) target(%dma_start3A_133 : memref<40x128xf32, #tpu.memory_space<vmem_shared>>) target_semaphore(%run_scoped3A : memref<!tpu.dma_semaphore, #tpu.memory_space<semaphore_mem>>)
        %dma_wait3A = arith.constant 0 : i32
        %dma_wait3A_134 = tpu.memref_slice %arg13[%add3A_30, %dma_wait3A] : memref<10240x128xf32, #tpu.memory_space<vmem_shared>> -> memref<40x128xf32, #tpu.memory_space<vmem_shared>>
        %dma_wait3A_135 = arith.constant 0 : i32
        %dma_wait3A_136 = tpu.memref_slice %arg13[%add3A_30, %dma_wait3A_135] : memref<10240x128xf32, #tpu.memory_space<vmem_shared>> -> memref<40x128xf32, #tpu.memory_space<vmem_shared>>
        tpu.wait_dma2 semaphore(%run_scoped3A : memref<!tpu.dma_semaphore, #tpu.memory_space<semaphore_mem>>) src(%arg12 : memref<40x128xf32, #tpu.memory_space<vmem>>) dst(%dma_wait3A_136 : memref<40x128xf32, #tpu.memory_space<vmem_shared>>)
        tpu.yield
      }) : () -> ()
      %add3A_31 = arith.constant 240 : i32
      %add3A_32 = arith.addi %mul3A_5, %add3A_31 : i32
      "tpu.region"() ({
        %run_scoped3A = tpu.sem_alloc : memref<!tpu.dma_semaphore, #tpu.memory_space<semaphore_mem>>
        %dma_start3A_130 = arith.constant 0 : i32
        %dma_start3A_131 = tpu.memref_slice %arg13[%add3A_32, %dma_start3A_130] : memref<10240x128xf32, #tpu.memory_space<vmem_shared>> -> memref<40x128xf32, #tpu.memory_space<vmem_shared>>
        %dma_start3A_132 = arith.constant 0 : i32
        %dma_start3A_133 = tpu.memref_slice %arg13[%add3A_32, %dma_start3A_132] : memref<10240x128xf32, #tpu.memory_space<vmem_shared>> -> memref<40x128xf32, #tpu.memory_space<vmem_shared>>
        tpu.enqueue_dma source(%arg12 : memref<40x128xf32, #tpu.memory_space<vmem>>) target(%dma_start3A_133 : memref<40x128xf32, #tpu.memory_space<vmem_shared>>) target_semaphore(%run_scoped3A : memref<!tpu.dma_semaphore, #tpu.memory_space<semaphore_mem>>)
        %dma_wait3A = arith.constant 0 : i32
        %dma_wait3A_134 = tpu.memref_slice %arg13[%add3A_32, %dma_wait3A] : memref<10240x128xf32, #tpu.memory_space<vmem_shared>> -> memref<40x128xf32, #tpu.memory_space<vmem_shared>>
        %dma_wait3A_135 = arith.constant 0 : i32
        %dma_wait3A_136 = tpu.memref_slice %arg13[%add3A_32, %dma_wait3A_135] : memref<10240x128xf32, #tpu.memory_space<vmem_shared>> -> memref<40x128xf32, #tpu.memory_space<vmem_shared>>
        tpu.wait_dma2 semaphore(%run_scoped3A : memref<!tpu.dma_semaphore, #tpu.memory_space<semaphore_mem>>) src(%arg12 : memref<40x128xf32, #tpu.memory_space<vmem>>) dst(%dma_wait3A_136 : memref<40x128xf32, #tpu.memory_space<vmem_shared>>)
        tpu.yield
      }) : () -> ()
      %add3A_33 = arith.constant 280 : i32
      %add3A_34 = arith.addi %mul3A_5, %add3A_33 : i32
      "tpu.region"() ({
        %run_scoped3A = tpu.sem_alloc : memref<!tpu.dma_semaphore, #tpu.memory_space<semaphore_mem>>
        %dma_start3A_130 = arith.constant 0 : i32
        %dma_start3A_131 = tpu.memref_slice %arg13[%add3A_34, %dma_start3A_130] : memref<10240x128xf32, #tpu.memory_space<vmem_shared>> -> memref<40x128xf32, #tpu.memory_space<vmem_shared>>
        %dma_start3A_132 = arith.constant 0 : i32
        %dma_start3A_133 = tpu.memref_slice %arg13[%add3A_34, %dma_start3A_132] : memref<10240x128xf32, #tpu.memory_space<vmem_shared>> -> memref<40x128xf32, #tpu.memory_space<vmem_shared>>
        tpu.enqueue_dma source(%arg12 : memref<40x128xf32, #tpu.memory_space<vmem>>) target(%dma_start3A_133 : memref<40x128xf32, #tpu.memory_space<vmem_shared>>) target_semaphore(%run_scoped3A : memref<!tpu.dma_semaphore, #tpu.memory_space<semaphore_mem>>)
        %dma_wait3A = arith.constant 0 : i32
        %dma_wait3A_134 = tpu.memref_slice %arg13[%add3A_34, %dma_wait3A] : memref<10240x128xf32, #tpu.memory_space<vmem_shared>> -> memref<40x128xf32, #tpu.memory_space<vmem_shared>>
        %dma_wait3A_135 = arith.constant 0 : i32
        %dma_wait3A_136 = tpu.memref_slice %arg13[%add3A_34, %dma_wait3A_135] : memref<10240x128xf32, #tpu.memory_space<vmem_shared>> -> memref<40x128xf32, #tpu.memory_space<vmem_shared>>
        tpu.wait_dma2 semaphore(%run_scoped3A : memref<!tpu.dma_semaphore, #tpu.memory_space<semaphore_mem>>) src(%arg12 : memref<40x128xf32, #tpu.memory_space<vmem>>) dst(%dma_wait3A_136 : memref<40x128xf32, #tpu.memory_space<vmem_shared>>)
        tpu.yield
      }) : () -> ()
      %add3A_35 = arith.constant 320 : i32
      %add3A_36 = arith.addi %mul3A_5, %add3A_35 : i32
      "tpu.region"() ({
        %run_scoped3A = tpu.sem_alloc : memref<!tpu.dma_semaphore, #tpu.memory_space<semaphore_mem>>
        %dma_start3A_130 = arith.constant 0 : i32
        %dma_start3A_131 = tpu.memref_slice %arg13[%add3A_36, %dma_start3A_130] : memref<10240x128xf32, #tpu.memory_space<vmem_shared>> -> memref<40x128xf32, #tpu.memory_space<vmem_shared>>
        %dma_start3A_132 = arith.constant 0 : i32
        %dma_start3A_133 = tpu.memref_slice %arg13[%add3A_36, %dma_start3A_132] : memref<10240x128xf32, #tpu.memory_space<vmem_shared>> -> memref<40x128xf32, #tpu.memory_space<vmem_shared>>
        tpu.enqueue_dma source(%arg12 : memref<40x128xf32, #tpu.memory_space<vmem>>) target(%dma_start3A_133 : memref<40x128xf32, #tpu.memory_space<vmem_shared>>) target_semaphore(%run_scoped3A : memref<!tpu.dma_semaphore, #tpu.memory_space<semaphore_mem>>)
        %dma_wait3A = arith.constant 0 : i32
        %dma_wait3A_134 = tpu.memref_slice %arg13[%add3A_36, %dma_wait3A] : memref<10240x128xf32, #tpu.memory_space<vmem_shared>> -> memref<40x128xf32, #tpu.memory_space<vmem_shared>>
        %dma_wait3A_135 = arith.constant 0 : i32
        %dma_wait3A_136 = tpu.memref_slice %arg13[%add3A_36, %dma_wait3A_135] : memref<10240x128xf32, #tpu.memory_space<vmem_shared>> -> memref<40x128xf32, #tpu.memory_space<vmem_shared>>
        tpu.wait_dma2 semaphore(%run_scoped3A : memref<!tpu.dma_semaphore, #tpu.memory_space<semaphore_mem>>) src(%arg12 : memref<40x128xf32, #tpu.memory_space<vmem>>) dst(%dma_wait3A_136 : memref<40x128xf32, #tpu.memory_space<vmem_shared>>)
        tpu.yield
      }) : () -> ()
      %add3A_37 = arith.constant 360 : i32
      %add3A_38 = arith.addi %mul3A_5, %add3A_37 : i32
      "tpu.region"() ({
        %run_scoped3A = tpu.sem_alloc : memref<!tpu.dma_semaphore, #tpu.memory_space<semaphore_mem>>
        %dma_start3A_130 = arith.constant 0 : i32
        %dma_start3A_131 = tpu.memref_slice %arg13[%add3A_38, %dma_start3A_130] : memref<10240x128xf32, #tpu.memory_space<vmem_shared>> -> memref<40x128xf32, #tpu.memory_space<vmem_shared>>
        %dma_start3A_132 = arith.constant 0 : i32
        %dma_start3A_133 = tpu.memref_slice %arg13[%add3A_38, %dma_start3A_132] : memref<10240x128xf32, #tpu.memory_space<vmem_shared>> -> memref<40x128xf32, #tpu.memory_space<vmem_shared>>
        tpu.enqueue_dma source(%arg12 : memref<40x128xf32, #tpu.memory_space<vmem>>) target(%dma_start3A_133 : memref<40x128xf32, #tpu.memory_space<vmem_shared>>) target_semaphore(%run_scoped3A : memref<!tpu.dma_semaphore, #tpu.memory_space<semaphore_mem>>)
        %dma_wait3A = arith.constant 0 : i32
        %dma_wait3A_134 = tpu.memref_slice %arg13[%add3A_38, %dma_wait3A] : memref<10240x128xf32, #tpu.memory_space<vmem_shared>> -> memref<40x128xf32, #tpu.memory_space<vmem_shared>>
        %dma_wait3A_135 = arith.constant 0 : i32
        %dma_wait3A_136 = tpu.memref_slice %arg13[%add3A_38, %dma_wait3A_135] : memref<10240x128xf32, #tpu.memory_space<vmem_shared>> -> memref<40x128xf32, #tpu.memory_space<vmem_shared>>
        tpu.wait_dma2 semaphore(%run_scoped3A : memref<!tpu.dma_semaphore, #tpu.memory_space<semaphore_mem>>) src(%arg12 : memref<40x128xf32, #tpu.memory_space<vmem>>) dst(%dma_wait3A_136 : memref<40x128xf32, #tpu.memory_space<vmem_shared>>)
        tpu.yield
      }) : () -> ()
      %add3A_39 = arith.constant 400 : i32
      %add3A_40 = arith.addi %mul3A_5, %add3A_39 : i32
      "tpu.region"() ({
        %run_scoped3A = tpu.sem_alloc : memref<!tpu.dma_semaphore, #tpu.memory_space<semaphore_mem>>
        %dma_start3A_130 = arith.constant 0 : i32
        %dma_start3A_131 = tpu.memref_slice %arg13[%add3A_40, %dma_start3A_130] : memref<10240x128xf32, #tpu.memory_space<vmem_shared>> -> memref<40x128xf32, #tpu.memory_space<vmem_shared>>
        %dma_start3A_132 = arith.constant 0 : i32
        %dma_start3A_133 = tpu.memref_slice %arg13[%add3A_40, %dma_start3A_132] : memref<10240x128xf32, #tpu.memory_space<vmem_shared>> -> memref<40x128xf32, #tpu.memory_space<vmem_shared>>
        tpu.enqueue_dma source(%arg12 : memref<40x128xf32, #tpu.memory_space<vmem>>) target(%dma_start3A_133 : memref<40x128xf32, #tpu.memory_space<vmem_shared>>) target_semaphore(%run_scoped3A : memref<!tpu.dma_semaphore, #tpu.memory_space<semaphore_mem>>)
        %dma_wait3A = arith.constant 0 : i32
        %dma_wait3A_134 = tpu.memref_slice %arg13[%add3A_40, %dma_wait3A] : memref<10240x128xf32, #tpu.memory_space<vmem_shared>> -> memref<40x128xf32, #tpu.memory_space<vmem_shared>>
        %dma_wait3A_135 = arith.constant 0 : i32
        %dma_wait3A_136 = tpu.memref_slice %arg13[%add3A_40, %dma_wait3A_135] : memref<10240x128xf32, #tpu.memory_space<vmem_shared>> -> memref<40x128xf32, #tpu.memory_space<vmem_shared>>
        tpu.wait_dma2 semaphore(%run_scoped3A : memref<!tpu.dma_semaphore, #tpu.memory_space<semaphore_mem>>) src(%arg12 : memref<40x128xf32, #tpu.memory_space<vmem>>) dst(%dma_wait3A_136 : memref<40x128xf32, #tpu.memory_space<vmem_shared>>)
        tpu.yield
      }) : () -> ()
      %add3A_41 = arith.constant 440 : i32
      %add3A_42 = arith.addi %mul3A_5, %add3A_41 : i32
      "tpu.region"() ({
        %run_scoped3A = tpu.sem_alloc : memref<!tpu.dma_semaphore, #tpu.memory_space<semaphore_mem>>
        %dma_start3A_130 = arith.constant 0 : i32
        %dma_start3A_131 = tpu.memref_slice %arg13[%add3A_42, %dma_start3A_130] : memref<10240x128xf32, #tpu.memory_space<vmem_shared>> -> memref<40x128xf32, #tpu.memory_space<vmem_shared>>
        %dma_start3A_132 = arith.constant 0 : i32
        %dma_start3A_133 = tpu.memref_slice %arg13[%add3A_42, %dma_start3A_132] : memref<10240x128xf32, #tpu.memory_space<vmem_shared>> -> memref<40x128xf32, #tpu.memory_space<vmem_shared>>
        tpu.enqueue_dma source(%arg12 : memref<40x128xf32, #tpu.memory_space<vmem>>) target(%dma_start3A_133 : memref<40x128xf32, #tpu.memory_space<vmem_shared>>) target_semaphore(%run_scoped3A : memref<!tpu.dma_semaphore, #tpu.memory_space<semaphore_mem>>)
        %dma_wait3A = arith.constant 0 : i32
        %dma_wait3A_134 = tpu.memref_slice %arg13[%add3A_42, %dma_wait3A] : memref<10240x128xf32, #tpu.memory_space<vmem_shared>> -> memref<40x128xf32, #tpu.memory_space<vmem_shared>>
        %dma_wait3A_135 = arith.constant 0 : i32
        %dma_wait3A_136 = tpu.memref_slice %arg13[%add3A_42, %dma_wait3A_135] : memref<10240x128xf32, #tpu.memory_space<vmem_shared>> -> memref<40x128xf32, #tpu.memory_space<vmem_shared>>
        tpu.wait_dma2 semaphore(%run_scoped3A : memref<!tpu.dma_semaphore, #tpu.memory_space<semaphore_mem>>) src(%arg12 : memref<40x128xf32, #tpu.memory_space<vmem>>) dst(%dma_wait3A_136 : memref<40x128xf32, #tpu.memory_space<vmem_shared>>)
        tpu.yield
      }) : () -> ()
      %add3A_43 = arith.constant 480 : i32
      %add3A_44 = arith.addi %mul3A_5, %add3A_43 : i32
      "tpu.region"() ({
        %run_scoped3A = tpu.sem_alloc : memref<!tpu.dma_semaphore, #tpu.memory_space<semaphore_mem>>
        %dma_start3A_130 = arith.constant 0 : i32
        %dma_start3A_131 = tpu.memref_slice %arg13[%add3A_44, %dma_start3A_130] : memref<10240x128xf32, #tpu.memory_space<vmem_shared>> -> memref<40x128xf32, #tpu.memory_space<vmem_shared>>
        %dma_start3A_132 = arith.constant 0 : i32
        %dma_start3A_133 = tpu.memref_slice %arg13[%add3A_44, %dma_start3A_132] : memref<10240x128xf32, #tpu.memory_space<vmem_shared>> -> memref<40x128xf32, #tpu.memory_space<vmem_shared>>
        tpu.enqueue_dma source(%arg12 : memref<40x128xf32, #tpu.memory_space<vmem>>) target(%dma_start3A_133 : memref<40x128xf32, #tpu.memory_space<vmem_shared>>) target_semaphore(%run_scoped3A : memref<!tpu.dma_semaphore, #tpu.memory_space<semaphore_mem>>)
        %dma_wait3A = arith.constant 0 : i32
        %dma_wait3A_134 = tpu.memref_slice %arg13[%add3A_44, %dma_wait3A] : memref<10240x128xf32, #tpu.memory_space<vmem_shared>> -> memref<40x128xf32, #tpu.memory_space<vmem_shared>>
        %dma_wait3A_135 = arith.constant 0 : i32
        %dma_wait3A_136 = tpu.memref_slice %arg13[%add3A_44, %dma_wait3A_135] : memref<10240x128xf32, #tpu.memory_space<vmem_shared>> -> memref<40x128xf32, #tpu.memory_space<vmem_shared>>
        tpu.wait_dma2 semaphore(%run_scoped3A : memref<!tpu.dma_semaphore, #tpu.memory_space<semaphore_mem>>) src(%arg12 : memref<40x128xf32, #tpu.memory_space<vmem>>) dst(%dma_wait3A_136 : memref<40x128xf32, #tpu.memory_space<vmem_shared>>)
        tpu.yield
      }) : () -> ()
      %add3A_45 = arith.constant 520 : i32
      %add3A_46 = arith.addi %mul3A_5, %add3A_45 : i32
      "tpu.region"() ({
        %run_scoped3A = tpu.sem_alloc : memref<!tpu.dma_semaphore, #tpu.memory_space<semaphore_mem>>
        %dma_start3A_130 = arith.constant 0 : i32
        %dma_start3A_131 = tpu.memref_slice %arg13[%add3A_46, %dma_start3A_130] : memref<10240x128xf32, #tpu.memory_space<vmem_shared>> -> memref<40x128xf32, #tpu.memory_space<vmem_shared>>
        %dma_start3A_132 = arith.constant 0 : i32
        %dma_start3A_133 = tpu.memref_slice %arg13[%add3A_46, %dma_start3A_132] : memref<10240x128xf32, #tpu.memory_space<vmem_shared>> -> memref<40x128xf32, #tpu.memory_space<vmem_shared>>
        tpu.enqueue_dma source(%arg12 : memref<40x128xf32, #tpu.memory_space<vmem>>) target(%dma_start3A_133 : memref<40x128xf32, #tpu.memory_space<vmem_shared>>) target_semaphore(%run_scoped3A : memref<!tpu.dma_semaphore, #tpu.memory_space<semaphore_mem>>)
        %dma_wait3A = arith.constant 0 : i32
        %dma_wait3A_134 = tpu.memref_slice %arg13[%add3A_46, %dma_wait3A] : memref<10240x128xf32, #tpu.memory_space<vmem_shared>> -> memref<40x128xf32, #tpu.memory_space<vmem_shared>>
        %dma_wait3A_135 = arith.constant 0 : i32
        %dma_wait3A_136 = tpu.memref_slice %arg13[%add3A_46, %dma_wait3A_135] : memref<10240x128xf32, #tpu.memory_space<vmem_shared>> -> memref<40x128xf32, #tpu.memory_space<vmem_shared>>
        tpu.wait_dma2 semaphore(%run_scoped3A : memref<!tpu.dma_semaphore, #tpu.memory_space<semaphore_mem>>) src(%arg12 : memref<40x128xf32, #tpu.memory_space<vmem>>) dst(%dma_wait3A_136 : memref<40x128xf32, #tpu.memory_space<vmem_shared>>)
        tpu.yield
      }) : () -> ()
      %add3A_47 = arith.constant 560 : i32
      %add3A_48 = arith.addi %mul3A_5, %add3A_47 : i32
      "tpu.region"() ({
        %run_scoped3A = tpu.sem_alloc : memref<!tpu.dma_semaphore, #tpu.memory_space<semaphore_mem>>
        %dma_start3A_130 = arith.constant 0 : i32
        %dma_start3A_131 = tpu.memref_slice %arg13[%add3A_48, %dma_start3A_130] : memref<10240x128xf32, #tpu.memory_space<vmem_shared>> -> memref<40x128xf32, #tpu.memory_space<vmem_shared>>
        %dma_start3A_132 = arith.constant 0 : i32
        %dma_start3A_133 = tpu.memref_slice %arg13[%add3A_48, %dma_start3A_132] : memref<10240x128xf32, #tpu.memory_space<vmem_shared>> -> memref<40x128xf32, #tpu.memory_space<vmem_shared>>
        tpu.enqueue_dma source(%arg12 : memref<40x128xf32, #tpu.memory_space<vmem>>) target(%dma_start3A_133 : memref<40x128xf32, #tpu.memory_space<vmem_shared>>) target_semaphore(%run_scoped3A : memref<!tpu.dma_semaphore, #tpu.memory_space<semaphore_mem>>)
        %dma_wait3A = arith.constant 0 : i32
        %dma_wait3A_134 = tpu.memref_slice %arg13[%add3A_48, %dma_wait3A] : memref<10240x128xf32, #tpu.memory_space<vmem_shared>> -> memref<40x128xf32, #tpu.memory_space<vmem_shared>>
        %dma_wait3A_135 = arith.constant 0 : i32
        %dma_wait3A_136 = tpu.memref_slice %arg13[%add3A_48, %dma_wait3A_135] : memref<10240x128xf32, #tpu.memory_space<vmem_shared>> -> memref<40x128xf32, #tpu.memory_space<vmem_shared>>
        tpu.wait_dma2 semaphore(%run_scoped3A : memref<!tpu.dma_semaphore, #tpu.memory_space<semaphore_mem>>) src(%arg12 : memref<40x128xf32, #tpu.memory_space<vmem>>) dst(%dma_wait3A_136 : memref<40x128xf32, #tpu.memory_space<vmem_shared>>)
        tpu.yield
      }) : () -> ()
      %add3A_49 = arith.constant 600 : i32
      %add3A_50 = arith.addi %mul3A_5, %add3A_49 : i32
      "tpu.region"() ({
        %run_scoped3A = tpu.sem_alloc : memref<!tpu.dma_semaphore, #tpu.memory_space<semaphore_mem>>
        %dma_start3A_130 = arith.constant 0 : i32
        %dma_start3A_131 = tpu.memref_slice %arg13[%add3A_50, %dma_start3A_130] : memref<10240x128xf32, #tpu.memory_space<vmem_shared>> -> memref<40x128xf32, #tpu.memory_space<vmem_shared>>
        %dma_start3A_132 = arith.constant 0 : i32
        %dma_start3A_133 = tpu.memref_slice %arg13[%add3A_50, %dma_start3A_132] : memref<10240x128xf32, #tpu.memory_space<vmem_shared>> -> memref<40x128xf32, #tpu.memory_space<vmem_shared>>
        tpu.enqueue_dma source(%arg12 : memref<40x128xf32, #tpu.memory_space<vmem>>) target(%dma_start3A_133 : memref<40x128xf32, #tpu.memory_space<vmem_shared>>) target_semaphore(%run_scoped3A : memref<!tpu.dma_semaphore, #tpu.memory_space<semaphore_mem>>)
        %dma_wait3A = arith.constant 0 : i32
        %dma_wait3A_134 = tpu.memref_slice %arg13[%add3A_50, %dma_wait3A] : memref<10240x128xf32, #tpu.memory_space<vmem_shared>> -> memref<40x128xf32, #tpu.memory_space<vmem_shared>>
        %dma_wait3A_135 = arith.constant 0 : i32
        %dma_wait3A_136 = tpu.memref_slice %arg13[%add3A_50, %dma_wait3A_135] : memref<10240x128xf32, #tpu.memory_space<vmem_shared>> -> memref<40x128xf32, #tpu.memory_space<vmem_shared>>
        tpu.wait_dma2 semaphore(%run_scoped3A : memref<!tpu.dma_semaphore, #tpu.memory_space<semaphore_mem>>) src(%arg12 : memref<40x128xf32, #tpu.memory_space<vmem>>) dst(%dma_wait3A_136 : memref<40x128xf32, #tpu.memory_space<vmem_shared>>)
        tpu.yield
      }) : () -> ()
      %barrier3A = arith.constant 0 : index
      tpu.barrier barrier_id(%barrier3A)
      %mul3A_51 = arith.constant 2 : i32
      %mul3A_52 = arith.muli %arg1, %mul3A_51 : i32
      %add3A_53 = arith.addi %mul3A_52, %arg0 : i32
      %mul3A_54 = arith.constant 10368 : i32
      %mul3A_55 = arith.muli %add3A_53, %mul3A_54 : i32
      %add3A_56 = arith.constant 0 : i32
      %add3A_57 = arith.addi %mul3A_55, %add3A_56 : i32
      %dma_start3A = arith.constant 0 : i32
      %dma_start3A_58 = arith.constant 0 : i32
      %dma_start3A_59 = arith.constant 0 : i32
      %dma_start3A_60 = tpu.memref_slice %arg8[%dma_start3A, %dma_start3A_59] : memref<2x1152xi32, #tpu.memory_space<vmem>> -> memref<1x1152xi32, #tpu.memory_space<vmem>>
      %dma_start3A_61 = tpu.memref_squeeze %dma_start3A_60 : memref<1x1152xi32, #tpu.memory_space<vmem>> -> memref<1152xi32, #tpu.memory_space<vmem>>
      %dma_start3A_62 = tpu.memref_slice %arg4[%add3A_57] : memref<331776xi32, #tpu.memory_space<hbm>> -> memref<1152xi32, #tpu.memory_space<hbm>>
      %dma_start3A_63 = tpu.memref_slice %arg16[%dma_start3A_58] : memref<2x!tpu.dma_semaphore, #tpu.memory_space<semaphore_mem>> -> memref<1x!tpu.dma_semaphore, #tpu.memory_space<semaphore_mem>>
      %dma_start3A_64 = tpu.memref_squeeze %dma_start3A_63 : memref<1x!tpu.dma_semaphore, #tpu.memory_space<semaphore_mem>> -> memref<!tpu.dma_semaphore, #tpu.memory_space<semaphore_mem>>
      %dma_start3A_65 = arith.constant 0 : i32
      %dma_start3A_66 = tpu.memref_slice %arg8[%dma_start3A, %dma_start3A_65] : memref<2x1152xi32, #tpu.memory_space<vmem>> -> memref<1x1152xi32, #tpu.memory_space<vmem>>
      %dma_start3A_67 = tpu.memref_squeeze %dma_start3A_66 : memref<1x1152xi32, #tpu.memory_space<vmem>> -> memref<1152xi32, #tpu.memory_space<vmem>>
      %dma_start3A_68 = tpu.memref_slice %arg4[%add3A_57] : memref<331776xi32, #tpu.memory_space<hbm>> -> memref<1152xi32, #tpu.memory_space<hbm>>
      tpu.enqueue_dma source(%dma_start3A_68 : memref<1152xi32, #tpu.memory_space<hbm>>) target(%dma_start3A_67 : memref<1152xi32, #tpu.memory_space<vmem>>) target_semaphore(%dma_start3A_64 : memref<!tpu.dma_semaphore, #tpu.memory_space<semaphore_mem>>)
      %dma_start3A_69 = arith.constant 0 : i32
      %dma_start3A_70 = arith.constant 0 : i32
      %dma_start3A_71 = arith.constant 0 : i32
      %dma_start3A_72 = tpu.memref_slice %arg9[%dma_start3A_69, %dma_start3A_71] : memref<2x1152xi32, #tpu.memory_space<vmem>> -> memref<1x1152xi32, #tpu.memory_space<vmem>>
      %dma_start3A_73 = tpu.memref_squeeze %dma_start3A_72 : memref<1x1152xi32, #tpu.memory_space<vmem>> -> memref<1152xi32, #tpu.memory_space<vmem>>
      %dma_start3A_74 = tpu.memref_slice %arg5[%add3A_57] : memref<331776xi32, #tpu.memory_space<hbm>> -> memref<1152xi32, #tpu.memory_space<hbm>>
      %dma_start3A_75 = tpu.memref_slice %arg16[%dma_start3A_70] : memref<2x!tpu.dma_semaphore, #tpu.memory_space<semaphore_mem>> -> memref<1x!tpu.dma_semaphore, #tpu.memory_space<semaphore_mem>>
      %dma_start3A_76 = tpu.memref_squeeze %dma_start3A_75 : memref<1x!tpu.dma_semaphore, #tpu.memory_space<semaphore_mem>> -> memref<!tpu.dma_semaphore, #tpu.memory_space<semaphore_mem>>
      %dma_start3A_77 = arith.constant 0 : i32
      %dma_start3A_78 = tpu.memref_slice %arg9[%dma_start3A_69, %dma_start3A_77] : memref<2x1152xi32, #tpu.memory_space<vmem>> -> memref<1x1152xi32, #tpu.memory_space<vmem>>
      %dma_start3A_79 = tpu.memref_squeeze %dma_start3A_78 : memref<1x1152xi32, #tpu.memory_space<vmem>> -> memref<1152xi32, #tpu.memory_space<vmem>>
      %dma_start3A_80 = tpu.memref_slice %arg5[%add3A_57] : memref<331776xi32, #tpu.memory_space<hbm>> -> memref<1152xi32, #tpu.memory_space<hbm>>
      tpu.enqueue_dma source(%dma_start3A_80 : memref<1152xi32, #tpu.memory_space<hbm>>) target(%dma_start3A_79 : memref<1152xi32, #tpu.memory_space<vmem>>) target_semaphore(%dma_start3A_76 : memref<!tpu.dma_semaphore, #tpu.memory_space<semaphore_mem>>)
      %mul3A_81 = arith.constant 2 : i32
      %mul3A_82 = arith.muli %add3A_18, %mul3A_81 : i32
      %add3A_83 = arith.constant 0 : i32
      %add3A_84 = arith.addi %mul3A_82, %add3A_83 : i32
      %dma_start3A_85 = arith.constant 0 : i32
      %dma_start3A_86 = arith.constant 0 : i32
      %dma_start3A_87 = arith.constant 0 : i32
      %dma_start3A_88 = arith.constant 0 : i32
      %dma_start3A_89 = tpu.memref_slice %arg11[%dma_start3A_85, %dma_start3A_86, %dma_start3A_88] : memref<2x2x1152xf32, #tpu.memory_space<vmem>> -> memref<1x1x1152xf32, #tpu.memory_space<vmem>>
      %dma_start3A_90 = tpu.memref_squeeze %dma_start3A_89 : memref<1x1x1152xf32, #tpu.memory_space<vmem>> -> memref<1152xf32, #tpu.memory_space<vmem>>
      %dma_start3A_91 = arith.constant 0 : i32
      %dma_start3A_92 = tpu.memref_slice %arg3[%add3A_84, %add3A_53, %dma_start3A_91] : memref<8x32x10368xf32, #tpu.memory_space<hbm>> -> memref<1x1x1152xf32, #tpu.memory_space<hbm>>
      %dma_start3A_93 = tpu.memref_squeeze %dma_start3A_92 : memref<1x1x1152xf32, #tpu.memory_space<hbm>> -> memref<1152xf32, #tpu.memory_space<hbm>>
      %dma_start3A_94 = tpu.memref_slice %arg16[%dma_start3A_87] : memref<2x!tpu.dma_semaphore, #tpu.memory_space<semaphore_mem>> -> memref<1x!tpu.dma_semaphore, #tpu.memory_space<semaphore_mem>>
      %dma_start3A_95 = tpu.memref_squeeze %dma_start3A_94 : memref<1x!tpu.dma_semaphore, #tpu.memory_space<semaphore_mem>> -> memref<!tpu.dma_semaphore, #tpu.memory_space<semaphore_mem>>
      %dma_start3A_96 = arith.constant 0 : i32
      %dma_start3A_97 = tpu.memref_slice %arg11[%dma_start3A_85, %dma_start3A_86, %dma_start3A_96] : memref<2x2x1152xf32, #tpu.memory_space<vmem>> -> memref<1x1x1152xf32, #tpu.memory_space<vmem>>
      %dma_start3A_98 = tpu.memref_squeeze %dma_start3A_97 : memref<1x1x1152xf32, #tpu.memory_space<vmem>> -> memref<1152xf32, #tpu.memory_space<vmem>>
      %dma_start3A_99 = arith.constant 0 : i32
      %dma_start3A_100 = tpu.memref_slice %arg3[%add3A_84, %add3A_53, %dma_start3A_99] : memref<8x32x10368xf32, #tpu.memory_space<hbm>> -> memref<1x1x1152xf32, #tpu.memory_space<hbm>>
      %dma_start3A_101 = tpu.memref_squeeze %dma_start3A_100 : memref<1x1x1152xf32, #tpu.memory_space<hbm>> -> memref<1152xf32, #tpu.memory_space<hbm>>
      tpu.enqueue_dma source(%dma_start3A_101 : memref<1152xf32, #tpu.memory_space<hbm>>) target(%dma_start3A_98 : memref<1152xf32, #tpu.memory_space<vmem>>) target_semaphore(%dma_start3A_95 : memref<!tpu.dma_semaphore, #tpu.memory_space<semaphore_mem>>)
      %mul3A_102 = arith.constant 2 : i32
      %mul3A_103 = arith.muli %add3A_18, %mul3A_102 : i32
      %add3A_104 = arith.constant 1 : i32
      %add3A_105 = arith.addi %mul3A_103, %add3A_104 : i32
      %dma_start3A_106 = arith.constant 0 : i32
      %dma_start3A_107 = arith.constant 1 : i32
      %dma_start3A_108 = arith.constant 0 : i32
      %dma_start3A_109 = arith.constant 0 : i32
      %dma_start3A_110 = tpu.memref_slice %arg11[%dma_start3A_106, %dma_start3A_107, %dma_start3A_109] : memref<2x2x1152xf32, #tpu.memory_space<vmem>> -> memref<1x1x1152xf32, #tpu.memory_space<vmem>>
      %dma_start3A_111 = tpu.memref_squeeze %dma_start3A_110 : memref<1x1x1152xf32, #tpu.memory_space<vmem>> -> memref<1152xf32, #tpu.memory_space<vmem>>
      %dma_start3A_112 = arith.constant 0 : i32
      %dma_start3A_113 = tpu.memref_slice %arg3[%add3A_105, %add3A_53, %dma_start3A_112] : memref<8x32x10368xf32, #tpu.memory_space<hbm>> -> memref<1x1x1152xf32, #tpu.memory_space<hbm>>
      %dma_start3A_114 = tpu.memref_squeeze %dma_start3A_113 : memref<1x1x1152xf32, #tpu.memory_space<hbm>> -> memref<1152xf32, #tpu.memory_space<hbm>>
      %dma_start3A_115 = tpu.memref_slice %arg16[%dma_start3A_108] : memref<2x!tpu.dma_semaphore, #tpu.memory_space<semaphore_mem>> -> memref<1x!tpu.dma_semaphore, #tpu.memory_space<semaphore_mem>>
      %dma_start3A_116 = tpu.memref_squeeze %dma_start3A_115 : memref<1x!tpu.dma_semaphore, #tpu.memory_space<semaphore_mem>> -> memref<!tpu.dma_semaphore, #tpu.memory_space<semaphore_mem>>
      %dma_start3A_117 = arith.constant 0 : i32
      %dma_start3A_118 = tpu.memref_slice %arg11[%dma_start3A_106, %dma_start3A_107, %dma_start3A_117] : memref<2x2x1152xf32, #tpu.memory_space<vmem>> -> memref<1x1x1152xf32, #tpu.memory_space<vmem>>
      %dma_start3A_119 = tpu.memref_squeeze %dma_start3A_118 : memref<1x1x1152xf32, #tpu.memory_space<vmem>> -> memref<1152xf32, #tpu.memory_space<vmem>>
      %dma_start3A_120 = arith.constant 0 : i32
      %dma_start3A_121 = tpu.memref_slice %arg3[%add3A_105, %add3A_53, %dma_start3A_120] : memref<8x32x10368xf32, #tpu.memory_space<hbm>> -> memref<1x1x1152xf32, #tpu.memory_space<hbm>>
      %dma_start3A_122 = tpu.memref_squeeze %dma_start3A_121 : memref<1x1x1152xf32, #tpu.memory_space<hbm>> -> memref<1152xf32, #tpu.memory_space<hbm>>
      tpu.enqueue_dma source(%dma_start3A_122 : memref<1152xf32, #tpu.memory_space<hbm>>) target(%dma_start3A_119 : memref<1152xf32, #tpu.memory_space<vmem>>) target_semaphore(%dma_start3A_116 : memref<!tpu.dma_semaphore, #tpu.memory_space<semaphore_mem>>)
      %scan3A_123 = arith.constant 0 : i32
      %scan3A_124 = arith.constant 9 : i32
      %scan3A_125 = arith.addi %scan3A_123, %scan3A_124 : i32
      %scan3A_126 = arith.constant 1 : i32
      scf.for %scan3A_130 = %scan3A_123 to %scan3A_125 step %scan3A_126  : i32 {
        %mul3A_131 = arith.constant 1 : i32
        %mul3A_132 = arith.muli %scan3A_130, %mul3A_131 : i32
        %add3A_133 = arith.constant 0 : i32
        %add3A_134 = arith.addi %add3A_133, %mul3A_132 : i32
        %rem3A = arith.constant 2 : i32
        %rem3A_135 = arith.remsi %add3A_134, %rem3A : i32
        %add3A_136 = arith.constant 1 : i32
        %add3A_137 = arith.addi %add3A_134, %add3A_136 : i32
        %rem3A_138 = arith.constant 2 : i32
        %rem3A_139 = arith.remsi %add3A_137, %rem3A_138 : i32
        %lt3A = arith.constant 8 : i32
        %lt3A_140 = arith.cmpi slt, %add3A_134, %lt3A : i32
        %convert_element_type3A = arith.extui %lt3A_140 : i1 to i32
        %cond3A = arith.constant 0 : i32
        %cond3A_141 = arith.cmpi ne, %convert_element_type3A, %cond3A : i32
        scf.if %cond3A_141 {
          %add3A_255 = arith.constant 1 : i32
          %add3A_256 = arith.addi %add3A_134, %add3A_255 : i32
          %mul3A_257 = arith.constant 2 : i32
          %mul3A_258 = arith.muli %arg1, %mul3A_257 : i32
          %add3A_259 = arith.addi %mul3A_258, %arg0 : i32
          %mul3A_260 = arith.constant 10368 : i32
          %mul3A_261 = arith.muli %add3A_259, %mul3A_260 : i32
          %mul3A_262 = arith.constant 1152 : i32
          %mul3A_263 = arith.muli %add3A_256, %mul3A_262 : i32
          %add3A_264 = arith.addi %mul3A_261, %mul3A_263 : i32
          %dma_start3A_265 = arith.constant 0 : i32
          %dma_start3A_266 = tpu.memref_slice %arg8[%rem3A_139, %dma_start3A_265] : memref<2x1152xi32, #tpu.memory_space<vmem>> -> memref<1x1152xi32, #tpu.memory_space<vmem>>
          %dma_start3A_267 = tpu.memref_squeeze %dma_start3A_266 : memref<1x1152xi32, #tpu.memory_space<vmem>> -> memref<1152xi32, #tpu.memory_space<vmem>>
          %dma_start3A_268 = tpu.memref_slice %arg4[%add3A_264] : memref<331776xi32, #tpu.memory_space<hbm>> -> memref<1152xi32, #tpu.memory_space<hbm>>
          %dma_start3A_269 = tpu.memref_slice %arg16[%rem3A_139] : memref<2x!tpu.dma_semaphore, #tpu.memory_space<semaphore_mem>> -> memref<1x!tpu.dma_semaphore, #tpu.memory_space<semaphore_mem>>
          %dma_start3A_270 = tpu.memref_squeeze %dma_start3A_269 : memref<1x!tpu.dma_semaphore, #tpu.memory_space<semaphore_mem>> -> memref<!tpu.dma_semaphore, #tpu.memory_space<semaphore_mem>>
          %dma_start3A_271 = arith.constant 0 : i32
          %dma_start3A_272 = tpu.memref_slice %arg8[%rem3A_139, %dma_start3A_271] : memref<2x1152xi32, #tpu.memory_space<vmem>> -> memref<1x1152xi32, #tpu.memory_space<vmem>>
          %dma_start3A_273 = tpu.memref_squeeze %dma_start3A_272 : memref<1x1152xi32, #tpu.memory_space<vmem>> -> memref<1152xi32, #tpu.memory_space<vmem>>
          %dma_start3A_274 = tpu.memref_slice %arg4[%add3A_264] : memref<331776xi32, #tpu.memory_space<hbm>> -> memref<1152xi32, #tpu.memory_space<hbm>>
          tpu.enqueue_dma source(%dma_start3A_274 : memref<1152xi32, #tpu.memory_space<hbm>>) target(%dma_start3A_273 : memref<1152xi32, #tpu.memory_space<vmem>>) target_semaphore(%dma_start3A_270 : memref<!tpu.dma_semaphore, #tpu.memory_space<semaphore_mem>>)
          %dma_start3A_275 = arith.constant 0 : i32
          %dma_start3A_276 = tpu.memref_slice %arg9[%rem3A_139, %dma_start3A_275] : memref<2x1152xi32, #tpu.memory_space<vmem>> -> memref<1x1152xi32, #tpu.memory_space<vmem>>
          %dma_start3A_277 = tpu.memref_squeeze %dma_start3A_276 : memref<1x1152xi32, #tpu.memory_space<vmem>> -> memref<1152xi32, #tpu.memory_space<vmem>>
          %dma_start3A_278 = tpu.memref_slice %arg5[%add3A_264] : memref<331776xi32, #tpu.memory_space<hbm>> -> memref<1152xi32, #tpu.memory_space<hbm>>
          %dma_start3A_279 = tpu.memref_slice %arg16[%rem3A_139] : memref<2x!tpu.dma_semaphore, #tpu.memory_space<semaphore_mem>> -> memref<1x!tpu.dma_semaphore, #tpu.memory_space<semaphore_mem>>
          %dma_start3A_280 = tpu.memref_squeeze %dma_start3A_279 : memref<1x!tpu.dma_semaphore, #tpu.memory_space<semaphore_mem>> -> memref<!tpu.dma_semaphore, #tpu.memory_space<semaphore_mem>>
          %dma_start3A_281 = arith.constant 0 : i32
          %dma_start3A_282 = tpu.memref_slice %arg9[%rem3A_139, %dma_start3A_281] : memref<2x1152xi32, #tpu.memory_space<vmem>> -> memref<1x1152xi32, #tpu.memory_space<vmem>>
          %dma_start3A_283 = tpu.memref_squeeze %dma_start3A_282 : memref<1x1152xi32, #tpu.memory_space<vmem>> -> memref<1152xi32, #tpu.memory_space<vmem>>
          %dma_start3A_284 = tpu.memref_slice %arg5[%add3A_264] : memref<331776xi32, #tpu.memory_space<hbm>> -> memref<1152xi32, #tpu.memory_space<hbm>>
          tpu.enqueue_dma source(%dma_start3A_284 : memref<1152xi32, #tpu.memory_space<hbm>>) target(%dma_start3A_283 : memref<1152xi32, #tpu.memory_space<vmem>>) target_semaphore(%dma_start3A_280 : memref<!tpu.dma_semaphore, #tpu.memory_space<semaphore_mem>>)
          %mul3A_285 = arith.constant 2 : i32
          %mul3A_286 = arith.muli %add3A_18, %mul3A_285 : i32
          %add3A_287 = arith.constant 0 : i32
          %add3A_288 = arith.addi %mul3A_286, %add3A_287 : i32
          %mul3A_289 = arith.constant 1152 : i32
          %mul3A_290 = arith.muli %add3A_256, %mul3A_289 : i32
          %dma_start3A_291 = arith.constant 0 : i32
          %dma_start3A_292 = arith.constant 0 : i32
          %dma_start3A_293 = tpu.memref_slice %arg11[%rem3A_139, %dma_start3A_291, %dma_start3A_292] : memref<2x2x1152xf32, #tpu.memory_space<vmem>> -> memref<1x1x1152xf32, #tpu.memory_space<vmem>>
          %dma_start3A_294 = tpu.memref_squeeze %dma_start3A_293 : memref<1x1x1152xf32, #tpu.memory_space<vmem>> -> memref<1152xf32, #tpu.memory_space<vmem>>
          %dma_start3A_295 = tpu.memref_slice %arg3[%add3A_288, %add3A_259, %mul3A_290] : memref<8x32x10368xf32, #tpu.memory_space<hbm>> -> memref<1x1x1152xf32, #tpu.memory_space<hbm>>
          %dma_start3A_296 = tpu.memref_squeeze %dma_start3A_295 : memref<1x1x1152xf32, #tpu.memory_space<hbm>> -> memref<1152xf32, #tpu.memory_space<hbm>>
          %dma_start3A_297 = tpu.memref_slice %arg16[%rem3A_139] : memref<2x!tpu.dma_semaphore, #tpu.memory_space<semaphore_mem>> -> memref<1x!tpu.dma_semaphore, #tpu.memory_space<semaphore_mem>>
          %dma_start3A_298 = tpu.memref_squeeze %dma_start3A_297 : memref<1x!tpu.dma_semaphore, #tpu.memory_space<semaphore_mem>> -> memref<!tpu.dma_semaphore, #tpu.memory_space<semaphore_mem>>
          %dma_start3A_299 = arith.constant 0 : i32
          %dma_start3A_300 = tpu.memref_slice %arg11[%rem3A_139, %dma_start3A_291, %dma_start3A_299] : memref<2x2x1152xf32, #tpu.memory_space<vmem>> -> memref<1x1x1152xf32, #tpu.memory_space<vmem>>
          %dma_start3A_301 = tpu.memref_squeeze %dma_start3A_300 : memref<1x1x1152xf32, #tpu.memory_space<vmem>> -> memref<1152xf32, #tpu.memory_space<vmem>>
          %dma_start3A_302 = tpu.memref_slice %arg3[%add3A_288, %add3A_259, %mul3A_290] : memref<8x32x10368xf32, #tpu.memory_space<hbm>> -> memref<1x1x1152xf32, #tpu.memory_space<hbm>>
          %dma_start3A_303 = tpu.memref_squeeze %dma_start3A_302 : memref<1x1x1152xf32, #tpu.memory_space<hbm>> -> memref<1152xf32, #tpu.memory_space<hbm>>
          tpu.enqueue_dma source(%dma_start3A_303 : memref<1152xf32, #tpu.memory_space<hbm>>) target(%dma_start3A_301 : memref<1152xf32, #tpu.memory_space<vmem>>) target_semaphore(%dma_start3A_298 : memref<!tpu.dma_semaphore, #tpu.memory_space<semaphore_mem>>)
          %mul3A_304 = arith.constant 2 : i32
          %mul3A_305 = arith.muli %add3A_18, %mul3A_304 : i32
          %add3A_306 = arith.constant 1 : i32
          %add3A_307 = arith.addi %mul3A_305, %add3A_306 : i32
          %mul3A_308 = arith.constant 1152 : i32
          %mul3A_309 = arith.muli %add3A_256, %mul3A_308 : i32
          %dma_start3A_310 = arith.constant 1 : i32
          %dma_start3A_311 = arith.constant 0 : i32
          %dma_start3A_312 = tpu.memref_slice %arg11[%rem3A_139, %dma_start3A_310, %dma_start3A_311] : memref<2x2x1152xf32, #tpu.memory_space<vmem>> -> memref<1x1x1152xf32, #tpu.memory_space<vmem>>
          %dma_start3A_313 = tpu.memref_squeeze %dma_start3A_312 : memref<1x1x1152xf32, #tpu.memory_space<vmem>> -> memref<1152xf32, #tpu.memory_space<vmem>>
          %dma_start3A_314 = tpu.memref_slice %arg3[%add3A_307, %add3A_259, %mul3A_309] : memref<8x32x10368xf32, #tpu.memory_space<hbm>> -> memref<1x1x1152xf32, #tpu.memory_space<hbm>>
          %dma_start3A_315 = tpu.memref_squeeze %dma_start3A_314 : memref<1x1x1152xf32, #tpu.memory_space<hbm>> -> memref<1152xf32, #tpu.memory_space<hbm>>
          %dma_start3A_316 = tpu.memref_slice %arg16[%rem3A_139] : memref<2x!tpu.dma_semaphore, #tpu.memory_space<semaphore_mem>> -> memref<1x!tpu.dma_semaphore, #tpu.memory_space<semaphore_mem>>
          %dma_start3A_317 = tpu.memref_squeeze %dma_start3A_316 : memref<1x!tpu.dma_semaphore, #tpu.memory_space<semaphore_mem>> -> memref<!tpu.dma_semaphore, #tpu.memory_space<semaphore_mem>>
          %dma_start3A_318 = arith.constant 0 : i32
          %dma_start3A_319 = tpu.memref_slice %arg11[%rem3A_139, %dma_start3A_310, %dma_start3A_318] : memref<2x2x1152xf32, #tpu.memory_space<vmem>> -> memref<1x1x1152xf32, #tpu.memory_space<vmem>>
          %dma_start3A_320 = tpu.memref_squeeze %dma_start3A_319 : memref<1x1x1152xf32, #tpu.memory_space<vmem>> -> memref<1152xf32, #tpu.memory_space<vmem>>
          %dma_start3A_321 = tpu.memref_slice %arg3[%add3A_307, %add3A_259, %mul3A_309] : memref<8x32x10368xf32, #tpu.memory_space<hbm>> -> memref<1x1x1152xf32, #tpu.memory_space<hbm>>
          %dma_start3A_322 = tpu.memref_squeeze %dma_start3A_321 : memref<1x1x1152xf32, #tpu.memory_space<hbm>> -> memref<1152xf32, #tpu.memory_space<hbm>>
          tpu.enqueue_dma source(%dma_start3A_322 : memref<1152xf32, #tpu.memory_space<hbm>>) target(%dma_start3A_320 : memref<1152xf32, #tpu.memory_space<vmem>>) target_semaphore(%dma_start3A_317 : memref<!tpu.dma_semaphore, #tpu.memory_space<semaphore_mem>>)
        } else {
        }
        %dma_wait3A = arith.constant 0 : i32
        %dma_wait3A_142 = tpu.memref_slice %arg8[%rem3A_135, %dma_wait3A] : memref<2x1152xi32, #tpu.memory_space<vmem>> -> memref<1x1152xi32, #tpu.memory_space<vmem>>
        %dma_wait3A_143 = tpu.memref_squeeze %dma_wait3A_142 : memref<1x1152xi32, #tpu.memory_space<vmem>> -> memref<1152xi32, #tpu.memory_space<vmem>>
        %dma_wait3A_144 = arith.constant 0 : i32
        %dma_wait3A_145 = tpu.memref_slice %arg4[%dma_wait3A_144] : memref<331776xi32, #tpu.memory_space<hbm>> -> memref<1152xi32, #tpu.memory_space<hbm>>
        %dma_wait3A_146 = tpu.memref_slice %arg16[%rem3A_135] : memref<2x!tpu.dma_semaphore, #tpu.memory_space<semaphore_mem>> -> memref<1x!tpu.dma_semaphore, #tpu.memory_space<semaphore_mem>>
        %dma_wait3A_147 = tpu.memref_squeeze %dma_wait3A_146 : memref<1x!tpu.dma_semaphore, #tpu.memory_space<semaphore_mem>> -> memref<!tpu.dma_semaphore, #tpu.memory_space<semaphore_mem>>
        %dma_wait3A_148 = arith.constant 0 : i32
        %dma_wait3A_149 = tpu.memref_slice %arg8[%rem3A_135, %dma_wait3A_148] : memref<2x1152xi32, #tpu.memory_space<vmem>> -> memref<1x1152xi32, #tpu.memory_space<vmem>>
        %dma_wait3A_150 = tpu.memref_squeeze %dma_wait3A_149 : memref<1x1152xi32, #tpu.memory_space<vmem>> -> memref<1152xi32, #tpu.memory_space<vmem>>
        %dma_wait3A_151 = arith.constant 0 : i32
        %dma_wait3A_152 = tpu.memref_slice %arg4[%dma_wait3A_151] : memref<331776xi32, #tpu.memory_space<hbm>> -> memref<1152xi32, #tpu.memory_space<hbm>>
        tpu.wait_dma2 semaphore(%dma_wait3A_147 : memref<!tpu.dma_semaphore, #tpu.memory_space<semaphore_mem>>) src(%dma_wait3A_152 : memref<1152xi32, #tpu.memory_space<hbm>>) dst(%dma_wait3A_150 : memref<1152xi32, #tpu.memory_space<vmem>>)
        %dma_wait3A_153 = arith.constant 0 : i32
        %dma_wait3A_154 = tpu.memref_slice %arg9[%rem3A_135, %dma_wait3A_153] : memref<2x1152xi32, #tpu.memory_space<vmem>> -> memref<1x1152xi32, #tpu.memory_space<vmem>>
        %dma_wait3A_155 = tpu.memref_squeeze %dma_wait3A_154 : memref<1x1152xi32, #tpu.memory_space<vmem>> -> memref<1152xi32, #tpu.memory_space<vmem>>
        %dma_wait3A_156 = arith.constant 0 : i32
        %dma_wait3A_157 = tpu.memref_slice %arg5[%dma_wait3A_156] : memref<331776xi32, #tpu.memory_space<hbm>> -> memref<1152xi32, #tpu.memory_space<hbm>>
        %dma_wait3A_158 = tpu.memref_slice %arg16[%rem3A_135] : memref<2x!tpu.dma_semaphore, #tpu.memory_space<semaphore_mem>> -> memref<1x!tpu.dma_semaphore, #tpu.memory_space<semaphore_mem>>
        %dma_wait3A_159 = tpu.memref_squeeze %dma_wait3A_158 : memref<1x!tpu.dma_semaphore, #tpu.memory_space<semaphore_mem>> -> memref<!tpu.dma_semaphore, #tpu.memory_space<semaphore_mem>>
        %dma_wait3A_160 = arith.constant 0 : i32
        %dma_wait3A_161 = tpu.memref_slice %arg9[%rem3A_135, %dma_wait3A_160] : memref<2x1152xi32, #tpu.memory_space<vmem>> -> memref<1x1152xi32, #tpu.memory_space<vmem>>
        %dma_wait3A_162 = tpu.memref_squeeze %dma_wait3A_161 : memref<1x1152xi32, #tpu.memory_space<vmem>> -> memref<1152xi32, #tpu.memory_space<vmem>>
        %dma_wait3A_163 = arith.constant 0 : i32
        %dma_wait3A_164 = tpu.memref_slice %arg5[%dma_wait3A_163] : memref<331776xi32, #tpu.memory_space<hbm>> -> memref<1152xi32, #tpu.memory_space<hbm>>
        tpu.wait_dma2 semaphore(%dma_wait3A_159 : memref<!tpu.dma_semaphore, #tpu.memory_space<semaphore_mem>>) src(%dma_wait3A_164 : memref<1152xi32, #tpu.memory_space<hbm>>) dst(%dma_wait3A_162 : memref<1152xi32, #tpu.memory_space<vmem>>)
        %dma_wait3A_165 = arith.constant 0 : i32
        %dma_wait3A_166 = arith.constant 0 : i32
        %dma_wait3A_167 = arith.constant 0 : i32
        %dma_wait3A_168 = arith.constant 0 : i32
        %dma_wait3A_169 = tpu.memref_slice %arg11[%rem3A_135, %dma_wait3A_167, %dma_wait3A_168] : memref<2x2x1152xf32, #tpu.memory_space<vmem>> -> memref<1x1x1152xf32, #tpu.memory_space<vmem>>
        %dma_wait3A_170 = tpu.memref_squeeze %dma_wait3A_169 : memref<1x1x1152xf32, #tpu.memory_space<vmem>> -> memref<1152xf32, #tpu.memory_space<vmem>>
        %dma_wait3A_171 = arith.constant 0 : i32
        %dma_wait3A_172 = tpu.memref_slice %arg3[%dma_wait3A_165, %dma_wait3A_166, %dma_wait3A_171] : memref<8x32x10368xf32, #tpu.memory_space<hbm>> -> memref<1x1x1152xf32, #tpu.memory_space<hbm>>
        %dma_wait3A_173 = tpu.memref_squeeze %dma_wait3A_172 : memref<1x1x1152xf32, #tpu.memory_space<hbm>> -> memref<1152xf32, #tpu.memory_space<hbm>>
        %dma_wait3A_174 = tpu.memref_slice %arg16[%rem3A_135] : memref<2x!tpu.dma_semaphore, #tpu.memory_space<semaphore_mem>> -> memref<1x!tpu.dma_semaphore, #tpu.memory_space<semaphore_mem>>
        %dma_wait3A_175 = tpu.memref_squeeze %dma_wait3A_174 : memref<1x!tpu.dma_semaphore, #tpu.memory_space<semaphore_mem>> -> memref<!tpu.dma_semaphore, #tpu.memory_space<semaphore_mem>>
        %dma_wait3A_176 = arith.constant 0 : i32
        %dma_wait3A_177 = tpu.memref_slice %arg11[%rem3A_135, %dma_wait3A_167, %dma_wait3A_176] : memref<2x2x1152xf32, #tpu.memory_space<vmem>> -> memref<1x1x1152xf32, #tpu.memory_space<vmem>>
        %dma_wait3A_178 = tpu.memref_squeeze %dma_wait3A_177 : memref<1x1x1152xf32, #tpu.memory_space<vmem>> -> memref<1152xf32, #tpu.memory_space<vmem>>
        %dma_wait3A_179 = arith.constant 0 : i32
        %dma_wait3A_180 = tpu.memref_slice %arg3[%dma_wait3A_165, %dma_wait3A_166, %dma_wait3A_179] : memref<8x32x10368xf32, #tpu.memory_space<hbm>> -> memref<1x1x1152xf32, #tpu.memory_space<hbm>>
        %dma_wait3A_181 = tpu.memref_squeeze %dma_wait3A_180 : memref<1x1x1152xf32, #tpu.memory_space<hbm>> -> memref<1152xf32, #tpu.memory_space<hbm>>
        tpu.wait_dma2 semaphore(%dma_wait3A_175 : memref<!tpu.dma_semaphore, #tpu.memory_space<semaphore_mem>>) src(%dma_wait3A_181 : memref<1152xf32, #tpu.memory_space<hbm>>) dst(%dma_wait3A_178 : memref<1152xf32, #tpu.memory_space<vmem>>)
        %dma_wait3A_182 = arith.constant 0 : i32
        %dma_wait3A_183 = arith.constant 0 : i32
        %dma_wait3A_184 = arith.constant 1 : i32
        %dma_wait3A_185 = arith.constant 0 : i32
        %dma_wait3A_186 = tpu.memref_slice %arg11[%rem3A_135, %dma_wait3A_184, %dma_wait3A_185] : memref<2x2x1152xf32, #tpu.memory_space<vmem>> -> memref<1x1x1152xf32, #tpu.memory_space<vmem>>
        %dma_wait3A_187 = tpu.memref_squeeze %dma_wait3A_186 : memref<1x1x1152xf32, #tpu.memory_space<vmem>> -> memref<1152xf32, #tpu.memory_space<vmem>>
        %dma_wait3A_188 = arith.constant 0 : i32
        %dma_wait3A_189 = tpu.memref_slice %arg3[%dma_wait3A_182, %dma_wait3A_183, %dma_wait3A_188] : memref<8x32x10368xf32, #tpu.memory_space<hbm>> -> memref<1x1x1152xf32, #tpu.memory_space<hbm>>
        %dma_wait3A_190 = tpu.memref_squeeze %dma_wait3A_189 : memref<1x1x1152xf32, #tpu.memory_space<hbm>> -> memref<1152xf32, #tpu.memory_space<hbm>>
        %dma_wait3A_191 = tpu.memref_slice %arg16[%rem3A_135] : memref<2x!tpu.dma_semaphore, #tpu.memory_space<semaphore_mem>> -> memref<1x!tpu.dma_semaphore, #tpu.memory_space<semaphore_mem>>
        %dma_wait3A_192 = tpu.memref_squeeze %dma_wait3A_191 : memref<1x!tpu.dma_semaphore, #tpu.memory_space<semaphore_mem>> -> memref<!tpu.dma_semaphore, #tpu.memory_space<semaphore_mem>>
        %dma_wait3A_193 = arith.constant 0 : i32
        %dma_wait3A_194 = tpu.memref_slice %arg11[%rem3A_135, %dma_wait3A_184, %dma_wait3A_193] : memref<2x2x1152xf32, #tpu.memory_space<vmem>> -> memref<1x1x1152xf32, #tpu.memory_space<vmem>>
        %dma_wait3A_195 = tpu.memref_squeeze %dma_wait3A_194 : memref<1x1x1152xf32, #tpu.memory_space<vmem>> -> memref<1152xf32, #tpu.memory_space<vmem>>
        %dma_wait3A_196 = arith.constant 0 : i32
        %dma_wait3A_197 = tpu.memref_slice %arg3[%dma_wait3A_182, %dma_wait3A_183, %dma_wait3A_196] : memref<8x32x10368xf32, #tpu.memory_space<hbm>> -> memref<1x1x1152xf32, #tpu.memory_space<hbm>>
        %dma_wait3A_198 = tpu.memref_squeeze %dma_wait3A_197 : memref<1x1x1152xf32, #tpu.memory_space<hbm>> -> memref<1152xf32, #tpu.memory_space<hbm>>
        tpu.wait_dma2 semaphore(%dma_wait3A_192 : memref<!tpu.dma_semaphore, #tpu.memory_space<semaphore_mem>>) src(%dma_wait3A_198 : memref<1152xf32, #tpu.memory_space<hbm>>) dst(%dma_wait3A_195 : memref<1152xf32, #tpu.memory_space<vmem>>)
        %broadcast_in_dim3A_199 = vector.broadcast %rem3A_135 : i32 to vector<16xi32>
        %dma_start3A_200 = arith.constant 0 : i32
        %dma_start3A_201 = arith.constant 0 : i32
        %dma_start3A_202 = arith.constant 0 : i32
        %dma_start3A_203 = arith.constant 0 : i32
        %dma_start3A_204 = tpu.memref_slice %arg7[%dma_start3A_200, %dma_start3A_202, %dma_start3A_203] : memref<2x128x128xf32, #tpu.memory_space<vmem>> -> memref<1x128x128xf32, #tpu.memory_space<vmem>>
        %dma_start3A_205 = tpu.memref_squeeze %dma_start3A_204 : memref<1x128x128xf32, #tpu.memory_space<vmem>> -> memref<128x128xf32, #tpu.memory_space<vmem>>
        %dma_start3A_206 = arith.constant 0 : i32
        %dma_start3A_207 = tpu.memref_slice %arg8[%rem3A_135, %dma_start3A_206] : memref<2x1152xi32, #tpu.memory_space<vmem>> -> memref<1x1152xi32, #tpu.memory_space<vmem>>
        %dma_start3A_208 = tpu.memref_squeeze %dma_start3A_207 : memref<1x1152xi32, #tpu.memory_space<vmem>> -> memref<1152xi32, #tpu.memory_space<vmem>>
        %dma_start3A_209 = arith.constant 0 : i32
        %dma_start3A_210 = tpu.memref_slice %dma_start3A_208[%dma_start3A_209] : memref<1152xi32, #tpu.memory_space<vmem>> -> memref<128xi32, #tpu.memory_space<vmem>>
        %dma_start3A_211 = arith.constant 0 : i32
        %dma_start3A_212 = arith.constant 0 : i32
        %dma_start3A_213 = tpu.memref_slice %arg2[%add3A_18, %dma_start3A_211, %dma_start3A_212] : memref<4x10240x128xf32, #tpu.memory_space<hbm>> -> memref<1x10240x128xf32, #tpu.memory_space<hbm>>
        %dma_start3A_214 = tpu.memref_squeeze %dma_start3A_213 : memref<1x10240x128xf32, #tpu.memory_space<hbm>> -> memref<10240x128xf32, #tpu.memory_space<hbm>>
        %dma_start3A_215 = arith.constant 0 : i32
        %dma_start3A_216 = arith.constant 0 : i32
        %dma_start3A_217 = tpu.memref_slice %dma_start3A_214[%dma_start3A_215, %dma_start3A_216] : memref<10240x128xf32, #tpu.memory_space<hbm>> -> memref<10240x128xf32, #tpu.memory_space<hbm>>
        %dma_start3A_218 = tpu.memref_slice %arg14[%dma_start3A_201] : memref<2x!tpu.dma_semaphore, #tpu.memory_space<semaphore_mem>> -> memref<1x!tpu.dma_semaphore, #tpu.memory_space<semaphore_mem>>
        %dma_start3A_219 = tpu.memref_squeeze %dma_start3A_218 : memref<1x!tpu.dma_semaphore, #tpu.memory_space<semaphore_mem>> -> memref<!tpu.dma_semaphore, #tpu.memory_space<semaphore_mem>>
        tpu.enqueue_indirect_dma source(%dma_start3A_217 : memref<10240x128xf32, #tpu.memory_space<hbm>>) target(%dma_start3A_205 : memref<128x128xf32, #tpu.memory_space<vmem>>) offsets(%dma_start3A_210 : memref<128xi32, #tpu.memory_space<vmem>>) semaphore(%dma_start3A_219 : memref<!tpu.dma_semaphore, #tpu.memory_space<semaphore_mem>>)
        %scan3A_220 = arith.constant 0 : i32
        %scan3A_221 = arith.constant 9 : i32
        %scan3A_222 = arith.addi %scan3A_220, %scan3A_221 : i32
        %scan3A_223 = arith.constant 1 : i32
        scf.for %scan3A_255 = %scan3A_220 to %scan3A_222 step %scan3A_223  : i32 {
          %mul3A_256 = arith.constant 1 : i32
          %mul3A_257 = arith.muli %scan3A_255, %mul3A_256 : i32
          %add3A_258 = arith.constant 0 : i32
          %add3A_259 = arith.addi %add3A_258, %mul3A_257 : i32
          %rem3A_260 = arith.constant 2 : i32
          %rem3A_261 = arith.remsi %add3A_259, %rem3A_260 : i32
          %add3A_262 = arith.constant 1 : i32
          %add3A_263 = arith.addi %add3A_259, %add3A_262 : i32
          %rem3A_264 = arith.constant 2 : i32
          %rem3A_265 = arith.remsi %add3A_263, %rem3A_264 : i32
          %lt3A_266 = arith.constant 8 : i32
          %lt3A_267 = arith.cmpi slt, %add3A_259, %lt3A_266 : i32
          %convert_element_type3A_268 = arith.extui %lt3A_267 : i1 to i32
          %cond3A_269 = arith.constant 0 : i32
          %cond3A_270 = arith.cmpi ne, %convert_element_type3A_268, %cond3A_269 : i32
          scf.if %cond3A_270 {
            %ge3A = arith.constant 1 : i32
            %ge3A_312 = arith.cmpi sge, %add3A_259, %ge3A : i32
            %convert_element_type3A_313 = arith.extui %ge3A_312 : i1 to i32
            %cond3A_314 = arith.constant 0 : i32
            %cond3A_315 = arith.cmpi ne, %convert_element_type3A_313, %cond3A_314 : i32
            scf.if %cond3A_315 {
              %dma_wait3A_337 = arith.constant 0 : i32
              %dma_wait3A_338 = arith.constant 0 : i32
              %dma_wait3A_339 = tpu.memref_slice %arg7[%rem3A_265, %dma_wait3A_337, %dma_wait3A_338] : memref<2x128x128xf32, #tpu.memory_space<vmem>> -> memref<1x128x128xf32, #tpu.memory_space<vmem>>
              %dma_wait3A_340 = tpu.memref_squeeze %dma_wait3A_339 : memref<1x128x128xf32, #tpu.memory_space<vmem>> -> memref<128x128xf32, #tpu.memory_space<vmem>>
              %dma_wait3A_341 = arith.constant 0 : i32
              %dma_wait3A_342 = tpu.memref_slice %arg10[%rem3A_265, %dma_wait3A_341] : memref<2x128xi32, #tpu.memory_space<vmem>> -> memref<1x128xi32, #tpu.memory_space<vmem>>
              %dma_wait3A_343 = tpu.memref_squeeze %dma_wait3A_342 : memref<1x128xi32, #tpu.memory_space<vmem>> -> memref<128xi32, #tpu.memory_space<vmem>>
              %dma_wait3A_344 = arith.constant 0 : i32
              %dma_wait3A_345 = arith.constant 0 : i32
              %dma_wait3A_346 = tpu.memref_slice %arg13[%dma_wait3A_344, %dma_wait3A_345] : memref<10240x128xf32, #tpu.memory_space<vmem_shared>> -> memref<10240x128xf32, #tpu.memory_space<vmem_shared>>
              %dma_wait3A_347 = tpu.memref_slice %arg15[%rem3A_265] : memref<2x!tpu.dma_semaphore, #tpu.memory_space<semaphore_mem>> -> memref<1x!tpu.dma_semaphore, #tpu.memory_space<semaphore_mem>>
              %dma_wait3A_348 = tpu.memref_squeeze %dma_wait3A_347 : memref<1x!tpu.dma_semaphore, #tpu.memory_space<semaphore_mem>> -> memref<!tpu.dma_semaphore, #tpu.memory_space<semaphore_mem>>
              tpu.wait_indirect_dma semaphore(%dma_wait3A_348 : memref<!tpu.dma_semaphore, #tpu.memory_space<semaphore_mem>>) src(%dma_wait3A_340 : memref<128x128xf32, #tpu.memory_space<vmem>>) dst(%dma_wait3A_346 : memref<10240x128xf32, #tpu.memory_space<vmem_shared>>)
            } else {
            }
            %add3A_316 = arith.constant 1 : i32
            %add3A_317 = arith.addi %add3A_259, %add3A_316 : i32
            %mul3A_318 = arith.constant 128 : i32
            %mul3A_319 = arith.muli %add3A_317, %mul3A_318 : i32
            %dma_start3A_320 = arith.constant 0 : i32
            %dma_start3A_321 = arith.constant 0 : i32
            %dma_start3A_322 = tpu.memref_slice %arg7[%rem3A_265, %dma_start3A_320, %dma_start3A_321] : memref<2x128x128xf32, #tpu.memory_space<vmem>> -> memref<1x128x128xf32, #tpu.memory_space<vmem>>
            %dma_start3A_323 = tpu.memref_squeeze %dma_start3A_322 : memref<1x128x128xf32, #tpu.memory_space<vmem>> -> memref<128x128xf32, #tpu.memory_space<vmem>>
            %dma_start3A_324 = arith.constant 0 : i32
            %dma_start3A_325 = tpu.memref_slice %arg8[%rem3A_135, %dma_start3A_324] : memref<2x1152xi32, #tpu.memory_space<vmem>> -> memref<1x1152xi32, #tpu.memory_space<vmem>>
            %dma_start3A_326 = tpu.memref_squeeze %dma_start3A_325 : memref<1x1152xi32, #tpu.memory_space<vmem>> -> memref<1152xi32, #tpu.memory_space<vmem>>
            %dma_start3A_327 = tpu.memref_slice %dma_start3A_326[%mul3A_319] : memref<1152xi32, #tpu.memory_space<vmem>> -> memref<128xi32, #tpu.memory_space<vmem>>
            %dma_start3A_328 = arith.constant 0 : i32
            %dma_start3A_329 = arith.constant 0 : i32
            %dma_start3A_330 = tpu.memref_slice %arg2[%add3A_18, %dma_start3A_328, %dma_start3A_329] : memref<4x10240x128xf32, #tpu.memory_space<hbm>> -> memref<1x10240x128xf32, #tpu.memory_space<hbm>>
            %dma_start3A_331 = tpu.memref_squeeze %dma_start3A_330 : memref<1x10240x128xf32, #tpu.memory_space<hbm>> -> memref<10240x128xf32, #tpu.memory_space<hbm>>
            %dma_start3A_332 = arith.constant 0 : i32
            %dma_start3A_333 = arith.constant 0 : i32
            %dma_start3A_334 = tpu.memref_slice %dma_start3A_331[%dma_start3A_332, %dma_start3A_333] : memref<10240x128xf32, #tpu.memory_space<hbm>> -> memref<10240x128xf32, #tpu.memory_space<hbm>>
            %dma_start3A_335 = tpu.memref_slice %arg14[%rem3A_265] : memref<2x!tpu.dma_semaphore, #tpu.memory_space<semaphore_mem>> -> memref<1x!tpu.dma_semaphore, #tpu.memory_space<semaphore_mem>>
            %dma_start3A_336 = tpu.memref_squeeze %dma_start3A_335 : memref<1x!tpu.dma_semaphore, #tpu.memory_space<semaphore_mem>> -> memref<!tpu.dma_semaphore, #tpu.memory_space<semaphore_mem>>
            tpu.enqueue_indirect_dma source(%dma_start3A_334 : memref<10240x128xf32, #tpu.memory_space<hbm>>) target(%dma_start3A_323 : memref<128x128xf32, #tpu.memory_space<vmem>>) offsets(%dma_start3A_327 : memref<128xi32, #tpu.memory_space<vmem>>) semaphore(%dma_start3A_336 : memref<!tpu.dma_semaphore, #tpu.memory_space<semaphore_mem>>)
          } else {
          }
          %mul3A_271 = arith.constant 128 : i32
          %mul3A_272 = arith.muli %add3A_259, %mul3A_271 : i32
          %dma_wait3A_273 = arith.constant 0 : i32
          %dma_wait3A_274 = arith.constant 0 : i32
          %dma_wait3A_275 = tpu.memref_slice %arg7[%rem3A_261, %dma_wait3A_273, %dma_wait3A_274] : memref<2x128x128xf32, #tpu.memory_space<vmem>> -> memref<1x128x128xf32, #tpu.memory_space<vmem>>
          %dma_wait3A_276 = tpu.memref_squeeze %dma_wait3A_275 : memref<1x128x128xf32, #tpu.memory_space<vmem>> -> memref<128x128xf32, #tpu.memory_space<vmem>>
          %dma_wait3A_277 = arith.constant 0 : i32
          %dma_wait3A_278 = tpu.memref_slice %arg8[%rem3A_135, %dma_wait3A_277] : memref<2x1152xi32, #tpu.memory_space<vmem>> -> memref<1x1152xi32, #tpu.memory_space<vmem>>
          %dma_wait3A_279 = tpu.memref_squeeze %dma_wait3A_278 : memref<1x1152xi32, #tpu.memory_space<vmem>> -> memref<1152xi32, #tpu.memory_space<vmem>>
          %dma_wait3A_280 = tpu.memref_slice %dma_wait3A_279[%mul3A_272] : memref<1152xi32, #tpu.memory_space<vmem>> -> memref<128xi32, #tpu.memory_space<vmem>>
          %dma_wait3A_281 = arith.constant 0 : i32
          %dma_wait3A_282 = arith.constant 0 : i32
          %dma_wait3A_283 = tpu.memref_slice %arg2[%add3A_18, %dma_wait3A_281, %dma_wait3A_282] : memref<4x10240x128xf32, #tpu.memory_space<hbm>> -> memref<1x10240x128xf32, #tpu.memory_space<hbm>>
          %dma_wait3A_284 = tpu.memref_squeeze %dma_wait3A_283 : memref<1x10240x128xf32, #tpu.memory_space<hbm>> -> memref<10240x128xf32, #tpu.memory_space<hbm>>
          %dma_wait3A_285 = arith.constant 0 : i32
          %dma_wait3A_286 = arith.constant 0 : i32
          %dma_wait3A_287 = tpu.memref_slice %dma_wait3A_284[%dma_wait3A_285, %dma_wait3A_286] : memref<10240x128xf32, #tpu.memory_space<hbm>> -> memref<10240x128xf32, #tpu.memory_space<hbm>>
          %dma_wait3A_288 = tpu.memref_slice %arg14[%rem3A_261] : memref<2x!tpu.dma_semaphore, #tpu.memory_space<semaphore_mem>> -> memref<1x!tpu.dma_semaphore, #tpu.memory_space<semaphore_mem>>
          %dma_wait3A_289 = tpu.memref_squeeze %dma_wait3A_288 : memref<1x!tpu.dma_semaphore, #tpu.memory_space<semaphore_mem>> -> memref<!tpu.dma_semaphore, #tpu.memory_space<semaphore_mem>>
          tpu.wait_indirect_dma semaphore(%dma_wait3A_289 : memref<!tpu.dma_semaphore, #tpu.memory_space<semaphore_mem>>) src(%dma_wait3A_287 : memref<10240x128xf32, #tpu.memory_space<hbm>>) dst(%dma_wait3A_276 : memref<128x128xf32, #tpu.memory_space<vmem>>)
          %scan3A_290 = arith.constant 0 : i32
          %scan3A_291 = arith.constant 8 : i32
          %scan3A_292 = arith.addi %scan3A_290, %scan3A_291 : i32
          %scan3A_293 = arith.constant 1 : i32
          scf.for %scan3A_312 = %scan3A_290 to %scan3A_292 step %scan3A_293  : i32 {
            %mul3A_313 = arith.constant 16 : i32
            %mul3A_314 = arith.muli %scan3A_312, %mul3A_313 : i32
            %add3A_315 = arith.constant 0 : i32
            %add3A_316 = arith.addi %add3A_315, %mul3A_314 : i32
            %mul3A_317 = arith.constant 128 : i32
            %mul3A_318 = arith.muli %add3A_259, %mul3A_317 : i32
            %add3A_319 = arith.addi %mul3A_318, %add3A_316 : i32
            %get3A = arith.index_cast %rem3A_135 : i32 to index
            %get3A_320 = arith.index_cast %add3A_319 : i32 to index
            %get3A_321 = tpu.vector_load %arg9[%get3A, %get3A_320] {strides = array<i32>} : memref<2x1152xi32, #tpu.memory_space<vmem>>, vector<16xi32>,
            %swap3A = arith.index_cast %rem3A_261 : i32 to index
            %swap3A_322 = arith.index_cast %add3A_316 : i32 to index
            %swap3A_323 = tpu.vector_load %arg10[%swap3A, %swap3A_322] {strides = array<i32>} : memref<2x128xi32, #tpu.memory_space<vmem>>, vector<16xi32>,
            tpu.vector_store %arg10[%swap3A, %swap3A_322], %get3A_321 {strides = array<i32>} : memref<2x128xi32, #tpu.memory_space<vmem>>, vector<16xi32>,
          }
          %scan3A_294 = arith.constant 8 : i32
          %scan3A_295 = arith.constant 0 : i32
          %scan3A_296 = arith.constant 64 : i32
          %scan3A_297 = arith.addi %scan3A_295, %scan3A_296 : i32
          %scan3A_298 = arith.constant 1 : i32
          scf.for %scan3A_312 = %scan3A_295 to %scan3A_297 step %scan3A_298  : i32 {
            %mul3A_313 = arith.constant 2 : i32
            %mul3A_314 = arith.muli %scan3A_312, %mul3A_313 : i32
            %add3A_315 = arith.constant 0 : i32
            %add3A_316 = arith.addi %add3A_315, %mul3A_314 : i32
            %add3A_317 = arith.constant 0 : i32
            %add3A_318 = arith.addi %add3A_316, %add3A_317 : i32
            %mul3A_319 = arith.constant 128 : i32
            %mul3A_320 = arith.muli %add3A_259, %mul3A_319 : i32
            %add3A_321 = arith.addi %mul3A_320, %add3A_318 : i32
            %broadcast_in_dim3A_322 = vector.broadcast %add3A_321 : i32 to vector<16xi32>
            %gather3A = tpu.vector_load_idx %arg11[%broadcast_in_dim3A_199, %broadcast_in_dim3A_7, %broadcast_in_dim3A_322] : memref<2x2x1152xf32, #tpu.memory_space<vmem>>[vector<16xi32>, vector<16xi32>, vector<16xi32>], vector<16xf32>,
            %gather3A_323 = tpu.vector_load_idx %arg11[%broadcast_in_dim3A_199, %broadcast_in_dim3A_9, %broadcast_in_dim3A_322] : memref<2x2x1152xf32, #tpu.memory_space<vmem>>[vector<16xi32>, vector<16xi32>, vector<16xi32>], vector<16xf32>,
            %get3A = arith.index_cast %rem3A_261 : i32 to index
            %get3A_324 = arith.index_cast %add3A_318 : i32 to index
            %get3A_325 = arith.constant 0 : index
            %get3A_326 = tpu.vector_load %arg7[%get3A, %get3A_324, %get3A_325] {strides = array<i32>} : memref<2x128x128xf32, #tpu.memory_space<vmem>>, vector<16xf32>,
            %mul3A_327 = arith.mulf %get3A_326, %gather3A : vector<16xf32>
            %swap3A = arith.index_cast %rem3A_261 : i32 to index
            %swap3A_328 = arith.index_cast %add3A_318 : i32 to index
            %swap3A_329 = arith.constant 0 : index
            %swap3A_330 = tpu.vector_load %arg7[%swap3A, %swap3A_328, %swap3A_329] {strides = array<i32>} : memref<2x128x128xf32, #tpu.memory_space<vmem>>, vector<16xf32>,
            tpu.vector_store %arg7[%swap3A, %swap3A_328, %swap3A_329], %mul3A_327 {strides = array<i32>} : memref<2x128x128xf32, #tpu.memory_space<vmem>>, vector<16xf32>,
            %get3A_331 = arith.index_cast %rem3A_261 : i32 to index
            %get3A_332 = arith.index_cast %add3A_318 : i32 to index
            %get3A_333 = arith.constant 16 : index
            %get3A_334 = tpu.vector_load %arg7[%get3A_331, %get3A_332, %get3A_333] {strides = array<i32>} : memref<2x128x128xf32, #tpu.memory_space<vmem>>, vector<16xf32>,
            %mul3A_335 = arith.mulf %get3A_334, %gather3A : vector<16xf32>
            %swap3A_336 = arith.index_cast %rem3A_261 : i32 to index
            %swap3A_337 = arith.index_cast %add3A_318 : i32 to index
            %swap3A_338 = arith.constant 16 : index
            %swap3A_339 = tpu.vector_load %arg7[%swap3A_336, %swap3A_337, %swap3A_338] {strides = array<i32>} : memref<2x128x128xf32, #tpu.memory_space<vmem>>, vector<16xf32>,
            tpu.vector_store %arg7[%swap3A_336, %swap3A_337, %swap3A_338], %mul3A_335 {strides = array<i32>} : memref<2x128x128xf32, #tpu.memory_space<vmem>>, vector<16xf32>,
            %get3A_340 = arith.index_cast %rem3A_261 : i32 to index
            %get3A_341 = arith.index_cast %add3A_318 : i32 to index
            %get3A_342 = arith.constant 32 : index
            %get3A_343 = tpu.vector_load %arg7[%get3A_340, %get3A_341, %get3A_342] {strides = array<i32>} : memref<2x128x128xf32, #tpu.memory_space<vmem>>, vector<16xf32>,
            %mul3A_344 = arith.mulf %get3A_343, %gather3A : vector<16xf32>
            %swap3A_345 = arith.index_cast %rem3A_261 : i32 to index
            %swap3A_346 = arith.index_cast %add3A_318 : i32 to index
            %swap3A_347 = arith.constant 32 : index
            %swap3A_348 = tpu.vector_load %arg7[%swap3A_345, %swap3A_346, %swap3A_347] {strides = array<i32>} : memref<2x128x128xf32, #tpu.memory_space<vmem>>, vector<16xf32>,
            tpu.vector_store %arg7[%swap3A_345, %swap3A_346, %swap3A_347], %mul3A_344 {strides = array<i32>} : memref<2x128x128xf32, #tpu.memory_space<vmem>>, vector<16xf32>,
            %get3A_349 = arith.index_cast %rem3A_261 : i32 to index
            %get3A_350 = arith.index_cast %add3A_318 : i32 to index
            %get3A_351 = arith.constant 48 : index
            %get3A_352 = tpu.vector_load %arg7[%get3A_349, %get3A_350, %get3A_351] {strides = array<i32>} : memref<2x128x128xf32, #tpu.memory_space<vmem>>, vector<16xf32>,
            %mul3A_353 = arith.mulf %get3A_352, %gather3A : vector<16xf32>
            %swap3A_354 = arith.index_cast %rem3A_261 : i32 to index
            %swap3A_355 = arith.index_cast %add3A_318 : i32 to index
            %swap3A_356 = arith.constant 48 : index
            %swap3A_357 = tpu.vector_load %arg7[%swap3A_354, %swap3A_355, %swap3A_356] {strides = array<i32>} : memref<2x128x128xf32, #tpu.memory_space<vmem>>, vector<16xf32>,
            tpu.vector_store %arg7[%swap3A_354, %swap3A_355, %swap3A_356], %mul3A_353 {strides = array<i32>} : memref<2x128x128xf32, #tpu.memory_space<vmem>>, vector<16xf32>,
            %get3A_358 = arith.index_cast %rem3A_261 : i32 to index
            %get3A_359 = arith.index_cast %add3A_318 : i32 to index
            %get3A_360 = arith.constant 64 : index
            %get3A_361 = tpu.vector_load %arg7[%get3A_358, %get3A_359, %get3A_360] {strides = array<i32>} : memref<2x128x128xf32, #tpu.memory_space<vmem>>, vector<16xf32>,
            %mul3A_362 = arith.mulf %get3A_361, %gather3A_323 : vector<16xf32>
            %swap3A_363 = arith.index_cast %rem3A_261 : i32 to index
            %swap3A_364 = arith.index_cast %add3A_318 : i32 to index
            %swap3A_365 = arith.constant 64 : index
            %swap3A_366 = tpu.vector_load %arg7[%swap3A_363, %swap3A_364, %swap3A_365] {strides = array<i32>} : memref<2x128x128xf32, #tpu.memory_space<vmem>>, vector<16xf32>,
            tpu.vector_store %arg7[%swap3A_363, %swap3A_364, %swap3A_365], %mul3A_362 {strides = array<i32>} : memref<2x128x128xf32, #tpu.memory_space<vmem>>, vector<16xf32>,
            %get3A_367 = arith.index_cast %rem3A_261 : i32 to index
            %get3A_368 = arith.index_cast %add3A_318 : i32 to index
            %get3A_369 = arith.constant 80 : index
            %get3A_370 = tpu.vector_load %arg7[%get3A_367, %get3A_368, %get3A_369] {strides = array<i32>} : memref<2x128x128xf32, #tpu.memory_space<vmem>>, vector<16xf32>,
            %mul3A_371 = arith.mulf %get3A_370, %gather3A_323 : vector<16xf32>
            %swap3A_372 = arith.index_cast %rem3A_261 : i32 to index
            %swap3A_373 = arith.index_cast %add3A_318 : i32 to index
            %swap3A_374 = arith.constant 80 : index
            %swap3A_375 = tpu.vector_load %arg7[%swap3A_372, %swap3A_373, %swap3A_374] {strides = array<i32>} : memref<2x128x128xf32, #tpu.memory_space<vmem>>, vector<16xf32>,
            tpu.vector_store %arg7[%swap3A_372, %swap3A_373, %swap3A_374], %mul3A_371 {strides = array<i32>} : memref<2x128x128xf32, #tpu.memory_space<vmem>>, vector<16xf32>,
            %get3A_376 = arith.index_cast %rem3A_261 : i32 to index
            %get3A_377 = arith.index_cast %add3A_318 : i32 to index
            %get3A_378 = arith.constant 96 : index
            %get3A_379 = tpu.vector_load %arg7[%get3A_376, %get3A_377, %get3A_378] {strides = array<i32>} : memref<2x128x128xf32, #tpu.memory_space<vmem>>, vector<16xf32>,
            %mul3A_380 = arith.mulf %get3A_379, %gather3A_323 : vector<16xf32>
            %swap3A_381 = arith.index_cast %rem3A_261 : i32 to index
            %swap3A_382 = arith.index_cast %add3A_318 : i32 to index
            %swap3A_383 = arith.constant 96 : index
            %swap3A_384 = tpu.vector_load %arg7[%swap3A_381, %swap3A_382, %swap3A_383] {strides = array<i32>} : memref<2x128x128xf32, #tpu.memory_space<vmem>>, vector<16xf32>,
            tpu.vector_store %arg7[%swap3A_381, %swap3A_382, %swap3A_383], %mul3A_380 {strides = array<i32>} : memref<2x128x128xf32, #tpu.memory_space<vmem>>, vector<16xf32>,
            %get3A_385 = arith.index_cast %rem3A_261 : i32 to index
            %get3A_386 = arith.index_cast %add3A_318 : i32 to index
            %get3A_387 = arith.constant 112 : index
            %get3A_388 = tpu.vector_load %arg7[%get3A_385, %get3A_386, %get3A_387] {strides = array<i32>} : memref<2x128x128xf32, #tpu.memory_space<vmem>>, vector<16xf32>,
            %mul3A_389 = arith.mulf %get3A_388, %gather3A_323 : vector<16xf32>
            %swap3A_390 = arith.index_cast %rem3A_261 : i32 to index
            %swap3A_391 = arith.index_cast %add3A_318 : i32 to index
            %swap3A_392 = arith.constant 112 : index
            %swap3A_393 = tpu.vector_load %arg7[%swap3A_390, %swap3A_391, %swap3A_392] {strides = array<i32>} : memref<2x128x128xf32, #tpu.memory_space<vmem>>, vector<16xf32>,
            tpu.vector_store %arg7[%swap3A_390, %swap3A_391, %swap3A_392], %mul3A_389 {strides = array<i32>} : memref<2x128x128xf32, #tpu.memory_space<vmem>>, vector<16xf32>,
            %add3A_394 = arith.constant 1 : i32
            %add3A_395 = arith.addi %add3A_316, %add3A_394 : i32
            %mul3A_396 = arith.constant 128 : i32
            %mul3A_397 = arith.muli %add3A_259, %mul3A_396 : i32
            %add3A_398 = arith.addi %mul3A_397, %add3A_395 : i32
            %broadcast_in_dim3A_399 = vector.broadcast %add3A_398 : i32 to vector<16xi32>
            %gather3A_400 = tpu.vector_load_idx %arg11[%broadcast_in_dim3A_199, %broadcast_in_dim3A_7, %broadcast_in_dim3A_399] : memref<2x2x1152xf32, #tpu.memory_space<vmem>>[vector<16xi32>, vector<16xi32>, vector<16xi32>], vector<16xf32>,
            %gather3A_401 = tpu.vector_load_idx %arg11[%broadcast_in_dim3A_199, %broadcast_in_dim3A_9, %broadcast_in_dim3A_399] : memref<2x2x1152xf32, #tpu.memory_space<vmem>>[vector<16xi32>, vector<16xi32>, vector<16xi32>], vector<16xf32>,
            %get3A_402 = arith.index_cast %rem3A_261 : i32 to index
            %get3A_403 = arith.index_cast %add3A_395 : i32 to index
            %get3A_404 = arith.constant 0 : index
            %get3A_405 = tpu.vector_load %arg7[%get3A_402, %get3A_403, %get3A_404] {strides = array<i32>} : memref<2x128x128xf32, #tpu.memory_space<vmem>>, vector<16xf32>,
            %mul3A_406 = arith.mulf %get3A_405, %gather3A_400 : vector<16xf32>
            %swap3A_407 = arith.index_cast %rem3A_261 : i32 to index
            %swap3A_408 = arith.index_cast %add3A_395 : i32 to index
            %swap3A_409 = arith.constant 0 : index
            %swap3A_410 = tpu.vector_load %arg7[%swap3A_407, %swap3A_408, %swap3A_409] {strides = array<i32>} : memref<2x128x128xf32, #tpu.memory_space<vmem>>, vector<16xf32>,
            tpu.vector_store %arg7[%swap3A_407, %swap3A_408, %swap3A_409], %mul3A_406 {strides = array<i32>} : memref<2x128x128xf32, #tpu.memory_space<vmem>>, vector<16xf32>,
            %get3A_411 = arith.index_cast %rem3A_261 : i32 to index
            %get3A_412 = arith.index_cast %add3A_395 : i32 to index
            %get3A_413 = arith.constant 16 : index
            %get3A_414 = tpu.vector_load %arg7[%get3A_411, %get3A_412, %get3A_413] {strides = array<i32>} : memref<2x128x128xf32, #tpu.memory_space<vmem>>, vector<16xf32>,
            %mul3A_415 = arith.mulf %get3A_414, %gather3A_400 : vector<16xf32>
            %swap3A_416 = arith.index_cast %rem3A_261 : i32 to index
            %swap3A_417 = arith.index_cast %add3A_395 : i32 to index
            %swap3A_418 = arith.constant 16 : index
            %swap3A_419 = tpu.vector_load %arg7[%swap3A_416, %swap3A_417, %swap3A_418] {strides = array<i32>} : memref<2x128x128xf32, #tpu.memory_space<vmem>>, vector<16xf32>,
            tpu.vector_store %arg7[%swap3A_416, %swap3A_417, %swap3A_418], %mul3A_415 {strides = array<i32>} : memref<2x128x128xf32, #tpu.memory_space<vmem>>, vector<16xf32>,
            %get3A_420 = arith.index_cast %rem3A_261 : i32 to index
            %get3A_421 = arith.index_cast %add3A_395 : i32 to index
            %get3A_422 = arith.constant 32 : index
            %get3A_423 = tpu.vector_load %arg7[%get3A_420, %get3A_421, %get3A_422] {strides = array<i32>} : memref<2x128x128xf32, #tpu.memory_space<vmem>>, vector<16xf32>,
            %mul3A_424 = arith.mulf %get3A_423, %gather3A_400 : vector<16xf32>
            %swap3A_425 = arith.index_cast %rem3A_261 : i32 to index
            %swap3A_426 = arith.index_cast %add3A_395 : i32 to index
            %swap3A_427 = arith.constant 32 : index
            %swap3A_428 = tpu.vector_load %arg7[%swap3A_425, %swap3A_426, %swap3A_427] {strides = array<i32>} : memref<2x128x128xf32, #tpu.memory_space<vmem>>, vector<16xf32>,
            tpu.vector_store %arg7[%swap3A_425, %swap3A_426, %swap3A_427], %mul3A_424 {strides = array<i32>} : memref<2x128x128xf32, #tpu.memory_space<vmem>>, vector<16xf32>,
            %get3A_429 = arith.index_cast %rem3A_261 : i32 to index
            %get3A_430 = arith.index_cast %add3A_395 : i32 to index
            %get3A_431 = arith.constant 48 : index
            %get3A_432 = tpu.vector_load %arg7[%get3A_429, %get3A_430, %get3A_431] {strides = array<i32>} : memref<2x128x128xf32, #tpu.memory_space<vmem>>, vector<16xf32>,
            %mul3A_433 = arith.mulf %get3A_432, %gather3A_400 : vector<16xf32>
            %swap3A_434 = arith.index_cast %rem3A_261 : i32 to index
            %swap3A_435 = arith.index_cast %add3A_395 : i32 to index
            %swap3A_436 = arith.constant 48 : index
            %swap3A_437 = tpu.vector_load %arg7[%swap3A_434, %swap3A_435, %swap3A_436] {strides = array<i32>} : memref<2x128x128xf32, #tpu.memory_space<vmem>>, vector<16xf32>,
            tpu.vector_store %arg7[%swap3A_434, %swap3A_435, %swap3A_436], %mul3A_433 {strides = array<i32>} : memref<2x128x128xf32, #tpu.memory_space<vmem>>, vector<16xf32>,
            %get3A_438 = arith.index_cast %rem3A_261 : i32 to index
            %get3A_439 = arith.index_cast %add3A_395 : i32 to index
            %get3A_440 = arith.constant 64 : index
            %get3A_441 = tpu.vector_load %arg7[%get3A_438, %get3A_439, %get3A_440] {strides = array<i32>} : memref<2x128x128xf32, #tpu.memory_space<vmem>>, vector<16xf32>,
            %mul3A_442 = arith.mulf %get3A_441, %gather3A_401 : vector<16xf32>
            %swap3A_443 = arith.index_cast %rem3A_261 : i32 to index
            %swap3A_444 = arith.index_cast %add3A_395 : i32 to index
            %swap3A_445 = arith.constant 64 : index
            %swap3A_446 = tpu.vector_load %arg7[%swap3A_443, %swap3A_444, %swap3A_445] {strides = array<i32>} : memref<2x128x128xf32, #tpu.memory_space<vmem>>, vector<16xf32>,
            tpu.vector_store %arg7[%swap3A_443, %swap3A_444, %swap3A_445], %mul3A_442 {strides = array<i32>} : memref<2x128x128xf32, #tpu.memory_space<vmem>>, vector<16xf32>,
            %get3A_447 = arith.index_cast %rem3A_261 : i32 to index
            %get3A_448 = arith.index_cast %add3A_395 : i32 to index
            %get3A_449 = arith.constant 80 : index
            %get3A_450 = tpu.vector_load %arg7[%get3A_447, %get3A_448, %get3A_449] {strides = array<i32>} : memref<2x128x128xf32, #tpu.memory_space<vmem>>, vector<16xf32>,
            %mul3A_451 = arith.mulf %get3A_450, %gather3A_401 : vector<16xf32>
            %swap3A_452 = arith.index_cast %rem3A_261 : i32 to index
            %swap3A_453 = arith.index_cast %add3A_395 : i32 to index
            %swap3A_454 = arith.constant 80 : index
            %swap3A_455 = tpu.vector_load %arg7[%swap3A_452, %swap3A_453, %swap3A_454] {strides = array<i32>} : memref<2x128x128xf32, #tpu.memory_space<vmem>>, vector<16xf32>,
            tpu.vector_store %arg7[%swap3A_452, %swap3A_453, %swap3A_454], %mul3A_451 {strides = array<i32>} : memref<2x128x128xf32, #tpu.memory_space<vmem>>, vector<16xf32>,
            %get3A_456 = arith.index_cast %rem3A_261 : i32 to index
            %get3A_457 = arith.index_cast %add3A_395 : i32 to index
            %get3A_458 = arith.constant 96 : index
            %get3A_459 = tpu.vector_load %arg7[%get3A_456, %get3A_457, %get3A_458] {strides = array<i32>} : memref<2x128x128xf32, #tpu.memory_space<vmem>>, vector<16xf32>,
            %mul3A_460 = arith.mulf %get3A_459, %gather3A_401 : vector<16xf32>
            %swap3A_461 = arith.index_cast %rem3A_261 : i32 to index
            %swap3A_462 = arith.index_cast %add3A_395 : i32 to index
            %swap3A_463 = arith.constant 96 : index
            %swap3A_464 = tpu.vector_load %arg7[%swap3A_461, %swap3A_462, %swap3A_463] {strides = array<i32>} : memref<2x128x128xf32, #tpu.memory_space<vmem>>, vector<16xf32>,
            tpu.vector_store %arg7[%swap3A_461, %swap3A_462, %swap3A_463], %mul3A_460 {strides = array<i32>} : memref<2x128x128xf32, #tpu.memory_space<vmem>>, vector<16xf32>,
            %get3A_465 = arith.index_cast %rem3A_261 : i32 to index
            %get3A_466 = arith.index_cast %add3A_395 : i32 to index
            %get3A_467 = arith.constant 112 : index
            %get3A_468 = tpu.vector_load %arg7[%get3A_465, %get3A_466, %get3A_467] {strides = array<i32>} : memref<2x128x128xf32, #tpu.memory_space<vmem>>, vector<16xf32>,
            %mul3A_469 = arith.mulf %get3A_468, %gather3A_401 : vector<16xf32>
            %swap3A_470 = arith.index_cast %rem3A_261 : i32 to index
            %swap3A_471 = arith.index_cast %add3A_395 : i32 to index
            %swap3A_472 = arith.constant 112 : index
            %swap3A_473 = tpu.vector_load %arg7[%swap3A_470, %swap3A_471, %swap3A_472] {strides = array<i32>} : memref<2x128x128xf32, #tpu.memory_space<vmem>>, vector<16xf32>,
            tpu.vector_store %arg7[%swap3A_470, %swap3A_471, %swap3A_472], %mul3A_469 {strides = array<i32>} : memref<2x128x128xf32, #tpu.memory_space<vmem>>, vector<16xf32>,
          }
          %scan3A_299 = arith.constant 64 : i32
          %dma_start3A_300 = arith.constant 0 : i32
          %dma_start3A_301 = arith.constant 0 : i32
          %dma_start3A_302 = tpu.memref_slice %arg7[%rem3A_261, %dma_start3A_300, %dma_start3A_301] : memref<2x128x128xf32, #tpu.memory_space<vmem>> -> memref<1x128x128xf32, #tpu.memory_space<vmem>>
          %dma_start3A_303 = tpu.memref_squeeze %dma_start3A_302 : memref<1x128x128xf32, #tpu.memory_space<vmem>> -> memref<128x128xf32, #tpu.memory_space<vmem>>
          %dma_start3A_304 = arith.constant 0 : i32
          %dma_start3A_305 = tpu.memref_slice %arg10[%rem3A_261, %dma_start3A_304] : memref<2x128xi32, #tpu.memory_space<vmem>> -> memref<1x128xi32, #tpu.memory_space<vmem>>
          %dma_start3A_306 = tpu.memref_squeeze %dma_start3A_305 : memref<1x128xi32, #tpu.memory_space<vmem>> -> memref<128xi32, #tpu.memory_space<vmem>>
          %dma_start3A_307 = arith.constant 0 : i32
          %dma_start3A_308 = arith.constant 0 : i32
          %dma_start3A_309 = tpu.memref_slice %arg13[%dma_start3A_307, %dma_start3A_308] : memref<10240x128xf32, #tpu.memory_space<vmem_shared>> -> memref<10240x128xf32, #tpu.memory_space<vmem_shared>>
          %dma_start3A_310 = tpu.memref_slice %arg15[%rem3A_261] : memref<2x!tpu.dma_semaphore, #tpu.memory_space<semaphore_mem>> -> memref<1x!tpu.dma_semaphore, #tpu.memory_space<semaphore_mem>>
          %dma_start3A_311 = tpu.memref_squeeze %dma_start3A_310 : memref<1x!tpu.dma_semaphore, #tpu.memory_space<semaphore_mem>> -> memref<!tpu.dma_semaphore, #tpu.memory_space<semaphore_mem>>
          tpu.enqueue_indirect_dma source(%dma_start3A_303 : memref<128x128xf32, #tpu.memory_space<vmem>>) target(%dma_start3A_309 : memref<10240x128xf32, #tpu.memory_space<vmem_shared>>) offsets(%dma_start3A_306 : memref<128xi32, #tpu.memory_space<vmem>>) semaphore(%dma_start3A_311 : memref<!tpu.dma_semaphore, #tpu.memory_space<semaphore_mem>>) {add = true}
        }
        %scan3A_224 = arith.constant 9 : i32
        %dma_wait3A_225 = arith.constant 0 : i32
        %dma_wait3A_226 = arith.constant 0 : i32
        %dma_wait3A_227 = arith.constant 0 : i32
        %dma_wait3A_228 = arith.constant 0 : i32
        %dma_wait3A_229 = arith.constant 0 : i32
        %dma_wait3A_230 = tpu.memref_slice %arg7[%dma_wait3A_225, %dma_wait3A_228, %dma_wait3A_229] : memref<2x128x128xf32, #tpu.memory_space<vmem>> -> memref<1x128x128xf32, #tpu.memory_space<vmem>>
        %dma_wait3A_231 = tpu.memref_squeeze %dma_wait3A_230 : memref<1x128x128xf32, #tpu.memory_space<vmem>> -> memref<128x128xf32, #tpu.memory_space<vmem>>
        %dma_wait3A_232 = arith.constant 0 : i32
        %dma_wait3A_233 = tpu.memref_slice %arg10[%dma_wait3A_226, %dma_wait3A_232] : memref<2x128xi32, #tpu.memory_space<vmem>> -> memref<1x128xi32, #tpu.memory_space<vmem>>
        %dma_wait3A_234 = tpu.memref_squeeze %dma_wait3A_233 : memref<1x128xi32, #tpu.memory_space<vmem>> -> memref<128xi32, #tpu.memory_space<vmem>>
        %dma_wait3A_235 = arith.constant 0 : i32
        %dma_wait3A_236 = arith.constant 0 : i32
        %dma_wait3A_237 = tpu.memref_slice %arg13[%dma_wait3A_235, %dma_wait3A_236] : memref<10240x128xf32, #tpu.memory_space<vmem_shared>> -> memref<10240x128xf32, #tpu.memory_space<vmem_shared>>
        %dma_wait3A_238 = tpu.memref_slice %arg15[%dma_wait3A_227] : memref<2x!tpu.dma_semaphore, #tpu.memory_space<semaphore_mem>> -> memref<1x!tpu.dma_semaphore, #tpu.memory_space<semaphore_mem>>
        %dma_wait3A_239 = tpu.memref_squeeze %dma_wait3A_238 : memref<1x!tpu.dma_semaphore, #tpu.memory_space<semaphore_mem>> -> memref<!tpu.dma_semaphore, #tpu.memory_space<semaphore_mem>>
        tpu.wait_indirect_dma semaphore(%dma_wait3A_239 : memref<!tpu.dma_semaphore, #tpu.memory_space<semaphore_mem>>) src(%dma_wait3A_231 : memref<128x128xf32, #tpu.memory_space<vmem>>) dst(%dma_wait3A_237 : memref<10240x128xf32, #tpu.memory_space<vmem_shared>>)
        %dma_wait3A_240 = arith.constant 1 : i32
        %dma_wait3A_241 = arith.constant 1 : i32
        %dma_wait3A_242 = arith.constant 1 : i32
        %dma_wait3A_243 = arith.constant 0 : i32
        %dma_wait3A_244 = arith.constant 0 : i32
        %dma_wait3A_245 = tpu.memref_slice %arg7[%dma_wait3A_240, %dma_wait3A_243, %dma_wait3A_244] : memref<2x128x128xf32, #tpu.memory_space<vmem>> -> memref<1x128x128xf32, #tpu.memory_space<vmem>>
        %dma_wait3A_246 = tpu.memref_squeeze %dma_wait3A_245 : memref<1x128x128xf32, #tpu.memory_space<vmem>> -> memref<128x128xf32, #tpu.memory_space<vmem>>
        %dma_wait3A_247 = arith.constant 0 : i32
        %dma_wait3A_248 = tpu.memref_slice %arg10[%dma_wait3A_241, %dma_wait3A_247] : memref<2x128xi32, #tpu.memory_space<vmem>> -> memref<1x128xi32, #tpu.memory_space<vmem>>
        %dma_wait3A_249 = tpu.memref_squeeze %dma_wait3A_248 : memref<1x128xi32, #tpu.memory_space<vmem>> -> memref<128xi32, #tpu.memory_space<vmem>>
        %dma_wait3A_250 = arith.constant 0 : i32
        %dma_wait3A_251 = arith.constant 0 : i32
        %dma_wait3A_252 = tpu.memref_slice %arg13[%dma_wait3A_250, %dma_wait3A_251] : memref<10240x128xf32, #tpu.memory_space<vmem_shared>> -> memref<10240x128xf32, #tpu.memory_space<vmem_shared>>
        %dma_wait3A_253 = tpu.memref_slice %arg15[%dma_wait3A_242] : memref<2x!tpu.dma_semaphore, #tpu.memory_space<semaphore_mem>> -> memref<1x!tpu.dma_semaphore, #tpu.memory_space<semaphore_mem>>
        %dma_wait3A_254 = tpu.memref_squeeze %dma_wait3A_253 : memref<1x!tpu.dma_semaphore, #tpu.memory_space<semaphore_mem>> -> memref<!tpu.dma_semaphore, #tpu.memory_space<semaphore_mem>>
        tpu.wait_indirect_dma semaphore(%dma_wait3A_254 : memref<!tpu.dma_semaphore, #tpu.memory_space<semaphore_mem>>) src(%dma_wait3A_246 : memref<128x128xf32, #tpu.memory_space<vmem>>) dst(%dma_wait3A_252 : memref<10240x128xf32, #tpu.memory_space<vmem_shared>>)
      }
      %scan3A_127 = arith.constant 9 : i32
      %barrier3A_128 = arith.constant 0 : index
      tpu.barrier barrier_id(%barrier3A_128)
      "tpu.region"() ({
        %run_scoped3A = tpu.sem_alloc : memref<!tpu.dma_semaphore, #tpu.memory_space<semaphore_mem>>
        %dma_start3A_130 = arith.constant 0 : i32
        %dma_start3A_131 = tpu.memref_slice %arg6[%arg0, %add3A_18, %mul3A_5, %dma_start3A_130] : memref<2x4x10240x128xf32, #tpu.memory_space<hbm>> -> memref<1x1x640x128xf32, #tpu.memory_space<hbm>>
        %dma_start3A_132 = tpu.memref_squeeze %dma_start3A_131 : memref<1x1x640x128xf32, #tpu.memory_space<hbm>> -> memref<640x128xf32, #tpu.memory_space<hbm>>
        %dma_start3A_133 = arith.constant 0 : i32
        %dma_start3A_134 = tpu.memref_slice %arg13[%mul3A_5, %dma_start3A_133] : memref<10240x128xf32, #tpu.memory_space<vmem_shared>> -> memref<640x128xf32, #tpu.memory_space<vmem_shared>>
        tpu.enqueue_dma source(%dma_start3A_134 : memref<640x128xf32, #tpu.memory_space<vmem_shared>>) target(%dma_start3A_132 : memref<640x128xf32, #tpu.memory_space<hbm>>) target_semaphore(%run_scoped3A : memref<!tpu.dma_semaphore, #tpu.memory_space<semaphore_mem>>)
        %dma_wait3A = arith.constant 0 : i32
        %dma_wait3A_135 = tpu.memref_slice %arg6[%arg0, %add3A_18, %mul3A_5, %dma_wait3A] : memref<2x4x10240x128xf32, #tpu.memory_space<hbm>> -> memref<1x1x640x128xf32, #tpu.memory_space<hbm>>
        %dma_wait3A_136 = tpu.memref_squeeze %dma_wait3A_135 : memref<1x1x640x128xf32, #tpu.memory_space<hbm>> -> memref<640x128xf32, #tpu.memory_space<hbm>>
        %dma_wait3A_137 = arith.constant 0 : i32
        %dma_wait3A_138 = tpu.memref_slice %arg13[%mul3A_5, %dma_wait3A_137] : memref<10240x128xf32, #tpu.memory_space<vmem_shared>> -> memref<640x128xf32, #tpu.memory_space<vmem_shared>>
        tpu.wait_dma2 semaphore(%run_scoped3A : memref<!tpu.dma_semaphore, #tpu.memory_space<semaphore_mem>>) src(%dma_wait3A_138 : memref<640x128xf32, #tpu.memory_space<vmem_shared>>) dst(%dma_wait3A_136 : memref<640x128xf32, #tpu.memory_space<hbm>>)
        tpu.yield
      }) : () -> ()
      %barrier3A_129 = arith.constant 0 : index
      tpu.barrier barrier_id(%barrier3A_129)
    }
    %scan3A_14 = arith.constant 4 : i32
    return
  }
}

#map = affine_map<(d0, d1) -> (0, 0, 0)>
#map1 = affine_map<(d0, d1) -> (0)>
#map2 = affine_map<(d0, d1) -> (0, 0, 0, 0)>
module attributes {stable_mosaic.version = 14 : i64} {
  func.func @k(%arg0: i32, %arg1: i32, %arg2: memref<1x10240x128xf32, #tpu.memory_space<hbm>>, %arg3: memref<1x32x10368xf32, #tpu.memory_space<hbm>>, %arg4: memref<331776xi32, #tpu.memory_space<hbm>>, %arg5: memref<331776xi32, #tpu.memory_space<hbm>>, %arg6: memref<2x1x10240x128xf32, #tpu.memory_space<hbm>>, %arg7: memref<2x128x128xf32, #tpu.memory_space<vmem>>, %arg8: memref<2x1152xi32, #tpu.memory_space<vmem>>, %arg9: memref<2x1152xi32, #tpu.memory_space<vmem>>, %arg10: memref<2x128xi32, #tpu.memory_space<vmem>>, %arg11: memref<2x1x1152xf32, #tpu.memory_space<vmem>>, %arg12: memref<40x128xf32, #tpu.memory_space<vmem>>, %arg13: memref<10240x128xf32, #tpu.memory_space<vmem_shared>>, %arg14: memref<2x!tpu.dma_semaphore, #tpu.memory_space<semaphore_mem>>, %arg15: memref<2x!tpu.dma_semaphore, #tpu.memory_space<semaphore_mem>>, %arg16: memref<2x!tpu.dma_semaphore, #tpu.memory_space<semaphore_mem>>) attributes {dimension_semantics = [#tpu.dimension_semantics<core_parallel>, #tpu.dimension_semantics<subcore_parallel>], iteration_bounds = array<i64: 2, 16>, scalar_prefetch = 0 : i64, scratch_operands = 10 : i64, tpu.core_type = #tpu.core_type<sc_vector_subcore>, window_params = [{transform_indices = #map}, {transform_indices = #map}, {transform_indices = #map1}, {transform_indices = #map1}, {transform_indices = #map2}]} {
    %broadcast_in_dim3A = arith.constant 0.000000e+00 : f32
    %broadcast_in_dim3A_0 = vector.broadcast %broadcast_in_dim3A : f32 to vector<16xf32>
    %scan3A = arith.constant 0 : i32
    %scan3A_1 = arith.constant 40 : i32
    %scan3A_2 = arith.addi %scan3A, %scan3A_1 : i32
    %scan3A_3 = arith.constant 1 : i32
    scf.for %scan3A_105 = %scan3A to %scan3A_2 step %scan3A_3  : i32 {
      %mul3A_106 = arith.constant 1 : i32
      %mul3A_107 = arith.muli %scan3A_105, %mul3A_106 : i32
      %add3A_108 = arith.constant 0 : i32
      %add3A_109 = arith.addi %add3A_108, %mul3A_107 : i32
      %swap3A = arith.index_cast %add3A_109 : i32 to index
      %swap3A_110 = arith.constant 0 : index
      %swap3A_111 = tpu.vector_load %arg12[%swap3A, %swap3A_110] {strides = array<i32>} : memref<40x128xf32, #tpu.memory_space<vmem>>, vector<16xf32>,
      tpu.vector_store %arg12[%swap3A, %swap3A_110], %broadcast_in_dim3A_0 {strides = array<i32>} : memref<40x128xf32, #tpu.memory_space<vmem>>, vector<16xf32>,
      %swap3A_112 = arith.index_cast %add3A_109 : i32 to index
      %swap3A_113 = arith.constant 16 : index
      %swap3A_114 = tpu.vector_load %arg12[%swap3A_112, %swap3A_113] {strides = array<i32>} : memref<40x128xf32, #tpu.memory_space<vmem>>, vector<16xf32>,
      tpu.vector_store %arg12[%swap3A_112, %swap3A_113], %broadcast_in_dim3A_0 {strides = array<i32>} : memref<40x128xf32, #tpu.memory_space<vmem>>, vector<16xf32>,
      %swap3A_115 = arith.index_cast %add3A_109 : i32 to index
      %swap3A_116 = arith.constant 32 : index
      %swap3A_117 = tpu.vector_load %arg12[%swap3A_115, %swap3A_116] {strides = array<i32>} : memref<40x128xf32, #tpu.memory_space<vmem>>, vector<16xf32>,
      tpu.vector_store %arg12[%swap3A_115, %swap3A_116], %broadcast_in_dim3A_0 {strides = array<i32>} : memref<40x128xf32, #tpu.memory_space<vmem>>, vector<16xf32>,
      %swap3A_118 = arith.index_cast %add3A_109 : i32 to index
      %swap3A_119 = arith.constant 48 : index
      %swap3A_120 = tpu.vector_load %arg12[%swap3A_118, %swap3A_119] {strides = array<i32>} : memref<40x128xf32, #tpu.memory_space<vmem>>, vector<16xf32>,
      tpu.vector_store %arg12[%swap3A_118, %swap3A_119], %broadcast_in_dim3A_0 {strides = array<i32>} : memref<40x128xf32, #tpu.memory_space<vmem>>, vector<16xf32>,
      %swap3A_121 = arith.index_cast %add3A_109 : i32 to index
      %swap3A_122 = arith.constant 64 : index
      %swap3A_123 = tpu.vector_load %arg12[%swap3A_121, %swap3A_122] {strides = array<i32>} : memref<40x128xf32, #tpu.memory_space<vmem>>, vector<16xf32>,
      tpu.vector_store %arg12[%swap3A_121, %swap3A_122], %broadcast_in_dim3A_0 {strides = array<i32>} : memref<40x128xf32, #tpu.memory_space<vmem>>, vector<16xf32>,
      %swap3A_124 = arith.index_cast %add3A_109 : i32 to index
      %swap3A_125 = arith.constant 80 : index
      %swap3A_126 = tpu.vector_load %arg12[%swap3A_124, %swap3A_125] {strides = array<i32>} : memref<40x128xf32, #tpu.memory_space<vmem>>, vector<16xf32>,
      tpu.vector_store %arg12[%swap3A_124, %swap3A_125], %broadcast_in_dim3A_0 {strides = array<i32>} : memref<40x128xf32, #tpu.memory_space<vmem>>, vector<16xf32>,
      %swap3A_127 = arith.index_cast %add3A_109 : i32 to index
      %swap3A_128 = arith.constant 96 : index
      %swap3A_129 = tpu.vector_load %arg12[%swap3A_127, %swap3A_128] {strides = array<i32>} : memref<40x128xf32, #tpu.memory_space<vmem>>, vector<16xf32>,
      tpu.vector_store %arg12[%swap3A_127, %swap3A_128], %broadcast_in_dim3A_0 {strides = array<i32>} : memref<40x128xf32, #tpu.memory_space<vmem>>, vector<16xf32>,
      %swap3A_130 = arith.index_cast %add3A_109 : i32 to index
      %swap3A_131 = arith.constant 112 : index
      %swap3A_132 = tpu.vector_load %arg12[%swap3A_130, %swap3A_131] {strides = array<i32>} : memref<40x128xf32, #tpu.memory_space<vmem>>, vector<16xf32>,
      tpu.vector_store %arg12[%swap3A_130, %swap3A_131], %broadcast_in_dim3A_0 {strides = array<i32>} : memref<40x128xf32, #tpu.memory_space<vmem>>, vector<16xf32>,
    }
    %scan3A_4 = arith.constant 40 : i32
    %mul3A = arith.constant 640 : i32
    %mul3A_5 = arith.muli %arg1, %mul3A : i32
    %broadcast_in_dim3A_6 = arith.constant 0 : i32
    %broadcast_in_dim3A_7 = vector.broadcast %broadcast_in_dim3A_6 : i32 to vector<16xi32>
    %broadcast_in_dim3A_8 = arith.constant 1 : i32
    %broadcast_in_dim3A_9 = vector.broadcast %broadcast_in_dim3A_8 : i32 to vector<16xi32>
    %scan3A_10 = arith.constant 0 : i32
    %mul3A_11 = arith.constant 1 : i32
    %mul3A_12 = arith.muli %scan3A_10, %mul3A_11 : i32
    %add3A = arith.constant 0 : i32
    %add3A_13 = arith.addi %add3A, %mul3A_12 : i32
    %add3A_14 = arith.constant 0 : i32
    %add3A_15 = arith.addi %mul3A_5, %add3A_14 : i32
    "tpu.region"() ({
      %run_scoped3A = tpu.sem_alloc : memref<!tpu.dma_semaphore, #tpu.memory_space<semaphore_mem>>
      %dma_start3A_105 = arith.constant 0 : i32
      %dma_start3A_106 = tpu.memref_slice %arg13[%add3A_15, %dma_start3A_105] : memref<10240x128xf32, #tpu.memory_space<vmem_shared>> -> memref<40x128xf32, #tpu.memory_space<vmem_shared>>
      %dma_start3A_107 = arith.constant 0 : i32
      %dma_start3A_108 = tpu.memref_slice %arg13[%add3A_15, %dma_start3A_107] : memref<10240x128xf32, #tpu.memory_space<vmem_shared>> -> memref<40x128xf32, #tpu.memory_space<vmem_shared>>
      tpu.enqueue_dma source(%arg12 : memref<40x128xf32, #tpu.memory_space<vmem>>) target(%dma_start3A_108 : memref<40x128xf32, #tpu.memory_space<vmem_shared>>) target_semaphore(%run_scoped3A : memref<!tpu.dma_semaphore, #tpu.memory_space<semaphore_mem>>)
      %dma_wait3A = arith.constant 0 : i32
      %dma_wait3A_109 = tpu.memref_slice %arg13[%add3A_15, %dma_wait3A] : memref<10240x128xf32, #tpu.memory_space<vmem_shared>> -> memref<40x128xf32, #tpu.memory_space<vmem_shared>>
      %dma_wait3A_110 = arith.constant 0 : i32
      %dma_wait3A_111 = tpu.memref_slice %arg13[%add3A_15, %dma_wait3A_110] : memref<10240x128xf32, #tpu.memory_space<vmem_shared>> -> memref<40x128xf32, #tpu.memory_space<vmem_shared>>
      tpu.wait_dma2 semaphore(%run_scoped3A : memref<!tpu.dma_semaphore, #tpu.memory_space<semaphore_mem>>) src(%arg12 : memref<40x128xf32, #tpu.memory_space<vmem>>) dst(%dma_wait3A_111 : memref<40x128xf32, #tpu.memory_space<vmem_shared>>)
      tpu.yield
    }) : () -> ()
    %add3A_16 = arith.constant 40 : i32
    %add3A_17 = arith.addi %mul3A_5, %add3A_16 : i32
    "tpu.region"() ({
      %run_scoped3A = tpu.sem_alloc : memref<!tpu.dma_semaphore, #tpu.memory_space<semaphore_mem>>
      %dma_start3A_105 = arith.constant 0 : i32
      %dma_start3A_106 = tpu.memref_slice %arg13[%add3A_17, %dma_start3A_105] : memref<10240x128xf32, #tpu.memory_space<vmem_shared>> -> memref<40x128xf32, #tpu.memory_space<vmem_shared>>
      %dma_start3A_107 = arith.constant 0 : i32
      %dma_start3A_108 = tpu.memref_slice %arg13[%add3A_17, %dma_start3A_107] : memref<10240x128xf32, #tpu.memory_space<vmem_shared>> -> memref<40x128xf32, #tpu.memory_space<vmem_shared>>
      tpu.enqueue_dma source(%arg12 : memref<40x128xf32, #tpu.memory_space<vmem>>) target(%dma_start3A_108 : memref<40x128xf32, #tpu.memory_space<vmem_shared>>) target_semaphore(%run_scoped3A : memref<!tpu.dma_semaphore, #tpu.memory_space<semaphore_mem>>)
      %dma_wait3A = arith.constant 0 : i32
      %dma_wait3A_109 = tpu.memref_slice %arg13[%add3A_17, %dma_wait3A] : memref<10240x128xf32, #tpu.memory_space<vmem_shared>> -> memref<40x128xf32, #tpu.memory_space<vmem_shared>>
      %dma_wait3A_110 = arith.constant 0 : i32
      %dma_wait3A_111 = tpu.memref_slice %arg13[%add3A_17, %dma_wait3A_110] : memref<10240x128xf32, #tpu.memory_space<vmem_shared>> -> memref<40x128xf32, #tpu.memory_space<vmem_shared>>
      tpu.wait_dma2 semaphore(%run_scoped3A : memref<!tpu.dma_semaphore, #tpu.memory_space<semaphore_mem>>) src(%arg12 : memref<40x128xf32, #tpu.memory_space<vmem>>) dst(%dma_wait3A_111 : memref<40x128xf32, #tpu.memory_space<vmem_shared>>)
      tpu.yield
    }) : () -> ()
    %add3A_18 = arith.constant 80 : i32
    %add3A_19 = arith.addi %mul3A_5, %add3A_18 : i32
    "tpu.region"() ({
      %run_scoped3A = tpu.sem_alloc : memref<!tpu.dma_semaphore, #tpu.memory_space<semaphore_mem>>
      %dma_start3A_105 = arith.constant 0 : i32
      %dma_start3A_106 = tpu.memref_slice %arg13[%add3A_19, %dma_start3A_105] : memref<10240x128xf32, #tpu.memory_space<vmem_shared>> -> memref<40x128xf32, #tpu.memory_space<vmem_shared>>
      %dma_start3A_107 = arith.constant 0 : i32
      %dma_start3A_108 = tpu.memref_slice %arg13[%add3A_19, %dma_start3A_107] : memref<10240x128xf32, #tpu.memory_space<vmem_shared>> -> memref<40x128xf32, #tpu.memory_space<vmem_shared>>
      tpu.enqueue_dma source(%arg12 : memref<40x128xf32, #tpu.memory_space<vmem>>) target(%dma_start3A_108 : memref<40x128xf32, #tpu.memory_space<vmem_shared>>) target_semaphore(%run_scoped3A : memref<!tpu.dma_semaphore, #tpu.memory_space<semaphore_mem>>)
      %dma_wait3A = arith.constant 0 : i32
      %dma_wait3A_109 = tpu.memref_slice %arg13[%add3A_19, %dma_wait3A] : memref<10240x128xf32, #tpu.memory_space<vmem_shared>> -> memref<40x128xf32, #tpu.memory_space<vmem_shared>>
      %dma_wait3A_110 = arith.constant 0 : i32
      %dma_wait3A_111 = tpu.memref_slice %arg13[%add3A_19, %dma_wait3A_110] : memref<10240x128xf32, #tpu.memory_space<vmem_shared>> -> memref<40x128xf32, #tpu.memory_space<vmem_shared>>
      tpu.wait_dma2 semaphore(%run_scoped3A : memref<!tpu.dma_semaphore, #tpu.memory_space<semaphore_mem>>) src(%arg12 : memref<40x128xf32, #tpu.memory_space<vmem>>) dst(%dma_wait3A_111 : memref<40x128xf32, #tpu.memory_space<vmem_shared>>)
      tpu.yield
    }) : () -> ()
    %add3A_20 = arith.constant 120 : i32
    %add3A_21 = arith.addi %mul3A_5, %add3A_20 : i32
    "tpu.region"() ({
      %run_scoped3A = tpu.sem_alloc : memref<!tpu.dma_semaphore, #tpu.memory_space<semaphore_mem>>
      %dma_start3A_105 = arith.constant 0 : i32
      %dma_start3A_106 = tpu.memref_slice %arg13[%add3A_21, %dma_start3A_105] : memref<10240x128xf32, #tpu.memory_space<vmem_shared>> -> memref<40x128xf32, #tpu.memory_space<vmem_shared>>
      %dma_start3A_107 = arith.constant 0 : i32
      %dma_start3A_108 = tpu.memref_slice %arg13[%add3A_21, %dma_start3A_107] : memref<10240x128xf32, #tpu.memory_space<vmem_shared>> -> memref<40x128xf32, #tpu.memory_space<vmem_shared>>
      tpu.enqueue_dma source(%arg12 : memref<40x128xf32, #tpu.memory_space<vmem>>) target(%dma_start3A_108 : memref<40x128xf32, #tpu.memory_space<vmem_shared>>) target_semaphore(%run_scoped3A : memref<!tpu.dma_semaphore, #tpu.memory_space<semaphore_mem>>)
      %dma_wait3A = arith.constant 0 : i32
      %dma_wait3A_109 = tpu.memref_slice %arg13[%add3A_21, %dma_wait3A] : memref<10240x128xf32, #tpu.memory_space<vmem_shared>> -> memref<40x128xf32, #tpu.memory_space<vmem_shared>>
      %dma_wait3A_110 = arith.constant 0 : i32
      %dma_wait3A_111 = tpu.memref_slice %arg13[%add3A_21, %dma_wait3A_110] : memref<10240x128xf32, #tpu.memory_space<vmem_shared>> -> memref<40x128xf32, #tpu.memory_space<vmem_shared>>
      tpu.wait_dma2 semaphore(%run_scoped3A : memref<!tpu.dma_semaphore, #tpu.memory_space<semaphore_mem>>) src(%arg12 : memref<40x128xf32, #tpu.memory_space<vmem>>) dst(%dma_wait3A_111 : memref<40x128xf32, #tpu.memory_space<vmem_shared>>)
      tpu.yield
    }) : () -> ()
    %add3A_22 = arith.constant 160 : i32
    %add3A_23 = arith.addi %mul3A_5, %add3A_22 : i32
    "tpu.region"() ({
      %run_scoped3A = tpu.sem_alloc : memref<!tpu.dma_semaphore, #tpu.memory_space<semaphore_mem>>
      %dma_start3A_105 = arith.constant 0 : i32
      %dma_start3A_106 = tpu.memref_slice %arg13[%add3A_23, %dma_start3A_105] : memref<10240x128xf32, #tpu.memory_space<vmem_shared>> -> memref<40x128xf32, #tpu.memory_space<vmem_shared>>
      %dma_start3A_107 = arith.constant 0 : i32
      %dma_start3A_108 = tpu.memref_slice %arg13[%add3A_23, %dma_start3A_107] : memref<10240x128xf32, #tpu.memory_space<vmem_shared>> -> memref<40x128xf32, #tpu.memory_space<vmem_shared>>
      tpu.enqueue_dma source(%arg12 : memref<40x128xf32, #tpu.memory_space<vmem>>) target(%dma_start3A_108 : memref<40x128xf32, #tpu.memory_space<vmem_shared>>) target_semaphore(%run_scoped3A : memref<!tpu.dma_semaphore, #tpu.memory_space<semaphore_mem>>)
      %dma_wait3A = arith.constant 0 : i32
      %dma_wait3A_109 = tpu.memref_slice %arg13[%add3A_23, %dma_wait3A] : memref<10240x128xf32, #tpu.memory_space<vmem_shared>> -> memref<40x128xf32, #tpu.memory_space<vmem_shared>>
      %dma_wait3A_110 = arith.constant 0 : i32
      %dma_wait3A_111 = tpu.memref_slice %arg13[%add3A_23, %dma_wait3A_110] : memref<10240x128xf32, #tpu.memory_space<vmem_shared>> -> memref<40x128xf32, #tpu.memory_space<vmem_shared>>
      tpu.wait_dma2 semaphore(%run_scoped3A : memref<!tpu.dma_semaphore, #tpu.memory_space<semaphore_mem>>) src(%arg12 : memref<40x128xf32, #tpu.memory_space<vmem>>) dst(%dma_wait3A_111 : memref<40x128xf32, #tpu.memory_space<vmem_shared>>)
      tpu.yield
    }) : () -> ()
    %add3A_24 = arith.constant 200 : i32
    %add3A_25 = arith.addi %mul3A_5, %add3A_24 : i32
    "tpu.region"() ({
      %run_scoped3A = tpu.sem_alloc : memref<!tpu.dma_semaphore, #tpu.memory_space<semaphore_mem>>
      %dma_start3A_105 = arith.constant 0 : i32
      %dma_start3A_106 = tpu.memref_slice %arg13[%add3A_25, %dma_start3A_105] : memref<10240x128xf32, #tpu.memory_space<vmem_shared>> -> memref<40x128xf32, #tpu.memory_space<vmem_shared>>
      %dma_start3A_107 = arith.constant 0 : i32
      %dma_start3A_108 = tpu.memref_slice %arg13[%add3A_25, %dma_start3A_107] : memref<10240x128xf32, #tpu.memory_space<vmem_shared>> -> memref<40x128xf32, #tpu.memory_space<vmem_shared>>
      tpu.enqueue_dma source(%arg12 : memref<40x128xf32, #tpu.memory_space<vmem>>) target(%dma_start3A_108 : memref<40x128xf32, #tpu.memory_space<vmem_shared>>) target_semaphore(%run_scoped3A : memref<!tpu.dma_semaphore, #tpu.memory_space<semaphore_mem>>)
      %dma_wait3A = arith.constant 0 : i32
      %dma_wait3A_109 = tpu.memref_slice %arg13[%add3A_25, %dma_wait3A] : memref<10240x128xf32, #tpu.memory_space<vmem_shared>> -> memref<40x128xf32, #tpu.memory_space<vmem_shared>>
      %dma_wait3A_110 = arith.constant 0 : i32
      %dma_wait3A_111 = tpu.memref_slice %arg13[%add3A_25, %dma_wait3A_110] : memref<10240x128xf32, #tpu.memory_space<vmem_shared>> -> memref<40x128xf32, #tpu.memory_space<vmem_shared>>
      tpu.wait_dma2 semaphore(%run_scoped3A : memref<!tpu.dma_semaphore, #tpu.memory_space<semaphore_mem>>) src(%arg12 : memref<40x128xf32, #tpu.memory_space<vmem>>) dst(%dma_wait3A_111 : memref<40x128xf32, #tpu.memory_space<vmem_shared>>)
      tpu.yield
    }) : () -> ()
    %add3A_26 = arith.constant 240 : i32
    %add3A_27 = arith.addi %mul3A_5, %add3A_26 : i32
    "tpu.region"() ({
      %run_scoped3A = tpu.sem_alloc : memref<!tpu.dma_semaphore, #tpu.memory_space<semaphore_mem>>
      %dma_start3A_105 = arith.constant 0 : i32
      %dma_start3A_106 = tpu.memref_slice %arg13[%add3A_27, %dma_start3A_105] : memref<10240x128xf32, #tpu.memory_space<vmem_shared>> -> memref<40x128xf32, #tpu.memory_space<vmem_shared>>
      %dma_start3A_107 = arith.constant 0 : i32
      %dma_start3A_108 = tpu.memref_slice %arg13[%add3A_27, %dma_start3A_107] : memref<10240x128xf32, #tpu.memory_space<vmem_shared>> -> memref<40x128xf32, #tpu.memory_space<vmem_shared>>
      tpu.enqueue_dma source(%arg12 : memref<40x128xf32, #tpu.memory_space<vmem>>) target(%dma_start3A_108 : memref<40x128xf32, #tpu.memory_space<vmem_shared>>) target_semaphore(%run_scoped3A : memref<!tpu.dma_semaphore, #tpu.memory_space<semaphore_mem>>)
      %dma_wait3A = arith.constant 0 : i32
      %dma_wait3A_109 = tpu.memref_slice %arg13[%add3A_27, %dma_wait3A] : memref<10240x128xf32, #tpu.memory_space<vmem_shared>> -> memref<40x128xf32, #tpu.memory_space<vmem_shared>>
      %dma_wait3A_110 = arith.constant 0 : i32
      %dma_wait3A_111 = tpu.memref_slice %arg13[%add3A_27, %dma_wait3A_110] : memref<10240x128xf32, #tpu.memory_space<vmem_shared>> -> memref<40x128xf32, #tpu.memory_space<vmem_shared>>
      tpu.wait_dma2 semaphore(%run_scoped3A : memref<!tpu.dma_semaphore, #tpu.memory_space<semaphore_mem>>) src(%arg12 : memref<40x128xf32, #tpu.memory_space<vmem>>) dst(%dma_wait3A_111 : memref<40x128xf32, #tpu.memory_space<vmem_shared>>)
      tpu.yield
    }) : () -> ()
    %add3A_28 = arith.constant 280 : i32
    %add3A_29 = arith.addi %mul3A_5, %add3A_28 : i32
    "tpu.region"() ({
      %run_scoped3A = tpu.sem_alloc : memref<!tpu.dma_semaphore, #tpu.memory_space<semaphore_mem>>
      %dma_start3A_105 = arith.constant 0 : i32
      %dma_start3A_106 = tpu.memref_slice %arg13[%add3A_29, %dma_start3A_105] : memref<10240x128xf32, #tpu.memory_space<vmem_shared>> -> memref<40x128xf32, #tpu.memory_space<vmem_shared>>
      %dma_start3A_107 = arith.constant 0 : i32
      %dma_start3A_108 = tpu.memref_slice %arg13[%add3A_29, %dma_start3A_107] : memref<10240x128xf32, #tpu.memory_space<vmem_shared>> -> memref<40x128xf32, #tpu.memory_space<vmem_shared>>
      tpu.enqueue_dma source(%arg12 : memref<40x128xf32, #tpu.memory_space<vmem>>) target(%dma_start3A_108 : memref<40x128xf32, #tpu.memory_space<vmem_shared>>) target_semaphore(%run_scoped3A : memref<!tpu.dma_semaphore, #tpu.memory_space<semaphore_mem>>)
      %dma_wait3A = arith.constant 0 : i32
      %dma_wait3A_109 = tpu.memref_slice %arg13[%add3A_29, %dma_wait3A] : memref<10240x128xf32, #tpu.memory_space<vmem_shared>> -> memref<40x128xf32, #tpu.memory_space<vmem_shared>>
      %dma_wait3A_110 = arith.constant 0 : i32
      %dma_wait3A_111 = tpu.memref_slice %arg13[%add3A_29, %dma_wait3A_110] : memref<10240x128xf32, #tpu.memory_space<vmem_shared>> -> memref<40x128xf32, #tpu.memory_space<vmem_shared>>
      tpu.wait_dma2 semaphore(%run_scoped3A : memref<!tpu.dma_semaphore, #tpu.memory_space<semaphore_mem>>) src(%arg12 : memref<40x128xf32, #tpu.memory_space<vmem>>) dst(%dma_wait3A_111 : memref<40x128xf32, #tpu.memory_space<vmem_shared>>)
      tpu.yield
    }) : () -> ()
    %add3A_30 = arith.constant 320 : i32
    %add3A_31 = arith.addi %mul3A_5, %add3A_30 : i32
    "tpu.region"() ({
      %run_scoped3A = tpu.sem_alloc : memref<!tpu.dma_semaphore, #tpu.memory_space<semaphore_mem>>
      %dma_start3A_105 = arith.constant 0 : i32
      %dma_start3A_106 = tpu.memref_slice %arg13[%add3A_31, %dma_start3A_105] : memref<10240x128xf32, #tpu.memory_space<vmem_shared>> -> memref<40x128xf32, #tpu.memory_space<vmem_shared>>
      %dma_start3A_107 = arith.constant 0 : i32
      %dma_start3A_108 = tpu.memref_slice %arg13[%add3A_31, %dma_start3A_107] : memref<10240x128xf32, #tpu.memory_space<vmem_shared>> -> memref<40x128xf32, #tpu.memory_space<vmem_shared>>
      tpu.enqueue_dma source(%arg12 : memref<40x128xf32, #tpu.memory_space<vmem>>) target(%dma_start3A_108 : memref<40x128xf32, #tpu.memory_space<vmem_shared>>) target_semaphore(%run_scoped3A : memref<!tpu.dma_semaphore, #tpu.memory_space<semaphore_mem>>)
      %dma_wait3A = arith.constant 0 : i32
      %dma_wait3A_109 = tpu.memref_slice %arg13[%add3A_31, %dma_wait3A] : memref<10240x128xf32, #tpu.memory_space<vmem_shared>> -> memref<40x128xf32, #tpu.memory_space<vmem_shared>>
      %dma_wait3A_110 = arith.constant 0 : i32
      %dma_wait3A_111 = tpu.memref_slice %arg13[%add3A_31, %dma_wait3A_110] : memref<10240x128xf32, #tpu.memory_space<vmem_shared>> -> memref<40x128xf32, #tpu.memory_space<vmem_shared>>
      tpu.wait_dma2 semaphore(%run_scoped3A : memref<!tpu.dma_semaphore, #tpu.memory_space<semaphore_mem>>) src(%arg12 : memref<40x128xf32, #tpu.memory_space<vmem>>) dst(%dma_wait3A_111 : memref<40x128xf32, #tpu.memory_space<vmem_shared>>)
      tpu.yield
    }) : () -> ()
    %add3A_32 = arith.constant 360 : i32
    %add3A_33 = arith.addi %mul3A_5, %add3A_32 : i32
    "tpu.region"() ({
      %run_scoped3A = tpu.sem_alloc : memref<!tpu.dma_semaphore, #tpu.memory_space<semaphore_mem>>
      %dma_start3A_105 = arith.constant 0 : i32
      %dma_start3A_106 = tpu.memref_slice %arg13[%add3A_33, %dma_start3A_105] : memref<10240x128xf32, #tpu.memory_space<vmem_shared>> -> memref<40x128xf32, #tpu.memory_space<vmem_shared>>
      %dma_start3A_107 = arith.constant 0 : i32
      %dma_start3A_108 = tpu.memref_slice %arg13[%add3A_33, %dma_start3A_107] : memref<10240x128xf32, #tpu.memory_space<vmem_shared>> -> memref<40x128xf32, #tpu.memory_space<vmem_shared>>
      tpu.enqueue_dma source(%arg12 : memref<40x128xf32, #tpu.memory_space<vmem>>) target(%dma_start3A_108 : memref<40x128xf32, #tpu.memory_space<vmem_shared>>) target_semaphore(%run_scoped3A : memref<!tpu.dma_semaphore, #tpu.memory_space<semaphore_mem>>)
      %dma_wait3A = arith.constant 0 : i32
      %dma_wait3A_109 = tpu.memref_slice %arg13[%add3A_33, %dma_wait3A] : memref<10240x128xf32, #tpu.memory_space<vmem_shared>> -> memref<40x128xf32, #tpu.memory_space<vmem_shared>>
      %dma_wait3A_110 = arith.constant 0 : i32
      %dma_wait3A_111 = tpu.memref_slice %arg13[%add3A_33, %dma_wait3A_110] : memref<10240x128xf32, #tpu.memory_space<vmem_shared>> -> memref<40x128xf32, #tpu.memory_space<vmem_shared>>
      tpu.wait_dma2 semaphore(%run_scoped3A : memref<!tpu.dma_semaphore, #tpu.memory_space<semaphore_mem>>) src(%arg12 : memref<40x128xf32, #tpu.memory_space<vmem>>) dst(%dma_wait3A_111 : memref<40x128xf32, #tpu.memory_space<vmem_shared>>)
      tpu.yield
    }) : () -> ()
    %add3A_34 = arith.constant 400 : i32
    %add3A_35 = arith.addi %mul3A_5, %add3A_34 : i32
    "tpu.region"() ({
      %run_scoped3A = tpu.sem_alloc : memref<!tpu.dma_semaphore, #tpu.memory_space<semaphore_mem>>
      %dma_start3A_105 = arith.constant 0 : i32
      %dma_start3A_106 = tpu.memref_slice %arg13[%add3A_35, %dma_start3A_105] : memref<10240x128xf32, #tpu.memory_space<vmem_shared>> -> memref<40x128xf32, #tpu.memory_space<vmem_shared>>
      %dma_start3A_107 = arith.constant 0 : i32
      %dma_start3A_108 = tpu.memref_slice %arg13[%add3A_35, %dma_start3A_107] : memref<10240x128xf32, #tpu.memory_space<vmem_shared>> -> memref<40x128xf32, #tpu.memory_space<vmem_shared>>
      tpu.enqueue_dma source(%arg12 : memref<40x128xf32, #tpu.memory_space<vmem>>) target(%dma_start3A_108 : memref<40x128xf32, #tpu.memory_space<vmem_shared>>) target_semaphore(%run_scoped3A : memref<!tpu.dma_semaphore, #tpu.memory_space<semaphore_mem>>)
      %dma_wait3A = arith.constant 0 : i32
      %dma_wait3A_109 = tpu.memref_slice %arg13[%add3A_35, %dma_wait3A] : memref<10240x128xf32, #tpu.memory_space<vmem_shared>> -> memref<40x128xf32, #tpu.memory_space<vmem_shared>>
      %dma_wait3A_110 = arith.constant 0 : i32
      %dma_wait3A_111 = tpu.memref_slice %arg13[%add3A_35, %dma_wait3A_110] : memref<10240x128xf32, #tpu.memory_space<vmem_shared>> -> memref<40x128xf32, #tpu.memory_space<vmem_shared>>
      tpu.wait_dma2 semaphore(%run_scoped3A : memref<!tpu.dma_semaphore, #tpu.memory_space<semaphore_mem>>) src(%arg12 : memref<40x128xf32, #tpu.memory_space<vmem>>) dst(%dma_wait3A_111 : memref<40x128xf32, #tpu.memory_space<vmem_shared>>)
      tpu.yield
    }) : () -> ()
    %add3A_36 = arith.constant 440 : i32
    %add3A_37 = arith.addi %mul3A_5, %add3A_36 : i32
    "tpu.region"() ({
      %run_scoped3A = tpu.sem_alloc : memref<!tpu.dma_semaphore, #tpu.memory_space<semaphore_mem>>
      %dma_start3A_105 = arith.constant 0 : i32
      %dma_start3A_106 = tpu.memref_slice %arg13[%add3A_37, %dma_start3A_105] : memref<10240x128xf32, #tpu.memory_space<vmem_shared>> -> memref<40x128xf32, #tpu.memory_space<vmem_shared>>
      %dma_start3A_107 = arith.constant 0 : i32
      %dma_start3A_108 = tpu.memref_slice %arg13[%add3A_37, %dma_start3A_107] : memref<10240x128xf32, #tpu.memory_space<vmem_shared>> -> memref<40x128xf32, #tpu.memory_space<vmem_shared>>
      tpu.enqueue_dma source(%arg12 : memref<40x128xf32, #tpu.memory_space<vmem>>) target(%dma_start3A_108 : memref<40x128xf32, #tpu.memory_space<vmem_shared>>) target_semaphore(%run_scoped3A : memref<!tpu.dma_semaphore, #tpu.memory_space<semaphore_mem>>)
      %dma_wait3A = arith.constant 0 : i32
      %dma_wait3A_109 = tpu.memref_slice %arg13[%add3A_37, %dma_wait3A] : memref<10240x128xf32, #tpu.memory_space<vmem_shared>> -> memref<40x128xf32, #tpu.memory_space<vmem_shared>>
      %dma_wait3A_110 = arith.constant 0 : i32
      %dma_wait3A_111 = tpu.memref_slice %arg13[%add3A_37, %dma_wait3A_110] : memref<10240x128xf32, #tpu.memory_space<vmem_shared>> -> memref<40x128xf32, #tpu.memory_space<vmem_shared>>
      tpu.wait_dma2 semaphore(%run_scoped3A : memref<!tpu.dma_semaphore, #tpu.memory_space<semaphore_mem>>) src(%arg12 : memref<40x128xf32, #tpu.memory_space<vmem>>) dst(%dma_wait3A_111 : memref<40x128xf32, #tpu.memory_space<vmem_shared>>)
      tpu.yield
    }) : () -> ()
    %add3A_38 = arith.constant 480 : i32
    %add3A_39 = arith.addi %mul3A_5, %add3A_38 : i32
    "tpu.region"() ({
      %run_scoped3A = tpu.sem_alloc : memref<!tpu.dma_semaphore, #tpu.memory_space<semaphore_mem>>
      %dma_start3A_105 = arith.constant 0 : i32
      %dma_start3A_106 = tpu.memref_slice %arg13[%add3A_39, %dma_start3A_105] : memref<10240x128xf32, #tpu.memory_space<vmem_shared>> -> memref<40x128xf32, #tpu.memory_space<vmem_shared>>
      %dma_start3A_107 = arith.constant 0 : i32
      %dma_start3A_108 = tpu.memref_slice %arg13[%add3A_39, %dma_start3A_107] : memref<10240x128xf32, #tpu.memory_space<vmem_shared>> -> memref<40x128xf32, #tpu.memory_space<vmem_shared>>
      tpu.enqueue_dma source(%arg12 : memref<40x128xf32, #tpu.memory_space<vmem>>) target(%dma_start3A_108 : memref<40x128xf32, #tpu.memory_space<vmem_shared>>) target_semaphore(%run_scoped3A : memref<!tpu.dma_semaphore, #tpu.memory_space<semaphore_mem>>)
      %dma_wait3A = arith.constant 0 : i32
      %dma_wait3A_109 = tpu.memref_slice %arg13[%add3A_39, %dma_wait3A] : memref<10240x128xf32, #tpu.memory_space<vmem_shared>> -> memref<40x128xf32, #tpu.memory_space<vmem_shared>>
      %dma_wait3A_110 = arith.constant 0 : i32
      %dma_wait3A_111 = tpu.memref_slice %arg13[%add3A_39, %dma_wait3A_110] : memref<10240x128xf32, #tpu.memory_space<vmem_shared>> -> memref<40x128xf32, #tpu.memory_space<vmem_shared>>
      tpu.wait_dma2 semaphore(%run_scoped3A : memref<!tpu.dma_semaphore, #tpu.memory_space<semaphore_mem>>) src(%arg12 : memref<40x128xf32, #tpu.memory_space<vmem>>) dst(%dma_wait3A_111 : memref<40x128xf32, #tpu.memory_space<vmem_shared>>)
      tpu.yield
    }) : () -> ()
    %add3A_40 = arith.constant 520 : i32
    %add3A_41 = arith.addi %mul3A_5, %add3A_40 : i32
    "tpu.region"() ({
      %run_scoped3A = tpu.sem_alloc : memref<!tpu.dma_semaphore, #tpu.memory_space<semaphore_mem>>
      %dma_start3A_105 = arith.constant 0 : i32
      %dma_start3A_106 = tpu.memref_slice %arg13[%add3A_41, %dma_start3A_105] : memref<10240x128xf32, #tpu.memory_space<vmem_shared>> -> memref<40x128xf32, #tpu.memory_space<vmem_shared>>
      %dma_start3A_107 = arith.constant 0 : i32
      %dma_start3A_108 = tpu.memref_slice %arg13[%add3A_41, %dma_start3A_107] : memref<10240x128xf32, #tpu.memory_space<vmem_shared>> -> memref<40x128xf32, #tpu.memory_space<vmem_shared>>
      tpu.enqueue_dma source(%arg12 : memref<40x128xf32, #tpu.memory_space<vmem>>) target(%dma_start3A_108 : memref<40x128xf32, #tpu.memory_space<vmem_shared>>) target_semaphore(%run_scoped3A : memref<!tpu.dma_semaphore, #tpu.memory_space<semaphore_mem>>)
      %dma_wait3A = arith.constant 0 : i32
      %dma_wait3A_109 = tpu.memref_slice %arg13[%add3A_41, %dma_wait3A] : memref<10240x128xf32, #tpu.memory_space<vmem_shared>> -> memref<40x128xf32, #tpu.memory_space<vmem_shared>>
      %dma_wait3A_110 = arith.constant 0 : i32
      %dma_wait3A_111 = tpu.memref_slice %arg13[%add3A_41, %dma_wait3A_110] : memref<10240x128xf32, #tpu.memory_space<vmem_shared>> -> memref<40x128xf32, #tpu.memory_space<vmem_shared>>
      tpu.wait_dma2 semaphore(%run_scoped3A : memref<!tpu.dma_semaphore, #tpu.memory_space<semaphore_mem>>) src(%arg12 : memref<40x128xf32, #tpu.memory_space<vmem>>) dst(%dma_wait3A_111 : memref<40x128xf32, #tpu.memory_space<vmem_shared>>)
      tpu.yield
    }) : () -> ()
    %add3A_42 = arith.constant 560 : i32
    %add3A_43 = arith.addi %mul3A_5, %add3A_42 : i32
    "tpu.region"() ({
      %run_scoped3A = tpu.sem_alloc : memref<!tpu.dma_semaphore, #tpu.memory_space<semaphore_mem>>
      %dma_start3A_105 = arith.constant 0 : i32
      %dma_start3A_106 = tpu.memref_slice %arg13[%add3A_43, %dma_start3A_105] : memref<10240x128xf32, #tpu.memory_space<vmem_shared>> -> memref<40x128xf32, #tpu.memory_space<vmem_shared>>
      %dma_start3A_107 = arith.constant 0 : i32
      %dma_start3A_108 = tpu.memref_slice %arg13[%add3A_43, %dma_start3A_107] : memref<10240x128xf32, #tpu.memory_space<vmem_shared>> -> memref<40x128xf32, #tpu.memory_space<vmem_shared>>
      tpu.enqueue_dma source(%arg12 : memref<40x128xf32, #tpu.memory_space<vmem>>) target(%dma_start3A_108 : memref<40x128xf32, #tpu.memory_space<vmem_shared>>) target_semaphore(%run_scoped3A : memref<!tpu.dma_semaphore, #tpu.memory_space<semaphore_mem>>)
      %dma_wait3A = arith.constant 0 : i32
      %dma_wait3A_109 = tpu.memref_slice %arg13[%add3A_43, %dma_wait3A] : memref<10240x128xf32, #tpu.memory_space<vmem_shared>> -> memref<40x128xf32, #tpu.memory_space<vmem_shared>>
      %dma_wait3A_110 = arith.constant 0 : i32
      %dma_wait3A_111 = tpu.memref_slice %arg13[%add3A_43, %dma_wait3A_110] : memref<10240x128xf32, #tpu.memory_space<vmem_shared>> -> memref<40x128xf32, #tpu.memory_space<vmem_shared>>
      tpu.wait_dma2 semaphore(%run_scoped3A : memref<!tpu.dma_semaphore, #tpu.memory_space<semaphore_mem>>) src(%arg12 : memref<40x128xf32, #tpu.memory_space<vmem>>) dst(%dma_wait3A_111 : memref<40x128xf32, #tpu.memory_space<vmem_shared>>)
      tpu.yield
    }) : () -> ()
    %add3A_44 = arith.constant 600 : i32
    %add3A_45 = arith.addi %mul3A_5, %add3A_44 : i32
    "tpu.region"() ({
      %run_scoped3A = tpu.sem_alloc : memref<!tpu.dma_semaphore, #tpu.memory_space<semaphore_mem>>
      %dma_start3A_105 = arith.constant 0 : i32
      %dma_start3A_106 = tpu.memref_slice %arg13[%add3A_45, %dma_start3A_105] : memref<10240x128xf32, #tpu.memory_space<vmem_shared>> -> memref<40x128xf32, #tpu.memory_space<vmem_shared>>
      %dma_start3A_107 = arith.constant 0 : i32
      %dma_start3A_108 = tpu.memref_slice %arg13[%add3A_45, %dma_start3A_107] : memref<10240x128xf32, #tpu.memory_space<vmem_shared>> -> memref<40x128xf32, #tpu.memory_space<vmem_shared>>
      tpu.enqueue_dma source(%arg12 : memref<40x128xf32, #tpu.memory_space<vmem>>) target(%dma_start3A_108 : memref<40x128xf32, #tpu.memory_space<vmem_shared>>) target_semaphore(%run_scoped3A : memref<!tpu.dma_semaphore, #tpu.memory_space<semaphore_mem>>)
      %dma_wait3A = arith.constant 0 : i32
      %dma_wait3A_109 = tpu.memref_slice %arg13[%add3A_45, %dma_wait3A] : memref<10240x128xf32, #tpu.memory_space<vmem_shared>> -> memref<40x128xf32, #tpu.memory_space<vmem_shared>>
      %dma_wait3A_110 = arith.constant 0 : i32
      %dma_wait3A_111 = tpu.memref_slice %arg13[%add3A_45, %dma_wait3A_110] : memref<10240x128xf32, #tpu.memory_space<vmem_shared>> -> memref<40x128xf32, #tpu.memory_space<vmem_shared>>
      tpu.wait_dma2 semaphore(%run_scoped3A : memref<!tpu.dma_semaphore, #tpu.memory_space<semaphore_mem>>) src(%arg12 : memref<40x128xf32, #tpu.memory_space<vmem>>) dst(%dma_wait3A_111 : memref<40x128xf32, #tpu.memory_space<vmem_shared>>)
      tpu.yield
    }) : () -> ()
    %barrier3A = arith.constant 0 : index
    tpu.barrier barrier_id(%barrier3A)
    %mul3A_46 = arith.constant 2 : i32
    %mul3A_47 = arith.muli %arg1, %mul3A_46 : i32
    %add3A_48 = arith.addi %mul3A_47, %arg0 : i32
    %mul3A_49 = arith.constant 10368 : i32
    %mul3A_50 = arith.muli %add3A_48, %mul3A_49 : i32
    %add3A_51 = arith.constant 0 : i32
    %add3A_52 = arith.addi %mul3A_50, %add3A_51 : i32
    %dma_start3A = arith.constant 0 : i32
    %dma_start3A_53 = arith.constant 0 : i32
    %dma_start3A_54 = arith.constant 0 : i32
    %dma_start3A_55 = tpu.memref_slice %arg8[%dma_start3A, %dma_start3A_54] : memref<2x1152xi32, #tpu.memory_space<vmem>> -> memref<1x1152xi32, #tpu.memory_space<vmem>>
    %dma_start3A_56 = tpu.memref_squeeze %dma_start3A_55 : memref<1x1152xi32, #tpu.memory_space<vmem>> -> memref<1152xi32, #tpu.memory_space<vmem>>
    %dma_start3A_57 = tpu.memref_slice %arg4[%add3A_52] : memref<331776xi32, #tpu.memory_space<hbm>> -> memref<1152xi32, #tpu.memory_space<hbm>>
    %dma_start3A_58 = tpu.memref_slice %arg16[%dma_start3A_53] : memref<2x!tpu.dma_semaphore, #tpu.memory_space<semaphore_mem>> -> memref<1x!tpu.dma_semaphore, #tpu.memory_space<semaphore_mem>>
    %dma_start3A_59 = tpu.memref_squeeze %dma_start3A_58 : memref<1x!tpu.dma_semaphore, #tpu.memory_space<semaphore_mem>> -> memref<!tpu.dma_semaphore, #tpu.memory_space<semaphore_mem>>
    %dma_start3A_60 = arith.constant 0 : i32
    %dma_start3A_61 = tpu.memref_slice %arg8[%dma_start3A, %dma_start3A_60] : memref<2x1152xi32, #tpu.memory_space<vmem>> -> memref<1x1152xi32, #tpu.memory_space<vmem>>
    %dma_start3A_62 = tpu.memref_squeeze %dma_start3A_61 : memref<1x1152xi32, #tpu.memory_space<vmem>> -> memref<1152xi32, #tpu.memory_space<vmem>>
    %dma_start3A_63 = tpu.memref_slice %arg4[%add3A_52] : memref<331776xi32, #tpu.memory_space<hbm>> -> memref<1152xi32, #tpu.memory_space<hbm>>
    tpu.enqueue_dma source(%dma_start3A_63 : memref<1152xi32, #tpu.memory_space<hbm>>) target(%dma_start3A_62 : memref<1152xi32, #tpu.memory_space<vmem>>) target_semaphore(%dma_start3A_59 : memref<!tpu.dma_semaphore, #tpu.memory_space<semaphore_mem>>)
    %dma_start3A_64 = arith.constant 0 : i32
    %dma_start3A_65 = arith.constant 0 : i32
    %dma_start3A_66 = arith.constant 0 : i32
    %dma_start3A_67 = tpu.memref_slice %arg9[%dma_start3A_64, %dma_start3A_66] : memref<2x1152xi32, #tpu.memory_space<vmem>> -> memref<1x1152xi32, #tpu.memory_space<vmem>>
    %dma_start3A_68 = tpu.memref_squeeze %dma_start3A_67 : memref<1x1152xi32, #tpu.memory_space<vmem>> -> memref<1152xi32, #tpu.memory_space<vmem>>
    %dma_start3A_69 = tpu.memref_slice %arg5[%add3A_52] : memref<331776xi32, #tpu.memory_space<hbm>> -> memref<1152xi32, #tpu.memory_space<hbm>>
    %dma_start3A_70 = tpu.memref_slice %arg16[%dma_start3A_65] : memref<2x!tpu.dma_semaphore, #tpu.memory_space<semaphore_mem>> -> memref<1x!tpu.dma_semaphore, #tpu.memory_space<semaphore_mem>>
    %dma_start3A_71 = tpu.memref_squeeze %dma_start3A_70 : memref<1x!tpu.dma_semaphore, #tpu.memory_space<semaphore_mem>> -> memref<!tpu.dma_semaphore, #tpu.memory_space<semaphore_mem>>
    %dma_start3A_72 = arith.constant 0 : i32
    %dma_start3A_73 = tpu.memref_slice %arg9[%dma_start3A_64, %dma_start3A_72] : memref<2x1152xi32, #tpu.memory_space<vmem>> -> memref<1x1152xi32, #tpu.memory_space<vmem>>
    %dma_start3A_74 = tpu.memref_squeeze %dma_start3A_73 : memref<1x1152xi32, #tpu.memory_space<vmem>> -> memref<1152xi32, #tpu.memory_space<vmem>>
    %dma_start3A_75 = tpu.memref_slice %arg5[%add3A_52] : memref<331776xi32, #tpu.memory_space<hbm>> -> memref<1152xi32, #tpu.memory_space<hbm>>
    tpu.enqueue_dma source(%dma_start3A_75 : memref<1152xi32, #tpu.memory_space<hbm>>) target(%dma_start3A_74 : memref<1152xi32, #tpu.memory_space<vmem>>) target_semaphore(%dma_start3A_71 : memref<!tpu.dma_semaphore, #tpu.memory_space<semaphore_mem>>)
    %mul3A_76 = arith.constant 1 : i32
    %mul3A_77 = arith.muli %add3A_13, %mul3A_76 : i32
    %add3A_78 = arith.constant 0 : i32
    %add3A_79 = arith.addi %mul3A_77, %add3A_78 : i32
    %dma_start3A_80 = arith.constant 0 : i32
    %dma_start3A_81 = arith.constant 0 : i32
    %dma_start3A_82 = arith.constant 0 : i32
    %dma_start3A_83 = arith.constant 0 : i32
    %dma_start3A_84 = tpu.memref_slice %arg11[%dma_start3A_80, %dma_start3A_81, %dma_start3A_83] : memref<2x1x1152xf32, #tpu.memory_space<vmem>> -> memref<1x1x1152xf32, #tpu.memory_space<vmem>>
    %dma_start3A_85 = tpu.memref_squeeze %dma_start3A_84 : memref<1x1x1152xf32, #tpu.memory_space<vmem>> -> memref<1152xf32, #tpu.memory_space<vmem>>
    %dma_start3A_86 = arith.constant 0 : i32
    %dma_start3A_87 = tpu.memref_slice %arg3[%add3A_79, %add3A_48, %dma_start3A_86] : memref<1x32x10368xf32, #tpu.memory_space<hbm>> -> memref<1x1x1152xf32, #tpu.memory_space<hbm>>
    %dma_start3A_88 = tpu.memref_squeeze %dma_start3A_87 : memref<1x1x1152xf32, #tpu.memory_space<hbm>> -> memref<1152xf32, #tpu.memory_space<hbm>>
    %dma_start3A_89 = tpu.memref_slice %arg16[%dma_start3A_82] : memref<2x!tpu.dma_semaphore, #tpu.memory_space<semaphore_mem>> -> memref<1x!tpu.dma_semaphore, #tpu.memory_space<semaphore_mem>>
    %dma_start3A_90 = tpu.memref_squeeze %dma_start3A_89 : memref<1x!tpu.dma_semaphore, #tpu.memory_space<semaphore_mem>> -> memref<!tpu.dma_semaphore, #tpu.memory_space<semaphore_mem>>
    %dma_start3A_91 = arith.constant 0 : i32
    %dma_start3A_92 = tpu.memref_slice %arg11[%dma_start3A_80, %dma_start3A_81, %dma_start3A_91] : memref<2x1x1152xf32, #tpu.memory_space<vmem>> -> memref<1x1x1152xf32, #tpu.memory_space<vmem>>
    %dma_start3A_93 = tpu.memref_squeeze %dma_start3A_92 : memref<1x1x1152xf32, #tpu.memory_space<vmem>> -> memref<1152xf32, #tpu.memory_space<vmem>>
    %dma_start3A_94 = arith.constant 0 : i32
    %dma_start3A_95 = tpu.memref_slice %arg3[%add3A_79, %add3A_48, %dma_start3A_94] : memref<1x32x10368xf32, #tpu.memory_space<hbm>> -> memref<1x1x1152xf32, #tpu.memory_space<hbm>>
    %dma_start3A_96 = tpu.memref_squeeze %dma_start3A_95 : memref<1x1x1152xf32, #tpu.memory_space<hbm>> -> memref<1152xf32, #tpu.memory_space<hbm>>
    tpu.enqueue_dma source(%dma_start3A_96 : memref<1152xf32, #tpu.memory_space<hbm>>) target(%dma_start3A_93 : memref<1152xf32, #tpu.memory_space<vmem>>) target_semaphore(%dma_start3A_90 : memref<!tpu.dma_semaphore, #tpu.memory_space<semaphore_mem>>)
    %scan3A_97 = arith.constant 0 : i32
    %scan3A_98 = arith.constant 9 : i32
    %scan3A_99 = arith.addi %scan3A_97, %scan3A_98 : i32
    %scan3A_100 = arith.constant 1 : i32
    scf.for %scan3A_105 = %scan3A_97 to %scan3A_99 step %scan3A_100  : i32 {
      %mul3A_106 = arith.constant 1 : i32
      %mul3A_107 = arith.muli %scan3A_105, %mul3A_106 : i32
      %add3A_108 = arith.constant 0 : i32
      %add3A_109 = arith.addi %add3A_108, %mul3A_107 : i32
      %rem3A = arith.constant 2 : i32
      %rem3A_110 = arith.remsi %add3A_109, %rem3A : i32
      %add3A_111 = arith.constant 1 : i32
      %add3A_112 = arith.addi %add3A_109, %add3A_111 : i32
      %rem3A_113 = arith.constant 2 : i32
      %rem3A_114 = arith.remsi %add3A_112, %rem3A_113 : i32
      %lt3A = arith.constant 8 : i32
      %lt3A_115 = arith.cmpi slt, %add3A_109, %lt3A : i32
      %convert_element_type3A = arith.extui %lt3A_115 : i1 to i32
      %cond3A = arith.constant 0 : i32
      %cond3A_116 = arith.cmpi ne, %convert_element_type3A, %cond3A : i32
      scf.if %cond3A_116 {
        %add3A_213 = arith.constant 1 : i32
        %add3A_214 = arith.addi %add3A_109, %add3A_213 : i32
        %mul3A_215 = arith.constant 2 : i32
        %mul3A_216 = arith.muli %arg1, %mul3A_215 : i32
        %add3A_217 = arith.addi %mul3A_216, %arg0 : i32
        %mul3A_218 = arith.constant 10368 : i32
        %mul3A_219 = arith.muli %add3A_217, %mul3A_218 : i32
        %mul3A_220 = arith.constant 1152 : i32
        %mul3A_221 = arith.muli %add3A_214, %mul3A_220 : i32
        %add3A_222 = arith.addi %mul3A_219, %mul3A_221 : i32
        %dma_start3A_223 = arith.constant 0 : i32
        %dma_start3A_224 = tpu.memref_slice %arg8[%rem3A_114, %dma_start3A_223] : memref<2x1152xi32, #tpu.memory_space<vmem>> -> memref<1x1152xi32, #tpu.memory_space<vmem>>
        %dma_start3A_225 = tpu.memref_squeeze %dma_start3A_224 : memref<1x1152xi32, #tpu.memory_space<vmem>> -> memref<1152xi32, #tpu.memory_space<vmem>>
        %dma_start3A_226 = tpu.memref_slice %arg4[%add3A_222] : memref<331776xi32, #tpu.memory_space<hbm>> -> memref<1152xi32, #tpu.memory_space<hbm>>
        %dma_start3A_227 = tpu.memref_slice %arg16[%rem3A_114] : memref<2x!tpu.dma_semaphore, #tpu.memory_space<semaphore_mem>> -> memref<1x!tpu.dma_semaphore, #tpu.memory_space<semaphore_mem>>
        %dma_start3A_228 = tpu.memref_squeeze %dma_start3A_227 : memref<1x!tpu.dma_semaphore, #tpu.memory_space<semaphore_mem>> -> memref<!tpu.dma_semaphore, #tpu.memory_space<semaphore_mem>>
        %dma_start3A_229 = arith.constant 0 : i32
        %dma_start3A_230 = tpu.memref_slice %arg8[%rem3A_114, %dma_start3A_229] : memref<2x1152xi32, #tpu.memory_space<vmem>> -> memref<1x1152xi32, #tpu.memory_space<vmem>>
        %dma_start3A_231 = tpu.memref_squeeze %dma_start3A_230 : memref<1x1152xi32, #tpu.memory_space<vmem>> -> memref<1152xi32, #tpu.memory_space<vmem>>
        %dma_start3A_232 = tpu.memref_slice %arg4[%add3A_222] : memref<331776xi32, #tpu.memory_space<hbm>> -> memref<1152xi32, #tpu.memory_space<hbm>>
        tpu.enqueue_dma source(%dma_start3A_232 : memref<1152xi32, #tpu.memory_space<hbm>>) target(%dma_start3A_231 : memref<1152xi32, #tpu.memory_space<vmem>>) target_semaphore(%dma_start3A_228 : memref<!tpu.dma_semaphore, #tpu.memory_space<semaphore_mem>>)
        %dma_start3A_233 = arith.constant 0 : i32
        %dma_start3A_234 = tpu.memref_slice %arg9[%rem3A_114, %dma_start3A_233] : memref<2x1152xi32, #tpu.memory_space<vmem>> -> memref<1x1152xi32, #tpu.memory_space<vmem>>
        %dma_start3A_235 = tpu.memref_squeeze %dma_start3A_234 : memref<1x1152xi32, #tpu.memory_space<vmem>> -> memref<1152xi32, #tpu.memory_space<vmem>>
        %dma_start3A_236 = tpu.memref_slice %arg5[%add3A_222] : memref<331776xi32, #tpu.memory_space<hbm>> -> memref<1152xi32, #tpu.memory_space<hbm>>
        %dma_start3A_237 = tpu.memref_slice %arg16[%rem3A_114] : memref<2x!tpu.dma_semaphore, #tpu.memory_space<semaphore_mem>> -> memref<1x!tpu.dma_semaphore, #tpu.memory_space<semaphore_mem>>
        %dma_start3A_238 = tpu.memref_squeeze %dma_start3A_237 : memref<1x!tpu.dma_semaphore, #tpu.memory_space<semaphore_mem>> -> memref<!tpu.dma_semaphore, #tpu.memory_space<semaphore_mem>>
        %dma_start3A_239 = arith.constant 0 : i32
        %dma_start3A_240 = tpu.memref_slice %arg9[%rem3A_114, %dma_start3A_239] : memref<2x1152xi32, #tpu.memory_space<vmem>> -> memref<1x1152xi32, #tpu.memory_space<vmem>>
        %dma_start3A_241 = tpu.memref_squeeze %dma_start3A_240 : memref<1x1152xi32, #tpu.memory_space<vmem>> -> memref<1152xi32, #tpu.memory_space<vmem>>
        %dma_start3A_242 = tpu.memref_slice %arg5[%add3A_222] : memref<331776xi32, #tpu.memory_space<hbm>> -> memref<1152xi32, #tpu.memory_space<hbm>>
        tpu.enqueue_dma source(%dma_start3A_242 : memref<1152xi32, #tpu.memory_space<hbm>>) target(%dma_start3A_241 : memref<1152xi32, #tpu.memory_space<vmem>>) target_semaphore(%dma_start3A_238 : memref<!tpu.dma_semaphore, #tpu.memory_space<semaphore_mem>>)
        %mul3A_243 = arith.constant 1 : i32
        %mul3A_244 = arith.muli %add3A_13, %mul3A_243 : i32
        %add3A_245 = arith.constant 0 : i32
        %add3A_246 = arith.addi %mul3A_244, %add3A_245 : i32
        %mul3A_247 = arith.constant 1152 : i32
        %mul3A_248 = arith.muli %add3A_214, %mul3A_247 : i32
        %dma_start3A_249 = arith.constant 0 : i32
        %dma_start3A_250 = arith.constant 0 : i32
        %dma_start3A_251 = tpu.memref_slice %arg11[%rem3A_114, %dma_start3A_249, %dma_start3A_250] : memref<2x1x1152xf32, #tpu.memory_space<vmem>> -> memref<1x1x1152xf32, #tpu.memory_space<vmem>>
        %dma_start3A_252 = tpu.memref_squeeze %dma_start3A_251 : memref<1x1x1152xf32, #tpu.memory_space<vmem>> -> memref<1152xf32, #tpu.memory_space<vmem>>
        %dma_start3A_253 = tpu.memref_slice %arg3[%add3A_246, %add3A_217, %mul3A_248] : memref<1x32x10368xf32, #tpu.memory_space<hbm>> -> memref<1x1x1152xf32, #tpu.memory_space<hbm>>
        %dma_start3A_254 = tpu.memref_squeeze %dma_start3A_253 : memref<1x1x1152xf32, #tpu.memory_space<hbm>> -> memref<1152xf32, #tpu.memory_space<hbm>>
        %dma_start3A_255 = tpu.memref_slice %arg16[%rem3A_114] : memref<2x!tpu.dma_semaphore, #tpu.memory_space<semaphore_mem>> -> memref<1x!tpu.dma_semaphore, #tpu.memory_space<semaphore_mem>>
        %dma_start3A_256 = tpu.memref_squeeze %dma_start3A_255 : memref<1x!tpu.dma_semaphore, #tpu.memory_space<semaphore_mem>> -> memref<!tpu.dma_semaphore, #tpu.memory_space<semaphore_mem>>
        %dma_start3A_257 = arith.constant 0 : i32
        %dma_start3A_258 = tpu.memref_slice %arg11[%rem3A_114, %dma_start3A_249, %dma_start3A_257] : memref<2x1x1152xf32, #tpu.memory_space<vmem>> -> memref<1x1x1152xf32, #tpu.memory_space<vmem>>
        %dma_start3A_259 = tpu.memref_squeeze %dma_start3A_258 : memref<1x1x1152xf32, #tpu.memory_space<vmem>> -> memref<1152xf32, #tpu.memory_space<vmem>>
        %dma_start3A_260 = tpu.memref_slice %arg3[%add3A_246, %add3A_217, %mul3A_248] : memref<1x32x10368xf32, #tpu.memory_space<hbm>> -> memref<1x1x1152xf32, #tpu.memory_space<hbm>>
        %dma_start3A_261 = tpu.memref_squeeze %dma_start3A_260 : memref<1x1x1152xf32, #tpu.memory_space<hbm>> -> memref<1152xf32, #tpu.memory_space<hbm>>
        tpu.enqueue_dma source(%dma_start3A_261 : memref<1152xf32, #tpu.memory_space<hbm>>) target(%dma_start3A_259 : memref<1152xf32, #tpu.memory_space<vmem>>) target_semaphore(%dma_start3A_256 : memref<!tpu.dma_semaphore, #tpu.memory_space<semaphore_mem>>)
      } else {
      }
      %dma_wait3A = arith.constant 0 : i32
      %dma_wait3A_117 = tpu.memref_slice %arg8[%rem3A_110, %dma_wait3A] : memref<2x1152xi32, #tpu.memory_space<vmem>> -> memref<1x1152xi32, #tpu.memory_space<vmem>>
      %dma_wait3A_118 = tpu.memref_squeeze %dma_wait3A_117 : memref<1x1152xi32, #tpu.memory_space<vmem>> -> memref<1152xi32, #tpu.memory_space<vmem>>
      %dma_wait3A_119 = arith.constant 0 : i32
      %dma_wait3A_120 = tpu.memref_slice %arg4[%dma_wait3A_119] : memref<331776xi32, #tpu.memory_space<hbm>> -> memref<1152xi32, #tpu.memory_space<hbm>>
      %dma_wait3A_121 = tpu.memref_slice %arg16[%rem3A_110] : memref<2x!tpu.dma_semaphore, #tpu.memory_space<semaphore_mem>> -> memref<1x!tpu.dma_semaphore, #tpu.memory_space<semaphore_mem>>
      %dma_wait3A_122 = tpu.memref_squeeze %dma_wait3A_121 : memref<1x!tpu.dma_semaphore, #tpu.memory_space<semaphore_mem>> -> memref<!tpu.dma_semaphore, #tpu.memory_space<semaphore_mem>>
      %dma_wait3A_123 = arith.constant 0 : i32
      %dma_wait3A_124 = tpu.memref_slice %arg8[%rem3A_110, %dma_wait3A_123] : memref<2x1152xi32, #tpu.memory_space<vmem>> -> memref<1x1152xi32, #tpu.memory_space<vmem>>
      %dma_wait3A_125 = tpu.memref_squeeze %dma_wait3A_124 : memref<1x1152xi32, #tpu.memory_space<vmem>> -> memref<1152xi32, #tpu.memory_space<vmem>>
      %dma_wait3A_126 = arith.constant 0 : i32
      %dma_wait3A_127 = tpu.memref_slice %arg4[%dma_wait3A_126] : memref<331776xi32, #tpu.memory_space<hbm>> -> memref<1152xi32, #tpu.memory_space<hbm>>
      tpu.wait_dma2 semaphore(%dma_wait3A_122 : memref<!tpu.dma_semaphore, #tpu.memory_space<semaphore_mem>>) src(%dma_wait3A_127 : memref<1152xi32, #tpu.memory_space<hbm>>) dst(%dma_wait3A_125 : memref<1152xi32, #tpu.memory_space<vmem>>)
      %dma_wait3A_128 = arith.constant 0 : i32
      %dma_wait3A_129 = tpu.memref_slice %arg9[%rem3A_110, %dma_wait3A_128] : memref<2x1152xi32, #tpu.memory_space<vmem>> -> memref<1x1152xi32, #tpu.memory_space<vmem>>
      %dma_wait3A_130 = tpu.memref_squeeze %dma_wait3A_129 : memref<1x1152xi32, #tpu.memory_space<vmem>> -> memref<1152xi32, #tpu.memory_space<vmem>>
      %dma_wait3A_131 = arith.constant 0 : i32
      %dma_wait3A_132 = tpu.memref_slice %arg5[%dma_wait3A_131] : memref<331776xi32, #tpu.memory_space<hbm>> -> memref<1152xi32, #tpu.memory_space<hbm>>
      %dma_wait3A_133 = tpu.memref_slice %arg16[%rem3A_110] : memref<2x!tpu.dma_semaphore, #tpu.memory_space<semaphore_mem>> -> memref<1x!tpu.dma_semaphore, #tpu.memory_space<semaphore_mem>>
      %dma_wait3A_134 = tpu.memref_squeeze %dma_wait3A_133 : memref<1x!tpu.dma_semaphore, #tpu.memory_space<semaphore_mem>> -> memref<!tpu.dma_semaphore, #tpu.memory_space<semaphore_mem>>
      %dma_wait3A_135 = arith.constant 0 : i32
      %dma_wait3A_136 = tpu.memref_slice %arg9[%rem3A_110, %dma_wait3A_135] : memref<2x1152xi32, #tpu.memory_space<vmem>> -> memref<1x1152xi32, #tpu.memory_space<vmem>>
      %dma_wait3A_137 = tpu.memref_squeeze %dma_wait3A_136 : memref<1x1152xi32, #tpu.memory_space<vmem>> -> memref<1152xi32, #tpu.memory_space<vmem>>
      %dma_wait3A_138 = arith.constant 0 : i32
      %dma_wait3A_139 = tpu.memref_slice %arg5[%dma_wait3A_138] : memref<331776xi32, #tpu.memory_space<hbm>> -> memref<1152xi32, #tpu.memory_space<hbm>>
      tpu.wait_dma2 semaphore(%dma_wait3A_134 : memref<!tpu.dma_semaphore, #tpu.memory_space<semaphore_mem>>) src(%dma_wait3A_139 : memref<1152xi32, #tpu.memory_space<hbm>>) dst(%dma_wait3A_137 : memref<1152xi32, #tpu.memory_space<vmem>>)
      %dma_wait3A_140 = arith.constant 0 : i32
      %dma_wait3A_141 = arith.constant 0 : i32
      %dma_wait3A_142 = arith.constant 0 : i32
      %dma_wait3A_143 = arith.constant 0 : i32
      %dma_wait3A_144 = tpu.memref_slice %arg11[%rem3A_110, %dma_wait3A_142, %dma_wait3A_143] : memref<2x1x1152xf32, #tpu.memory_space<vmem>> -> memref<1x1x1152xf32, #tpu.memory_space<vmem>>
      %dma_wait3A_145 = tpu.memref_squeeze %dma_wait3A_144 : memref<1x1x1152xf32, #tpu.memory_space<vmem>> -> memref<1152xf32, #tpu.memory_space<vmem>>
      %dma_wait3A_146 = arith.constant 0 : i32
      %dma_wait3A_147 = tpu.memref_slice %arg3[%dma_wait3A_140, %dma_wait3A_141, %dma_wait3A_146] : memref<1x32x10368xf32, #tpu.memory_space<hbm>> -> memref<1x1x1152xf32, #tpu.memory_space<hbm>>
      %dma_wait3A_148 = tpu.memref_squeeze %dma_wait3A_147 : memref<1x1x1152xf32, #tpu.memory_space<hbm>> -> memref<1152xf32, #tpu.memory_space<hbm>>
      %dma_wait3A_149 = tpu.memref_slice %arg16[%rem3A_110] : memref<2x!tpu.dma_semaphore, #tpu.memory_space<semaphore_mem>> -> memref<1x!tpu.dma_semaphore, #tpu.memory_space<semaphore_mem>>
      %dma_wait3A_150 = tpu.memref_squeeze %dma_wait3A_149 : memref<1x!tpu.dma_semaphore, #tpu.memory_space<semaphore_mem>> -> memref<!tpu.dma_semaphore, #tpu.memory_space<semaphore_mem>>
      %dma_wait3A_151 = arith.constant 0 : i32
      %dma_wait3A_152 = tpu.memref_slice %arg11[%rem3A_110, %dma_wait3A_142, %dma_wait3A_151] : memref<2x1x1152xf32, #tpu.memory_space<vmem>> -> memref<1x1x1152xf32, #tpu.memory_space<vmem>>
      %dma_wait3A_153 = tpu.memref_squeeze %dma_wait3A_152 : memref<1x1x1152xf32, #tpu.memory_space<vmem>> -> memref<1152xf32, #tpu.memory_space<vmem>>
      %dma_wait3A_154 = arith.constant 0 : i32
      %dma_wait3A_155 = tpu.memref_slice %arg3[%dma_wait3A_140, %dma_wait3A_141, %dma_wait3A_154] : memref<1x32x10368xf32, #tpu.memory_space<hbm>> -> memref<1x1x1152xf32, #tpu.memory_space<hbm>>
      %dma_wait3A_156 = tpu.memref_squeeze %dma_wait3A_155 : memref<1x1x1152xf32, #tpu.memory_space<hbm>> -> memref<1152xf32, #tpu.memory_space<hbm>>
      tpu.wait_dma2 semaphore(%dma_wait3A_150 : memref<!tpu.dma_semaphore, #tpu.memory_space<semaphore_mem>>) src(%dma_wait3A_156 : memref<1152xf32, #tpu.memory_space<hbm>>) dst(%dma_wait3A_153 : memref<1152xf32, #tpu.memory_space<vmem>>)
      %broadcast_in_dim3A_157 = vector.broadcast %rem3A_110 : i32 to vector<16xi32>
      %dma_start3A_158 = arith.constant 0 : i32
      %dma_start3A_159 = arith.constant 0 : i32
      %dma_start3A_160 = arith.constant 0 : i32
      %dma_start3A_161 = arith.constant 0 : i32
      %dma_start3A_162 = tpu.memref_slice %arg7[%dma_start3A_158, %dma_start3A_160, %dma_start3A_161] : memref<2x128x128xf32, #tpu.memory_space<vmem>> -> memref<1x128x128xf32, #tpu.memory_space<vmem>>
      %dma_start3A_163 = tpu.memref_squeeze %dma_start3A_162 : memref<1x128x128xf32, #tpu.memory_space<vmem>> -> memref<128x128xf32, #tpu.memory_space<vmem>>
      %dma_start3A_164 = arith.constant 0 : i32
      %dma_start3A_165 = tpu.memref_slice %arg8[%rem3A_110, %dma_start3A_164] : memref<2x1152xi32, #tpu.memory_space<vmem>> -> memref<1x1152xi32, #tpu.memory_space<vmem>>
      %dma_start3A_166 = tpu.memref_squeeze %dma_start3A_165 : memref<1x1152xi32, #tpu.memory_space<vmem>> -> memref<1152xi32, #tpu.memory_space<vmem>>
      %dma_start3A_167 = arith.constant 0 : i32
      %dma_start3A_168 = tpu.memref_slice %dma_start3A_166[%dma_start3A_167] : memref<1152xi32, #tpu.memory_space<vmem>> -> memref<128xi32, #tpu.memory_space<vmem>>
      %dma_start3A_169 = arith.constant 0 : i32
      %dma_start3A_170 = arith.constant 0 : i32
      %dma_start3A_171 = tpu.memref_slice %arg2[%add3A_13, %dma_start3A_169, %dma_start3A_170] : memref<1x10240x128xf32, #tpu.memory_space<hbm>> -> memref<1x10240x128xf32, #tpu.memory_space<hbm>>
      %dma_start3A_172 = tpu.memref_squeeze %dma_start3A_171 : memref<1x10240x128xf32, #tpu.memory_space<hbm>> -> memref<10240x128xf32, #tpu.memory_space<hbm>>
      %dma_start3A_173 = arith.constant 0 : i32
      %dma_start3A_174 = arith.constant 0 : i32
      %dma_start3A_175 = tpu.memref_slice %dma_start3A_172[%dma_start3A_173, %dma_start3A_174] : memref<10240x128xf32, #tpu.memory_space<hbm>> -> memref<10240x128xf32, #tpu.memory_space<hbm>>
      %dma_start3A_176 = tpu.memref_slice %arg14[%dma_start3A_159] : memref<2x!tpu.dma_semaphore, #tpu.memory_space<semaphore_mem>> -> memref<1x!tpu.dma_semaphore, #tpu.memory_space<semaphore_mem>>
      %dma_start3A_177 = tpu.memref_squeeze %dma_start3A_176 : memref<1x!tpu.dma_semaphore, #tpu.memory_space<semaphore_mem>> -> memref<!tpu.dma_semaphore, #tpu.memory_space<semaphore_mem>>
      tpu.enqueue_indirect_dma source(%dma_start3A_175 : memref<10240x128xf32, #tpu.memory_space<hbm>>) target(%dma_start3A_163 : memref<128x128xf32, #tpu.memory_space<vmem>>) offsets(%dma_start3A_168 : memref<128xi32, #tpu.memory_space<vmem>>) semaphore(%dma_start3A_177 : memref<!tpu.dma_semaphore, #tpu.memory_space<semaphore_mem>>)
      %scan3A_178 = arith.constant 0 : i32
      %scan3A_179 = arith.constant 9 : i32
      %scan3A_180 = arith.addi %scan3A_178, %scan3A_179 : i32
      %scan3A_181 = arith.constant 1 : i32
      scf.for %scan3A_213 = %scan3A_178 to %scan3A_180 step %scan3A_181  : i32 {
        %mul3A_214 = arith.constant 1 : i32
        %mul3A_215 = arith.muli %scan3A_213, %mul3A_214 : i32
        %add3A_216 = arith.constant 0 : i32
        %add3A_217 = arith.addi %add3A_216, %mul3A_215 : i32
        %rem3A_218 = arith.constant 2 : i32
        %rem3A_219 = arith.remsi %add3A_217, %rem3A_218 : i32
        %add3A_220 = arith.constant 1 : i32
        %add3A_221 = arith.addi %add3A_217, %add3A_220 : i32
        %rem3A_222 = arith.constant 2 : i32
        %rem3A_223 = arith.remsi %add3A_221, %rem3A_222 : i32
        %lt3A_224 = arith.constant 8 : i32
        %lt3A_225 = arith.cmpi slt, %add3A_217, %lt3A_224 : i32
        %convert_element_type3A_226 = arith.extui %lt3A_225 : i1 to i32
        %cond3A_227 = arith.constant 0 : i32
        %cond3A_228 = arith.cmpi ne, %convert_element_type3A_226, %cond3A_227 : i32
        scf.if %cond3A_228 {
          %ge3A = arith.constant 1 : i32
          %ge3A_270 = arith.cmpi sge, %add3A_217, %ge3A : i32
          %convert_element_type3A_271 = arith.extui %ge3A_270 : i1 to i32
          %cond3A_272 = arith.constant 0 : i32
          %cond3A_273 = arith.cmpi ne, %convert_element_type3A_271, %cond3A_272 : i32
          scf.if %cond3A_273 {
            %dma_wait3A_295 = arith.constant 0 : i32
            %dma_wait3A_296 = arith.constant 0 : i32
            %dma_wait3A_297 = tpu.memref_slice %arg7[%rem3A_223, %dma_wait3A_295, %dma_wait3A_296] : memref<2x128x128xf32, #tpu.memory_space<vmem>> -> memref<1x128x128xf32, #tpu.memory_space<vmem>>
            %dma_wait3A_298 = tpu.memref_squeeze %dma_wait3A_297 : memref<1x128x128xf32, #tpu.memory_space<vmem>> -> memref<128x128xf32, #tpu.memory_space<vmem>>
            %dma_wait3A_299 = arith.constant 0 : i32
            %dma_wait3A_300 = tpu.memref_slice %arg10[%rem3A_223, %dma_wait3A_299] : memref<2x128xi32, #tpu.memory_space<vmem>> -> memref<1x128xi32, #tpu.memory_space<vmem>>
            %dma_wait3A_301 = tpu.memref_squeeze %dma_wait3A_300 : memref<1x128xi32, #tpu.memory_space<vmem>> -> memref<128xi32, #tpu.memory_space<vmem>>
            %dma_wait3A_302 = arith.constant 0 : i32
            %dma_wait3A_303 = arith.constant 0 : i32
            %dma_wait3A_304 = tpu.memref_slice %arg13[%dma_wait3A_302, %dma_wait3A_303] : memref<10240x128xf32, #tpu.memory_space<vmem_shared>> -> memref<10240x128xf32, #tpu.memory_space<vmem_shared>>
            %dma_wait3A_305 = tpu.memref_slice %arg15[%rem3A_223] : memref<2x!tpu.dma_semaphore, #tpu.memory_space<semaphore_mem>> -> memref<1x!tpu.dma_semaphore, #tpu.memory_space<semaphore_mem>>
            %dma_wait3A_306 = tpu.memref_squeeze %dma_wait3A_305 : memref<1x!tpu.dma_semaphore, #tpu.memory_space<semaphore_mem>> -> memref<!tpu.dma_semaphore, #tpu.memory_space<semaphore_mem>>
            tpu.wait_indirect_dma semaphore(%dma_wait3A_306 : memref<!tpu.dma_semaphore, #tpu.memory_space<semaphore_mem>>) src(%dma_wait3A_298 : memref<128x128xf32, #tpu.memory_space<vmem>>) dst(%dma_wait3A_304 : memref<10240x128xf32, #tpu.memory_space<vmem_shared>>)
          } else {
          }
          %add3A_274 = arith.constant 1 : i32
          %add3A_275 = arith.addi %add3A_217, %add3A_274 : i32
          %mul3A_276 = arith.constant 128 : i32
          %mul3A_277 = arith.muli %add3A_275, %mul3A_276 : i32
          %dma_start3A_278 = arith.constant 0 : i32
          %dma_start3A_279 = arith.constant 0 : i32
          %dma_start3A_280 = tpu.memref_slice %arg7[%rem3A_223, %dma_start3A_278, %dma_start3A_279] : memref<2x128x128xf32, #tpu.memory_space<vmem>> -> memref<1x128x128xf32, #tpu.memory_space<vmem>>
          %dma_start3A_281 = tpu.memref_squeeze %dma_start3A_280 : memref<1x128x128xf32, #tpu.memory_space<vmem>> -> memref<128x128xf32, #tpu.memory_space<vmem>>
          %dma_start3A_282 = arith.constant 0 : i32
          %dma_start3A_283 = tpu.memref_slice %arg8[%rem3A_110, %dma_start3A_282] : memref<2x1152xi32, #tpu.memory_space<vmem>> -> memref<1x1152xi32, #tpu.memory_space<vmem>>
          %dma_start3A_284 = tpu.memref_squeeze %dma_start3A_283 : memref<1x1152xi32, #tpu.memory_space<vmem>> -> memref<1152xi32, #tpu.memory_space<vmem>>
          %dma_start3A_285 = tpu.memref_slice %dma_start3A_284[%mul3A_277] : memref<1152xi32, #tpu.memory_space<vmem>> -> memref<128xi32, #tpu.memory_space<vmem>>
          %dma_start3A_286 = arith.constant 0 : i32
          %dma_start3A_287 = arith.constant 0 : i32
          %dma_start3A_288 = tpu.memref_slice %arg2[%add3A_13, %dma_start3A_286, %dma_start3A_287] : memref<1x10240x128xf32, #tpu.memory_space<hbm>> -> memref<1x10240x128xf32, #tpu.memory_space<hbm>>
          %dma_start3A_289 = tpu.memref_squeeze %dma_start3A_288 : memref<1x10240x128xf32, #tpu.memory_space<hbm>> -> memref<10240x128xf32, #tpu.memory_space<hbm>>
          %dma_start3A_290 = arith.constant 0 : i32
          %dma_start3A_291 = arith.constant 0 : i32
          %dma_start3A_292 = tpu.memref_slice %dma_start3A_289[%dma_start3A_290, %dma_start3A_291] : memref<10240x128xf32, #tpu.memory_space<hbm>> -> memref<10240x128xf32, #tpu.memory_space<hbm>>
          %dma_start3A_293 = tpu.memref_slice %arg14[%rem3A_223] : memref<2x!tpu.dma_semaphore, #tpu.memory_space<semaphore_mem>> -> memref<1x!tpu.dma_semaphore, #tpu.memory_space<semaphore_mem>>
          %dma_start3A_294 = tpu.memref_squeeze %dma_start3A_293 : memref<1x!tpu.dma_semaphore, #tpu.memory_space<semaphore_mem>> -> memref<!tpu.dma_semaphore, #tpu.memory_space<semaphore_mem>>
          tpu.enqueue_indirect_dma source(%dma_start3A_292 : memref<10240x128xf32, #tpu.memory_space<hbm>>) target(%dma_start3A_281 : memref<128x128xf32, #tpu.memory_space<vmem>>) offsets(%dma_start3A_285 : memref<128xi32, #tpu.memory_space<vmem>>) semaphore(%dma_start3A_294 : memref<!tpu.dma_semaphore, #tpu.memory_space<semaphore_mem>>)
        } else {
        }
        %mul3A_229 = arith.constant 128 : i32
        %mul3A_230 = arith.muli %add3A_217, %mul3A_229 : i32
        %dma_wait3A_231 = arith.constant 0 : i32
        %dma_wait3A_232 = arith.constant 0 : i32
        %dma_wait3A_233 = tpu.memref_slice %arg7[%rem3A_219, %dma_wait3A_231, %dma_wait3A_232] : memref<2x128x128xf32, #tpu.memory_space<vmem>> -> memref<1x128x128xf32, #tpu.memory_space<vmem>>
        %dma_wait3A_234 = tpu.memref_squeeze %dma_wait3A_233 : memref<1x128x128xf32, #tpu.memory_space<vmem>> -> memref<128x128xf32, #tpu.memory_space<vmem>>
        %dma_wait3A_235 = arith.constant 0 : i32
        %dma_wait3A_236 = tpu.memref_slice %arg8[%rem3A_110, %dma_wait3A_235] : memref<2x1152xi32, #tpu.memory_space<vmem>> -> memref<1x1152xi32, #tpu.memory_space<vmem>>
        %dma_wait3A_237 = tpu.memref_squeeze %dma_wait3A_236 : memref<1x1152xi32, #tpu.memory_space<vmem>> -> memref<1152xi32, #tpu.memory_space<vmem>>
        %dma_wait3A_238 = tpu.memref_slice %dma_wait3A_237[%mul3A_230] : memref<1152xi32, #tpu.memory_space<vmem>> -> memref<128xi32, #tpu.memory_space<vmem>>
        %dma_wait3A_239 = arith.constant 0 : i32
        %dma_wait3A_240 = arith.constant 0 : i32
        %dma_wait3A_241 = tpu.memref_slice %arg2[%add3A_13, %dma_wait3A_239, %dma_wait3A_240] : memref<1x10240x128xf32, #tpu.memory_space<hbm>> -> memref<1x10240x128xf32, #tpu.memory_space<hbm>>
        %dma_wait3A_242 = tpu.memref_squeeze %dma_wait3A_241 : memref<1x10240x128xf32, #tpu.memory_space<hbm>> -> memref<10240x128xf32, #tpu.memory_space<hbm>>
        %dma_wait3A_243 = arith.constant 0 : i32
        %dma_wait3A_244 = arith.constant 0 : i32
        %dma_wait3A_245 = tpu.memref_slice %dma_wait3A_242[%dma_wait3A_243, %dma_wait3A_244] : memref<10240x128xf32, #tpu.memory_space<hbm>> -> memref<10240x128xf32, #tpu.memory_space<hbm>>
        %dma_wait3A_246 = tpu.memref_slice %arg14[%rem3A_219] : memref<2x!tpu.dma_semaphore, #tpu.memory_space<semaphore_mem>> -> memref<1x!tpu.dma_semaphore, #tpu.memory_space<semaphore_mem>>
        %dma_wait3A_247 = tpu.memref_squeeze %dma_wait3A_246 : memref<1x!tpu.dma_semaphore, #tpu.memory_space<semaphore_mem>> -> memref<!tpu.dma_semaphore, #tpu.memory_space<semaphore_mem>>
        tpu.wait_indirect_dma semaphore(%dma_wait3A_247 : memref<!tpu.dma_semaphore, #tpu.memory_space<semaphore_mem>>) src(%dma_wait3A_245 : memref<10240x128xf32, #tpu.memory_space<hbm>>) dst(%dma_wait3A_234 : memref<128x128xf32, #tpu.memory_space<vmem>>)
        %scan3A_248 = arith.constant 0 : i32
        %scan3A_249 = arith.constant 8 : i32
        %scan3A_250 = arith.addi %scan3A_248, %scan3A_249 : i32
        %scan3A_251 = arith.constant 1 : i32
        scf.for %scan3A_270 = %scan3A_248 to %scan3A_250 step %scan3A_251  : i32 {
          %mul3A_271 = arith.constant 16 : i32
          %mul3A_272 = arith.muli %scan3A_270, %mul3A_271 : i32
          %add3A_273 = arith.constant 0 : i32
          %add3A_274 = arith.addi %add3A_273, %mul3A_272 : i32
          %mul3A_275 = arith.constant 128 : i32
          %mul3A_276 = arith.muli %add3A_217, %mul3A_275 : i32
          %add3A_277 = arith.addi %mul3A_276, %add3A_274 : i32
          %get3A = arith.index_cast %rem3A_110 : i32 to index
          %get3A_278 = arith.index_cast %add3A_277 : i32 to index
          %get3A_279 = tpu.vector_load %arg9[%get3A, %get3A_278] {strides = array<i32>} : memref<2x1152xi32, #tpu.memory_space<vmem>>, vector<16xi32>,
          %swap3A = arith.index_cast %rem3A_219 : i32 to index
          %swap3A_280 = arith.index_cast %add3A_274 : i32 to index
          %swap3A_281 = tpu.vector_load %arg10[%swap3A, %swap3A_280] {strides = array<i32>} : memref<2x128xi32, #tpu.memory_space<vmem>>, vector<16xi32>,
          tpu.vector_store %arg10[%swap3A, %swap3A_280], %get3A_279 {strides = array<i32>} : memref<2x128xi32, #tpu.memory_space<vmem>>, vector<16xi32>,
        }
        %scan3A_252 = arith.constant 8 : i32
        %scan3A_253 = arith.constant 0 : i32
        %scan3A_254 = arith.constant 64 : i32
        %scan3A_255 = arith.addi %scan3A_253, %scan3A_254 : i32
        %scan3A_256 = arith.constant 1 : i32
        scf.for %scan3A_270 = %scan3A_253 to %scan3A_255 step %scan3A_256  : i32 {
          %mul3A_271 = arith.constant 2 : i32
          %mul3A_272 = arith.muli %scan3A_270, %mul3A_271 : i32
          %add3A_273 = arith.constant 0 : i32
          %add3A_274 = arith.addi %add3A_273, %mul3A_272 : i32
          %add3A_275 = arith.constant 0 : i32
          %add3A_276 = arith.addi %add3A_274, %add3A_275 : i32
          %mul3A_277 = arith.constant 128 : i32
          %mul3A_278 = arith.muli %add3A_217, %mul3A_277 : i32
          %add3A_279 = arith.addi %mul3A_278, %add3A_276 : i32
          %broadcast_in_dim3A_280 = vector.broadcast %add3A_279 : i32 to vector<16xi32>
          %gather3A = tpu.vector_load_idx %arg11[%broadcast_in_dim3A_157, %broadcast_in_dim3A_7, %broadcast_in_dim3A_280] : memref<2x1x1152xf32, #tpu.memory_space<vmem>>[vector<16xi32>, vector<16xi32>, vector<16xi32>], vector<16xf32>,
          %get3A = arith.index_cast %rem3A_219 : i32 to index
          %get3A_281 = arith.index_cast %add3A_276 : i32 to index
          %get3A_282 = arith.constant 0 : index
          %get3A_283 = tpu.vector_load %arg7[%get3A, %get3A_281, %get3A_282] {strides = array<i32>} : memref<2x128x128xf32, #tpu.memory_space<vmem>>, vector<16xf32>,
          %mul3A_284 = arith.mulf %get3A_283, %gather3A : vector<16xf32>
          %swap3A = arith.index_cast %rem3A_219 : i32 to index
          %swap3A_285 = arith.index_cast %add3A_276 : i32 to index
          %swap3A_286 = arith.constant 0 : index
          %swap3A_287 = tpu.vector_load %arg7[%swap3A, %swap3A_285, %swap3A_286] {strides = array<i32>} : memref<2x128x128xf32, #tpu.memory_space<vmem>>, vector<16xf32>,
          tpu.vector_store %arg7[%swap3A, %swap3A_285, %swap3A_286], %mul3A_284 {strides = array<i32>} : memref<2x128x128xf32, #tpu.memory_space<vmem>>, vector<16xf32>,
          %get3A_288 = arith.index_cast %rem3A_219 : i32 to index
          %get3A_289 = arith.index_cast %add3A_276 : i32 to index
          %get3A_290 = arith.constant 16 : index
          %get3A_291 = tpu.vector_load %arg7[%get3A_288, %get3A_289, %get3A_290] {strides = array<i32>} : memref<2x128x128xf32, #tpu.memory_space<vmem>>, vector<16xf32>,
          %mul3A_292 = arith.mulf %get3A_291, %gather3A : vector<16xf32>
          %swap3A_293 = arith.index_cast %rem3A_219 : i32 to index
          %swap3A_294 = arith.index_cast %add3A_276 : i32 to index
          %swap3A_295 = arith.constant 16 : index
          %swap3A_296 = tpu.vector_load %arg7[%swap3A_293, %swap3A_294, %swap3A_295] {strides = array<i32>} : memref<2x128x128xf32, #tpu.memory_space<vmem>>, vector<16xf32>,
          tpu.vector_store %arg7[%swap3A_293, %swap3A_294, %swap3A_295], %mul3A_292 {strides = array<i32>} : memref<2x128x128xf32, #tpu.memory_space<vmem>>, vector<16xf32>,
          %get3A_297 = arith.index_cast %rem3A_219 : i32 to index
          %get3A_298 = arith.index_cast %add3A_276 : i32 to index
          %get3A_299 = arith.constant 32 : index
          %get3A_300 = tpu.vector_load %arg7[%get3A_297, %get3A_298, %get3A_299] {strides = array<i32>} : memref<2x128x128xf32, #tpu.memory_space<vmem>>, vector<16xf32>,
          %mul3A_301 = arith.mulf %get3A_300, %gather3A : vector<16xf32>
          %swap3A_302 = arith.index_cast %rem3A_219 : i32 to index
          %swap3A_303 = arith.index_cast %add3A_276 : i32 to index
          %swap3A_304 = arith.constant 32 : index
          %swap3A_305 = tpu.vector_load %arg7[%swap3A_302, %swap3A_303, %swap3A_304] {strides = array<i32>} : memref<2x128x128xf32, #tpu.memory_space<vmem>>, vector<16xf32>,
          tpu.vector_store %arg7[%swap3A_302, %swap3A_303, %swap3A_304], %mul3A_301 {strides = array<i32>} : memref<2x128x128xf32, #tpu.memory_space<vmem>>, vector<16xf32>,
          %get3A_306 = arith.index_cast %rem3A_219 : i32 to index
          %get3A_307 = arith.index_cast %add3A_276 : i32 to index
          %get3A_308 = arith.constant 48 : index
          %get3A_309 = tpu.vector_load %arg7[%get3A_306, %get3A_307, %get3A_308] {strides = array<i32>} : memref<2x128x128xf32, #tpu.memory_space<vmem>>, vector<16xf32>,
          %mul3A_310 = arith.mulf %get3A_309, %gather3A : vector<16xf32>
          %swap3A_311 = arith.index_cast %rem3A_219 : i32 to index
          %swap3A_312 = arith.index_cast %add3A_276 : i32 to index
          %swap3A_313 = arith.constant 48 : index
          %swap3A_314 = tpu.vector_load %arg7[%swap3A_311, %swap3A_312, %swap3A_313] {strides = array<i32>} : memref<2x128x128xf32, #tpu.memory_space<vmem>>, vector<16xf32>,
          tpu.vector_store %arg7[%swap3A_311, %swap3A_312, %swap3A_313], %mul3A_310 {strides = array<i32>} : memref<2x128x128xf32, #tpu.memory_space<vmem>>, vector<16xf32>,
          %get3A_315 = arith.index_cast %rem3A_219 : i32 to index
          %get3A_316 = arith.index_cast %add3A_276 : i32 to index
          %get3A_317 = arith.constant 64 : index
          %get3A_318 = tpu.vector_load %arg7[%get3A_315, %get3A_316, %get3A_317] {strides = array<i32>} : memref<2x128x128xf32, #tpu.memory_space<vmem>>, vector<16xf32>,
          %mul3A_319 = arith.mulf %get3A_318, %gather3A : vector<16xf32>
          %swap3A_320 = arith.index_cast %rem3A_219 : i32 to index
          %swap3A_321 = arith.index_cast %add3A_276 : i32 to index
          %swap3A_322 = arith.constant 64 : index
          %swap3A_323 = tpu.vector_load %arg7[%swap3A_320, %swap3A_321, %swap3A_322] {strides = array<i32>} : memref<2x128x128xf32, #tpu.memory_space<vmem>>, vector<16xf32>,
          tpu.vector_store %arg7[%swap3A_320, %swap3A_321, %swap3A_322], %mul3A_319 {strides = array<i32>} : memref<2x128x128xf32, #tpu.memory_space<vmem>>, vector<16xf32>,
          %get3A_324 = arith.index_cast %rem3A_219 : i32 to index
          %get3A_325 = arith.index_cast %add3A_276 : i32 to index
          %get3A_326 = arith.constant 80 : index
          %get3A_327 = tpu.vector_load %arg7[%get3A_324, %get3A_325, %get3A_326] {strides = array<i32>} : memref<2x128x128xf32, #tpu.memory_space<vmem>>, vector<16xf32>,
          %mul3A_328 = arith.mulf %get3A_327, %gather3A : vector<16xf32>
          %swap3A_329 = arith.index_cast %rem3A_219 : i32 to index
          %swap3A_330 = arith.index_cast %add3A_276 : i32 to index
          %swap3A_331 = arith.constant 80 : index
          %swap3A_332 = tpu.vector_load %arg7[%swap3A_329, %swap3A_330, %swap3A_331] {strides = array<i32>} : memref<2x128x128xf32, #tpu.memory_space<vmem>>, vector<16xf32>,
          tpu.vector_store %arg7[%swap3A_329, %swap3A_330, %swap3A_331], %mul3A_328 {strides = array<i32>} : memref<2x128x128xf32, #tpu.memory_space<vmem>>, vector<16xf32>,
          %get3A_333 = arith.index_cast %rem3A_219 : i32 to index
          %get3A_334 = arith.index_cast %add3A_276 : i32 to index
          %get3A_335 = arith.constant 96 : index
          %get3A_336 = tpu.vector_load %arg7[%get3A_333, %get3A_334, %get3A_335] {strides = array<i32>} : memref<2x128x128xf32, #tpu.memory_space<vmem>>, vector<16xf32>,
          %mul3A_337 = arith.mulf %get3A_336, %gather3A : vector<16xf32>
          %swap3A_338 = arith.index_cast %rem3A_219 : i32 to index
          %swap3A_339 = arith.index_cast %add3A_276 : i32 to index
          %swap3A_340 = arith.constant 96 : index
          %swap3A_341 = tpu.vector_load %arg7[%swap3A_338, %swap3A_339, %swap3A_340] {strides = array<i32>} : memref<2x128x128xf32, #tpu.memory_space<vmem>>, vector<16xf32>,
          tpu.vector_store %arg7[%swap3A_338, %swap3A_339, %swap3A_340], %mul3A_337 {strides = array<i32>} : memref<2x128x128xf32, #tpu.memory_space<vmem>>, vector<16xf32>,
          %get3A_342 = arith.index_cast %rem3A_219 : i32 to index
          %get3A_343 = arith.index_cast %add3A_276 : i32 to index
          %get3A_344 = arith.constant 112 : index
          %get3A_345 = tpu.vector_load %arg7[%get3A_342, %get3A_343, %get3A_344] {strides = array<i32>} : memref<2x128x128xf32, #tpu.memory_space<vmem>>, vector<16xf32>,
          %mul3A_346 = arith.mulf %get3A_345, %gather3A : vector<16xf32>
          %swap3A_347 = arith.index_cast %rem3A_219 : i32 to index
          %swap3A_348 = arith.index_cast %add3A_276 : i32 to index
          %swap3A_349 = arith.constant 112 : index
          %swap3A_350 = tpu.vector_load %arg7[%swap3A_347, %swap3A_348, %swap3A_349] {strides = array<i32>} : memref<2x128x128xf32, #tpu.memory_space<vmem>>, vector<16xf32>,
          tpu.vector_store %arg7[%swap3A_347, %swap3A_348, %swap3A_349], %mul3A_346 {strides = array<i32>} : memref<2x128x128xf32, #tpu.memory_space<vmem>>, vector<16xf32>,
          %add3A_351 = arith.constant 1 : i32
          %add3A_352 = arith.addi %add3A_274, %add3A_351 : i32
          %mul3A_353 = arith.constant 128 : i32
          %mul3A_354 = arith.muli %add3A_217, %mul3A_353 : i32
          %add3A_355 = arith.addi %mul3A_354, %add3A_352 : i32
          %broadcast_in_dim3A_356 = vector.broadcast %add3A_355 : i32 to vector<16xi32>
          %gather3A_357 = tpu.vector_load_idx %arg11[%broadcast_in_dim3A_157, %broadcast_in_dim3A_7, %broadcast_in_dim3A_356] : memref<2x1x1152xf32, #tpu.memory_space<vmem>>[vector<16xi32>, vector<16xi32>, vector<16xi32>], vector<16xf32>,
          %get3A_358 = arith.index_cast %rem3A_219 : i32 to index
          %get3A_359 = arith.index_cast %add3A_352 : i32 to index
          %get3A_360 = arith.constant 0 : index
          %get3A_361 = tpu.vector_load %arg7[%get3A_358, %get3A_359, %get3A_360] {strides = array<i32>} : memref<2x128x128xf32, #tpu.memory_space<vmem>>, vector<16xf32>,
          %mul3A_362 = arith.mulf %get3A_361, %gather3A_357 : vector<16xf32>
          %swap3A_363 = arith.index_cast %rem3A_219 : i32 to index
          %swap3A_364 = arith.index_cast %add3A_352 : i32 to index
          %swap3A_365 = arith.constant 0 : index
          %swap3A_366 = tpu.vector_load %arg7[%swap3A_363, %swap3A_364, %swap3A_365] {strides = array<i32>} : memref<2x128x128xf32, #tpu.memory_space<vmem>>, vector<16xf32>,
          tpu.vector_store %arg7[%swap3A_363, %swap3A_364, %swap3A_365], %mul3A_362 {strides = array<i32>} : memref<2x128x128xf32, #tpu.memory_space<vmem>>, vector<16xf32>,
          %get3A_367 = arith.index_cast %rem3A_219 : i32 to index
          %get3A_368 = arith.index_cast %add3A_352 : i32 to index
          %get3A_369 = arith.constant 16 : index
          %get3A_370 = tpu.vector_load %arg7[%get3A_367, %get3A_368, %get3A_369] {strides = array<i32>} : memref<2x128x128xf32, #tpu.memory_space<vmem>>, vector<16xf32>,
          %mul3A_371 = arith.mulf %get3A_370, %gather3A_357 : vector<16xf32>
          %swap3A_372 = arith.index_cast %rem3A_219 : i32 to index
          %swap3A_373 = arith.index_cast %add3A_352 : i32 to index
          %swap3A_374 = arith.constant 16 : index
          %swap3A_375 = tpu.vector_load %arg7[%swap3A_372, %swap3A_373, %swap3A_374] {strides = array<i32>} : memref<2x128x128xf32, #tpu.memory_space<vmem>>, vector<16xf32>,
          tpu.vector_store %arg7[%swap3A_372, %swap3A_373, %swap3A_374], %mul3A_371 {strides = array<i32>} : memref<2x128x128xf32, #tpu.memory_space<vmem>>, vector<16xf32>,
          %get3A_376 = arith.index_cast %rem3A_219 : i32 to index
          %get3A_377 = arith.index_cast %add3A_352 : i32 to index
          %get3A_378 = arith.constant 32 : index
          %get3A_379 = tpu.vector_load %arg7[%get3A_376, %get3A_377, %get3A_378] {strides = array<i32>} : memref<2x128x128xf32, #tpu.memory_space<vmem>>, vector<16xf32>,
          %mul3A_380 = arith.mulf %get3A_379, %gather3A_357 : vector<16xf32>
          %swap3A_381 = arith.index_cast %rem3A_219 : i32 to index
          %swap3A_382 = arith.index_cast %add3A_352 : i32 to index
          %swap3A_383 = arith.constant 32 : index
          %swap3A_384 = tpu.vector_load %arg7[%swap3A_381, %swap3A_382, %swap3A_383] {strides = array<i32>} : memref<2x128x128xf32, #tpu.memory_space<vmem>>, vector<16xf32>,
          tpu.vector_store %arg7[%swap3A_381, %swap3A_382, %swap3A_383], %mul3A_380 {strides = array<i32>} : memref<2x128x128xf32, #tpu.memory_space<vmem>>, vector<16xf32>,
          %get3A_385 = arith.index_cast %rem3A_219 : i32 to index
          %get3A_386 = arith.index_cast %add3A_352 : i32 to index
          %get3A_387 = arith.constant 48 : index
          %get3A_388 = tpu.vector_load %arg7[%get3A_385, %get3A_386, %get3A_387] {strides = array<i32>} : memref<2x128x128xf32, #tpu.memory_space<vmem>>, vector<16xf32>,
          %mul3A_389 = arith.mulf %get3A_388, %gather3A_357 : vector<16xf32>
          %swap3A_390 = arith.index_cast %rem3A_219 : i32 to index
          %swap3A_391 = arith.index_cast %add3A_352 : i32 to index
          %swap3A_392 = arith.constant 48 : index
          %swap3A_393 = tpu.vector_load %arg7[%swap3A_390, %swap3A_391, %swap3A_392] {strides = array<i32>} : memref<2x128x128xf32, #tpu.memory_space<vmem>>, vector<16xf32>,
          tpu.vector_store %arg7[%swap3A_390, %swap3A_391, %swap3A_392], %mul3A_389 {strides = array<i32>} : memref<2x128x128xf32, #tpu.memory_space<vmem>>, vector<16xf32>,
          %get3A_394 = arith.index_cast %rem3A_219 : i32 to index
          %get3A_395 = arith.index_cast %add3A_352 : i32 to index
          %get3A_396 = arith.constant 64 : index
          %get3A_397 = tpu.vector_load %arg7[%get3A_394, %get3A_395, %get3A_396] {strides = array<i32>} : memref<2x128x128xf32, #tpu.memory_space<vmem>>, vector<16xf32>,
          %mul3A_398 = arith.mulf %get3A_397, %gather3A_357 : vector<16xf32>
          %swap3A_399 = arith.index_cast %rem3A_219 : i32 to index
          %swap3A_400 = arith.index_cast %add3A_352 : i32 to index
          %swap3A_401 = arith.constant 64 : index
          %swap3A_402 = tpu.vector_load %arg7[%swap3A_399, %swap3A_400, %swap3A_401] {strides = array<i32>} : memref<2x128x128xf32, #tpu.memory_space<vmem>>, vector<16xf32>,
          tpu.vector_store %arg7[%swap3A_399, %swap3A_400, %swap3A_401], %mul3A_398 {strides = array<i32>} : memref<2x128x128xf32, #tpu.memory_space<vmem>>, vector<16xf32>,
          %get3A_403 = arith.index_cast %rem3A_219 : i32 to index
          %get3A_404 = arith.index_cast %add3A_352 : i32 to index
          %get3A_405 = arith.constant 80 : index
          %get3A_406 = tpu.vector_load %arg7[%get3A_403, %get3A_404, %get3A_405] {strides = array<i32>} : memref<2x128x128xf32, #tpu.memory_space<vmem>>, vector<16xf32>,
          %mul3A_407 = arith.mulf %get3A_406, %gather3A_357 : vector<16xf32>
          %swap3A_408 = arith.index_cast %rem3A_219 : i32 to index
          %swap3A_409 = arith.index_cast %add3A_352 : i32 to index
          %swap3A_410 = arith.constant 80 : index
          %swap3A_411 = tpu.vector_load %arg7[%swap3A_408, %swap3A_409, %swap3A_410] {strides = array<i32>} : memref<2x128x128xf32, #tpu.memory_space<vmem>>, vector<16xf32>,
          tpu.vector_store %arg7[%swap3A_408, %swap3A_409, %swap3A_410], %mul3A_407 {strides = array<i32>} : memref<2x128x128xf32, #tpu.memory_space<vmem>>, vector<16xf32>,
          %get3A_412 = arith.index_cast %rem3A_219 : i32 to index
          %get3A_413 = arith.index_cast %add3A_352 : i32 to index
          %get3A_414 = arith.constant 96 : index
          %get3A_415 = tpu.vector_load %arg7[%get3A_412, %get3A_413, %get3A_414] {strides = array<i32>} : memref<2x128x128xf32, #tpu.memory_space<vmem>>, vector<16xf32>,
          %mul3A_416 = arith.mulf %get3A_415, %gather3A_357 : vector<16xf32>
          %swap3A_417 = arith.index_cast %rem3A_219 : i32 to index
          %swap3A_418 = arith.index_cast %add3A_352 : i32 to index
          %swap3A_419 = arith.constant 96 : index
          %swap3A_420 = tpu.vector_load %arg7[%swap3A_417, %swap3A_418, %swap3A_419] {strides = array<i32>} : memref<2x128x128xf32, #tpu.memory_space<vmem>>, vector<16xf32>,
          tpu.vector_store %arg7[%swap3A_417, %swap3A_418, %swap3A_419], %mul3A_416 {strides = array<i32>} : memref<2x128x128xf32, #tpu.memory_space<vmem>>, vector<16xf32>,
          %get3A_421 = arith.index_cast %rem3A_219 : i32 to index
          %get3A_422 = arith.index_cast %add3A_352 : i32 to index
          %get3A_423 = arith.constant 112 : index
          %get3A_424 = tpu.vector_load %arg7[%get3A_421, %get3A_422, %get3A_423] {strides = array<i32>} : memref<2x128x128xf32, #tpu.memory_space<vmem>>, vector<16xf32>,
          %mul3A_425 = arith.mulf %get3A_424, %gather3A_357 : vector<16xf32>
          %swap3A_426 = arith.index_cast %rem3A_219 : i32 to index
          %swap3A_427 = arith.index_cast %add3A_352 : i32 to index
          %swap3A_428 = arith.constant 112 : index
          %swap3A_429 = tpu.vector_load %arg7[%swap3A_426, %swap3A_427, %swap3A_428] {strides = array<i32>} : memref<2x128x128xf32, #tpu.memory_space<vmem>>, vector<16xf32>,
          tpu.vector_store %arg7[%swap3A_426, %swap3A_427, %swap3A_428], %mul3A_425 {strides = array<i32>} : memref<2x128x128xf32, #tpu.memory_space<vmem>>, vector<16xf32>,
        }
        %scan3A_257 = arith.constant 64 : i32
        %dma_start3A_258 = arith.constant 0 : i32
        %dma_start3A_259 = arith.constant 0 : i32
        %dma_start3A_260 = tpu.memref_slice %arg7[%rem3A_219, %dma_start3A_258, %dma_start3A_259] : memref<2x128x128xf32, #tpu.memory_space<vmem>> -> memref<1x128x128xf32, #tpu.memory_space<vmem>>
        %dma_start3A_261 = tpu.memref_squeeze %dma_start3A_260 : memref<1x128x128xf32, #tpu.memory_space<vmem>> -> memref<128x128xf32, #tpu.memory_space<vmem>>
        %dma_start3A_262 = arith.constant 0 : i32
        %dma_start3A_263 = tpu.memref_slice %arg10[%rem3A_219, %dma_start3A_262] : memref<2x128xi32, #tpu.memory_space<vmem>> -> memref<1x128xi32, #tpu.memory_space<vmem>>
        %dma_start3A_264 = tpu.memref_squeeze %dma_start3A_263 : memref<1x128xi32, #tpu.memory_space<vmem>> -> memref<128xi32, #tpu.memory_space<vmem>>
        %dma_start3A_265 = arith.constant 0 : i32
        %dma_start3A_266 = arith.constant 0 : i32
        %dma_start3A_267 = tpu.memref_slice %arg13[%dma_start3A_265, %dma_start3A_266] : memref<10240x128xf32, #tpu.memory_space<vmem_shared>> -> memref<10240x128xf32, #tpu.memory_space<vmem_shared>>
        %dma_start3A_268 = tpu.memref_slice %arg15[%rem3A_219] : memref<2x!tpu.dma_semaphore, #tpu.memory_space<semaphore_mem>> -> memref<1x!tpu.dma_semaphore, #tpu.memory_space<semaphore_mem>>
        %dma_start3A_269 = tpu.memref_squeeze %dma_start3A_268 : memref<1x!tpu.dma_semaphore, #tpu.memory_space<semaphore_mem>> -> memref<!tpu.dma_semaphore, #tpu.memory_space<semaphore_mem>>
        tpu.enqueue_indirect_dma source(%dma_start3A_261 : memref<128x128xf32, #tpu.memory_space<vmem>>) target(%dma_start3A_267 : memref<10240x128xf32, #tpu.memory_space<vmem_shared>>) offsets(%dma_start3A_264 : memref<128xi32, #tpu.memory_space<vmem>>) semaphore(%dma_start3A_269 : memref<!tpu.dma_semaphore, #tpu.memory_space<semaphore_mem>>) {add = true}
      }
      %scan3A_182 = arith.constant 9 : i32
      %dma_wait3A_183 = arith.constant 0 : i32
      %dma_wait3A_184 = arith.constant 0 : i32
      %dma_wait3A_185 = arith.constant 0 : i32
      %dma_wait3A_186 = arith.constant 0 : i32
      %dma_wait3A_187 = arith.constant 0 : i32
      %dma_wait3A_188 = tpu.memref_slice %arg7[%dma_wait3A_183, %dma_wait3A_186, %dma_wait3A_187] : memref<2x128x128xf32, #tpu.memory_space<vmem>> -> memref<1x128x128xf32, #tpu.memory_space<vmem>>
      %dma_wait3A_189 = tpu.memref_squeeze %dma_wait3A_188 : memref<1x128x128xf32, #tpu.memory_space<vmem>> -> memref<128x128xf32, #tpu.memory_space<vmem>>
      %dma_wait3A_190 = arith.constant 0 : i32
      %dma_wait3A_191 = tpu.memref_slice %arg10[%dma_wait3A_184, %dma_wait3A_190] : memref<2x128xi32, #tpu.memory_space<vmem>> -> memref<1x128xi32, #tpu.memory_space<vmem>>
      %dma_wait3A_192 = tpu.memref_squeeze %dma_wait3A_191 : memref<1x128xi32, #tpu.memory_space<vmem>> -> memref<128xi32, #tpu.memory_space<vmem>>
      %dma_wait3A_193 = arith.constant 0 : i32
      %dma_wait3A_194 = arith.constant 0 : i32
      %dma_wait3A_195 = tpu.memref_slice %arg13[%dma_wait3A_193, %dma_wait3A_194] : memref<10240x128xf32, #tpu.memory_space<vmem_shared>> -> memref<10240x128xf32, #tpu.memory_space<vmem_shared>>
      %dma_wait3A_196 = tpu.memref_slice %arg15[%dma_wait3A_185] : memref<2x!tpu.dma_semaphore, #tpu.memory_space<semaphore_mem>> -> memref<1x!tpu.dma_semaphore, #tpu.memory_space<semaphore_mem>>
      %dma_wait3A_197 = tpu.memref_squeeze %dma_wait3A_196 : memref<1x!tpu.dma_semaphore, #tpu.memory_space<semaphore_mem>> -> memref<!tpu.dma_semaphore, #tpu.memory_space<semaphore_mem>>
      tpu.wait_indirect_dma semaphore(%dma_wait3A_197 : memref<!tpu.dma_semaphore, #tpu.memory_space<semaphore_mem>>) src(%dma_wait3A_189 : memref<128x128xf32, #tpu.memory_space<vmem>>) dst(%dma_wait3A_195 : memref<10240x128xf32, #tpu.memory_space<vmem_shared>>)
      %dma_wait3A_198 = arith.constant 1 : i32
      %dma_wait3A_199 = arith.constant 1 : i32
      %dma_wait3A_200 = arith.constant 1 : i32
      %dma_wait3A_201 = arith.constant 0 : i32
      %dma_wait3A_202 = arith.constant 0 : i32
      %dma_wait3A_203 = tpu.memref_slice %arg7[%dma_wait3A_198, %dma_wait3A_201, %dma_wait3A_202] : memref<2x128x128xf32, #tpu.memory_space<vmem>> -> memref<1x128x128xf32, #tpu.memory_space<vmem>>
      %dma_wait3A_204 = tpu.memref_squeeze %dma_wait3A_203 : memref<1x128x128xf32, #tpu.memory_space<vmem>> -> memref<128x128xf32, #tpu.memory_space<vmem>>
      %dma_wait3A_205 = arith.constant 0 : i32
      %dma_wait3A_206 = tpu.memref_slice %arg10[%dma_wait3A_199, %dma_wait3A_205] : memref<2x128xi32, #tpu.memory_space<vmem>> -> memref<1x128xi32, #tpu.memory_space<vmem>>
      %dma_wait3A_207 = tpu.memref_squeeze %dma_wait3A_206 : memref<1x128xi32, #tpu.memory_space<vmem>> -> memref<128xi32, #tpu.memory_space<vmem>>
      %dma_wait3A_208 = arith.constant 0 : i32
      %dma_wait3A_209 = arith.constant 0 : i32
      %dma_wait3A_210 = tpu.memref_slice %arg13[%dma_wait3A_208, %dma_wait3A_209] : memref<10240x128xf32, #tpu.memory_space<vmem_shared>> -> memref<10240x128xf32, #tpu.memory_space<vmem_shared>>
      %dma_wait3A_211 = tpu.memref_slice %arg15[%dma_wait3A_200] : memref<2x!tpu.dma_semaphore, #tpu.memory_space<semaphore_mem>> -> memref<1x!tpu.dma_semaphore, #tpu.memory_space<semaphore_mem>>
      %dma_wait3A_212 = tpu.memref_squeeze %dma_wait3A_211 : memref<1x!tpu.dma_semaphore, #tpu.memory_space<semaphore_mem>> -> memref<!tpu.dma_semaphore, #tpu.memory_space<semaphore_mem>>
      tpu.wait_indirect_dma semaphore(%dma_wait3A_212 : memref<!tpu.dma_semaphore, #tpu.memory_space<semaphore_mem>>) src(%dma_wait3A_204 : memref<128x128xf32, #tpu.memory_space<vmem>>) dst(%dma_wait3A_210 : memref<10240x128xf32, #tpu.memory_space<vmem_shared>>)
    }
    %scan3A_101 = arith.constant 9 : i32
    %barrier3A_102 = arith.constant 0 : index
    tpu.barrier barrier_id(%barrier3A_102)
    "tpu.region"() ({
      %run_scoped3A = tpu.sem_alloc : memref<!tpu.dma_semaphore, #tpu.memory_space<semaphore_mem>>
      %dma_start3A_105 = arith.constant 0 : i32
      %dma_start3A_106 = tpu.memref_slice %arg6[%arg0, %add3A_13, %mul3A_5, %dma_start3A_105] : memref<2x1x10240x128xf32, #tpu.memory_space<hbm>> -> memref<1x1x640x128xf32, #tpu.memory_space<hbm>>
      %dma_start3A_107 = tpu.memref_squeeze %dma_start3A_106 : memref<1x1x640x128xf32, #tpu.memory_space<hbm>> -> memref<640x128xf32, #tpu.memory_space<hbm>>
      %dma_start3A_108 = arith.constant 0 : i32
      %dma_start3A_109 = tpu.memref_slice %arg13[%mul3A_5, %dma_start3A_108] : memref<10240x128xf32, #tpu.memory_space<vmem_shared>> -> memref<640x128xf32, #tpu.memory_space<vmem_shared>>
      tpu.enqueue_dma source(%dma_start3A_109 : memref<640x128xf32, #tpu.memory_space<vmem_shared>>) target(%dma_start3A_107 : memref<640x128xf32, #tpu.memory_space<hbm>>) target_semaphore(%run_scoped3A : memref<!tpu.dma_semaphore, #tpu.memory_space<semaphore_mem>>)
      %dma_wait3A = arith.constant 0 : i32
      %dma_wait3A_110 = tpu.memref_slice %arg6[%arg0, %add3A_13, %mul3A_5, %dma_wait3A] : memref<2x1x10240x128xf32, #tpu.memory_space<hbm>> -> memref<1x1x640x128xf32, #tpu.memory_space<hbm>>
      %dma_wait3A_111 = tpu.memref_squeeze %dma_wait3A_110 : memref<1x1x640x128xf32, #tpu.memory_space<hbm>> -> memref<640x128xf32, #tpu.memory_space<hbm>>
      %dma_wait3A_112 = arith.constant 0 : i32
      %dma_wait3A_113 = tpu.memref_slice %arg13[%mul3A_5, %dma_wait3A_112] : memref<10240x128xf32, #tpu.memory_space<vmem_shared>> -> memref<640x128xf32, #tpu.memory_space<vmem_shared>>
      tpu.wait_dma2 semaphore(%run_scoped3A : memref<!tpu.dma_semaphore, #tpu.memory_space<semaphore_mem>>) src(%dma_wait3A_113 : memref<640x128xf32, #tpu.memory_space<vmem_shared>>) dst(%dma_wait3A_111 : memref<640x128xf32, #tpu.memory_space<hbm>>)
      tpu.yield
    }) : () -> ()
    %barrier3A_103 = arith.constant 0 : index
    tpu.barrier barrier_id(%barrier3A_103)
    %scan3A_104 = arith.constant 1 : i32
    return
  }
}

module attributes {stable_mosaic.version = 14 : i64} {
  func.func @body(%arg0: i32, %arg1: memref<2000x128xf32, #tpu.memory_space<vmem>>, %arg2: memref<128x512xf32, #tpu.memory_space<vmem>>, %arg3: memref<512x128xf32, #tpu.memory_space<vmem>>, %arg4: memref<4x2000x128xf32, #tpu.memory_space<vmem>>, %arg5: memref<2000x128xf32, #tpu.memory_space<vmem>>) attributes {dimension_semantics = [#tpu.dimension_semantics<arbitrary>], iteration_bounds = array<i64: 5>, scalar_prefetch = 0 : i64, scratch_operands = 0 : i64, tpu.core_type = #tpu.core_type<tc>, window_params = [{transform_indices = @transform_0, window_bounds = array<i64: 2000, 128>}, {pipeline_mode = #tpu.pipeline_mode<synchronous>, transform_indices = @transform_1, window_bounds = array<i64: 128, 512>}, {pipeline_mode = #tpu.pipeline_mode<synchronous>, transform_indices = @transform_2, window_bounds = array<i64: 512, 128>}, {transform_indices = @transform_3, window_bounds = array<i64: 4, 2000, 128>}, {transform_indices = @transform_4, window_bounds = array<i64: 2000, 128>}]} {
    %get3A = arith.constant 0 : index
    %get3A_0 = arith.constant 0 : index
    %get3A_1 = vector.load %arg1[%get3A, %get3A_0] : memref<2000x128xf32, #tpu.memory_space<vmem>>, vector<2000x128xf32>
    %get3A_2 = arith.constant 0 : index
    %get3A_3 = arith.constant 0 : index
    %get3A_4 = vector.load %arg2[%get3A_2, %get3A_3] : memref<128x512xf32, #tpu.memory_space<vmem>>, vector<128x512xf32>
    %dot_general3A = arith.constant dense<0.000000e+00> : vector<2000x512xf32>
    %dot_general3A_5 = tpu.matmul %get3A_1, %get3A_4, %dot_general3A {dimension_numbers = #tpu.dot_dimension_numbers<[1], [0], [0], [1], [0, 0, 1, 1], [], []>, transpose_lhs_hint = false} : vector<2000x128xf32>, vector<128x512xf32>, vector<2000x512xf32> -> vector<2000x512xf32>
    %slice3A = vector.extract_strided_slice %dot_general3A_5 {offsets = [0, 0], sizes = [2000, 128], strides = [1, 1]} : vector<2000x512xf32> to vector<2000x128xf32>
    %swap3A = arith.constant 0 : index
    %swap3A_6 = arith.constant 0 : index
    %swap3A_7 = arith.constant 0 : index
    %swap3A_8 = vector.load %arg4[%swap3A, %swap3A_6, %swap3A_7] : memref<4x2000x128xf32, #tpu.memory_space<vmem>>, vector<1x2000x128xf32>
    %swap3A_9 = vector.shape_cast %swap3A_8 : vector<1x2000x128xf32> to vector<2000x128xf32>
    %swap3A_10 = vector.shape_cast %slice3A : vector<2000x128xf32> to vector<1x2000x128xf32>
    tpu.vector_store %arg4[%swap3A, %swap3A_6, %swap3A_7], %swap3A_10 {strides = array<i32>} : memref<4x2000x128xf32, #tpu.memory_space<vmem>>, vector<1x2000x128xf32>,
    %slice3A_11 = vector.extract_strided_slice %dot_general3A_5 {offsets = [0, 128], sizes = [2000, 128], strides = [1, 1]} : vector<2000x512xf32> to vector<2000x128xf32>
    %swap3A_12 = arith.constant 1 : index
    %swap3A_13 = arith.constant 0 : index
    %swap3A_14 = arith.constant 0 : index
    %swap3A_15 = vector.load %arg4[%swap3A_12, %swap3A_13, %swap3A_14] : memref<4x2000x128xf32, #tpu.memory_space<vmem>>, vector<1x2000x128xf32>
    %swap3A_16 = vector.shape_cast %swap3A_15 : vector<1x2000x128xf32> to vector<2000x128xf32>
    %swap3A_17 = vector.shape_cast %slice3A_11 : vector<2000x128xf32> to vector<1x2000x128xf32>
    tpu.vector_store %arg4[%swap3A_12, %swap3A_13, %swap3A_14], %swap3A_17 {strides = array<i32>} : memref<4x2000x128xf32, #tpu.memory_space<vmem>>, vector<1x2000x128xf32>,
    %slice3A_18 = vector.extract_strided_slice %dot_general3A_5 {offsets = [0, 256], sizes = [2000, 128], strides = [1, 1]} : vector<2000x512xf32> to vector<2000x128xf32>
    %swap3A_19 = arith.constant 2 : index
    %swap3A_20 = arith.constant 0 : index
    %swap3A_21 = arith.constant 0 : index
    %swap3A_22 = vector.load %arg4[%swap3A_19, %swap3A_20, %swap3A_21] : memref<4x2000x128xf32, #tpu.memory_space<vmem>>, vector<1x2000x128xf32>
    %swap3A_23 = vector.shape_cast %swap3A_22 : vector<1x2000x128xf32> to vector<2000x128xf32>
    %swap3A_24 = vector.shape_cast %slice3A_18 : vector<2000x128xf32> to vector<1x2000x128xf32>
    tpu.vector_store %arg4[%swap3A_19, %swap3A_20, %swap3A_21], %swap3A_24 {strides = array<i32>} : memref<4x2000x128xf32, #tpu.memory_space<vmem>>, vector<1x2000x128xf32>,
    %slice3A_25 = vector.extract_strided_slice %dot_general3A_5 {offsets = [0, 384], sizes = [2000, 128], strides = [1, 1]} : vector<2000x512xf32> to vector<2000x128xf32>
    %swap3A_26 = arith.constant 3 : index
    %swap3A_27 = arith.constant 0 : index
    %swap3A_28 = arith.constant 0 : index
    %swap3A_29 = vector.load %arg4[%swap3A_26, %swap3A_27, %swap3A_28] : memref<4x2000x128xf32, #tpu.memory_space<vmem>>, vector<1x2000x128xf32>
    %swap3A_30 = vector.shape_cast %swap3A_29 : vector<1x2000x128xf32> to vector<2000x128xf32>
    %swap3A_31 = vector.shape_cast %slice3A_25 : vector<2000x128xf32> to vector<1x2000x128xf32>
    tpu.vector_store %arg4[%swap3A_26, %swap3A_27, %swap3A_28], %swap3A_31 {strides = array<i32>} : memref<4x2000x128xf32, #tpu.memory_space<vmem>>, vector<1x2000x128xf32>,
    %get3A_32 = arith.constant 0 : index
    %get3A_33 = arith.constant 0 : index
    %get3A_34 = vector.load %arg3[%get3A_32, %get3A_33] : memref<512x128xf32, #tpu.memory_space<vmem>>, vector<512x128xf32>
    %dot_general3A_35 = arith.constant dense<0.000000e+00> : vector<2000x128xf32>
    %dot_general3A_36 = tpu.matmul %dot_general3A_5, %get3A_34, %dot_general3A_35 {dimension_numbers = #tpu.dot_dimension_numbers<[1], [0], [0], [1], [0, 0, 1, 1], [], []>, transpose_lhs_hint = false} : vector<2000x512xf32>, vector<512x128xf32>, vector<2000x128xf32> -> vector<2000x128xf32>
    %swap3A_37 = arith.constant 0 : index
    %swap3A_38 = arith.constant 0 : index
    %swap3A_39 = vector.load %arg5[%swap3A_37, %swap3A_38] : memref<2000x128xf32, #tpu.memory_space<vmem>>, vector<2000x128xf32>
    tpu.vector_store %arg5[%swap3A_37, %swap3A_38], %dot_general3A_36 {strides = array<i32>} : memref<2000x128xf32, #tpu.memory_space<vmem>>, vector<2000x128xf32>,
    return
  }
  func.func @transform_0(%arg0: i32) -> (i32, i32) {
    %c0_i32 = arith.constant 0 : i32
    %c0_i32_0 = arith.constant 0 : i32
    return %arg0, %c0_i32 : i32, i32
  }
  func.func @transform_1(%arg0: i32) -> (i32, i32) {
    %c0_i32 = arith.constant 0 : i32
    %c0_i32_0 = arith.constant 0 : i32
    %c0_i32_1 = arith.constant 0 : i32
    return %c0_i32, %c0_i32_0 : i32, i32
  }
  func.func @transform_2(%arg0: i32) -> (i32, i32) {
    %c0_i32 = arith.constant 0 : i32
    %c0_i32_0 = arith.constant 0 : i32
    %c0_i32_1 = arith.constant 0 : i32
    return %c0_i32, %c0_i32_0 : i32, i32
  }
  func.func @transform_3(%arg0: i32) -> (i32, i32, i32) {
    %c0_i32 = arith.constant 0 : i32
    %c0_i32_0 = arith.constant 0 : i32
    %c0_i32_1 = arith.constant 0 : i32
    return %c0_i32, %arg0, %c0_i32_0 : i32, i32, i32
  }
  func.func @transform_4(%arg0: i32) -> (i32, i32) {
    %c0_i32 = arith.constant 0 : i32
    %c0_i32_0 = arith.constant 0 : i32
    return %arg0, %c0_i32 : i32, i32
  }
}

module attributes {stable_mosaic.version = 14 : i64} {
  func.func @body(%arg0: i32, %arg1: memref<2x8x10240xf32, #tpu.memory_space<vmem>>, %arg2: memref<8x10240xf32, #tpu.memory_space<vmem>>) attributes {dimension_semantics = [#tpu.dimension_semantics<arbitrary>], iteration_bounds = array<i64: 1>, scalar_prefetch = 0 : i64, scratch_operands = 0 : i64, tpu.core_type = #tpu.core_type<tc>, window_params = [{pipeline_mode = #tpu.pipeline_mode<synchronous>, transform_indices = @transform_0, window_bounds = array<i64: 2, 8, 10240>}, {pipeline_mode = #tpu.pipeline_mode<synchronous>, transform_indices = @transform_1, window_bounds = array<i64: 8, 10240>}]} {
    %get3A = arith.constant 0 : index
    %get3A_0 = arith.constant 0 : index
    %get3A_1 = arith.constant 0 : index
    %get3A_2 = vector.load %arg1[%get3A, %get3A_0, %get3A_1] : memref<2x8x10240xf32, #tpu.memory_space<vmem>>, vector<2x8x10240xf32>
    %reduce_sum3A = arith.constant dense<0.000000e+00> : vector<8x10240xf32>
    %reduce_sum3A_3 = vector.multi_reduction <add>, %get3A_2, %reduce_sum3A [0] : vector<2x8x10240xf32> to vector<8x10240xf32>
    %add3A = arith.constant 1.000000e-16 : f32
    %add3A_4 = vector.broadcast %add3A : f32 to vector<8x10240xf32>
    %add3A_5 = arith.addf %reduce_sum3A_3, %add3A_4 : vector<8x10240xf32>
    %div3A = arith.constant 1.000000e+00 : f32
    %div3A_6 = vector.broadcast %div3A : f32 to vector<8x10240xf32>
    %div3A_7 = arith.divf %div3A_6, %add3A_5 : vector<8x10240xf32>
    %swap3A = arith.constant 0 : index
    %swap3A_8 = arith.constant 0 : index
    %swap3A_9 = vector.load %arg2[%swap3A, %swap3A_8] : memref<8x10240xf32, #tpu.memory_space<vmem>>, vector<8x10240xf32>
    tpu.vector_store %arg2[%swap3A, %swap3A_8], %div3A_7 {strides = array<i32>} : memref<8x10240xf32, #tpu.memory_space<vmem>>, vector<8x10240xf32>,
    return
  }
  func.func @transform_0(%arg0: i32) -> (i32, i32, i32) {
    %c0_i32 = arith.constant 0 : i32
    %c0_i32_0 = arith.constant 0 : i32
    %c0_i32_1 = arith.constant 0 : i32
    %c0_i32_2 = arith.constant 0 : i32
    return %c0_i32, %c0_i32_0, %c0_i32_1 : i32, i32, i32
  }
  func.func @transform_1(%arg0: i32) -> (i32, i32) {
    %c0_i32 = arith.constant 0 : i32
    %c0_i32_0 = arith.constant 0 : i32
    %c0_i32_1 = arith.constant 0 : i32
    return %c0_i32, %c0_i32_0 : i32, i32
  }
}

module attributes {stable_mosaic.version = 14 : i64} {
  func.func @body(%arg0: i32, %arg1: memref<2x4x2000x128xf32, #tpu.memory_space<vmem>>, %arg2: memref<2000x8xf32, #tpu.memory_space<vmem>>, %arg3: memref<4x128xf32, #tpu.memory_space<vmem>>, %arg4: memref<4x128x64xf32, #tpu.memory_space<vmem>>, %arg5: memref<64x128xf32, #tpu.memory_space<vmem>>, %arg6: memref<1x2000x128xf32, #tpu.memory_space<vmem>>, %arg7: memref<2000x128xf32, #tpu.memory_space<vmem>>) attributes {dimension_semantics = [#tpu.dimension_semantics<arbitrary>], iteration_bounds = array<i64: 5>, scalar_prefetch = 0 : i64, scratch_operands = 0 : i64, tpu.core_type = #tpu.core_type<tc>, window_params = [{transform_indices = @transform_0, window_bounds = array<i64: 2, 4, 2000, 128>}, {transform_indices = @transform_1, window_bounds = array<i64: 2000, 8>}, {pipeline_mode = #tpu.pipeline_mode<synchronous>, transform_indices = @transform_2, window_bounds = array<i64: 4, 128>}, {pipeline_mode = #tpu.pipeline_mode<synchronous>, transform_indices = @transform_3, window_bounds = array<i64: 4, 128, 64>}, {pipeline_mode = #tpu.pipeline_mode<synchronous>, transform_indices = @transform_4, window_bounds = array<i64: 64, 128>}, {transform_indices = @transform_5, window_bounds = array<i64: 1, 2000, 128>}, {transform_indices = @transform_6, window_bounds = array<i64: 2000, 128>}]} {
    %get3A = arith.constant 0 : index
    %get3A_0 = arith.constant 0 : index
    %get3A_1 = vector.load %arg2[%get3A, %get3A_0] : memref<2000x8xf32, #tpu.memory_space<vmem>>, vector<2000x8xf32>
    %broadcast_in_dim3A = arith.constant 0.000000e+00 : f32
    %broadcast_in_dim3A_2 = vector.broadcast %broadcast_in_dim3A : f32 to vector<2000x64xf32>
    %slice3A = vector.extract_strided_slice %get3A_1 {offsets = [0, 0], sizes = [2000, 1], strides = [1, 1]} : vector<2000x8xf32> to vector<2000x1xf32>
    %broadcast_in_dim3A_3 = vector.shape_cast %slice3A : vector<2000x1xf32> to vector<2000x1xf32>
    %broadcast_in_dim3A_4 = vector.broadcast %broadcast_in_dim3A_3 : vector<2000x1xf32> to vector<2000x64xf32>
    %slice3A_5 = vector.extract_strided_slice %get3A_1 {offsets = [0, 1], sizes = [2000, 1], strides = [1, 1]} : vector<2000x8xf32> to vector<2000x1xf32>
    %broadcast_in_dim3A_6 = vector.shape_cast %slice3A_5 : vector<2000x1xf32> to vector<2000x1xf32>
    %broadcast_in_dim3A_7 = vector.broadcast %broadcast_in_dim3A_6 : vector<2000x1xf32> to vector<2000x64xf32>
    %concatenate3A = tpu.concatenate %broadcast_in_dim3A_4, %broadcast_in_dim3A_7 in 1 : vector<2000x64xf32>, vector<2000x64xf32> -> vector<2000x128xf32>
    %get3A_8 = arith.constant 0 : index
    %get3A_9 = arith.constant 0 : index
    %get3A_10 = arith.constant 0 : index
    %get3A_11 = arith.constant 0 : index
    %get3A_12 = vector.load %arg1[%get3A_8, %get3A_9, %get3A_10, %get3A_11] : memref<2x4x2000x128xf32, #tpu.memory_space<vmem>>, vector<1x1x2000x128xf32>
    %get3A_13 = vector.shape_cast %get3A_12 : vector<1x1x2000x128xf32> to vector<2000x128xf32>
    %get3A_14 = arith.constant 1 : index
    %get3A_15 = arith.constant 0 : index
    %get3A_16 = arith.constant 0 : index
    %get3A_17 = arith.constant 0 : index
    %get3A_18 = vector.load %arg1[%get3A_14, %get3A_15, %get3A_16, %get3A_17] : memref<2x4x2000x128xf32, #tpu.memory_space<vmem>>, vector<1x1x2000x128xf32>
    %get3A_19 = vector.shape_cast %get3A_18 : vector<1x1x2000x128xf32> to vector<2000x128xf32>
    %add3A = arith.addf %get3A_13, %get3A_19 : vector<2000x128xf32>
    %mul3A = arith.mulf %add3A, %concatenate3A : vector<2000x128xf32>
    %get3A_20 = arith.constant 0 : index
    %get3A_21 = arith.constant 0 : index
    %get3A_22 = vector.load %arg3[%get3A_20, %get3A_21] : memref<4x128xf32, #tpu.memory_space<vmem>>, vector<1x128xf32>
    %get3A_23 = vector.shape_cast %get3A_22 : vector<1x128xf32> to vector<128xf32>
    %broadcast_in_dim3A_24 = vector.shape_cast %get3A_23 : vector<128xf32> to vector<1x128xf32>
    %add3A_25 = vector.broadcast %broadcast_in_dim3A_24 : vector<1x128xf32> to vector<2000x128xf32>
    %add3A_26 = arith.addf %mul3A, %add3A_25 : vector<2000x128xf32>
    %gt3A = arith.constant 0.000000e+00 : f32
    %gt3A_27 = vector.broadcast %gt3A : f32 to vector<2000x128xf32>
    %gt3A_28 = arith.cmpf ogt, %add3A_26, %gt3A_27 : vector<2000x128xf32>
    %exp3A = math.exp %add3A_26 : vector<2000x128xf32>
    %sub3A = arith.constant 1.000000e+00 : f32
    %sub3A_29 = vector.broadcast %sub3A : f32 to vector<2000x128xf32>
    %sub3A_30 = arith.subf %exp3A, %sub3A_29 : vector<2000x128xf32>
    %select_n3A = arith.select %gt3A_28, %add3A_26, %sub3A_30 : vector<2000x128xi1>, vector<2000x128xf32>
    %get3A_31 = arith.constant 0 : index
    %get3A_32 = arith.constant 0 : index
    %get3A_33 = arith.constant 0 : index
    %get3A_34 = vector.load %arg4[%get3A_31, %get3A_32, %get3A_33] : memref<4x128x64xf32, #tpu.memory_space<vmem>>, vector<1x128x64xf32>
    %get3A_35 = vector.shape_cast %get3A_34 : vector<1x128x64xf32> to vector<128x64xf32>
    %dot_general3A = arith.constant dense<0.000000e+00> : vector<2000x64xf32>
    %dot_general3A_36 = tpu.matmul %select_n3A, %get3A_35, %dot_general3A {dimension_numbers = #tpu.dot_dimension_numbers<[1], [0], [0], [1], [0, 0, 1, 1], [], []>, transpose_lhs_hint = false} : vector<2000x128xf32>, vector<128x64xf32>, vector<2000x64xf32> -> vector<2000x64xf32>
    %add3A_37 = arith.addf %broadcast_in_dim3A_2, %dot_general3A_36 : vector<2000x64xf32>
    %slice3A_38 = vector.extract_strided_slice %get3A_1 {offsets = [0, 2], sizes = [2000, 1], strides = [1, 1]} : vector<2000x8xf32> to vector<2000x1xf32>
    %broadcast_in_dim3A_39 = vector.shape_cast %slice3A_38 : vector<2000x1xf32> to vector<2000x1xf32>
    %broadcast_in_dim3A_40 = vector.broadcast %broadcast_in_dim3A_39 : vector<2000x1xf32> to vector<2000x64xf32>
    %slice3A_41 = vector.extract_strided_slice %get3A_1 {offsets = [0, 3], sizes = [2000, 1], strides = [1, 1]} : vector<2000x8xf32> to vector<2000x1xf32>
    %broadcast_in_dim3A_42 = vector.shape_cast %slice3A_41 : vector<2000x1xf32> to vector<2000x1xf32>
    %broadcast_in_dim3A_43 = vector.broadcast %broadcast_in_dim3A_42 : vector<2000x1xf32> to vector<2000x64xf32>
    %concatenate3A_44 = tpu.concatenate %broadcast_in_dim3A_40, %broadcast_in_dim3A_43 in 1 : vector<2000x64xf32>, vector<2000x64xf32> -> vector<2000x128xf32>
    %get3A_45 = arith.constant 0 : index
    %get3A_46 = arith.constant 1 : index
    %get3A_47 = arith.constant 0 : index
    %get3A_48 = arith.constant 0 : index
    %get3A_49 = vector.load %arg1[%get3A_45, %get3A_46, %get3A_47, %get3A_48] : memref<2x4x2000x128xf32, #tpu.memory_space<vmem>>, vector<1x1x2000x128xf32>
    %get3A_50 = vector.shape_cast %get3A_49 : vector<1x1x2000x128xf32> to vector<2000x128xf32>
    %get3A_51 = arith.constant 1 : index
    %get3A_52 = arith.constant 1 : index
    %get3A_53 = arith.constant 0 : index
    %get3A_54 = arith.constant 0 : index
    %get3A_55 = vector.load %arg1[%get3A_51, %get3A_52, %get3A_53, %get3A_54] : memref<2x4x2000x128xf32, #tpu.memory_space<vmem>>, vector<1x1x2000x128xf32>
    %get3A_56 = vector.shape_cast %get3A_55 : vector<1x1x2000x128xf32> to vector<2000x128xf32>
    %add3A_57 = arith.addf %get3A_50, %get3A_56 : vector<2000x128xf32>
    %mul3A_58 = arith.mulf %add3A_57, %concatenate3A_44 : vector<2000x128xf32>
    %get3A_59 = arith.constant 1 : index
    %get3A_60 = arith.constant 0 : index
    %get3A_61 = vector.load %arg3[%get3A_59, %get3A_60] : memref<4x128xf32, #tpu.memory_space<vmem>>, vector<1x128xf32>
    %get3A_62 = vector.shape_cast %get3A_61 : vector<1x128xf32> to vector<128xf32>
    %broadcast_in_dim3A_63 = vector.shape_cast %get3A_62 : vector<128xf32> to vector<1x128xf32>
    %add3A_64 = vector.broadcast %broadcast_in_dim3A_63 : vector<1x128xf32> to vector<2000x128xf32>
    %add3A_65 = arith.addf %mul3A_58, %add3A_64 : vector<2000x128xf32>
    %gt3A_66 = arith.constant 0.000000e+00 : f32
    %gt3A_67 = vector.broadcast %gt3A_66 : f32 to vector<2000x128xf32>
    %gt3A_68 = arith.cmpf ogt, %add3A_65, %gt3A_67 : vector<2000x128xf32>
    %exp3A_69 = math.exp %add3A_65 : vector<2000x128xf32>
    %sub3A_70 = arith.constant 1.000000e+00 : f32
    %sub3A_71 = vector.broadcast %sub3A_70 : f32 to vector<2000x128xf32>
    %sub3A_72 = arith.subf %exp3A_69, %sub3A_71 : vector<2000x128xf32>
    %select_n3A_73 = arith.select %gt3A_68, %add3A_65, %sub3A_72 : vector<2000x128xi1>, vector<2000x128xf32>
    %get3A_74 = arith.constant 1 : index
    %get3A_75 = arith.constant 0 : index
    %get3A_76 = arith.constant 0 : index
    %get3A_77 = vector.load %arg4[%get3A_74, %get3A_75, %get3A_76] : memref<4x128x64xf32, #tpu.memory_space<vmem>>, vector<1x128x64xf32>
    %get3A_78 = vector.shape_cast %get3A_77 : vector<1x128x64xf32> to vector<128x64xf32>
    %dot_general3A_79 = arith.constant dense<0.000000e+00> : vector<2000x64xf32>
    %dot_general3A_80 = tpu.matmul %select_n3A_73, %get3A_78, %dot_general3A_79 {dimension_numbers = #tpu.dot_dimension_numbers<[1], [0], [0], [1], [0, 0, 1, 1], [], []>, transpose_lhs_hint = false} : vector<2000x128xf32>, vector<128x64xf32>, vector<2000x64xf32> -> vector<2000x64xf32>
    %add3A_81 = arith.addf %add3A_37, %dot_general3A_80 : vector<2000x64xf32>
    %slice3A_82 = vector.extract_strided_slice %get3A_1 {offsets = [0, 4], sizes = [2000, 1], strides = [1, 1]} : vector<2000x8xf32> to vector<2000x1xf32>
    %broadcast_in_dim3A_83 = vector.shape_cast %slice3A_82 : vector<2000x1xf32> to vector<2000x1xf32>
    %broadcast_in_dim3A_84 = vector.broadcast %broadcast_in_dim3A_83 : vector<2000x1xf32> to vector<2000x64xf32>
    %slice3A_85 = vector.extract_strided_slice %get3A_1 {offsets = [0, 5], sizes = [2000, 1], strides = [1, 1]} : vector<2000x8xf32> to vector<2000x1xf32>
    %broadcast_in_dim3A_86 = vector.shape_cast %slice3A_85 : vector<2000x1xf32> to vector<2000x1xf32>
    %broadcast_in_dim3A_87 = vector.broadcast %broadcast_in_dim3A_86 : vector<2000x1xf32> to vector<2000x64xf32>
    %concatenate3A_88 = tpu.concatenate %broadcast_in_dim3A_84, %broadcast_in_dim3A_87 in 1 : vector<2000x64xf32>, vector<2000x64xf32> -> vector<2000x128xf32>
    %get3A_89 = arith.constant 0 : index
    %get3A_90 = arith.constant 2 : index
    %get3A_91 = arith.constant 0 : index
    %get3A_92 = arith.constant 0 : index
    %get3A_93 = vector.load %arg1[%get3A_89, %get3A_90, %get3A_91, %get3A_92] : memref<2x4x2000x128xf32, #tpu.memory_space<vmem>>, vector<1x1x2000x128xf32>
    %get3A_94 = vector.shape_cast %get3A_93 : vector<1x1x2000x128xf32> to vector<2000x128xf32>
    %get3A_95 = arith.constant 1 : index
    %get3A_96 = arith.constant 2 : index
    %get3A_97 = arith.constant 0 : index
    %get3A_98 = arith.constant 0 : index
    %get3A_99 = vector.load %arg1[%get3A_95, %get3A_96, %get3A_97, %get3A_98] : memref<2x4x2000x128xf32, #tpu.memory_space<vmem>>, vector<1x1x2000x128xf32>
    %get3A_100 = vector.shape_cast %get3A_99 : vector<1x1x2000x128xf32> to vector<2000x128xf32>
    %add3A_101 = arith.addf %get3A_94, %get3A_100 : vector<2000x128xf32>
    %mul3A_102 = arith.mulf %add3A_101, %concatenate3A_88 : vector<2000x128xf32>
    %get3A_103 = arith.constant 2 : index
    %get3A_104 = arith.constant 0 : index
    %get3A_105 = vector.load %arg3[%get3A_103, %get3A_104] : memref<4x128xf32, #tpu.memory_space<vmem>>, vector<1x128xf32>
    %get3A_106 = vector.shape_cast %get3A_105 : vector<1x128xf32> to vector<128xf32>
    %broadcast_in_dim3A_107 = vector.shape_cast %get3A_106 : vector<128xf32> to vector<1x128xf32>
    %add3A_108 = vector.broadcast %broadcast_in_dim3A_107 : vector<1x128xf32> to vector<2000x128xf32>
    %add3A_109 = arith.addf %mul3A_102, %add3A_108 : vector<2000x128xf32>
    %gt3A_110 = arith.constant 0.000000e+00 : f32
    %gt3A_111 = vector.broadcast %gt3A_110 : f32 to vector<2000x128xf32>
    %gt3A_112 = arith.cmpf ogt, %add3A_109, %gt3A_111 : vector<2000x128xf32>
    %exp3A_113 = math.exp %add3A_109 : vector<2000x128xf32>
    %sub3A_114 = arith.constant 1.000000e+00 : f32
    %sub3A_115 = vector.broadcast %sub3A_114 : f32 to vector<2000x128xf32>
    %sub3A_116 = arith.subf %exp3A_113, %sub3A_115 : vector<2000x128xf32>
    %select_n3A_117 = arith.select %gt3A_112, %add3A_109, %sub3A_116 : vector<2000x128xi1>, vector<2000x128xf32>
    %get3A_118 = arith.constant 2 : index
    %get3A_119 = arith.constant 0 : index
    %get3A_120 = arith.constant 0 : index
    %get3A_121 = vector.load %arg4[%get3A_118, %get3A_119, %get3A_120] : memref<4x128x64xf32, #tpu.memory_space<vmem>>, vector<1x128x64xf32>
    %get3A_122 = vector.shape_cast %get3A_121 : vector<1x128x64xf32> to vector<128x64xf32>
    %dot_general3A_123 = arith.constant dense<0.000000e+00> : vector<2000x64xf32>
    %dot_general3A_124 = tpu.matmul %select_n3A_117, %get3A_122, %dot_general3A_123 {dimension_numbers = #tpu.dot_dimension_numbers<[1], [0], [0], [1], [0, 0, 1, 1], [], []>, transpose_lhs_hint = false} : vector<2000x128xf32>, vector<128x64xf32>, vector<2000x64xf32> -> vector<2000x64xf32>
    %add3A_125 = arith.addf %add3A_81, %dot_general3A_124 : vector<2000x64xf32>
    %slice3A_126 = vector.extract_strided_slice %get3A_1 {offsets = [0, 6], sizes = [2000, 1], strides = [1, 1]} : vector<2000x8xf32> to vector<2000x1xf32>
    %broadcast_in_dim3A_127 = vector.shape_cast %slice3A_126 : vector<2000x1xf32> to vector<2000x1xf32>
    %broadcast_in_dim3A_128 = vector.broadcast %broadcast_in_dim3A_127 : vector<2000x1xf32> to vector<2000x64xf32>
    %slice3A_129 = vector.extract_strided_slice %get3A_1 {offsets = [0, 7], sizes = [2000, 1], strides = [1, 1]} : vector<2000x8xf32> to vector<2000x1xf32>
    %broadcast_in_dim3A_130 = vector.shape_cast %slice3A_129 : vector<2000x1xf32> to vector<2000x1xf32>
    %broadcast_in_dim3A_131 = vector.broadcast %broadcast_in_dim3A_130 : vector<2000x1xf32> to vector<2000x64xf32>
    %concatenate3A_132 = tpu.concatenate %broadcast_in_dim3A_128, %broadcast_in_dim3A_131 in 1 : vector<2000x64xf32>, vector<2000x64xf32> -> vector<2000x128xf32>
    %get3A_133 = arith.constant 0 : index
    %get3A_134 = arith.constant 3 : index
    %get3A_135 = arith.constant 0 : index
    %get3A_136 = arith.constant 0 : index
    %get3A_137 = vector.load %arg1[%get3A_133, %get3A_134, %get3A_135, %get3A_136] : memref<2x4x2000x128xf32, #tpu.memory_space<vmem>>, vector<1x1x2000x128xf32>
    %get3A_138 = vector.shape_cast %get3A_137 : vector<1x1x2000x128xf32> to vector<2000x128xf32>
    %get3A_139 = arith.constant 1 : index
    %get3A_140 = arith.constant 3 : index
    %get3A_141 = arith.constant 0 : index
    %get3A_142 = arith.constant 0 : index
    %get3A_143 = vector.load %arg1[%get3A_139, %get3A_140, %get3A_141, %get3A_142] : memref<2x4x2000x128xf32, #tpu.memory_space<vmem>>, vector<1x1x2000x128xf32>
    %get3A_144 = vector.shape_cast %get3A_143 : vector<1x1x2000x128xf32> to vector<2000x128xf32>
    %add3A_145 = arith.addf %get3A_138, %get3A_144 : vector<2000x128xf32>
    %mul3A_146 = arith.mulf %add3A_145, %concatenate3A_132 : vector<2000x128xf32>
    %get3A_147 = arith.constant 3 : index
    %get3A_148 = arith.constant 0 : index
    %get3A_149 = vector.load %arg3[%get3A_147, %get3A_148] : memref<4x128xf32, #tpu.memory_space<vmem>>, vector<1x128xf32>
    %get3A_150 = vector.shape_cast %get3A_149 : vector<1x128xf32> to vector<128xf32>
    %broadcast_in_dim3A_151 = vector.shape_cast %get3A_150 : vector<128xf32> to vector<1x128xf32>
    %add3A_152 = vector.broadcast %broadcast_in_dim3A_151 : vector<1x128xf32> to vector<2000x128xf32>
    %add3A_153 = arith.addf %mul3A_146, %add3A_152 : vector<2000x128xf32>
    %gt3A_154 = arith.constant 0.000000e+00 : f32
    %gt3A_155 = vector.broadcast %gt3A_154 : f32 to vector<2000x128xf32>
    %gt3A_156 = arith.cmpf ogt, %add3A_153, %gt3A_155 : vector<2000x128xf32>
    %exp3A_157 = math.exp %add3A_153 : vector<2000x128xf32>
    %sub3A_158 = arith.constant 1.000000e+00 : f32
    %sub3A_159 = vector.broadcast %sub3A_158 : f32 to vector<2000x128xf32>
    %sub3A_160 = arith.subf %exp3A_157, %sub3A_159 : vector<2000x128xf32>
    %select_n3A_161 = arith.select %gt3A_156, %add3A_153, %sub3A_160 : vector<2000x128xi1>, vector<2000x128xf32>
    %get3A_162 = arith.constant 3 : index
    %get3A_163 = arith.constant 0 : index
    %get3A_164 = arith.constant 0 : index
    %get3A_165 = vector.load %arg4[%get3A_162, %get3A_163, %get3A_164] : memref<4x128x64xf32, #tpu.memory_space<vmem>>, vector<1x128x64xf32>
    %get3A_166 = vector.shape_cast %get3A_165 : vector<1x128x64xf32> to vector<128x64xf32>
    %dot_general3A_167 = arith.constant dense<0.000000e+00> : vector<2000x64xf32>
    %dot_general3A_168 = tpu.matmul %select_n3A_161, %get3A_166, %dot_general3A_167 {dimension_numbers = #tpu.dot_dimension_numbers<[1], [0], [0], [1], [0, 0, 1, 1], [], []>, transpose_lhs_hint = false} : vector<2000x128xf32>, vector<128x64xf32>, vector<2000x64xf32> -> vector<2000x64xf32>
    %add3A_169 = arith.addf %add3A_125, %dot_general3A_168 : vector<2000x64xf32>
    %swap3A = arith.constant 0 : index
    %swap3A_170 = arith.constant 0 : index
    %swap3A_171 = arith.constant 0 : index
    %swap3A_172 = vector.load %arg6[%swap3A, %swap3A_170, %swap3A_171] : memref<1x2000x128xf32, #tpu.memory_space<vmem>>, vector<1x2000x64xf32>
    %swap3A_173 = vector.shape_cast %swap3A_172 : vector<1x2000x64xf32> to vector<2000x64xf32>
    %swap3A_174 = vector.shape_cast %add3A_169 : vector<2000x64xf32> to vector<1x2000x64xf32>
    tpu.vector_store %arg6[%swap3A, %swap3A_170, %swap3A_171], %swap3A_174 {strides = array<i32>} : memref<1x2000x128xf32, #tpu.memory_space<vmem>>, vector<1x2000x64xf32>,
    %broadcast_in_dim3A_175 = arith.constant 0.000000e+00 : f32
    %broadcast_in_dim3A_176 = vector.broadcast %broadcast_in_dim3A_175 : f32 to vector<2000x64xf32>
    %swap3A_177 = arith.constant 0 : index
    %swap3A_178 = arith.constant 0 : index
    %swap3A_179 = arith.constant 64 : index
    %swap3A_180 = vector.load %arg6[%swap3A_177, %swap3A_178, %swap3A_179] : memref<1x2000x128xf32, #tpu.memory_space<vmem>>, vector<1x2000x64xf32>
    %swap3A_181 = vector.shape_cast %swap3A_180 : vector<1x2000x64xf32> to vector<2000x64xf32>
    %swap3A_182 = vector.shape_cast %broadcast_in_dim3A_176 : vector<2000x64xf32> to vector<1x2000x64xf32>
    tpu.vector_store %arg6[%swap3A_177, %swap3A_178, %swap3A_179], %swap3A_182 {strides = array<i32>} : memref<1x2000x128xf32, #tpu.memory_space<vmem>>, vector<1x2000x64xf32>,
    %get3A_183 = arith.constant 0 : index
    %get3A_184 = arith.constant 0 : index
    %get3A_185 = vector.load %arg5[%get3A_183, %get3A_184] : memref<64x128xf32, #tpu.memory_space<vmem>>, vector<64x128xf32>
    %dot_general3A_186 = arith.constant dense<0.000000e+00> : vector<2000x128xf32>
    %dot_general3A_187 = tpu.matmul %add3A_169, %get3A_185, %dot_general3A_186 {dimension_numbers = #tpu.dot_dimension_numbers<[1], [0], [0], [1], [0, 0, 1, 1], [], []>, transpose_lhs_hint = false} : vector<2000x64xf32>, vector<64x128xf32>, vector<2000x128xf32> -> vector<2000x128xf32>
    %swap3A_188 = arith.constant 0 : index
    %swap3A_189 = arith.constant 0 : index
    %swap3A_190 = vector.load %arg7[%swap3A_188, %swap3A_189] : memref<2000x128xf32, #tpu.memory_space<vmem>>, vector<2000x128xf32>
    tpu.vector_store %arg7[%swap3A_188, %swap3A_189], %dot_general3A_187 {strides = array<i32>} : memref<2000x128xf32, #tpu.memory_space<vmem>>, vector<2000x128xf32>,
    return
  }
  func.func @transform_0(%arg0: i32) -> (i32, i32, i32, i32) {
    %c0_i32 = arith.constant 0 : i32
    %c0_i32_0 = arith.constant 0 : i32
    %c0_i32_1 = arith.constant 0 : i32
    %c0_i32_2 = arith.constant 0 : i32
    return %c0_i32, %c0_i32_0, %arg0, %c0_i32_1 : i32, i32, i32, i32
  }
  func.func @transform_1(%arg0: i32) -> (i32, i32) {
    %c0_i32 = arith.constant 0 : i32
    %c0_i32_0 = arith.constant 0 : i32
    return %arg0, %c0_i32 : i32, i32
  }
  func.func @transform_2(%arg0: i32) -> (i32, i32) {
    %c0_i32 = arith.constant 0 : i32
    %c0_i32_0 = arith.constant 0 : i32
    %c0_i32_1 = arith.constant 0 : i32
    return %c0_i32, %c0_i32_0 : i32, i32
  }
  func.func @transform_3(%arg0: i32) -> (i32, i32, i32) {
    %c0_i32 = arith.constant 0 : i32
    %c0_i32_0 = arith.constant 0 : i32
    %c0_i32_1 = arith.constant 0 : i32
    %c0_i32_2 = arith.constant 0 : i32
    return %c0_i32, %c0_i32_0, %c0_i32_1 : i32, i32, i32
  }
  func.func @transform_4(%arg0: i32) -> (i32, i32) {
    %c0_i32 = arith.constant 0 : i32
    %c0_i32_0 = arith.constant 0 : i32
    %c0_i32_1 = arith.constant 0 : i32
    return %c0_i32, %c0_i32_0 : i32, i32
  }
  func.func @transform_5(%arg0: i32) -> (i32, i32, i32) {
    %c0_i32 = arith.constant 0 : i32
    %c0_i32_0 = arith.constant 0 : i32
    %c0_i32_1 = arith.constant 0 : i32
    return %c0_i32, %arg0, %c0_i32_0 : i32, i32, i32
  }
  func.func @transform_6(%arg0: i32) -> (i32, i32) {
    %c0_i32 = arith.constant 0 : i32
    %c0_i32_0 = arith.constant 0 : i32
    return %arg0, %c0_i32 : i32, i32
  }
}

module attributes {stable_mosaic.version = 14 : i64} {
  func.func @body(%arg0: i32, %arg1: memref<2x1x10240xf32, #tpu.memory_space<vmem>>, %arg2: memref<1x10240xf32, #tpu.memory_space<vmem>>) attributes {dimension_semantics = [#tpu.dimension_semantics<arbitrary>], iteration_bounds = array<i64: 1>, scalar_prefetch = 0 : i64, scratch_operands = 0 : i64, tpu.core_type = #tpu.core_type<tc>, window_params = [{pipeline_mode = #tpu.pipeline_mode<synchronous>, transform_indices = @transform_0, window_bounds = array<i64: 2, 1, 10240>}, {pipeline_mode = #tpu.pipeline_mode<synchronous>, transform_indices = @transform_1, window_bounds = array<i64: 1, 10240>}]} {
    %get3A = arith.constant 0 : index
    %get3A_0 = arith.constant 0 : index
    %get3A_1 = arith.constant 0 : index
    %get3A_2 = vector.load %arg1[%get3A, %get3A_0, %get3A_1] : memref<2x1x10240xf32, #tpu.memory_space<vmem>>, vector<2x1x10240xf32>
    %reduce_sum3A = arith.constant dense<0.000000e+00> : vector<1x10240xf32>
    %reduce_sum3A_3 = vector.multi_reduction <add>, %get3A_2, %reduce_sum3A [0] : vector<2x1x10240xf32> to vector<1x10240xf32>
    %add3A = arith.constant 1.000000e-16 : f32
    %add3A_4 = vector.broadcast %add3A : f32 to vector<1x10240xf32>
    %add3A_5 = arith.addf %reduce_sum3A_3, %add3A_4 : vector<1x10240xf32>
    %div3A = arith.constant 1.000000e+00 : f32
    %div3A_6 = vector.broadcast %div3A : f32 to vector<1x10240xf32>
    %div3A_7 = arith.divf %div3A_6, %add3A_5 : vector<1x10240xf32>
    %swap3A = arith.constant 0 : index
    %swap3A_8 = arith.constant 0 : index
    %swap3A_9 = vector.load %arg2[%swap3A, %swap3A_8] : memref<1x10240xf32, #tpu.memory_space<vmem>>, vector<1x10240xf32>
    tpu.vector_store %arg2[%swap3A, %swap3A_8], %div3A_7 {strides = array<i32>} : memref<1x10240xf32, #tpu.memory_space<vmem>>, vector<1x10240xf32>,
    return
  }
  func.func @transform_0(%arg0: i32) -> (i32, i32, i32) {
    %c0_i32 = arith.constant 0 : i32
    %c0_i32_0 = arith.constant 0 : i32
    %c0_i32_1 = arith.constant 0 : i32
    %c0_i32_2 = arith.constant 0 : i32
    return %c0_i32, %c0_i32_0, %c0_i32_1 : i32, i32, i32
  }
  func.func @transform_1(%arg0: i32) -> (i32, i32) {
    %c0_i32 = arith.constant 0 : i32
    %c0_i32_0 = arith.constant 0 : i32
    %c0_i32_1 = arith.constant 0 : i32
    return %c0_i32, %c0_i32_0 : i32, i32
  }
}

module attributes {stable_mosaic.version = 14 : i64} {
  func.func @body(%arg0: i32, %arg1: memref<2x1x2000x128xf32, #tpu.memory_space<vmem>>, %arg2: memref<2000x64xf32, #tpu.memory_space<vmem>>, %arg3: memref<1x64xf32, #tpu.memory_space<vmem>>, %arg4: memref<64x128xf32, #tpu.memory_space<vmem>>, %arg5: memref<1x128xf32, #tpu.memory_space<vmem>>, %arg6: memref<2000x128xf32, #tpu.memory_space<vmem>>) attributes {dimension_semantics = [#tpu.dimension_semantics<arbitrary>], iteration_bounds = array<i64: 5>, scalar_prefetch = 0 : i64, scratch_operands = 0 : i64, tpu.core_type = #tpu.core_type<tc>, window_params = [{transform_indices = @transform_0, window_bounds = array<i64: 2, 1, 2000, 128>}, {transform_indices = @transform_1, window_bounds = array<i64: 2000, 64>}, {pipeline_mode = #tpu.pipeline_mode<synchronous>, transform_indices = @transform_2, window_bounds = array<i64: 1, 64>}, {pipeline_mode = #tpu.pipeline_mode<synchronous>, transform_indices = @transform_3, window_bounds = array<i64: 64, 128>}, {pipeline_mode = #tpu.pipeline_mode<synchronous>, transform_indices = @transform_4, window_bounds = array<i64: 1, 128>}, {transform_indices = @transform_5, window_bounds = array<i64: 2000, 128>}]} {
    %get3A = arith.constant 0 : index
    %get3A_0 = arith.constant 0 : index
    %get3A_1 = arith.constant 0 : index
    %get3A_2 = arith.constant 0 : index
    %get3A_3 = vector.load %arg1[%get3A, %get3A_0, %get3A_1, %get3A_2] : memref<2x1x2000x128xf32, #tpu.memory_space<vmem>>, vector<1x1x2000x64xf32>
    %get3A_4 = vector.shape_cast %get3A_3 : vector<1x1x2000x64xf32> to vector<2000x64xf32>
    %get3A_5 = arith.constant 1 : index
    %get3A_6 = arith.constant 0 : index
    %get3A_7 = arith.constant 0 : index
    %get3A_8 = arith.constant 0 : index
    %get3A_9 = vector.load %arg1[%get3A_5, %get3A_6, %get3A_7, %get3A_8] : memref<2x1x2000x128xf32, #tpu.memory_space<vmem>>, vector<1x1x2000x64xf32>
    %get3A_10 = vector.shape_cast %get3A_9 : vector<1x1x2000x64xf32> to vector<2000x64xf32>
    %add3A = arith.addf %get3A_4, %get3A_10 : vector<2000x64xf32>
    %get3A_11 = arith.constant 0 : index
    %get3A_12 = arith.constant 0 : index
    %get3A_13 = vector.load %arg2[%get3A_11, %get3A_12] : memref<2000x64xf32, #tpu.memory_space<vmem>>, vector<2000x64xf32>
    %mul3A = arith.mulf %add3A, %get3A_13 : vector<2000x64xf32>
    %get3A_14 = arith.constant 0 : index
    %get3A_15 = arith.constant 0 : index
    %get3A_16 = vector.load %arg3[%get3A_14, %get3A_15] : memref<1x64xf32, #tpu.memory_space<vmem>>, vector<1x64xf32>
    %add3A_17 = vector.broadcast %get3A_16 : vector<1x64xf32> to vector<2000x64xf32>
    %add3A_18 = arith.addf %mul3A, %add3A_17 : vector<2000x64xf32>
    %gt3A = arith.constant 0.000000e+00 : f32
    %gt3A_19 = vector.broadcast %gt3A : f32 to vector<2000x64xf32>
    %gt3A_20 = arith.cmpf ogt, %add3A_18, %gt3A_19 : vector<2000x64xf32>
    %exp3A = math.exp %add3A_18 : vector<2000x64xf32>
    %sub3A = arith.constant 1.000000e+00 : f32
    %sub3A_21 = vector.broadcast %sub3A : f32 to vector<2000x64xf32>
    %sub3A_22 = arith.subf %exp3A, %sub3A_21 : vector<2000x64xf32>
    %select_n3A = arith.select %gt3A_20, %add3A_18, %sub3A_22 : vector<2000x64xi1>, vector<2000x64xf32>
    %get3A_23 = arith.constant 0 : index
    %get3A_24 = arith.constant 0 : index
    %get3A_25 = vector.load %arg4[%get3A_23, %get3A_24] : memref<64x128xf32, #tpu.memory_space<vmem>>, vector<64x128xf32>
    %dot_general3A = arith.constant dense<0.000000e+00> : vector<2000x128xf32>
    %dot_general3A_26 = tpu.matmul %select_n3A, %get3A_25, %dot_general3A {dimension_numbers = #tpu.dot_dimension_numbers<[1], [0], [0], [1], [0, 0, 1, 1], [], []>, transpose_lhs_hint = false} : vector<2000x64xf32>, vector<64x128xf32>, vector<2000x128xf32> -> vector<2000x128xf32>
    %get3A_27 = arith.constant 0 : index
    %get3A_28 = arith.constant 0 : index
    %get3A_29 = vector.load %arg5[%get3A_27, %get3A_28] : memref<1x128xf32, #tpu.memory_space<vmem>>, vector<1x128xf32>
    %add3A_30 = vector.broadcast %get3A_29 : vector<1x128xf32> to vector<2000x128xf32>
    %add3A_31 = arith.addf %dot_general3A_26, %add3A_30 : vector<2000x128xf32>
    %swap3A = arith.constant 0 : index
    %swap3A_32 = arith.constant 0 : index
    %swap3A_33 = vector.load %arg6[%swap3A, %swap3A_32] : memref<2000x128xf32, #tpu.memory_space<vmem>>, vector<2000x128xf32>
    tpu.vector_store %arg6[%swap3A, %swap3A_32], %add3A_31 {strides = array<i32>} : memref<2000x128xf32, #tpu.memory_space<vmem>>, vector<2000x128xf32>,
    return
  }
  func.func @transform_0(%arg0: i32) -> (i32, i32, i32, i32) {
    %c0_i32 = arith.constant 0 : i32
    %c0_i32_0 = arith.constant 0 : i32
    %c0_i32_1 = arith.constant 0 : i32
    %c0_i32_2 = arith.constant 0 : i32
    return %c0_i32, %c0_i32_0, %arg0, %c0_i32_1 : i32, i32, i32, i32
  }
  func.func @transform_1(%arg0: i32) -> (i32, i32) {
    %c0_i32 = arith.constant 0 : i32
    %c0_i32_0 = arith.constant 0 : i32
    return %arg0, %c0_i32 : i32, i32
  }
  func.func @transform_2(%arg0: i32) -> (i32, i32) {
    %c0_i32 = arith.constant 0 : i32
    %c0_i32_0 = arith.constant 0 : i32
    %c0_i32_1 = arith.constant 0 : i32
    return %c0_i32, %c0_i32_0 : i32, i32
  }
  func.func @transform_3(%arg0: i32) -> (i32, i32) {
    %c0_i32 = arith.constant 0 : i32
    %c0_i32_0 = arith.constant 0 : i32
    %c0_i32_1 = arith.constant 0 : i32
    return %c0_i32, %c0_i32_0 : i32, i32
  }
  func.func @transform_4(%arg0: i32) -> (i32, i32) {
    %c0_i32 = arith.constant 0 : i32
    %c0_i32_0 = arith.constant 0 : i32
    %c0_i32_1 = arith.constant 0 : i32
    return %c0_i32, %c0_i32_0 : i32, i32
  }
  func.func @transform_5(%arg0: i32) -> (i32, i32) {
    %c0_i32 = arith.constant 0 : i32
    %c0_i32_0 = arith.constant 0 : i32
    return %arg0, %c0_i32 : i32, i32
  }
}

</mosaic_0001>

<sc_bundles>
// kernel: kernel.11.cloned.1.call-start
scs
__scs_entry_jumppad:
0x0: {  	(pc) =	sbr.rel $0x88, $3  }
0x1: {  	(tag) =	ssettag $0x0;
	lr =	simm.s32 $0x1  }
0x2: {  	[smem:$0x3F95] =	sst lr;
	_ =	strace $0xD0000000  }
0x3: {  	_ = 	snop  }
0x4: {  	_ = 	snop  }
0x5: {  	_ = 	snop  }
0x6: {  	_ = 	snop  }
0x7: {  	_ = 	snop  }
__scs_overlays_trampoline_lowered:
0x8: {  	[smem:$0x3FA4] =	sst s0  }
0x9: {  	[smem:$0x3FA5] =	sst s1  }
0xa: {  	[smem:$0x3FA6] =	sst s2  }
0xb: {  	[smem:$0x3FA7] =	sst s3  }
0xc: {  	[smem:$0x3FA8] =	sst s4  }
0xd: {  	[smem:$0x3FA9] =	sst s5  }
0xe: {  	[smem:$0x3FAA] =	sst s6  }
0xf: {  	[smem:$0x3FAB] =	sst s7  }
0x10: {  	[smem:$0x3FAC] =	sst s8  }
0x11: {  	[smem:$0x3FAD] =	sst s9;
	s0 =	simm.s32 @!p0 $0x0  }
0x12: {  	s1 =	sld [smem:$0x3F93];
	s0 =	simm.s32 @p0 $0x1  }
0x13: {  	[smem:$0x3FAE] =	sst s0;
	s0 =	simm.s32 @!p1 $0x0  }
0x14: {  	s2 =	sld [smem:$0x3F92];
	s0 =	simm.s32 @p1 $0x1  }
0x15: {  	[smem:$0x3FAF] =	sst s0;
	s0 =	simm.s32 @!p2 $0x0  }
0x16: {  	s3 =	sld [smem:$0x3FDB];
	s0 =	simm.s32 @p2 $0x1  }
0x17: {  	s4 =	simm.s32 $0x1BF5;
	[smem:$0x3FB1] =	sst s0  }
0x18: {  	s0 =	sld [smem:$0x3F94];
	_ =	swait.ge [sflag:s4], $0x0  }
0x19: {  	s7 =	sld [smem:$0x3F95]  }
0x1a: {  	s8 =	sadd.s32 $0xFFFFE003, lr  }
0x1b: {  	s9 =	sadd.s32 $0xFFFFFEF7, lr;
	s5 =	simm.s32 $0xFFFFFFFF;
	p2 =	slt.u32 s8, $0xFFFFF086  }
0x1c: {  	p1 =	slt.u32 s9, $0xF7A;
	s5 =	simm.s32 @!p2 $0x0  }
0x1d: {  	s5 =	simm.s32 @p1 $0x1;
	p0 =	seq.s32 s7, s2  }
0x1e: {  	s7 =	smul.u32 @!p0 $0xF7A, s2;
	p2 =	seq.s32 @!p0 s5, $0x0  }
0x1f: {  	s9 =	smul.u32 $0xF7A, s1;
	s8 =	simm.s32 @!p0 $0x1BF5;
	p2 =	por !p2, p0  }
0x20: {  	[sflag:s8] =	ssyncset.s32 @!p0 $0xFFFFF086;
	s6 =	sadd.s32 @!p0 s3, s7;
	s7 =	simm.s32 @!p0 $0x108  }
0x21: {  	s3 =	sadd.s32 s3, s9;
	s6 =	sadd.s32 @!p0 $0x88, s6;
	s7 =	simm.s32 @p2 $0x1082  }
0x22: {  	[simem:s7], [sflag:s8] =	dma.local @!p0 [hbm:s6], $0xF7A  }
0x23: {  	s9 =	sor.u32 $0xD0000000, s2;
	s6 =	simm.s32 $0x108;
	_ =	swait.ge @!p0 [sflag:s8], $0x0  }
0x24: {  	s3 =	sadd.s32 $0x88, s3;
	s6 =	simm.s32 @!p1 $0x1082;
	[sflag:s4] =	ssyncset.s32 $0xFFFFF086  }
0x25: {  	[simem:s6], [sflag:s4] =	dma.local [hbm:s3], $0xF7A  }
0x26: {  	[smem:$0x3F95] =	sst s1;
	(tag) =	ssettag s2;
	_ =	strace s9  }
0x27: {  	s1 =	sld [smem:$0x3FA5]  }
0x28: {  	s2 =	sld [smem:$0x3FA6]  }
0x29: {  	s4 =	sld [smem:$0x3FA8]  }
0x2a: {  	p0 =	seq.s32 s5, $0x0;
	s5 =	sld [smem:$0x3FA9]  }
0x2b: {  	s6 =	sld [smem:$0x3FAA]  }
0x2c: {  	s7 =	sld [smem:$0x3FAB]  }
0x2d: {  	s3 =	simm.s32 $0x108;
	s8 =	sld [smem:$0x3FAC]  }
0x2e: {  	s3 =	simm.s32 @!p0 $0x1082;
	s9 =	sld [smem:$0x3FAD]  }
0x2f: {  	lr =	sadd.s32 s0, s3;
	s0 =	sld [smem:$0x3FA4]  }
0x30: {  	s3 =	sld [smem:$0x3FA7]  }
0x31: {  	[smem:$0x3FB0] =	sst s10  }
0x32: {  	s10 =	sld [smem:$0x3FAE];
	_ =	sdelay $0x3  }
0x33: {  	p0 =	seq.s32 s10, $0x1;
	s10 =	sld [smem:$0x3FB0];
	_ =	sdelay $0x3  }
0x34: {  	[smem:$0x3FB0] =	sst s10  }
0x35: {  	s10 =	sld [smem:$0x3FAF];
	_ =	sdelay $0x3  }
0x36: {  	p1 =	seq.s32 s10, $0x1;
	s10 =	sld [smem:$0x3FB0];
	_ =	sdelay $0x3  }
0x37: {  	[smem:$0x3FB0] =	sst s10  }
0x38: {  	s10 =	sld [smem:$0x3FB1]  }
0x39: {  	_ = 	snop;
	(pc) =	sbr.ind lr, $3  }
0x3a: {  	_ = 	snop  }
0x3b: {  	_ = 	snop  }
0x3c: {  	p2 =	seq.s32 s10, $0x1;
	s10 =	sld [smem:$0x3FB0]  }
0x3d: {  	_ =	shalt  }
0x3e: {  	_ =	shalt  }
0x3f: {  	_ =	shalt  }
0x40: {  	_ =	shalt  }
0x41: {  	_ =	shalt  }
0x42: {  	_ =	shalt  }
0x43: {  	_ =	shalt  }
0x44: {  	_ =	shalt  }
0x45: {  	_ =	shalt  }
0x46: {  	_ =	shalt  }
0x47: {  	_ =	shalt  }
0x48: {  	_ =	shalt  }
0x49: {  	_ =	shalt  }
0x4a: {  	_ =	shalt  }
0x4b: {  	_ =	shalt  }
0x4c: {  	_ =	shalt  }
0x4d: {  	_ =	shalt  }
0x4e: {  	_ =	shalt  }
0x4f: {  	_ =	shalt  }
0x50: {  	_ =	shalt  }
0x51: {  	_ =	shalt  }
0x52: {  	_ =	shalt  }
0x53: {  	_ =	shalt  }
0x54: {  	_ =	shalt  }
0x55: {  	_ =	shalt  }
0x56: {  	_ =	shalt  }
0x57: {  	_ =	shalt  }
0x58: {  	_ =	shalt  }
0x59: {  	_ =	shalt  }
0x5a: {  	_ =	shalt  }
0x5b: {  	_ =	shalt  }
0x5c: {  	_ =	shalt  }
0x5d: {  	_ =	shalt  }
0x5e: {  	_ =	shalt  }
0x5f: {  	_ =	shalt  }
0x60: {  	_ =	shalt  }
0x61: {  	_ =	shalt  }
0x62: {  	_ =	shalt  }
0x63: {  	_ =	shalt  }
0x64: {  	_ =	shalt  }
0x65: {  	_ =	shalt  }
0x66: {  	_ =	shalt  }
0x67: {  	_ =	shalt  }
0x68: {  	_ =	shalt  }
0x69: {  	_ =	shalt  }
0x6a: {  	_ =	shalt  }
0x6b: {  	_ =	shalt  }
0x6c: {  	_ =	shalt  }
0x6d: {  	_ =	shalt  }
0x6e: {  	_ =	shalt  }
0x6f: {  	_ =	shalt  }
0x70: {  	_ =	shalt  }
0x71: {  	_ =	shalt  }
0x72: {  	_ =	shalt  }
0x73: {  	_ =	shalt  }
0x74: {  	_ =	shalt  }
0x75: {  	_ =	shalt  }
0x76: {  	_ =	shalt  }
0x77: {  	_ =	shalt  }
0x78: {  	_ =	shalt  }
0x79: {  	_ =	shalt  }
0x7a: {  	_ =	shalt  }
0x7b: {  	_ =	shalt  }
0x7c: {  	_ =	shalt  }
0x7d: {  	_ =	shalt  }
0x7e: {  	_ =	shalt  }
0x7f: {  	_ =	shalt  }
0x80: {  	_ =	shalt  }
0x81: {  	_ =	shalt  }
0x82: {  	_ =	shalt  }
0x83: {  	_ =	shalt  }
0x84: {  	_ =	shalt  }
0x85: {  	_ =	shalt  }
0x86: {  	_ =	shalt  }
0x87: {  	_ =	shalt  }
.Lfunc_end0:
.L_simem_size_0:
called_computation_lowered:
.L_overlay_start_0:
0x88: {  	s2 =	sld [smem:$0x3FD9]  }
0x89: {  	s3 =	sld [smem:$0x3FFE];
	_ =	sdelay $0x1  }
0x8a: {  	s1 =	srdreg.scid  }
0x8b: {  	s0 =	sand.u32 $0x1, s1  }
0x8c: {  	s17 =	sshll.u32 s0, $0xA;
	s2 =	sadd.s32 s3, s2  }
0x8d: {  	s2 =	sadd.s32 s2, s17  }
0x8e: {  	[smem:$0x3FBC] =	sst s2  }
0x8f: {  	_ = 	snop  }
0x90: {  	s2 =	sld [smem:$0x3FD0];
	(tm) =	ssettm $0x1  }
0x91: {  	s18 =	sld [smem:$0x3FFB];
	_ =	sdelay $0x3  }
0x92: {  	_ =	strace s18  }
0x93: {  	s3 =	sld [smem:$0x3FFC];
	_ =	sdelay $0x3  }
0x94: {  	_ =	strace s3  }
0x95: {  	s3 =	sld [smem:$0x3FFD];
	_ =	sdelay $0x3  }
0x96: {  	_ =	strace s3  }
0x97: {  	_ =	strace $0x8FFFFFFF  }
0x98: {  	s19 =	sld [smem:$0x3FDB];
	_ =	sdelay $0x1  }
0x99: {  	s4 =	simm.s32 $_scs_section_size  }
0x9a: {  	s5 =	simm.s32 $_size__tile_overlayer_lowered;
	s6 =	simm.s32 $_tile_overlayer_lowered  }
0x9b: {  	s22 =	simm.s32 $0x1BFF;
	s21 =	sshll.u32 s6, $0x1;
	s3 =	sadd.s32 s4, s19  }
0x9c: {  	s7 =	simm.s32 $0x0;
	s20 =	sshll.u32 s5, $0x1;
	s5 =	sadd.s32 s21, s3  }
0x9d: {  	[timem:s7], [sflag:s22] =	dma.local [hbm:s5], s20  }
0x9e: {  	_ =	swait.ge [sflag:s22], s20  }
0x9f: {  	s4 =	ssub.s32 $0x0, s20;
	[sflag:s22] =	ssyncset.done $0x0  }
0xa0: {  	[sflag:s22] =	ssyncadd.s32 s4;
	_ =	sdelay $0x1  }
0xa1: {  	s23 =	simm.s32 $0x1B8B  }
0xa2: {  	_ =	swait.ge [sflag:s23], $0x1  }
0xa3: {  	[sflag:s23] =	ssyncset.done $0x0  }
0xa4: {  	s25 =	simm.s32 $0x1B8E;
	s24 =	sld [smem:$0x3FFE];
	[sflag:s23] =	ssyncadd.s32 $0xFFFFFFFF  }
0xa5: {  	s26 =	simm.s32 $execute0_lowered;
	[smem:$0x3FD2] =	sst s25  }
0xa6: {  	s5 =	sshll.u32 s26, $0x1;
	_ =	strace $0x80000046;
	[dreg:$0x1] =	wrdreg $0xFFFFFFFF  }
0xa7: {  	s28 =	simm.s32 $_size_execute0_lowered;
	s3 =	sadd.s32 s3, s5;
	[dreg:$0x0] =	wrdreg $0x0  }
0xa8: {  	s5 =	sshll.u32 s28, $0x1;
	[dreg:$0x2] =	wrdreg s3  }
0xa9: {  	[dreg:$0x3] =	wrdreg s5  }
0xaa: {  	[dreg:$0x4] =	wrdreg $0xC0  }
0xab: {  	_ =	task [dreg:s7], $0x5FFFF  }
0xac: {  	[dreg:$0x1] =	wrdreg $0xFFFFFFFF  }
0xad: {  	[dreg:$0x0] =	wrdreg $0x60  }
0xae: {  	[dreg:$0x2] =	wrdreg s24  }
0xaf: {  	[dreg:$0x3] =	wrdreg s2  }
0xb0: {  	[dreg:$0x4] =	wrdreg $0xD4800  }
0xb1: {  	[dreg:$0x5] =	wrdreg $0x9  }
0xb2: {  	_ =	task.clear_ibuf [dreg:s7], $0x6FFFF;
	_ =	strace $0x90000046  }
0xb3: {  	s29 =	simm.s32 $0x9;
	_ =	strace $0x80000048  }
0xb4: {  	_ =	swait.ge [sflag:s29], $0x1  }
0xb5: {  	[sflag:s29] =	ssyncadd.s32 $0xFFFFFFFF  }
0xb6: {  	_ =	strace $0x90000048  }
0xb7: {  	_ =	sfence  }
0xb8: {  	s30 =	sld [smem:$0x0];
	_ =	sdelay $0x2  }
0xb9: {  	s31 =	sshll.u32 s1, $0xD;
	s1 =	sshrl.u32 s1, $0x2  }
0xba: {  	s3 =	sand.u32 $0x4000, s31;
	s1 =	sadd.s32 s1, s30  }
0xbb: {  	s0 =	sor.u32 s3, s0;
	s1 =	sshll.u32 s1, $0x11  }
0xbc: {  	s0 =	sor.u32 s1, s0  }
0xbd: {  	s0 =	sadd.s32 $0x8F2B, s0  }
0xbe: {  	[sflag:s0] =	ssyncadd.remote.s32 $0x1  }
0xbf: {  	_ =	sfence.sel $0xFFFF  }
0xc0: {  	[dreg:$0x0] =	wrdreg $0xFFFFFFFF;
	(pc) =	sbr.abs _section_cstart, $3  }
0xc1: {  	[dreg:$0x1] =	wrdreg $0xFFFFFFFF  }
0xc2: {  	_ =	task.clear_ibuf [dreg:s7], $0x2FFFF;
	_ =	strace $0x9FFFFFFF  }
0xc3: {  	(tm) =	ssettm $0x7FFFFFFF  }
tec
execute0_lowered:
.L_overlay_start_1:
0x0: {  	(tag) =	ssettag $0x1  }
0x1: {  	s0 =	rddreg [dreg:$0x0]  }
0x2: {  	s1 =	rddreg [dreg:$0x1];
	s3 =	srdreg.scid  }
0x3: {  	s15 =	stileid.u32;
	s2 =	rddreg [dreg:$0x2];
	s17 =	simm.s32 $0xCA80  }
0x4: {  	s18 =	simm.s32 $0x80;
	s19 =	simm.s32 $0x400;
	s20 =	simm.s32 $0x2800  }
0x5: {  	s21 =	simm.s32 $0x1;
	s22 =	simm.s32 $0x2;
	s23 =	simm.s32 $0xA100  }
0x6: {  	s28 =	simm.s32 $0x0;
	s7 =	sand.u32 $0x1, s3;
	s4 =	sshll.u32 s15, $0x1  }
0x7: {  	s3 =	simm.s32 $0x0;
	s10 =	smul.u32 $0x2800, s15;
	s5 =	sadd.s32 $0xAE000, s0  }
0x8: {  	s6 =	sadd.s32 $0xB5800, s0;
	s13 =	smul.u32 $0x5000, s15;
	s25 =	sshrl.u32 s15, $0x2  }
0x9: {  	s15 =	simm.s32 $0x3;
	s8 =	sor.u32 s7, s4;
	[smem:$0x7FF] =	sst s3  }
0xa: {  	s4 =	sadd.s32 $0xAB800, s0;
	s12 =	sshll.u32 s7, $0x7;
	s29 =	smul.u32 $0x14400, s25  }
0xb: {  	s7 =	ssub.s32 $0x2, s7;
	s25 =	simm.s32 $0x10;
	s9 =	smul.u32 $0x510, s8  }
0xc: {  	_ =	strace $0x80000047;
	s10 =	sor.u32 s12, s10;
	s24 =	sshrl.u32 s7, $0x1  }
0xd: {  	s26 =	sshrl.u32 s13, $0x2;
	s30 =	sshll.u32 s8, $0x7;
	s10 =	sshrl.u32 s10, $0x3  }
0xe: {  	s14 =	ssub.s32 s7, s24;
	s8 =	sadd.s32 s26, s2;
	s31 =	sand.u32 $0x380, s30  }
0xf: {  	s26 =	simm.s32 $0x0;
	s11 =	sadd.s32 s9, s0;
	s0 =	sadd.s32 s10, s0  }
0x10: {  	s7 =	sadd.s32 s1, s9;
	s10 =	sadd.s32 $0xA00, s8;
	s13 =	smax.u32 s14, $0x1  }
0x11: {  	v0 =	vimm.f32 $0.0e+00;
	s9 =	sadd.s32 $0x1600, s11;
	s11 =	sor.u32 s31, s29;
	s12 =	sadd.s32 $0xB0800, s0  }
.LBB2_1:
0x12: {  	s0 =	simm.s32 $0x5000  }
0x13: {  	[tilespmem:s0], [sflag:$0x3] =	stream.linear.gather [hbm4b:s7+s3], $0x2880, $0x38;
	[tilespmem:$0xE880] =	vst v63  }
0x14: {  	_ =	swait.ge [sflag:s15], $0x2880  }
0x15: {  	[sflag:s15] =	ssyncset.done $0x0  }
0x16: {  	s31 =	simm.s32 $0x7880;
	[sflag:s15] =	ssyncadd.s32 $0xFFFFD780  }
0x17: {  	[tilespmem:s31], [sflag:$0x3] =	stream.linear.gather [hbm4b:s9+s3], $0x2880, $0x38;
	[tilespmem:$0xE880] =	vst v63  }
0x18: {  	_ =	swait.ge [sflag:s15], $0x2880  }
0x19: {  	[sflag:s15] =	ssyncset.done $0x0  }
0x1a: {  	s1 =	simm.s32 $0x100;
	s0 =	simm.s32 $0x0;
	[sflag:s15] =	ssyncadd.s32 $0xFFFFD780  }
.LBB2_2:
0x1b: {  	p0 =	sne.s32 s1, $0x2700;
	[tilespmem:s0+$0xCAB0] =	vst v0;
	s14 =	smov.u32 s1;
	s1 =	sadd.s32 $0x100, s1  }
.Ltmp0:
0x1c: {  	[tilespmem:s0+$0xCAA0] =	vst v0;
	(pc) =	sbr.rel @p0 .LBB2_2-.Ltmp0, $3  }
0x1d: {  	[tilespmem:s0+$0xCA80] =	vst v0  }
0x1e: {  	[tilespmem:s0+$0xCA90] =	vst v0;
	_ =	sdelay $0x1  }
0x1f: {  	s0 =	sshra.s32 s14, $0x2  }
0x20: {  	[tilespmem:s0+$0xCAB0] =	vst v0  }
0x21: {  	[tilespmem:s0+$0xCAA0] =	vst v0  }
0x22: {  	[tilespmem:s0+$0xCA80] =	vst v0  }
0x23: {  	[tilespmem:s0+$0xCA90] =	vst v0  }
0x24: {  	[spmem:s8] =	stream.linear.scatter [tilespmem:s17], [sflag:$0x3], $0xA00, $0x38;
	[tilespmem:$0xE880] =	vst v63  }
0x25: {  	_ =	swait.ge [sflag:s15], $0xA00  }
0x26: {  	[sflag:s15] =	ssyncset.done $0x0  }
0x27: {  	[sflag:s15] =	ssyncadd.s32 $0xFFFFF600  }
0x28: {  	[spmem:s10] =	stream.linear.scatter [tilespmem:s17], [sflag:$0x3], $0xA00, $0x38;
	[tilespmem:$0xE880] =	vst v63  }
0x29: {  	_ =	swait.ge [sflag:s15], $0xA00  }
0x2a: {  	[sflag:s15] =	ssyncset.done $0x0  }
0x2b: {  	[sflag:s15] =	ssyncadd.s32 $0xFFFFF600  }
0x2c: {  	s29 =	simm.s32 $0x0;
	[bflag:$0x0] =	sbarrier.arrive $0xFFFF  }
.LBB2_4:
0x2d: {  	s0 =	sshll.u32 s29, $0x4  }
0x2e: {  	s1 =	sadd.s32 s4, s0  }
0x2f: {  	[tilespmem:s28], [sflag:$0x3] =	stream.strided.gather [hbm4b:s1+s18], $0x2800, s19, s18, $0x38;
	[tilespmem:$0xE880] =	vst v63  }
0x30: {  	_ =	swait.ge [sflag:s15], $0x2800  }
0x31: {  	[sflag:s15] =	ssyncset.done $0x0  }
0x32: {  	s0 =	sadd.s32 s5, s0;
	[sflag:s15] =	ssyncadd.s32 $0xFFFFD800  }
0x33: {  	[tilespmem:s20], [sflag:$0x3] =	stream.strided.gather [hbm4b:s0+s18], $0x2800, s19, s18, $0x38;
	[tilespmem:$0xE880] =	vst v63  }
0x34: {  	s24 =	smul.u32 $0x2800, s29;
	_ =	swait.ge [sflag:s15], $0x2800  }
0x35: {  	s30 =	simm.s32 $0xA100;
	s31 =	simm.s32 $0x78C0;
	[sflag:s15] =	ssyncset.done $0x0  }
0x36: {  	s14 =	simm.s32 $0x0;
	v1 =	vmov s24;
	s1 =	simm.s32 $0x5040;
	[sflag:s15] =	ssyncadd.s32 $0xFFFFD800  }
.LBB2_5:
0x37: {  	s0 =	sand.u32 $0x1, s14;
	p0 =	slt.u32 s14, $0x2  }
0x38: {  	s16 =	sadd.s32 @!p0 $0x1, s0  }
0x39: {  	_ =	swait.ge @!p0 [sflag:s16], $0x80  }
0x3a: {  	[sflag:s16] =	ssyncset.done @!p0 $0x0  }
0x3b: {  	[sflag:s16] =	ssyncadd.s32 @!p0 $0xFFFFFF80  }
0x3c: {  	v2 =	vld [tilespmem:s1+$0xFFFFFFC0]  }
0x3d: {  	v3 =	vld [tilespmem:s31+$0xFFFFFFC0];
	_ =	sdelay $0x6  }
0x3e: {  	v2 =	vld.idx.msk [tilespmem:v2+s3+$0x0], $0xffff  }
0x3f: {  	v4 =	vld.idx.msk [tilespmem:v3+s20+$0x0], $0xffff;
	_ =	sdelay $0x4  }
0x40: {  	v2 =	vadd.f32 v4, v2;
	_ =	sdelay $0x1  }
0x41: {  	v4 =	vmul.f32 $2.000000030e-01, v2  }
0x42: {  	vm0 =	vgt.f32 v2, $0.0e+00  }
0x43: {  	v2 =	vsel vm0, v2, v4  }
0x44: {  	v2 =	vmul.f32 $1.442695020e+00, v2;
	_ =	sdelay $0x1  }
0x45: {  	(erf) = vpow2.f32 v2;
	_ =	sdelay $0x8  }
0x46: {  	v2 =	vpop (erf)  }
0x47: {  	s16 =	sshll.u32 s0, $0x7;
	[tilespmem:s30+$0x0] =	vst v2;
	v2 =	vadd.s32 v1, v3  }
0x48: {  	[tilespmem:s16+$0xC980] =	vst v2  }
0x49: {  	v2 =	vld [tilespmem:s1+$0xFFFFFFD0]  }
0x4a: {  	v3 =	vld [tilespmem:s31+$0xFFFFFFD0];
	_ =	sdelay $0x6  }
0x4b: {  	v2 =	vld.idx.msk [tilespmem:v2+s3+$0x0], $0xffff  }
0x4c: {  	v57 =	vld.idx.msk [tilespmem:v3+s20+$0x0], $0xffff;
	_ =	sdelay $0x4  }
0x4d: {  	v2 =	vadd.f32 v57, v2;
	_ =	sdelay $0x1  }
0x4e: {  	v4 =	vmul.f32 $2.000000030e-01, v2  }
0x4f: {  	vm9 =	vgt.f32 v2, $0.0e+00  }
0x50: {  	v2 =	vsel vm9, v2, v4  }
0x51: {  	v2 =	vmul.f32 $1.442695020e+00, v2;
	_ =	sdelay $0x1  }
0x52: {  	(erf) = vpow2.f32 v2;
	_ =	sdelay $0x8  }
0x53: {  	v2 =	vpop (erf)  }
0x54: {  	[tilespmem:s30+$0x10] =	vst v2;
	v2 =	vadd.s32 v1, v3  }
0x55: {  	[tilespmem:s16+$0xC990] =	vst v2  }
0x56: {  	v2 =	vld [tilespmem:s1+$0xFFFFFFE0]  }
0x57: {  	v3 =	vld [tilespmem:s31+$0xFFFFFFE0];
	_ =	sdelay $0x6  }
0x58: {  	v2 =	vld.idx.msk [tilespmem:v2+s3+$0x0], $0xffff  }
0x59: {  	v58 =	vld.idx.msk [tilespmem:v3+s20+$0x0], $0xffff;
	_ =	sdelay $0x4  }
0x5a: {  	v2 =	vadd.f32 v58, v2;
	_ =	sdelay $0x1  }
0x5b: {  	v4 =	vmul.f32 $2.000000030e-01, v2  }
0x5c: {  	vm10 =	vgt.f32 v2, $0.0e+00  }
0x5d: {  	v2 =	vsel vm10, v2, v4  }
0x5e: {  	v2 =	vmul.f32 $1.442695020e+00, v2;
	_ =	sdelay $0x1  }
0x5f: {  	(erf) = vpow2.f32 v2;
	_ =	sdelay $0x8  }
0x60: {  	v2 =	vpop (erf)  }
0x61: {  	[tilespmem:s30+$0x20] =	vst v2;
	v2 =	vadd.s32 v1, v3  }
0x62: {  	[tilespmem:s16+$0xC9A0] =	vst v2  }
0x63: {  	v2 =	vld [tilespmem:s1+$0xFFFFFFF0]  }
0x64: {  	v3 =	vld [tilespmem:s31+$0xFFFFFFF0];
	_ =	sdelay $0x6  }
0x65: {  	v2 =	vld.idx.msk [tilespmem:v2+s3+$0x0], $0xffff  }
0x66: {  	v59 =	vld.idx.msk [tilespmem:v3+s20+$0x0], $0xffff;
	_ =	sdelay $0x4  }
0x67: {  	v2 =	vadd.f32 v59, v2;
	_ =	sdelay $0x1  }
0x68: {  	v4 =	vmul.f32 $2.000000030e-01, v2  }
0x69: {  	vm11 =	vgt.f32 v2, $0.0e+00  }
0x6a: {  	v2 =	vsel vm11, v2, v4  }
0x6b: {  	v2 =	vmul.f32 $1.442695020e+00, v2;
	_ =	sdelay $0x1  }
0x6c: {  	(erf) = vpow2.f32 v2;
	_ =	sdelay $0x8  }
0x6d: {  	v2 =	vpop (erf)  }
0x6e: {  	[tilespmem:s30+$0x30] =	vst v2;
	v2 =	vadd.s32 v1, v3  }
0x6f: {  	[tilespmem:s16+$0xC9B0] =	vst v2  }
0x70: {  	v2 =	vld [tilespmem:s1+$0x0]  }
0x71: {  	v3 =	vld [tilespmem:s31+$0x0];
	_ =	sdelay $0x6  }
0x72: {  	v2 =	vld.idx.msk [tilespmem:v2+s3+$0x0], $0xffff  }
0x73: {  	v60 =	vld.idx.msk [tilespmem:v3+s20+$0x0], $0xffff;
	_ =	sdelay $0x4  }
0x74: {  	v2 =	vadd.f32 v60, v2;
	_ =	sdelay $0x1  }
0x75: {  	v4 =	vmul.f32 $2.000000030e-01, v2  }
0x76: {  	vm12 =	vgt.f32 v2, $0.0e+00  }
0x77: {  	v2 =	vsel vm12, v2, v4  }
0x78: {  	v2 =	vmul.f32 $1.442695020e+00, v2;
	_ =	sdelay $0x1  }
0x79: {  	(erf) = vpow2.f32 v2;
	_ =	sdelay $0x8  }
0x7a: {  	v2 =	vpop (erf)  }
0x7b: {  	[tilespmem:s30+$0x40] =	vst v2;
	v2 =	vadd.s32 v1, v3  }
0x7c: {  	[tilespmem:s16+$0xC9C0] =	vst v2  }
0x7d: {  	v2 =	vld [tilespmem:s1+$0x10]  }
0x7e: {  	v3 =	vld [tilespmem:s31+$0x10];
	_ =	sdelay $0x6  }
0x7f: {  	v2 =	vld.idx.msk [tilespmem:v2+s3+$0x0], $0xffff  }
0x80: {  	v61 =	vld.idx.msk [tilespmem:v3+s20+$0x0], $0xffff;
	_ =	sdelay $0x4  }
0x81: {  	v2 =	vadd.f32 v61, v2;
	_ =	sdelay $0x1  }
0x82: {  	v4 =	vmul.f32 $2.000000030e-01, v2  }
0x83: {  	vm13 =	vgt.f32 v2, $0.0e+00  }
0x84: {  	v2 =	vsel vm13, v2, v4  }
0x85: {  	v2 =	vmul.f32 $1.442695020e+00, v2;
	_ =	sdelay $0x1  }
0x86: {  	(erf) = vpow2.f32 v2;
	_ =	sdelay $0x8  }
0x87: {  	v2 =	vpop (erf)  }
0x88: {  	[tilespmem:s30+$0x50] =	vst v2;
	v2 =	vadd.s32 v1, v3  }
0x89: {  	[tilespmem:s16+$0xC9D0] =	vst v2  }
0x8a: {  	v2 =	vld [tilespmem:s1+$0x20]  }
0x8b: {  	v3 =	vld [tilespmem:s31+$0x20];
	_ =	sdelay $0x6  }
0x8c: {  	v2 =	vld.idx.msk [tilespmem:v2+s3+$0x0], $0xffff  }
0x8d: {  	v62 =	vld.idx.msk [tilespmem:v3+s20+$0x0], $0xffff;
	_ =	sdelay $0x4  }
0x8e: {  	v2 =	vadd.f32 v62, v2;
	_ =	sdelay $0x1  }
0x8f: {  	v4 =	vmul.f32 $2.000000030e-01, v2  }
0x90: {  	vm14 =	vgt.f32 v2, $0.0e+00  }
0x91: {  	v2 =	vsel vm14, v2, v4  }
0x92: {  	v2 =	vmul.f32 $1.442695020e+00, v2;
	_ =	sdelay $0x1  }
0x93: {  	(erf) = vpow2.f32 v2;
	_ =	sdelay $0x8  }
0x94: {  	v2 =	vpop (erf)  }
0x95: {  	[tilespmem:s30+$0x60] =	vst v2;
	v2 =	vadd.s32 v1, v3  }
0x96: {  	[tilespmem:s16+$0xC9E0] =	vst v2  }
0x97: {  	v2 =	vld [tilespmem:s1+$0x30]  }
0x98: {  	v3 =	vld [tilespmem:s31+$0x30];
	_ =	sdelay $0x6  }
0x99: {  	v2 =	vld.idx.msk [tilespmem:v2+s3+$0x0], $0xffff  }
0x9a: {  	v63 =	vld.idx.msk [tilespmem:v3+s20+$0x0], $0xffff;
	_ =	sdelay $0x4  }
0x9b: {  	v2 =	vadd.f32 v63, v2;
	_ =	sdelay $0x1  }
0x9c: {  	v4 =	vmul.f32 $2.000000030e-01, v2  }
0x9d: {  	vm15 =	vgt.f32 v2, $0.0e+00  }
0x9e: {  	v2 =	vsel vm15, v2, v4  }
0x9f: {  	v2 =	vmul.f32 $1.442695020e+00, v2;
	_ =	sdelay $0x1  }
0xa0: {  	(erf) = vpow2.f32 v2;
	_ =	sdelay $0x6  }
0xa1: {  	s14 =	sadd.s32 $0x1, s14  }
0xa2: {  	p0 =	sne.s32 s14, $0x51  }
.Ltmp1:
0xa3: {  	v2 =	vpop (erf);
	(pc) =	sbr.rel @p0 .LBB2_5-.Ltmp1, $4  }
0xa4: {  	[tilespmem:s30+$0x70] =	vst v2;
	v2 =	vadd.s32 v1, v3  }
0xa5: {  	s0 =	sadd.s32 $0x1, s0;
	s24 =	sadd.s32 $0xC980, s16;
	[tilespmem:s16+$0xC9F0] =	vst v2  }
0xa6: {  	[spmem:s2] =	stream.indirect.scatter.add.f32 [tilespmem:s30], [sflag:s0], $0x1, s24, s18, $0xb8;
	[tilespmem:$0xE880] =	vst v63  }
0xa7: {  	s31 =	sadd.s32 $0x80, s31;
	s1 =	sadd.s32 $0x80, s1;
	s30 =	sadd.s32 $0x80, s30  }
0xa8: {  	_ =	swait.ge [sflag:s21], $0x80  }
0xa9: {  	s0 =	smul.u32 $0x51000, s29;
	[sflag:s21] =	ssyncset.done $0x0  }
0xaa: {  	[sflag:s21] =	ssyncadd.s32 $0xFFFFFF80  }
0xab: {  	s29 =	sadd.s32 $0x1, s29;
	s0 =	sadd.s32 s11, s0;
	_ =	swait.ge [sflag:s22], $0x80  }
0xac: {  	p0 =	sne.s32 s29, $0x8;
	s0 =	sshrl.u32 s0, $0x3;
	[sflag:s22] =	ssyncset.done $0x0  }
.Ltmp2:
0xad: {  	s0 =	sadd.s32 s6, s0;
	[sflag:s22] =	ssyncadd.s32 $0xFFFFFF80;
	(pc) =	sbr.rel @p0 .LBB2_4-.Ltmp2, $4  }
0xae: {  	[hbm4b:s0+s18] =	stream.strided.scatter [tilespmem:s23], [sflag:$0x3], $0x2880, s19, s18, $0x38;
	[tilespmem:$0xE880] =	vst v63  }
0xaf: {  	_ =	swait.ge [sflag:s15], $0x2880  }
0xb0: {  	[sflag:s15] =	ssyncset.done $0x0  }
0xb1: {  	[sflag:s15] =	ssyncadd.s32 $0xFFFFD780  }
0xb2: {  	s0 =	stileid.u32;
	[bflag:$0x0] =	sbarrier.arrive $0xFFFF;
	s26 =	sadd.s32 $0x1, s26  }
0xb3: {  	s1 =	sshrl.u32 s8, $0x3;
	s0 =	sshll.u32 s0, $0x6;
	p0 =	sne.s32 s26, s13  }
.Ltmp3:
0xb4: {  	s14 =	simm.s32 $0x20;
	s0 =	sor.u32 $0x1C03, s0;
	(pc) =	sbr.rel @p0 .LBB2_1-.Ltmp3, $4  }
0xb5: {  	[hbm:s12@s14], [sflag:s0] =	dma.strided [spmem:s1@s25], $0x280, s21, $0x10   }
0xb6: {  	_ =	swait.ge [sflag:s15], $0x280  }
0xb7: {  	[sflag:s15] =	ssyncset.done $0x0  }
0xb8: {  	[sflag:s15] =	ssyncadd.s32 $0xFFFFFD80  }
0xb9: {  	_ =	sfence.sel $0x180000  }
0xba: {  	[bflag:$0x0] =	sbarrier.arrive $0xFFFF  }
0xbb: {  	_ =	strace $0x90000047  }
0xbc: {  	s0 =	stileid.u32;
	[bflag:$0x2] =	sbarrier.arrive $0xFFFF  }
0xbd: {  	p0 =	sne.s32 s0, $0x0;
	s0 =	rddreg [dreg:$0x3]  }
0xbe: {  	s0 =	sadd.s32 @!p0 $0x100000, s0  }
0xbf: {  	[sflag:s0] =	ssyncadd.tile.s32 @!p0 $0x1;
	_ =	shalt  }
.Lfunc_end2:
_tile_overlayer_lowered:
.L_overlay_start_2:
0xc0: {  	(tag) =	ssettag $0x2  }
0xc1: {  	s0 =	rddreg [dreg:$0x0];
	s2 =	stileid.u32  }
0xc2: {  	s1 =	rddreg [dreg:$0x1];
	p0 =	sne.s32 s2, $0x0  }
0xc3: {  	s3 =	rddreg [dreg:$0x2];
	[bflag:$0x3] =	sbarrier.arrive $0xFFFF;
	s2 =	simm.s32 @!p0 $0x1C03  }
0xc4: {  	[timem:s3], [sflag:s2] =	dma.local @!p0 [hbm:s0], s1  }
0xc5: {  	s0 =	simm.s32 @!p0 $0x3  }
0xc6: {  	_ =	swait.ge @!p0 [sflag:s0], s1  }
0xc7: {  	s1 =	ssub.s32 @!p0 $0x0, s1;
	[sflag:s0] =	ssyncset.done @!p0 $0x0  }
0xc8: {  	[sflag:s0] =	ssyncadd.s32 @!p0 s1  }
0xc9: {  	[bflag:$0x3] =	sbarrier.arrive $0xFFFF  }
0xca: {  	_ =	shalt  }

// kernel: kernel.14.cloned.1.call-start
scs
__scs_entry_jumppad:
0x0: {  	(pc) =	sbr.rel $0x88, $3  }
0x1: {  	(tag) =	ssettag $0x0;
	lr =	simm.s32 $0x1  }
0x2: {  	[smem:$0x3F95] =	sst lr;
	_ =	strace $0xD0000000  }
0x3: {  	_ = 	snop  }
0x4: {  	_ = 	snop  }
0x5: {  	_ = 	snop  }
0x6: {  	_ = 	snop  }
0x7: {  	_ = 	snop  }
__scs_overlays_trampoline_lowered:
0x8: {  	[smem:$0x3FA4] =	sst s0  }
0x9: {  	[smem:$0x3FA5] =	sst s1  }
0xa: {  	[smem:$0x3FA6] =	sst s2  }
0xb: {  	[smem:$0x3FA7] =	sst s3  }
0xc: {  	[smem:$0x3FA8] =	sst s4  }
0xd: {  	[smem:$0x3FA9] =	sst s5  }
0xe: {  	[smem:$0x3FAA] =	sst s6  }
0xf: {  	[smem:$0x3FAB] =	sst s7  }
0x10: {  	[smem:$0x3FAC] =	sst s8  }
0x11: {  	[smem:$0x3FAD] =	sst s9;
	s0 =	simm.s32 @!p0 $0x0  }
0x12: {  	s1 =	sld [smem:$0x3F93];
	s0 =	simm.s32 @p0 $0x1  }
0x13: {  	[smem:$0x3FAE] =	sst s0;
	s0 =	simm.s32 @!p1 $0x0  }
0x14: {  	s2 =	sld [smem:$0x3F92];
	s0 =	simm.s32 @p1 $0x1  }
0x15: {  	[smem:$0x3FAF] =	sst s0;
	s0 =	simm.s32 @!p2 $0x0  }
0x16: {  	s3 =	sld [smem:$0x3FDB];
	s0 =	simm.s32 @p2 $0x1  }
0x17: {  	s4 =	simm.s32 $0x1BF5;
	[smem:$0x3FB1] =	sst s0  }
0x18: {  	s0 =	sld [smem:$0x3F94];
	_ =	swait.ge [sflag:s4], $0x0  }
0x19: {  	s7 =	sld [smem:$0x3F95]  }
0x1a: {  	s8 =	sadd.s32 $0xFFFFE003, lr  }
0x1b: {  	s9 =	sadd.s32 $0xFFFFFEF7, lr;
	s5 =	simm.s32 $0xFFFFFFFF;
	p2 =	slt.u32 s8, $0xFFFFF086  }
0x1c: {  	p1 =	slt.u32 s9, $0xF7A;
	s5 =	simm.s32 @!p2 $0x0  }
0x1d: {  	s5 =	simm.s32 @p1 $0x1;
	p0 =	seq.s32 s7, s2  }
0x1e: {  	s7 =	smul.u32 @!p0 $0xF7A, s2;
	p2 =	seq.s32 @!p0 s5, $0x0  }
0x1f: {  	s9 =	smul.u32 $0xF7A, s1;
	s8 =	simm.s32 @!p0 $0x1BF5;
	p2 =	por !p2, p0  }
0x20: {  	[sflag:s8] =	ssyncset.s32 @!p0 $0xFFFFF086;
	s6 =	sadd.s32 @!p0 s3, s7;
	s7 =	simm.s32 @!p0 $0x108  }
0x21: {  	s3 =	sadd.s32 s3, s9;
	s6 =	sadd.s32 @!p0 $0x88, s6;
	s7 =	simm.s32 @p2 $0x1082  }
0x22: {  	[simem:s7], [sflag:s8] =	dma.local @!p0 [hbm:s6], $0xF7A  }
0x23: {  	s9 =	sor.u32 $0xD0000000, s2;
	s6 =	simm.s32 $0x108;
	_ =	swait.ge @!p0 [sflag:s8], $0x0  }
0x24: {  	s3 =	sadd.s32 $0x88, s3;
	s6 =	simm.s32 @!p1 $0x1082;
	[sflag:s4] =	ssyncset.s32 $0xFFFFF086  }
0x25: {  	[simem:s6], [sflag:s4] =	dma.local [hbm:s3], $0xF7A  }
0x26: {  	[smem:$0x3F95] =	sst s1;
	(tag) =	ssettag s2;
	_ =	strace s9  }
0x27: {  	s1 =	sld [smem:$0x3FA5]  }
0x28: {  	s2 =	sld [smem:$0x3FA6]  }
0x29: {  	s4 =	sld [smem:$0x3FA8]  }
0x2a: {  	p0 =	seq.s32 s5, $0x0;
	s5 =	sld [smem:$0x3FA9]  }
0x2b: {  	s6 =	sld [smem:$0x3FAA]  }
0x2c: {  	s7 =	sld [smem:$0x3FAB]  }
0x2d: {  	s3 =	simm.s32 $0x108;
	s8 =	sld [smem:$0x3FAC]  }
0x2e: {  	s3 =	simm.s32 @!p0 $0x1082;
	s9 =	sld [smem:$0x3FAD]  }
0x2f: {  	lr =	sadd.s32 s0, s3;
	s0 =	sld [smem:$0x3FA4]  }
0x30: {  	s3 =	sld [smem:$0x3FA7]  }
0x31: {  	[smem:$0x3FB0] =	sst s10  }
0x32: {  	s10 =	sld [smem:$0x3FAE];
	_ =	sdelay $0x3  }
0x33: {  	p0 =	seq.s32 s10, $0x1;
	s10 =	sld [smem:$0x3FB0];
	_ =	sdelay $0x3  }
0x34: {  	[smem:$0x3FB0] =	sst s10  }
0x35: {  	s10 =	sld [smem:$0x3FAF];
	_ =	sdelay $0x3  }
0x36: {  	p1 =	seq.s32 s10, $0x1;
	s10 =	sld [smem:$0x3FB0];
	_ =	sdelay $0x3  }
0x37: {  	[smem:$0x3FB0] =	sst s10  }
0x38: {  	s10 =	sld [smem:$0x3FB1]  }
0x39: {  	_ = 	snop;
	(pc) =	sbr.ind lr, $3  }
0x3a: {  	_ = 	snop  }
0x3b: {  	_ = 	snop  }
0x3c: {  	p2 =	seq.s32 s10, $0x1;
	s10 =	sld [smem:$0x3FB0]  }
0x3d: {  	_ =	shalt  }
0x3e: {  	_ =	shalt  }
0x3f: {  	_ =	shalt  }
0x40: {  	_ =	shalt  }
0x41: {  	_ =	shalt  }
0x42: {  	_ =	shalt  }
0x43: {  	_ =	shalt  }
0x44: {  	_ =	shalt  }
0x45: {  	_ =	shalt  }
0x46: {  	_ =	shalt  }
0x47: {  	_ =	shalt  }
0x48: {  	_ =	shalt  }
0x49: {  	_ =	shalt  }
0x4a: {  	_ =	shalt  }
0x4b: {  	_ =	shalt  }
0x4c: {  	_ =	shalt  }
0x4d: {  	_ =	shalt  }
0x4e: {  	_ =	shalt  }
0x4f: {  	_ =	shalt  }
0x50: {  	_ =	shalt  }
0x51: {  	_ =	shalt  }
0x52: {  	_ =	shalt  }
0x53: {  	_ =	shalt  }
0x54: {  	_ =	shalt  }
0x55: {  	_ =	shalt  }
0x56: {  	_ =	shalt  }
0x57: {  	_ =	shalt  }
0x58: {  	_ =	shalt  }
0x59: {  	_ =	shalt  }
0x5a: {  	_ =	shalt  }
0x5b: {  	_ =	shalt  }
0x5c: {  	_ =	shalt  }
0x5d: {  	_ =	shalt  }
0x5e: {  	_ =	shalt  }
0x5f: {  	_ =	shalt  }
0x60: {  	_ =	shalt  }
0x61: {  	_ =	shalt  }
0x62: {  	_ =	shalt  }
0x63: {  	_ =	shalt  }
0x64: {  	_ =	shalt  }
0x65: {  	_ =	shalt  }
0x66: {  	_ =	shalt  }
0x67: {  	_ =	shalt  }
0x68: {  	_ =	shalt  }
0x69: {  	_ =	shalt  }
0x6a: {  	_ =	shalt  }
0x6b: {  	_ =	shalt  }
0x6c: {  	_ =	shalt  }
0x6d: {  	_ =	shalt  }
0x6e: {  	_ =	shalt  }
0x6f: {  	_ =	shalt  }
0x70: {  	_ =	shalt  }
0x71: {  	_ =	shalt  }
0x72: {  	_ =	shalt  }
0x73: {  	_ =	shalt  }
0x74: {  	_ =	shalt  }
0x75: {  	_ =	shalt  }
0x76: {  	_ =	shalt  }
0x77: {  	_ =	shalt  }
0x78: {  	_ =	shalt  }
0x79: {  	_ =	shalt  }
0x7a: {  	_ =	shalt  }
0x7b: {  	_ =	shalt  }
0x7c: {  	_ =	shalt  }
0x7d: {  	_ =	shalt  }
0x7e: {  	_ =	shalt  }
0x7f: {  	_ =	shalt  }
0x80: {  	_ =	shalt  }
0x81: {  	_ =	shalt  }
0x82: {  	_ =	shalt  }
0x83: {  	_ =	shalt  }
0x84: {  	_ =	shalt  }
0x85: {  	_ =	shalt  }
0x86: {  	_ =	shalt  }
0x87: {  	_ =	shalt  }
.Lfunc_end0:
.L_simem_size_0:
called_computation.1_lowered:
.L_overlay_start_0:
0x88: {  	s2 =	sld [smem:$0x3FD9]  }
0x89: {  	s3 =	sld [smem:$0x3FFE];
	_ =	sdelay $0x1  }
0x8a: {  	s1 =	srdreg.scid  }
0x8b: {  	s0 =	sand.u32 $0x1, s1  }
0x8c: {  	s17 =	sshll.u32 s0, $0xA;
	s2 =	sadd.s32 s3, s2  }
0x8d: {  	s2 =	sadd.s32 s2, s17  }
0x8e: {  	[smem:$0x3FBC] =	sst s2  }
0x8f: {  	_ = 	snop  }
0x90: {  	s2 =	sld [smem:$0x3FD0];
	(tm) =	ssettm $0x1  }
0x91: {  	s18 =	sld [smem:$0x3FFB];
	_ =	sdelay $0x3  }
0x92: {  	_ =	strace s18  }
0x93: {  	s3 =	sld [smem:$0x3FFC];
	_ =	sdelay $0x3  }
0x94: {  	_ =	strace s3  }
0x95: {  	s3 =	sld [smem:$0x3FFD];
	_ =	sdelay $0x3  }
0x96: {  	_ =	strace s3  }
0x97: {  	_ =	strace $0x8FFFFFFF  }
0x98: {  	s19 =	sld [smem:$0x3FDB];
	_ =	sdelay $0x1  }
0x99: {  	s4 =	simm.s32 $_scs_section_size  }
0x9a: {  	s5 =	simm.s32 $_size__tile_overlayer_lowered;
	s6 =	simm.s32 $_tile_overlayer_lowered  }
0x9b: {  	s22 =	simm.s32 $0x1BFF;
	s21 =	sshll.u32 s6, $0x1;
	s3 =	sadd.s32 s4, s19  }
0x9c: {  	s7 =	simm.s32 $0x0;
	s20 =	sshll.u32 s5, $0x1;
	s5 =	sadd.s32 s21, s3  }
0x9d: {  	[timem:s7], [sflag:s22] =	dma.local [hbm:s5], s20  }
0x9e: {  	_ =	swait.ge [sflag:s22], s20  }
0x9f: {  	s4 =	ssub.s32 $0x0, s20;
	[sflag:s22] =	ssyncset.done $0x0  }
0xa0: {  	[sflag:s22] =	ssyncadd.s32 s4;
	_ =	sdelay $0x1  }
0xa1: {  	s23 =	simm.s32 $0x1B8B  }
0xa2: {  	_ =	swait.ge [sflag:s23], $0x1  }
0xa3: {  	[sflag:s23] =	ssyncset.done $0x0  }
0xa4: {  	s25 =	simm.s32 $0x1B8E;
	s24 =	sld [smem:$0x3FFE];
	[sflag:s23] =	ssyncadd.s32 $0xFFFFFFFF  }
0xa5: {  	s26 =	simm.s32 $execute0_lowered;
	[smem:$0x3FD2] =	sst s25  }
0xa6: {  	s5 =	sshll.u32 s26, $0x1;
	_ =	strace $0x80000049;
	[dreg:$0x1] =	wrdreg $0xFFFFFFFF  }
0xa7: {  	s28 =	simm.s32 $_size_execute0_lowered;
	s3 =	sadd.s32 s3, s5;
	[dreg:$0x0] =	wrdreg $0x0  }
0xa8: {  	s5 =	sshll.u32 s28, $0x1;
	[dreg:$0x2] =	wrdreg s3  }
0xa9: {  	[dreg:$0x3] =	wrdreg s5  }
0xaa: {  	[dreg:$0x4] =	wrdreg $0xC0  }
0xab: {  	_ =	task [dreg:s7], $0x5FFFF  }
0xac: {  	[dreg:$0x1] =	wrdreg $0xFFFFFFFF  }
0xad: {  	[dreg:$0x0] =	wrdreg $0x60  }
0xae: {  	[dreg:$0x2] =	wrdreg s24  }
0xaf: {  	[dreg:$0x3] =	wrdreg s2  }
0xb0: {  	[dreg:$0x4] =	wrdreg $0xB9000  }
0xb1: {  	[dreg:$0x5] =	wrdreg $0x9  }
0xb2: {  	_ =	task.clear_ibuf [dreg:s7], $0x6FFFF;
	_ =	strace $0x90000049  }
0xb3: {  	s29 =	simm.s32 $0x9;
	_ =	strace $0x8000004B  }
0xb4: {  	_ =	swait.ge [sflag:s29], $0x1  }
0xb5: {  	[sflag:s29] =	ssyncadd.s32 $0xFFFFFFFF  }
0xb6: {  	_ =	strace $0x9000004B  }
0xb7: {  	_ =	sfence  }
0xb8: {  	s30 =	sld [smem:$0x0];
	_ =	sdelay $0x2  }
0xb9: {  	s31 =	sshll.u32 s1, $0xD;
	s1 =	sshrl.u32 s1, $0x2  }
0xba: {  	s3 =	sand.u32 $0x4000, s31;
	s1 =	sadd.s32 s1, s30  }
0xbb: {  	s0 =	sor.u32 s3, s0;
	s1 =	sshll.u32 s1, $0x11  }
0xbc: {  	s0 =	sor.u32 s1, s0  }
0xbd: {  	s0 =	sadd.s32 $0x8F2B, s0  }
0xbe: {  	[sflag:s0] =	ssyncadd.remote.s32 $0x1  }
0xbf: {  	_ =	sfence.sel $0xFFFF  }
0xc0: {  	[dreg:$0x0] =	wrdreg $0xFFFFFFFF;
	(pc) =	sbr.abs _section_cstart, $3  }
0xc1: {  	[dreg:$0x1] =	wrdreg $0xFFFFFFFF  }
0xc2: {  	_ =	task.clear_ibuf [dreg:s7], $0x2FFFF;
	_ =	strace $0x9FFFFFFF  }
0xc3: {  	(tm) =	ssettm $0x7FFFFFFF  }
tec
execute0_lowered:
.L_overlay_start_1:
0x0: {  	(tag) =	ssettag $0x1  }
0x1: {  	s0 =	rddreg [dreg:$0x0]  }
0x2: {  	s1 =	rddreg [dreg:$0x1]  }
0x3: {  	s2 =	rddreg [dreg:$0x2];
	s4 =	simm.s32 $0x0  }
0x4: {  	s9 =	stileid.u32;
	[smem:$0x7FF] =	sst s4;
	s3 =	sadd.s32 $0xB800, s0  }
0x5: {  	s5 =	smul.u32 $0x50000, s9;
	s6 =	sadd.s32 $0xB5800, s0;
	s7 =	sadd.s32 $0x1600, s0  }
0x6: {  	s0 =	sadd.s32 $0x106800, s0;
	s19 =	sshrl.u32 s9, $0x2;
	_ =	strace $0x8000004A  }
0x7: {  	[dreg:$0x4] =	wrdreg s3;
	s21 =	smul.u32 $0x14400, s19;
	s5 =	sshrl.u32 s5, $0x2  }
0x8: {  	[dreg:$0x5] =	wrdreg s0;
	s17 =	sadd.s32 s5, s2  }
0x9: {  	s25 =	srdreg.scid;
	[dreg:$0x10] =	wrdreg s21;
	s29 =	sadd.s32 $0x1400, s17  }
0xa: {  	s28 =	sshll.u32 s9, $0x1;
	s30 =	sadd.s32 $0x2800, s17;
	[dreg:$0x6] =	wrdreg s29  }
0xb: {  	s15 =	smul.u32 $0x14000, s9;
	s31 =	sadd.s32 $0x3C00, s17;
	[dreg:$0x7] =	wrdreg s30  }
0xc: {  	s9 =	simm.s32 $0x0;
	s10 =	sadd.s32 $0x5000, s17;
	[dreg:$0x8] =	wrdreg s31  }
0xd: {  	s3 =	sand.u32 $0x1, s25;
	s11 =	sadd.s32 $0x6400, s17;
	[dreg:$0x9] =	wrdreg s10  }
0xe: {  	s26 =	ssub.s32 $0x2, s3;
	s12 =	sadd.s32 $0x7800, s17;
	[dreg:$0xa] =	wrdreg s11  }
0xf: {  	s8 =	sshrl.u32 s26, $0x1;
	s14 =	sadd.s32 $0x8C00, s17;
	[dreg:$0xb] =	wrdreg s12  }
0x10: {  	s5 =	sor.u32 s3, s28;
	s16 =	sadd.s32 $0xB400, s17;
	[dreg:$0xc] =	wrdreg s14  }
0x11: {  	s3 =	smul.u32 $0x500000, s3;
	s24 =	sadd.s32 $0xC800, s17;
	[dreg:$0xe] =	wrdreg s16  }
0x12: {  	s0 =	ssub.s32 s26, s8;
	s25 =	sadd.s32 $0xDC00, s17;
	[dreg:$0x13] =	wrdreg s24  }
0x13: {  	s13 =	smul.u32 $0x2880, s5;
	s26 =	sadd.s32 $0xF000, s17;
	[dreg:$0x14] =	wrdreg s25  }
0x14: {  	s23 =	sshll.u32 s5, $0x7;
	s28 =	sadd.s32 $0x10400, s17;
	[dreg:$0x15] =	wrdreg s26  }
0x15: {  	s5 =	simm.s32 $0x7;
	s10 =	sadd.s32 $0xA000, s17;
	[dreg:$0x16] =	wrdreg s28  }
0x16: {  	s8 =	simm.s32 $0x9300;
	s3 =	sadd.s32 s3, s15;
	[dreg:$0xd] =	wrdreg s10  }
0x17: {  	s0 =	smax.u32 s0, $0x1;
	s29 =	sadd.s32 $0x11800, s17;
	[dreg:$0xf] =	wrdreg s3  }
0x18: {  	s30 =	sadd.s32 $0x12C00, s17;
	s31 =	sadd.s32 $0x51000, s21;
	[dreg:$0x12] =	wrdreg s0  }
0x19: {  	s11 =	simm.s32 $0x3;
	s12 =	simm.s32 $0x4;
	[dreg:$0x17] =	wrdreg s29  }
0x1a: {  	s18 =	sshrl.u32 s13, $0x3;
	s3 =	sand.u32 $0x380, s23;
	[dreg:$0x18] =	wrdreg s30  }
0x1b: {  	[dreg:$0x19] =	wrdreg s31;
	s10 =	simm.s32 $0x80;
	s20 =	sadd.s32 s1, s18  }
0x1c: {  	v0 =	vimm.f32 $0.0e+00;
	s22 =	sadd.s32 s7, s18;
	[dreg:$0x11] =	wrdreg s3;
	s3 =	simm.s32 $0xA500  }
.LBB2_1:
0x1d: {  	[dreg:$0x1a] =	wrdreg s9;
	s0 =	simm.s32 $0x0;
	s14 =	simm.s32 $0x200  }
.LBB2_2:
0x1e: {  	p0 =	sne.s32 s14, $0x4E00;
	[tilespmem:s0+$0xA570] =	vst v0  }
0x1f: {  	[tilespmem:s0+$0xA500] =	vst v0  }
0x20: {  	[tilespmem:s0+$0xA510] =	vst v0  }
.Ltmp0:
0x21: {  	[tilespmem:s0+$0xA520] =	vst v0;
	(pc) =	sbr.rel @p0 .LBB2_2-.Ltmp0, $4  }
0x22: {  	[tilespmem:s0+$0xA530] =	vst v0  }
0x23: {  	[tilespmem:s0+$0xA540] =	vst v0  }
0x24: {  	[tilespmem:s0+$0xA550] =	vst v0  }
0x25: {  	[tilespmem:s0+$0xA560] =	vst v0;
	s0 =	sshra.s32 s14, $0x2;
	s14 =	sadd.s32 $0x200, s14  }
0x26: {  	[tilespmem:s0+$0xA570] =	vst v0  }
0x27: {  	[tilespmem:s0+$0xA500] =	vst v0  }
0x28: {  	[tilespmem:s0+$0xA510] =	vst v0  }
0x29: {  	[tilespmem:s0+$0xA520] =	vst v0  }
0x2a: {  	[tilespmem:s0+$0xA530] =	vst v0  }
0x2b: {  	[tilespmem:s0+$0xA540] =	vst v0  }
0x2c: {  	[tilespmem:s0+$0xA550] =	vst v0  }
0x2d: {  	s14 =	simm.s32 $0x0;
	[tilespmem:s0+$0xA560] =	vst v0;
	s15 =	simm.s32 $0x0  }
.LBB2_4:
0x2e: {  	[spmem:s17] =	stream.linear.scatter [tilespmem:s3], [sflag:$0x7], $0x1400, $0x38;
	[tilespmem:$0x1F900] =	vst v63  }
0x2f: {  	_ =	swait.ge [sflag:s5], $0x1400  }
0x30: {  	[sflag:s5] =	ssyncset.done $0x0  }
0x31: {  	s0 =	rddreg [dreg:$0x6];
	[sflag:s5] =	ssyncadd.s32 $0xFFFFEC00  }
0x32: {  	[spmem:s0] =	stream.linear.scatter [tilespmem:s3], [sflag:$0x7], $0x1400, $0x38;
	[tilespmem:$0x1F900] =	vst v63  }
0x33: {  	_ =	swait.ge [sflag:s5], $0x1400  }
0x34: {  	[sflag:s5] =	ssyncset.done $0x0  }
0x35: {  	s9 =	rddreg [dreg:$0x7];
	[sflag:s5] =	ssyncadd.s32 $0xFFFFEC00  }
0x36: {  	[spmem:s9] =	stream.linear.scatter [tilespmem:s3], [sflag:$0x7], $0x1400, $0x38;
	[tilespmem:$0x1F900] =	vst v63  }
0x37: {  	_ =	swait.ge [sflag:s5], $0x1400  }
0x38: {  	[sflag:s5] =	ssyncset.done $0x0  }
0x39: {  	s16 =	rddreg [dreg:$0x8];
	[sflag:s5] =	ssyncadd.s32 $0xFFFFEC00  }
0x3a: {  	[spmem:s16] =	stream.linear.scatter [tilespmem:s3], [sflag:$0x7], $0x1400, $0x38;
	[tilespmem:$0x1F900] =	vst v63  }
0x3b: {  	_ =	swait.ge [sflag:s5], $0x1400  }
0x3c: {  	[sflag:s5] =	ssyncset.done $0x0  }
0x3d: {  	s24 =	smov.u32 s17;
	s17 =	rddreg [dreg:$0x9];
	[sflag:s5] =	ssyncadd.s32 $0xFFFFEC00  }
0x3e: {  	[spmem:s17] =	stream.linear.scatter [tilespmem:s3], [sflag:$0x7], $0x1400, $0x38;
	[tilespmem:$0x1F900] =	vst v63  }
0x3f: {  	_ =	swait.ge [sflag:s5], $0x1400  }
0x40: {  	[sflag:s5] =	ssyncset.done $0x0  }
0x41: {  	s18 =	rddreg [dreg:$0xa];
	[sflag:s5] =	ssyncadd.s32 $0xFFFFEC00  }
0x42: {  	[spmem:s18] =	stream.linear.scatter [tilespmem:s3], [sflag:$0x7], $0x1400, $0x38;
	[tilespmem:$0x1F900] =	vst v63  }
0x43: {  	_ =	swait.ge [sflag:s5], $0x1400  }
0x44: {  	[sflag:s5] =	ssyncset.done $0x0  }
0x45: {  	s19 =	rddreg [dreg:$0xb];
	[sflag:s5] =	ssyncadd.s32 $0xFFFFEC00  }
0x46: {  	[spmem:s19] =	stream.linear.scatter [tilespmem:s3], [sflag:$0x7], $0x1400, $0x38;
	[tilespmem:$0x1F900] =	vst v63  }
0x47: {  	_ =	swait.ge [sflag:s5], $0x1400  }
0x48: {  	[sflag:s5] =	ssyncset.done $0x0  }
0x49: {  	s21 =	rddreg [dreg:$0xc];
	[sflag:s5] =	ssyncadd.s32 $0xFFFFEC00  }
0x4a: {  	[spmem:s21] =	stream.linear.scatter [tilespmem:s3], [sflag:$0x7], $0x1400, $0x38;
	[tilespmem:$0x1F900] =	vst v63  }
0x4b: {  	_ =	swait.ge [sflag:s5], $0x1400  }
0x4c: {  	[sflag:s5] =	ssyncset.done $0x0  }
0x4d: {  	s23 =	rddreg [dreg:$0xd];
	[sflag:s5] =	ssyncadd.s32 $0xFFFFEC00  }
0x4e: {  	[spmem:s23] =	stream.linear.scatter [tilespmem:s3], [sflag:$0x7], $0x1400, $0x38;
	[tilespmem:$0x1F900] =	vst v63  }
0x4f: {  	_ =	swait.ge [sflag:s5], $0x1400  }
0x50: {  	[sflag:s5] =	ssyncset.done $0x0  }
0x51: {  	s25 =	rddreg [dreg:$0xe];
	[sflag:s5] =	ssyncadd.s32 $0xFFFFEC00  }
0x52: {  	[spmem:s25] =	stream.linear.scatter [tilespmem:s3], [sflag:$0x7], $0x1400, $0x38;
	[tilespmem:$0x1F900] =	vst v63  }
0x53: {  	_ =	swait.ge [sflag:s5], $0x1400  }
0x54: {  	[sflag:s5] =	ssyncset.done $0x0  }
0x55: {  	s26 =	rddreg [dreg:$0x13];
	[sflag:s5] =	ssyncadd.s32 $0xFFFFEC00  }
0x56: {  	[spmem:s26] =	stream.linear.scatter [tilespmem:s3], [sflag:$0x7], $0x1400, $0x38;
	[tilespmem:$0x1F900] =	vst v63  }
0x57: {  	_ =	swait.ge [sflag:s5], $0x1400  }
0x58: {  	[sflag:s5] =	ssyncset.done $0x0  }
0x59: {  	s28 =	rddreg [dreg:$0x14];
	[sflag:s5] =	ssyncadd.s32 $0xFFFFEC00  }
0x5a: {  	[spmem:s28] =	stream.linear.scatter [tilespmem:s3], [sflag:$0x7], $0x1400, $0x38;
	[tilespmem:$0x1F900] =	vst v63  }
0x5b: {  	_ =	swait.ge [sflag:s5], $0x1400  }
0x5c: {  	[sflag:s5] =	ssyncset.done $0x0  }
0x5d: {  	s29 =	rddreg [dreg:$0x15];
	[sflag:s5] =	ssyncadd.s32 $0xFFFFEC00  }
0x5e: {  	[spmem:s29] =	stream.linear.scatter [tilespmem:s3], [sflag:$0x7], $0x1400, $0x38;
	[tilespmem:$0x1F900] =	vst v63  }
0x5f: {  	_ =	swait.ge [sflag:s5], $0x1400  }
0x60: {  	[sflag:s5] =	ssyncset.done $0x0  }
0x61: {  	s30 =	rddreg [dreg:$0x16];
	[sflag:s5] =	ssyncadd.s32 $0xFFFFEC00  }
0x62: {  	[spmem:s30] =	stream.linear.scatter [tilespmem:s3], [sflag:$0x7], $0x1400, $0x38;
	[tilespmem:$0x1F900] =	vst v63  }
0x63: {  	_ =	swait.ge [sflag:s5], $0x1400  }
0x64: {  	[sflag:s5] =	ssyncset.done $0x0  }
0x65: {  	s31 =	rddreg [dreg:$0x17];
	[sflag:s5] =	ssyncadd.s32 $0xFFFFEC00  }
0x66: {  	[spmem:s31] =	stream.linear.scatter [tilespmem:s3], [sflag:$0x7], $0x1400, $0x38;
	[tilespmem:$0x1F900] =	vst v63  }
0x67: {  	_ =	swait.ge [sflag:s5], $0x1400  }
0x68: {  	[sflag:s5] =	ssyncset.done $0x0  }
0x69: {  	s9 =	rddreg [dreg:$0x18];
	[sflag:s5] =	ssyncadd.s32 $0xFFFFEC00  }
0x6a: {  	[spmem:s9] =	stream.linear.scatter [tilespmem:s3], [sflag:$0x7], $0x1400, $0x38;
	[tilespmem:$0x1F900] =	vst v63  }
0x6b: {  	_ =	swait.ge [sflag:s5], $0x1400  }
0x6c: {  	[sflag:s5] =	ssyncset.done $0x0  }
0x6d: {  	[sflag:s5] =	ssyncadd.s32 $0xFFFFEC00  }
0x6e: {  	s16 =	simm.s32 $0x8000;
	[bflag:$0x0] =	sbarrier.arrive $0xFFFF  }
0x6f: {  	[tilespmem:s16], [sflag:$0x5] =	stream.linear.gather [hbm4b:s20+s14], $0x80, $0x38;
	[tilespmem:$0x1F900] =	vst v63  }
0x70: {  	s17 =	sadd.s32 $0x10, s20;
	s9 =	simm.s32 $0x8100  }
0x71: {  	[tilespmem:s9], [sflag:$0x5] =	stream.linear.gather [hbm4b:s17+s14], $0x80, $0x38;
	[tilespmem:$0x1F900] =	vst v63  }
0x72: {  	s18 =	sadd.s32 $0x20, s20;
	s19 =	simm.s32 $0x8200  }
0x73: {  	[tilespmem:s19], [sflag:$0x5] =	stream.linear.gather [hbm4b:s18+s14], $0x80, $0x38;
	[tilespmem:$0x1F900] =	vst v63  }
0x74: {  	s21 =	sadd.s32 $0x30, s20;
	s23 =	simm.s32 $0x8300  }
0x75: {  	[tilespmem:s23], [sflag:$0x5] =	stream.linear.gather [hbm4b:s21+s14], $0x80, $0x38;
	[tilespmem:$0x1F900] =	vst v63  }
0x76: {  	s25 =	sadd.s32 $0x40, s20;
	s26 =	simm.s32 $0x8400  }
0x77: {  	[tilespmem:s26], [sflag:$0x5] =	stream.linear.gather [hbm4b:s25+s14], $0x80, $0x38;
	[tilespmem:$0x1F900] =	vst v63  }
0x78: {  	s28 =	sadd.s32 $0x50, s20;
	s29 =	simm.s32 $0x8500  }
0x79: {  	[tilespmem:s29], [sflag:$0x5] =	stream.linear.gather [hbm4b:s28+s14], $0x80, $0x38;
	[tilespmem:$0x1F900] =	vst v63  }
0x7a: {  	s30 =	sadd.s32 $0x60, s20;
	s31 =	simm.s32 $0x8600  }
0x7b: {  	[tilespmem:s31], [sflag:$0x5] =	stream.linear.gather [hbm4b:s30+s14], $0x80, $0x38;
	[tilespmem:$0x1F900] =	vst v63  }
0x7c: {  	s16 =	simm.s32 $0x8700;
	s9 =	sadd.s32 $0x70, s20  }
0x7d: {  	[tilespmem:s16], [sflag:$0x5] =	stream.linear.gather [hbm4b:s9+s14], $0x80, $0x38;
	[tilespmem:$0x1F900] =	vst v63  }
0x7e: {  	s17 =	sadd.s32 $0x80, s20;
	s18 =	simm.s32 $0x8800  }
0x7f: {  	[tilespmem:s18], [sflag:$0x5] =	stream.linear.gather [hbm4b:s17+s14], $0x80, $0x38;
	[tilespmem:$0x1F900] =	vst v63  }
0x80: {  	s19 =	simm.s32 $0x8900  }
0x81: {  	[tilespmem:s19], [sflag:$0x5] =	stream.linear.gather [hbm4b:s22+s14], $0x80, $0x38;
	[tilespmem:$0x1F900] =	vst v63  }
0x82: {  	s21 =	sadd.s32 $0x10, s22;
	s23 =	simm.s32 $0x8A00  }
0x83: {  	[tilespmem:s23], [sflag:$0x5] =	stream.linear.gather [hbm4b:s21+s14], $0x80, $0x38;
	[tilespmem:$0x1F900] =	vst v63  }
0x84: {  	s25 =	sadd.s32 $0x20, s22;
	s26 =	simm.s32 $0x8B00  }
0x85: {  	[tilespmem:s26], [sflag:$0x5] =	stream.linear.gather [hbm4b:s25+s14], $0x80, $0x38;
	[tilespmem:$0x1F900] =	vst v63  }
0x86: {  	s28 =	sadd.s32 $0x30, s22;
	s29 =	simm.s32 $0x8C00  }
0x87: {  	[tilespmem:s29], [sflag:$0x5] =	stream.linear.gather [hbm4b:s28+s14], $0x80, $0x38;
	[tilespmem:$0x1F900] =	vst v63  }
0x88: {  	s30 =	sadd.s32 $0x40, s22;
	s31 =	simm.s32 $0x8D00  }
0x89: {  	[tilespmem:s31], [sflag:$0x5] =	stream.linear.gather [hbm4b:s30+s14], $0x80, $0x38;
	[tilespmem:$0x1F900] =	vst v63  }
0x8a: {  	s9 =	sadd.s32 $0x50, s22;
	s16 =	simm.s32 $0x8E00  }
0x8b: {  	[tilespmem:s16], [sflag:$0x5] =	stream.linear.gather [hbm4b:s9+s14], $0x80, $0x38;
	[tilespmem:$0x1F900] =	vst v63  }
0x8c: {  	s17 =	sadd.s32 $0x60, s22;
	s18 =	simm.s32 $0x8F00;
	s19 =	sadd.s32 $0x70, s22  }
0x8d: {  	[tilespmem:s18], [sflag:$0x5] =	stream.linear.gather [hbm4b:s17+s14], $0x80, $0x38;
	[tilespmem:$0x1F900] =	vst v63  }
0x8e: {  	s21 =	simm.s32 $0x9000;
	s26 =	rddreg [dreg:$0x10];
	s17 =	smul.u32 $0xA2000, s15  }
0x8f: {  	[tilespmem:s21], [sflag:$0x5] =	stream.linear.gather [hbm4b:s19+s14], $0x80, $0x38;
	[tilespmem:$0x1F900] =	vst v63  }
0x90: {  	s9 =	rddreg [dreg:$0x11];
	s0 =	sadd.s32 s26, s17  }
0x91: {  	s23 =	sadd.s32 $0x80, s22;
	s25 =	simm.s32 $0x9100;
	s16 =	sor.u32 s9, s0  }
0x92: {  	[tilespmem:s25], [sflag:$0x5] =	stream.linear.gather [hbm4b:s23+s14], $0x80, $0x38;
	[tilespmem:$0x1F900] =	vst v63  }
0x93: {  	s0 =	sshrl.u32 s16, $0x3  }
0x94: {  	s0 =	sadd.s32 s6, s0  }
0x95: {  	[tilespmem:s8], [sflag:$0x5] =	stream.linear.gather [hbm4b:s0+s14], $0x80, $0x38;
	[tilespmem:$0x1F900] =	vst v63  }
0x96: {  	s19 =	simm.s32 $0x9400;
	s18 =	sadd.s32 $0x80, s0  }
0x97: {  	[tilespmem:s19], [sflag:$0x5] =	stream.linear.gather [hbm4b:s18+s14], $0x80, $0x38;
	[tilespmem:$0x1F900] =	vst v63  }
0x98: {  	s29 =	simm.s32 $0x9500;
	s28 =	sadd.s32 $0x100, s0  }
0x99: {  	[tilespmem:s29], [sflag:$0x5] =	stream.linear.gather [hbm4b:s28+s14], $0x80, $0x38;
	[tilespmem:$0x1F900] =	vst v63  }
0x9a: {  	s31 =	simm.s32 $0x9600;
	s30 =	sadd.s32 $0x180, s0  }
0x9b: {  	[tilespmem:s31], [sflag:$0x5] =	stream.linear.gather [hbm4b:s30+s14], $0x80, $0x38;
	[tilespmem:$0x1F900] =	vst v63  }
0x9c: {  	s21 =	simm.s32 $0x9700;
	s19 =	sadd.s32 $0x200, s0  }
0x9d: {  	[tilespmem:s21], [sflag:$0x5] =	stream.linear.gather [hbm4b:s19+s14], $0x80, $0x38;
	[tilespmem:$0x1F900] =	vst v63  }
0x9e: {  	s25 =	simm.s32 $0x9800;
	s23 =	sadd.s32 $0x280, s0  }
0x9f: {  	[tilespmem:s25], [sflag:$0x5] =	stream.linear.gather [hbm4b:s23+s14], $0x80, $0x38;
	[tilespmem:$0x1F900] =	vst v63  }
0xa0: {  	s26 =	sadd.s32 $0x300, s0;
	s28 =	simm.s32 $0x9900  }
0xa1: {  	[tilespmem:s28], [sflag:$0x5] =	stream.linear.gather [hbm4b:s26+s14], $0x80, $0x38;
	[tilespmem:$0x1F900] =	vst v63  }
0xa2: {  	s29 =	sadd.s32 $0x380, s0;
	s30 =	simm.s32 $0x9A00  }
0xa3: {  	[tilespmem:s30], [sflag:$0x5] =	stream.linear.gather [hbm4b:s29+s14], $0x80, $0x38;
	[tilespmem:$0x1F900] =	vst v63  }
0xa4: {  	s18 =	rddreg [dreg:$0x19];
	s0 =	sadd.s32 $0x400, s0;
	s31 =	simm.s32 $0x9B00  }
0xa5: {  	[tilespmem:s31], [sflag:$0x5] =	stream.linear.gather [hbm4b:s0+s14], $0x80, $0x38;
	[tilespmem:$0x1F900] =	vst v63  }
0xa6: {  	s0 =	sadd.s32 s18, s17  }
0xa7: {  	s17 =	sor.u32 s9, s0  }
0xa8: {  	s0 =	sshrl.u32 s17, $0x3  }
0xa9: {  	s19 =	simm.s32 $0x9380;
	s0 =	sadd.s32 s6, s0  }
0xaa: {  	[tilespmem:s19], [sflag:$0x5] =	stream.linear.gather [hbm4b:s0+s14], $0x80, $0x38;
	[tilespmem:$0x1F900] =	vst v63  }
0xab: {  	s23 =	simm.s32 $0x9480;
	s21 =	sadd.s32 $0x80, s0  }
0xac: {  	[tilespmem:s23], [sflag:$0x5] =	stream.linear.gather [hbm4b:s21+s14], $0x80, $0x38;
	[tilespmem:$0x1F900] =	vst v63  }
0xad: {  	s26 =	simm.s32 $0x9580;
	s25 =	sadd.s32 $0x100, s0  }
0xae: {  	[tilespmem:s26], [sflag:$0x5] =	stream.linear.gather [hbm4b:s25+s14], $0x80, $0x38;
	[tilespmem:$0x1F900] =	vst v63  }
0xaf: {  	s29 =	simm.s32 $0x9680;
	s28 =	sadd.s32 $0x180, s0  }
0xb0: {  	[tilespmem:s29], [sflag:$0x5] =	stream.linear.gather [hbm4b:s28+s14], $0x80, $0x38;
	[tilespmem:$0x1F900] =	vst v63  }
0xb1: {  	s31 =	simm.s32 $0x9780;
	s30 =	sadd.s32 $0x200, s0  }
0xb2: {  	[tilespmem:s31], [sflag:$0x5] =	stream.linear.gather [hbm4b:s30+s14], $0x80, $0x38;
	[tilespmem:$0x1F900] =	vst v63  }
0xb3: {  	s19 =	sadd.s32 $0x280, s0;
	s21 =	simm.s32 $0x9880;
	s23 =	sadd.s32 $0x300, s0  }
0xb4: {  	[tilespmem:s21], [sflag:$0x5] =	stream.linear.gather [hbm4b:s19+s14], $0x80, $0x38;
	[tilespmem:$0x1F900] =	vst v63  }
0xb5: {  	s25 =	simm.s32 $0x9980;
	s26 =	sadd.s32 $0x380, s0;
	s0 =	sadd.s32 $0x400, s0  }
0xb6: {  	[tilespmem:s25], [sflag:$0x5] =	stream.linear.gather [hbm4b:s23+s14], $0x80, $0x38;
	[tilespmem:$0x1F900] =	vst v63  }
0xb7: {  	s28 =	simm.s32 $0x9A80;
	s30 =	smul.u32 $0x28000, s15;
	s31 =	rddreg [dreg:$0x4]  }
0xb8: {  	[tilespmem:s28], [sflag:$0x5] =	stream.linear.gather [hbm4b:s26+s14], $0x80, $0x38;
	[tilespmem:$0x1F900] =	vst v63  }
0xb9: {  	s29 =	simm.s32 $0x9B80;
	s18 =	sadd.s32 s31, s30;
	s21 =	simm.s32 $0x0  }
0xba: {  	[tilespmem:s29], [sflag:$0x5] =	stream.linear.gather [hbm4b:s0+s14], $0x80, $0x38;
	[tilespmem:$0x1F900] =	vst v63  }
.LBB2_5:
0xbb: {  	p0 =	seq.s32 s21, $0x8  }
.Ltmp1:
0xbc: {  	_ = 	snop;
	(pc) =	sbr.rel @p0 .LBB2_7-.Ltmp1, $2  }
0xbd: {  	_ =	sdelay $0x2  }
0xbe: {  	s19 =	sadd.s32 $0x1, s21  }
0xbf: {  	s0 =	smul.u32 $0x480, s19;
	_ =	sdelay $0x1  }
0xc0: {  	s23 =	sshll.u32 s19, $0x7;
	s0 =	sadd.s32 s13, s0  }
0xc1: {  	s25 =	sand.u32 $0x1, s19;
	s23 =	sand.u32 $0x80, s23;
	s26 =	sshrl.u32 s0, $0x3  }
0xc2: {  	s28 =	sor.u32 $0x8000, s23;
	s0 =	sadd.s32 $0x5, s25;
	s29 =	sadd.s32 s1, s26  }
0xc3: {  	[tilespmem:s28], [sflag:s0] =	stream.linear.gather [hbm4b:s29+s4], $0x80, $0x38;
	[tilespmem:$0x1F900] =	vst v63  }
0xc4: {  	s30 =	sor.u32 $0x8100, s23;
	s9 =	sadd.s32 $0x10, s29  }
0xc5: {  	[tilespmem:s30], [sflag:s0] =	stream.linear.gather [hbm4b:s9+s4], $0x80, $0x38;
	[tilespmem:$0x1F900] =	vst v63  }
0xc6: {  	s31 =	sadd.s32 $0x20, s29;
	s9 =	sor.u32 $0x8200, s23  }
0xc7: {  	[tilespmem:s9], [sflag:s0] =	stream.linear.gather [hbm4b:s31+s4], $0x80, $0x38;
	[tilespmem:$0x1F900] =	vst v63  }
0xc8: {  	s31 =	sadd.s32 $0x30, s29;
	s9 =	sor.u32 $0x8300, s23  }
0xc9: {  	[tilespmem:s9], [sflag:s0] =	stream.linear.gather [hbm4b:s31+s4], $0x80, $0x38;
	[tilespmem:$0x1F900] =	vst v63  }
0xca: {  	s31 =	sadd.s32 $0x40, s29;
	s9 =	sor.u32 $0x8400, s23  }
0xcb: {  	[tilespmem:s9], [sflag:s0] =	stream.linear.gather [hbm4b:s31+s4], $0x80, $0x38;
	[tilespmem:$0x1F900] =	vst v63  }
0xcc: {  	s31 =	sadd.s32 $0x50, s29;
	s9 =	sor.u32 $0x8500, s23  }
0xcd: {  	[tilespmem:s9], [sflag:s0] =	stream.linear.gather [hbm4b:s31+s4], $0x80, $0x38;
	[tilespmem:$0x1F900] =	vst v63  }
0xce: {  	s31 =	sadd.s32 $0x60, s29;
	s9 =	sor.u32 $0x8600, s23  }
0xcf: {  	[tilespmem:s9], [sflag:s0] =	stream.linear.gather [hbm4b:s31+s4], $0x80, $0x38;
	[tilespmem:$0x1F900] =	vst v63  }
0xd0: {  	s31 =	sadd.s32 $0x70, s29;
	s9 =	sor.u32 $0x8700, s23  }
0xd1: {  	[tilespmem:s9], [sflag:s0] =	stream.linear.gather [hbm4b:s31+s4], $0x80, $0x38;
	[tilespmem:$0x1F900] =	vst v63  }
0xd2: {  	s31 =	sadd.s32 $0x80, s29;
	s9 =	sor.u32 $0x8800, s23  }
0xd3: {  	[tilespmem:s9], [sflag:s0] =	stream.linear.gather [hbm4b:s31+s4], $0x80, $0x38;
	[tilespmem:$0x1F900] =	vst v63  }
0xd4: {  	s26 =	sadd.s32 s7, s26;
	s30 =	sor.u32 $0x8900, s23  }
0xd5: {  	[tilespmem:s30], [sflag:s0] =	stream.linear.gather [hbm4b:s26+s4], $0x80, $0x38;
	[tilespmem:$0x1F900] =	vst v63  }
0xd6: {  	s31 =	sadd.s32 $0x10, s26;
	s9 =	sor.u32 $0x8A00, s23  }
0xd7: {  	[tilespmem:s9], [sflag:s0] =	stream.linear.gather [hbm4b:s31+s4], $0x80, $0x38;
	[tilespmem:$0x1F900] =	vst v63  }
0xd8: {  	s30 =	sadd.s32 $0x20, s26;
	s31 =	sor.u32 $0x8B00, s23  }
0xd9: {  	[tilespmem:s31], [sflag:s0] =	stream.linear.gather [hbm4b:s30+s4], $0x80, $0x38;
	[tilespmem:$0x1F900] =	vst v63  }
0xda: {  	s9 =	sadd.s32 $0x30, s26;
	s30 =	sor.u32 $0x8C00, s23  }
0xdb: {  	[tilespmem:s30], [sflag:s0] =	stream.linear.gather [hbm4b:s9+s4], $0x80, $0x38;
	[tilespmem:$0x1F900] =	vst v63  }
0xdc: {  	s31 =	sadd.s32 $0x40, s26;
	s9 =	sor.u32 $0x8D00, s23  }
0xdd: {  	[tilespmem:s9], [sflag:s0] =	stream.linear.gather [hbm4b:s31+s4], $0x80, $0x38;
	[tilespmem:$0x1F900] =	vst v63  }
0xde: {  	s30 =	sadd.s32 $0x50, s26;
	s31 =	sor.u32 $0x8E00, s23  }
0xdf: {  	[tilespmem:s31], [sflag:s0] =	stream.linear.gather [hbm4b:s30+s4], $0x80, $0x38;
	[tilespmem:$0x1F900] =	vst v63  }
0xe0: {  	s9 =	sadd.s32 $0x60, s26;
	s30 =	sor.u32 $0x8F00, s23  }
0xe1: {  	[tilespmem:s30], [sflag:s0] =	stream.linear.gather [hbm4b:s9+s4], $0x80, $0x38;
	[tilespmem:$0x1F900] =	vst v63  }
0xe2: {  	s31 =	sadd.s32 $0x70, s26;
	s9 =	sor.u32 $0x9000, s23  }
0xe3: {  	[tilespmem:s9], [sflag:s0] =	stream.linear.gather [hbm4b:s31+s4], $0x80, $0x38;
	[tilespmem:$0x1F900] =	vst v63  }
0xe4: {  	s26 =	sadd.s32 $0x80, s26;
	s23 =	sor.u32 $0x9100, s23  }
0xe5: {  	[tilespmem:s23], [sflag:s0] =	stream.linear.gather [hbm4b:s26+s4], $0x80, $0x38;
	[tilespmem:$0x1F900] =	vst v63  }
0xe6: {  	s23 =	smul.u32 $0x2400, s19  }
0xe7: {  	s25 =	smul.u32 $0x2400, s25  }
0xe8: {  	s28 =	sadd.s32 s16, s23  }
0xe9: {  	s25 =	sshrl.u32 s25, $0x2;
	s26 =	sshrl.u32 s28, $0x3  }
0xea: {  	s29 =	sadd.s32 $0x9300, s25;
	s26 =	sadd.s32 s6, s26  }
0xeb: {  	[tilespmem:s29], [sflag:s0] =	stream.linear.gather [hbm4b:s26+s4], $0x80, $0x38;
	[tilespmem:$0x1F900] =	vst v63  }
0xec: {  	s31 =	sadd.s32 $0x9400, s25;
	s30 =	sadd.s32 $0x80, s26  }
0xed: {  	[tilespmem:s31], [sflag:s0] =	stream.linear.gather [hbm4b:s30+s4], $0x80, $0x38;
	[tilespmem:$0x1F900] =	vst v63  }
0xee: {  	s9 =	sadd.s32 $0x100, s26;
	s30 =	sadd.s32 $0x9500, s25  }
0xef: {  	[tilespmem:s30], [sflag:s0] =	stream.linear.gather [hbm4b:s9+s4], $0x80, $0x38;
	[tilespmem:$0x1F900] =	vst v63  }
0xf0: {  	s31 =	sadd.s32 $0x180, s26;
	s9 =	sadd.s32 $0x9600, s25  }
0xf1: {  	[tilespmem:s9], [sflag:s0] =	stream.linear.gather [hbm4b:s31+s4], $0x80, $0x38;
	[tilespmem:$0x1F900] =	vst v63  }
0xf2: {  	s30 =	sadd.s32 $0x200, s26;
	s31 =	sadd.s32 $0x9700, s25  }
0xf3: {  	[tilespmem:s31], [sflag:s0] =	stream.linear.gather [hbm4b:s30+s4], $0x80, $0x38;
	[tilespmem:$0x1F900] =	vst v63  }
0xf4: {  	s9 =	sadd.s32 $0x280, s26;
	s30 =	sadd.s32 $0x9800, s25  }
0xf5: {  	[tilespmem:s30], [sflag:s0] =	stream.linear.gather [hbm4b:s9+s4], $0x80, $0x38;
	[tilespmem:$0x1F900] =	vst v63  }
0xf6: {  	s31 =	sadd.s32 $0x300, s26;
	s9 =	sadd.s32 $0x9900, s25  }
0xf7: {  	[tilespmem:s9], [sflag:s0] =	stream.linear.gather [hbm4b:s31+s4], $0x80, $0x38;
	[tilespmem:$0x1F900] =	vst v63  }
0xf8: {  	s23 =	sadd.s32 s17, s23;
	s30 =	sadd.s32 $0x380, s26;
	s31 =	sadd.s32 $0x9A00, s25  }
0xf9: {  	[tilespmem:s31], [sflag:s0] =	stream.linear.gather [hbm4b:s30+s4], $0x80, $0x38;
	[tilespmem:$0x1F900] =	vst v63  }
0xfa: {  	s23 =	sshrl.u32 s23, $0x3;
	s26 =	sadd.s32 $0x400, s26;
	s9 =	sadd.s32 $0x9B00, s25  }
0xfb: {  	[tilespmem:s9], [sflag:s0] =	stream.linear.gather [hbm4b:s26+s4], $0x80, $0x38;
	[tilespmem:$0x1F900] =	vst v63  }
0xfc: {  	s23 =	sadd.s32 s6, s23;
	s29 =	sadd.s32 $0x9380, s25  }
0xfd: {  	[tilespmem:s29], [sflag:s0] =	stream.linear.gather [hbm4b:s23+s4], $0x80, $0x38;
	[tilespmem:$0x1F900] =	vst v63  }
0xfe: {  	s30 =	sadd.s32 $0x80, s23;
	s31 =	sadd.s32 $0x9480, s25  }
0xff: {  	[tilespmem:s31], [sflag:s0] =	stream.linear.gather [hbm4b:s30+s4], $0x80, $0x38;
	[tilespmem:$0x1F900] =	vst v63  }
0x100: {  	s9 =	sadd.s32 $0x100, s23;
	s29 =	sadd.s32 $0x9580, s25  }
0x101: {  	[tilespmem:s29], [sflag:s0] =	stream.linear.gather [hbm4b:s9+s4], $0x80, $0x38;
	[tilespmem:$0x1F900] =	vst v63  }
0x102: {  	s30 =	sadd.s32 $0x180, s23;
	s31 =	sadd.s32 $0x9680, s25  }
0x103: {  	[tilespmem:s31], [sflag:s0] =	stream.linear.gather [hbm4b:s30+s4], $0x80, $0x38;
	[tilespmem:$0x1F900] =	vst v63  }
0x104: {  	s9 =	sadd.s32 $0x200, s23;
	s29 =	sadd.s32 $0x9780, s25  }
0x105: {  	[tilespmem:s29], [sflag:s0] =	stream.linear.gather [hbm4b:s9+s4], $0x80, $0x38;
	[tilespmem:$0x1F900] =	vst v63  }
0x106: {  	s30 =	sadd.s32 $0x280, s23;
	s31 =	sadd.s32 $0x9880, s25  }
0x107: {  	[tilespmem:s31], [sflag:s0] =	stream.linear.gather [hbm4b:s30+s4], $0x80, $0x38;
	[tilespmem:$0x1F900] =	vst v63  }
0x108: {  	s9 =	sadd.s32 $0x300, s23;
	s29 =	sadd.s32 $0x9980, s25  }
0x109: {  	[tilespmem:s29], [sflag:s0] =	stream.linear.gather [hbm4b:s9+s4], $0x80, $0x38;
	[tilespmem:$0x1F900] =	vst v63  }
0x10a: {  	s30 =	sadd.s32 $0x380, s23;
	s31 =	sadd.s32 $0x9A80, s25  }
0x10b: {  	[tilespmem:s31], [sflag:s0] =	stream.linear.gather [hbm4b:s30+s4], $0x80, $0x38;
	[tilespmem:$0x1F900] =	vst v63  }
0x10c: {  	s23 =	sadd.s32 $0x400, s23;
	s25 =	sadd.s32 $0x9B80, s25  }
0x10d: {  	[tilespmem:s25], [sflag:s0] =	stream.linear.gather [hbm4b:s23+s4], $0x80, $0x38;
	[tilespmem:$0x1F900] =	vst v63  }
.LBB2_7:
0x10e: {  	s0 =	sand.u32 $0x1, s21  }
0x10f: {  	s23 =	sadd.s32 $0x5, s0  }
0x110: {  	_ =	swait.ge [sflag:s23], $0x480  }
0x111: {  	[sflag:s23] =	ssyncset.done $0x0  }
0x112: {  	[sflag:s23] =	ssyncadd.s32 $0xFFFFFB80  }
0x113: {  	_ =	swait.ge [sflag:s23], $0x480  }
0x114: {  	[sflag:s23] =	ssyncset.done $0x0  }
0x115: {  	[sflag:s23] =	ssyncadd.s32 $0xFFFFFB80  }
0x116: {  	_ =	swait.ge [sflag:s23], $0x480  }
0x117: {  	[sflag:s23] =	ssyncset.done $0x0  }
0x118: {  	s30 =	sshll.u32 s21, $0x7;
	[sflag:s23] =	ssyncadd.s32 $0xFFFFFB80  }
0x119: {  	p0 =	por $0x0, $0x0;
	s25 =	sand.u32 $0x80, s30;
	v1 =	vmov s0;
	_ =	swait.ge [sflag:s23], $0x480  }
0x11a: {  	s0 =	simm.s32 $0x0;
	s21 =	sor.u32 $0x8000, s25;
	v1 =	vmul.u32 $0x900, v1;
	[sflag:s23] =	ssyncset.done $0x0  }
0x11b: {  	s31 =	sor.u32 $0x8900, s25;
	[sflag:s23] =	ssyncadd.s32 $0xFFFFFB80;
	s23 =	simm.s32 $0x0  }
0x11c: {  	v2 =	vmov s31;
	v1 =	vbroadcast v1, $0x0;
	[tilespmem:s0], [sflag:$0x1] =	stream.indirect.gather [hbm4b:s18+s10], $0x80, s21, s10, $0xb8;
	[tilespmem:$0x1F900] =	vst v63  }
.LBB2_8:
0x11d: {  	p1 =	seq.s32 s0, $0x0  }
.Ltmp2:
0x11e: {  	_ = 	snop;
	(pc) =	sbr.rel @p1 .LBB2_11-.Ltmp2, $3  }
0x11f: {  	_ =	sdelay $0x1  }
0x120: {  	s26 =	sadd.s32 $0x1, s0  }
0x121: {  	s25 =	sand.u32 $0x1, s26  }
0x122: {  	p1 =	seq.s32 s0, $0x8  }
.Ltmp3:
0x123: {  	_ = 	snop;
	(pc) =	sbr.rel @p1 .LBB2_12-.Ltmp3, $1  }
0x124: {  	_ =	sdelay $0x3  }
0x125: {  	s28 =	sadd.s32 $0x3, s25  }
0x126: {  	_ =	swait.ge [sflag:s28], $0x4000  }
0x127: {  	[sflag:s28] =	ssyncset.done $0x0  }
0x128: {  	[sflag:s28] =	ssyncadd.s32 $0xFFFFC000  }
.LBB2_11:
0x129: {  	s28 =	sshll.u32 s26, $0x8  }
0x12a: {  	s28 =	sand.u32 $0x3FFFFF00, s28  }
0x12b: {  	s29 =	sshll.u32 s25, $0xE;
	s31 =	sadd.s32 $0x1, s25;
	s28 =	sadd.s32 s28, s21  }
0x12c: {  	[tilespmem:s29], [sflag:s31] =	stream.indirect.gather [hbm4b:s18+s10], $0x80, s28, s10, $0xb8;
	[tilespmem:$0x1F900] =	vst v63  }
.LBB2_12:
0x12d: {  	s28 =	sand.u32 $0x1, s0  }
0x12e: {  	s25 =	sadd.s32 $0x1, s28  }
0x12f: {  	_ =	swait.ge [sflag:s25], $0x4000  }
0x130: {  	s9 =	sshll.u32 s0, $0x8;
	[sflag:s25] =	ssyncset.done $0x0  }
0x131: {  	s9 =	sand.u32 $0x3FFFFF00, s9;
	[sflag:s25] =	ssyncadd.s32 $0xFFFFC000  }
0x132: {  	v3 =	vld.idx.msk [tilespmem:v2+s9+$0x0 ss:$0x1], $0xffff;
	_ =	sdelay $0x3  }
0x133: {  	s0 =	sshll.u32 s28, $0x7  }
0x134: {  	[tilespmem:s0+$0x9200] =	vst v3  }
0x135: {  	v3 =	vld.idx.msk [tilespmem:v2+s9+$0x10 ss:$0x1], $0xffff;
	_ =	sdelay $0x4  }
0x136: {  	[tilespmem:s0+$0x9210] =	vst v3  }
0x137: {  	v3 =	vld.idx.msk [tilespmem:v2+s9+$0x20 ss:$0x1], $0xffff;
	_ =	sdelay $0x4  }
0x138: {  	[tilespmem:s0+$0x9220] =	vst v3  }
0x139: {  	v3 =	vld.idx.msk [tilespmem:v2+s9+$0x30 ss:$0x1], $0xffff;
	_ =	sdelay $0x4  }
0x13a: {  	[tilespmem:s0+$0x9230] =	vst v3  }
0x13b: {  	v3 =	vld.idx.msk [tilespmem:v2+s9+$0x40 ss:$0x1], $0xffff;
	_ =	sdelay $0x4  }
0x13c: {  	[tilespmem:s0+$0x9240] =	vst v3  }
0x13d: {  	v3 =	vld.idx.msk [tilespmem:v2+s9+$0x50 ss:$0x1], $0xffff;
	_ =	sdelay $0x4  }
0x13e: {  	[tilespmem:s0+$0x9250] =	vst v3  }
0x13f: {  	v3 =	vld.idx.msk [tilespmem:v2+s9+$0x60 ss:$0x1], $0xffff;
	_ =	sdelay $0x3  }
0x140: {  	s30 =	sadd.s32 $0x0, s23  }
0x141: {  	[tilespmem:s0+$0x9260] =	vst v3;
	v3 =	vmov s30  }
0x142: {  	v4 =	vld.idx.msk [tilespmem:v2+s9+$0x70 ss:$0x1], $0xffff;
	v5 =	vshll.u32 v3, $0x1  }
0x143: {  	v5 =	vand.u32 $0xF00, v5  }
0x144: {  	s25 =	simm.s32 $0x1;
	v3 =	vand.u32 $0x7E, v3;
	v5 =	vadd.s32 v1, v5  }
0x145: {  	s25 =	simm.s32 @!p0 $0x0;
	v5 =	vor.u32 v3, v5  }
0x146: {  	s25 =	sshll.u32 s25, $0xE;
	v6 =	vor.u32 $0x80, v5  }
0x147: {  	s29 =	sor.u32 $0x80, s25;
	[tilespmem:s0+$0x9270] =	vst v4  }
0x148: {  	v8 =	vld [tilespmem:s29+$0xFFFFFFC0]  }
0x149: {  	v10 =	vld [tilespmem:s29+$0xFFFFFF80]  }
0x14a: {  	v5 =	vld.idx.msk [tilespmem:v5+s8+$0x0], $0xffff  }
0x14b: {  	v6 =	vld.idx.msk [tilespmem:v6+s8+$0x0], $0xffff  }
0x14c: {  	v9 =	vld [tilespmem:s29+$0xFFFFFFD0]  }
0x14d: {  	v7 =	vld [tilespmem:s29+$0xFFFFFFA0]  }
0x14e: {  	v4 =	vld [tilespmem:s29+$0xFFFFFFF0]  }
0x14f: {  	s9 =	sadd.s32 $0x1, s30;
	v11 =	vld [tilespmem:s29+$0xFFFFFFE0];
	v10 =	vmul.f32 v10, v5  }
0x150: {  	v14 =	vmov s9;
	v12 =	vld [tilespmem:s29+$0xFFFFFFB0];
	v8 =	vmul.f32 v8, v6  }
0x151: {  	v15 =	vshll.u32 v14, $0x1;
	v16 =	vld [tilespmem:s29+$0xFFFFFF90];
	v9 =	vmul.f32 v9, v6;
	[tilespmem:s29+$0xFFFFFF80] =	vst v10  }
0x152: {  	v63 =	vand.u32 $0x7FFFFF00, v15;
	v7 =	vmul.f32 v7, v5;
	[tilespmem:s29+$0xFFFFFFC0] =	vst v8  }
0x153: {  	v13 =	vmul.f32 v4, v6;
	v8 =	vadd.s32 v1, v63;
	[tilespmem:s29+$0xFFFFFFD0] =	vst v9;
	v9 =	vand.u32 $0x7F, v14  }
0x154: {  	v6 =	vmul.f32 v11, v6;
	[tilespmem:s29+$0xFFFFFFA0] =	vst v7;
	v9 =	vor.u32 v9, v8  }
0x155: {  	v3 =	vld [tilespmem:s29+$0x0];
	v11 =	vmul.f32 v12, v5;
	[tilespmem:s29+$0xFFFFFFF0] =	vst v13  }
0x156: {  	v4 =	vld [tilespmem:s29+$0x10];
	v5 =	vmul.f32 v16, v5;
	[tilespmem:s29+$0xFFFFFFE0] =	vst v6;
	v8 =	vor.u32 $0x80, v9  }
0x157: {  	v7 =	vld [tilespmem:s29+$0x40];
	[tilespmem:s29+$0xFFFFFFB0] =	vst v11  }
0x158: {  	s31 =	sshll.u32 s28, $0xE;
	v6 =	vld [tilespmem:s29+$0x50];
	[tilespmem:s29+$0xFFFFFF90] =	vst v5  }
0x159: {  	s25 =	simm.s32 $0x2;
	s30 =	sor.u32 $0x9200, s0;
	s0 =	smov.u32 s29;
	v5 =	vld.idx.msk [tilespmem:v9+s8+$0x0], $0xffff  }
.LBB2_13:
0x15a: {  	p1 =	sne.s32 s25, $0x7E  }
0x15b: {  	v8 =	vld.idx.msk [tilespmem:v8+s8+$0x0], $0xffff;
	s29 =	sadd.s32 $0x100, s29;
	s9 =	smov.u32 s25;
	s25 =	sadd.s32 $0x2, s25  }
0x15c: {  	v9 =	vld [tilespmem:s0+$0x70]  }
0x15d: {  	v10 =	vld [tilespmem:s0+$0x60]  }
0x15e: {  	v11 =	vld [tilespmem:s0+$0x20]  }
0x15f: {  	s9 =	sadd.s32 s9, s23;
	v12 =	vld [tilespmem:s0+$0x30]  }
0x160: {  	v13 =	vmov s9;
	s9 =	sadd.s32 $0x1, s9;
	v3 =	vmul.f32 v3, v5;
	v4 =	vmul.f32 v4, v5  }
0x161: {  	v14 =	vshll.u32 v13, $0x1;
	v7 =	vmul.f32 v7, v8;
	v6 =	vmul.f32 v6, v8  }
0x162: {  	v14 =	vand.u32 $0xF00, v14;
	[tilespmem:s0+$0x0] =	vst v3;
	v10 =	vmul.f32 v10, v8;
	v8 =	vmul.f32 v9, v8  }
0x163: {  	v9 =	vand.u32 $0x7E, v13;
	v13 =	vadd.s32 v1, v14;
	v3 =	vld [tilespmem:s29+$0x0];
	v11 =	vmul.f32 v11, v5;
	[tilespmem:s0+$0x50] =	vst v6  }
0x164: {  	v6 =	vor.u32 v9, v13;
	v9 =	vmov s9;
	v5 =	vmul.f32 v12, v5;
	[tilespmem:s0+$0x40] =	vst v7  }
0x165: {  	v7 =	vor.u32 $0x80, v6;
	v13 =	vshll.u32 v9, $0x1;
	v12 =	vld [tilespmem:s29+$0xFFFFFFA0];
	[tilespmem:s0+$0x70] =	vst v8  }
0x166: {  	v13 =	vand.u32 $0x7FFFFF00, v13;
	v8 =	vld [tilespmem:s29+$0xFFFFFF90];
	[tilespmem:s0+$0x10] =	vst v4  }
0x167: {  	v13 =	vadd.s32 v1, v13;
	v14 =	vld [tilespmem:s29+$0xFFFFFFB0];
	[tilespmem:s0+$0x60] =	vst v10  }
0x168: {  	v10 =	vld [tilespmem:s29+$0xFFFFFFE0];
	[tilespmem:s0+$0x20] =	vst v11  }
0x169: {  	v11 =	vld [tilespmem:s29+$0xFFFFFFF0];
	[tilespmem:s0+$0x30] =	vst v5;
	s0 =	smov.u32 s29  }
0x16a: {  	v5 =	vld.idx.msk [tilespmem:v7+s8+$0x0], $0xffff  }
0x16b: {  	v7 =	vld [tilespmem:s29+$0xFFFFFFC0]  }
0x16c: {  	v15 =	vld [tilespmem:s29+$0xFFFFFFD0]  }
0x16d: {  	v6 =	vld.idx.msk [tilespmem:v6+s8+$0x0], $0xffff  }
0x16e: {  	v16 =	vld [tilespmem:s29+$0xFFFFFF80]  }
0x16f: {  	v4 =	vld [tilespmem:s29+$0x10]  }
0x170: {  	v11 =	vmul.f32 v11, v5;
	v7 =	vmul.f32 v7, v5  }
0x171: {  	v15 =	vmul.f32 v15, v5;
	v5 =	vmul.f32 v10, v5  }
0x172: {  	[tilespmem:s29+$0xFFFFFFF0] =	vst v11  }
0x173: {  	v11 =	vmul.f32 v14, v6;
	v10 =	vmul.f32 v16, v6;
	[tilespmem:s29+$0xFFFFFFC0] =	vst v7  }
0x174: {  	v7 =	vmul.f32 v8, v6;
	v6 =	vmul.f32 v12, v6;
	v8 =	vand.u32 $0x7F, v9;
	[tilespmem:s29+$0xFFFFFFD0] =	vst v15  }
0x175: {  	v9 =	vor.u32 v8, v13;
	[tilespmem:s29+$0xFFFFFF80] =	vst v10  }
.Ltmp4:
0x176: {  	v8 =	vor.u32 $0x80, v9;
	[tilespmem:s29+$0xFFFFFFE0] =	vst v5;
	(pc) =	sbr.rel @p1 .LBB2_13-.Ltmp4, $4  }
0x177: {  	[tilespmem:s29+$0xFFFFFFB0] =	vst v11  }
0x178: {  	[tilespmem:s29+$0xFFFFFFA0] =	vst v6;
	v6 =	vld [tilespmem:s29+$0x50]  }
0x179: {  	[tilespmem:s29+$0xFFFFFF90] =	vst v7;
	v7 =	vld [tilespmem:s29+$0x40]  }
0x17a: {  	v5 =	vld.idx.msk [tilespmem:v9+s8+$0x0], $0xffff  }
0x17b: {  	_ =	sdelay $0x3  }
0x17c: {  	v8 =	vld.idx.msk [tilespmem:v8+s8+$0x0], $0xffff;
	_ =	sdelay $0x1  }
0x17d: {  	v10 =	vld [tilespmem:s0+$0x60]  }
0x17e: {  	v9 =	vld [tilespmem:s0+$0x70];
	v3 =	vmul.f32 v3, v5  }
0x17f: {  	v12 =	vld [tilespmem:s0+$0x30];
	v4 =	vmul.f32 v4, v5  }
0x180: {  	v11 =	vld [tilespmem:s0+$0x20];
	v6 =	vmul.f32 v6, v8;
	[tilespmem:s0+$0x0] =	vst v3  }
0x181: {  	v7 =	vmul.f32 v7, v8;
	[tilespmem:s0+$0x10] =	vst v4  }
0x182: {  	v62 =	vmul.f32 v10, v8;
	[tilespmem:s0+$0x50] =	vst v6  }
0x183: {  	p1 =	sne.s32 s26, $0x9;
	v3 =	vmul.f32 v9, v8;
	[tilespmem:s0+$0x40] =	vst v7  }
.Ltmp5:
0x184: {  	v63 =	vmul.f32 v12, v5;
	[tilespmem:s0+$0x60] =	vst v62;
	(pc) =	sbr.rel @p1 .LBB2_8-.Ltmp5, $4  }
0x185: {  	[tilespmem:s0+$0x70] =	vst v3;
	v3 =	vmul.f32 v11, v5  }
0x186: {  	s29 =	sadd.s32 $0x3, s28;
	[tilespmem:s0+$0x30] =	vst v63  }
0x187: {  	s23 =	sadd.s32 $0x80, s23;
	p0 =	por !p0, !p0;
	[tilespmem:s0+$0x20] =	vst v3;
	s0 =	smov.u32 s26  }
0x188: {  	[spmem:s2] =	stream.indirect.scatter.add.f32 [tilespmem:s31], [sflag:s29], $0x80, s30, s10, $0xb8;
	[tilespmem:$0x1F900] =	vst v63  }
0x189: {  	_ =	swait.ge [sflag:s11], $0x4000;
	p0 =	sne.s32 s19, $0x9  }
.Ltmp6:
0x18a: {  	[sflag:s11] =	ssyncset.done $0x0;
	(pc) =	sbr.rel @p0 .LBB2_5-.Ltmp6, $4  }
0x18b: {  	[sflag:s11] =	ssyncadd.s32 $0xFFFFC000  }
0x18c: {  	_ =	swait.ge [sflag:s12], $0x4000  }
0x18d: {  	[sflag:s12] =	ssyncset.done $0x0  }
0x18e: {  	s21 =	smov.u32 s19;
	[sflag:s12] =	ssyncadd.s32 $0xFFFFC000  }
0x18f: {  	s0 =	smul.u32 $0x140000, s15  }
0x190: {  	s9 =	rddreg [dreg:$0xf];
	[bflag:$0x0] =	sbarrier.arrive $0xFFFF;
	s30 =	stileid.u32  }
0x191: {  	s31 =	sshrl.u32 s24, $0x3;
	s15 =	sadd.s32 $0x1, s15;
	s0 =	sadd.s32 s0, s9  }
0x192: {  	s16 =	rddreg [dreg:$0x5];
	s9 =	sshll.u32 s30, $0x6;
	s0 =	sshrl.u32 s0, $0x3  }
0x193: {  	p0 =	sne.s32 s15, $0x4;
	s9 =	sor.u32 $0x1C07, s9;
	s0 =	sadd.s32 s16, s0  }
0x194: {  	[hbm:s0], [sflag:s9] =	dma.local [spmem:s31], $0x2800  }
.Ltmp7:
0x195: {  	_ =	swait.ge [sflag:s5], $0x2800;
	(pc) =	sbr.rel @p0 .LBB2_4-.Ltmp7, $4  }
0x196: {  	[sflag:s5] =	ssyncset.done $0x0  }
0x197: {  	[sflag:s5] =	ssyncadd.s32 $0xFFFFD800  }
0x198: {  	[bflag:$0x0] =	sbarrier.arrive $0xFFFF  }
0x199: {  	s17 =	smov.u32 s24  }
0x19a: {  	s9 =	rddreg [dreg:$0x1a]  }
0x19b: {  	s0 =	rddreg [dreg:$0x12];
	s9 =	sadd.s32 $0x1, s9  }
0x19c: {  	p0 =	sne.s32 s9, s0  }
.Ltmp8:
0x19d: {  	_ = 	snop;
	(pc) =	sbr.rel @p0 .LBB2_1-.Ltmp8, $1  }
0x19e: {  	_ =	sdelay $0x3  }
0x19f: {  	_ =	sfence.sel $0x180000  }
0x1a0: {  	[bflag:$0x0] =	sbarrier.arrive $0xFFFF  }
0x1a1: {  	_ =	strace $0x9000004A  }
0x1a2: {  	s0 =	stileid.u32;
	[bflag:$0x2] =	sbarrier.arrive $0xFFFF  }
0x1a3: {  	p0 =	sne.s32 s0, $0x0;
	s0 =	rddreg [dreg:$0x3]  }
0x1a4: {  	s0 =	sadd.s32 @!p0 $0x100000, s0  }
0x1a5: {  	[sflag:s0] =	ssyncadd.tile.s32 @!p0 $0x1;
	_ =	shalt  }
.Lfunc_end2:
_tile_overlayer_lowered:
.L_overlay_start_2:
0x1a6: {  	(tag) =	ssettag $0x2  }
0x1a7: {  	s0 =	rddreg [dreg:$0x0];
	s2 =	stileid.u32  }
0x1a8: {  	s1 =	rddreg [dreg:$0x1];
	p0 =	sne.s32 s2, $0x0  }
0x1a9: {  	s3 =	rddreg [dreg:$0x2];
	[bflag:$0x3] =	sbarrier.arrive $0xFFFF;
	s2 =	simm.s32 @!p0 $0x1C07  }
0x1aa: {  	[timem:s3], [sflag:s2] =	dma.local @!p0 [hbm:s0], s1  }
0x1ab: {  	s0 =	simm.s32 @!p0 $0x7  }
0x1ac: {  	_ =	swait.ge @!p0 [sflag:s0], s1  }
0x1ad: {  	s1 =	ssub.s32 @!p0 $0x0, s1;
	[sflag:s0] =	ssyncset.done @!p0 $0x0  }
0x1ae: {  	[sflag:s0] =	ssyncadd.s32 @!p0 s1  }
0x1af: {  	[bflag:$0x3] =	sbarrier.arrive $0xFFFF  }
0x1b0: {  	_ =	shalt  }

// kernel: kernel.17.cloned.1.call-start
scs
__scs_entry_jumppad:
0x0: {  	(pc) =	sbr.rel $0x88, $3  }
0x1: {  	(tag) =	ssettag $0x0;
	lr =	simm.s32 $0x1  }
0x2: {  	[smem:$0x3F95] =	sst lr;
	_ =	strace $0xD0000000  }
0x3: {  	_ = 	snop  }
0x4: {  	_ = 	snop  }
0x5: {  	_ = 	snop  }
0x6: {  	_ = 	snop  }
0x7: {  	_ = 	snop  }
__scs_overlays_trampoline_lowered:
0x8: {  	[smem:$0x3FA4] =	sst s0  }
0x9: {  	[smem:$0x3FA5] =	sst s1  }
0xa: {  	[smem:$0x3FA6] =	sst s2  }
0xb: {  	[smem:$0x3FA7] =	sst s3  }
0xc: {  	[smem:$0x3FA8] =	sst s4  }
0xd: {  	[smem:$0x3FA9] =	sst s5  }
0xe: {  	[smem:$0x3FAA] =	sst s6  }
0xf: {  	[smem:$0x3FAB] =	sst s7  }
0x10: {  	[smem:$0x3FAC] =	sst s8  }
0x11: {  	[smem:$0x3FAD] =	sst s9;
	s0 =	simm.s32 @!p0 $0x0  }
0x12: {  	s1 =	sld [smem:$0x3F93];
	s0 =	simm.s32 @p0 $0x1  }
0x13: {  	[smem:$0x3FAE] =	sst s0;
	s0 =	simm.s32 @!p1 $0x0  }
0x14: {  	s2 =	sld [smem:$0x3F92];
	s0 =	simm.s32 @p1 $0x1  }
0x15: {  	[smem:$0x3FAF] =	sst s0;
	s0 =	simm.s32 @!p2 $0x0  }
0x16: {  	s3 =	sld [smem:$0x3FDB];
	s0 =	simm.s32 @p2 $0x1  }
0x17: {  	s4 =	simm.s32 $0x1BF5;
	[smem:$0x3FB1] =	sst s0  }
0x18: {  	s0 =	sld [smem:$0x3F94];
	_ =	swait.ge [sflag:s4], $0x0  }
0x19: {  	s7 =	sld [smem:$0x3F95]  }
0x1a: {  	s8 =	sadd.s32 $0xFFFFE003, lr  }
0x1b: {  	s9 =	sadd.s32 $0xFFFFFEF7, lr;
	s5 =	simm.s32 $0xFFFFFFFF;
	p2 =	slt.u32 s8, $0xFFFFF086  }
0x1c: {  	p1 =	slt.u32 s9, $0xF7A;
	s5 =	simm.s32 @!p2 $0x0  }
0x1d: {  	s5 =	simm.s32 @p1 $0x1;
	p0 =	seq.s32 s7, s2  }
0x1e: {  	s7 =	smul.u32 @!p0 $0xF7A, s2;
	p2 =	seq.s32 @!p0 s5, $0x0  }
0x1f: {  	s9 =	smul.u32 $0xF7A, s1;
	s8 =	simm.s32 @!p0 $0x1BF5;
	p2 =	por !p2, p0  }
0x20: {  	[sflag:s8] =	ssyncset.s32 @!p0 $0xFFFFF086;
	s6 =	sadd.s32 @!p0 s3, s7;
	s7 =	simm.s32 @!p0 $0x108  }
0x21: {  	s3 =	sadd.s32 s3, s9;
	s6 =	sadd.s32 @!p0 $0x88, s6;
	s7 =	simm.s32 @p2 $0x1082  }
0x22: {  	[simem:s7], [sflag:s8] =	dma.local @!p0 [hbm:s6], $0xF7A  }
0x23: {  	s9 =	sor.u32 $0xD0000000, s2;
	s6 =	simm.s32 $0x108;
	_ =	swait.ge @!p0 [sflag:s8], $0x0  }
0x24: {  	s3 =	sadd.s32 $0x88, s3;
	s6 =	simm.s32 @!p1 $0x1082;
	[sflag:s4] =	ssyncset.s32 $0xFFFFF086  }
0x25: {  	[simem:s6], [sflag:s4] =	dma.local [hbm:s3], $0xF7A  }
0x26: {  	[smem:$0x3F95] =	sst s1;
	(tag) =	ssettag s2;
	_ =	strace s9  }
0x27: {  	s1 =	sld [smem:$0x3FA5]  }
0x28: {  	s2 =	sld [smem:$0x3FA6]  }
0x29: {  	s4 =	sld [smem:$0x3FA8]  }
0x2a: {  	p0 =	seq.s32 s5, $0x0;
	s5 =	sld [smem:$0x3FA9]  }
0x2b: {  	s6 =	sld [smem:$0x3FAA]  }
0x2c: {  	s7 =	sld [smem:$0x3FAB]  }
0x2d: {  	s3 =	simm.s32 $0x108;
	s8 =	sld [smem:$0x3FAC]  }
0x2e: {  	s3 =	simm.s32 @!p0 $0x1082;
	s9 =	sld [smem:$0x3FAD]  }
0x2f: {  	lr =	sadd.s32 s0, s3;
	s0 =	sld [smem:$0x3FA4]  }
0x30: {  	s3 =	sld [smem:$0x3FA7]  }
0x31: {  	[smem:$0x3FB0] =	sst s10  }
0x32: {  	s10 =	sld [smem:$0x3FAE];
	_ =	sdelay $0x3  }
0x33: {  	p0 =	seq.s32 s10, $0x1;
	s10 =	sld [smem:$0x3FB0];
	_ =	sdelay $0x3  }
0x34: {  	[smem:$0x3FB0] =	sst s10  }
0x35: {  	s10 =	sld [smem:$0x3FAF];
	_ =	sdelay $0x3  }
0x36: {  	p1 =	seq.s32 s10, $0x1;
	s10 =	sld [smem:$0x3FB0];
	_ =	sdelay $0x3  }
0x37: {  	[smem:$0x3FB0] =	sst s10  }
0x38: {  	s10 =	sld [smem:$0x3FB1]  }
0x39: {  	_ = 	snop;
	(pc) =	sbr.ind lr, $3  }
0x3a: {  	_ = 	snop  }
0x3b: {  	_ = 	snop  }
0x3c: {  	p2 =	seq.s32 s10, $0x1;
	s10 =	sld [smem:$0x3FB0]  }
0x3d: {  	_ =	shalt  }
0x3e: {  	_ =	shalt  }
0x3f: {  	_ =	shalt  }
0x40: {  	_ =	shalt  }
0x41: {  	_ =	shalt  }
0x42: {  	_ =	shalt  }
0x43: {  	_ =	shalt  }
0x44: {  	_ =	shalt  }
0x45: {  	_ =	shalt  }
0x46: {  	_ =	shalt  }
0x47: {  	_ =	shalt  }
0x48: {  	_ =	shalt  }
0x49: {  	_ =	shalt  }
0x4a: {  	_ =	shalt  }
0x4b: {  	_ =	shalt  }
0x4c: {  	_ =	shalt  }
0x4d: {  	_ =	shalt  }
0x4e: {  	_ =	shalt  }
0x4f: {  	_ =	shalt  }
0x50: {  	_ =	shalt  }
0x51: {  	_ =	shalt  }
0x52: {  	_ =	shalt  }
0x53: {  	_ =	shalt  }
0x54: {  	_ =	shalt  }
0x55: {  	_ =	shalt  }
0x56: {  	_ =	shalt  }
0x57: {  	_ =	shalt  }
0x58: {  	_ =	shalt  }
0x59: {  	_ =	shalt  }
0x5a: {  	_ =	shalt  }
0x5b: {  	_ =	shalt  }
0x5c: {  	_ =	shalt  }
0x5d: {  	_ =	shalt  }
0x5e: {  	_ =	shalt  }
0x5f: {  	_ =	shalt  }
0x60: {  	_ =	shalt  }
0x61: {  	_ =	shalt  }
0x62: {  	_ =	shalt  }
0x63: {  	_ =	shalt  }
0x64: {  	_ =	shalt  }
0x65: {  	_ =	shalt  }
0x66: {  	_ =	shalt  }
0x67: {  	_ =	shalt  }
0x68: {  	_ =	shalt  }
0x69: {  	_ =	shalt  }
0x6a: {  	_ =	shalt  }
0x6b: {  	_ =	shalt  }
0x6c: {  	_ =	shalt  }
0x6d: {  	_ =	shalt  }
0x6e: {  	_ =	shalt  }
0x6f: {  	_ =	shalt  }
0x70: {  	_ =	shalt  }
0x71: {  	_ =	shalt  }
0x72: {  	_ =	shalt  }
0x73: {  	_ =	shalt  }
0x74: {  	_ =	shalt  }
0x75: {  	_ =	shalt  }
0x76: {  	_ =	shalt  }
0x77: {  	_ =	shalt  }
0x78: {  	_ =	shalt  }
0x79: {  	_ =	shalt  }
0x7a: {  	_ =	shalt  }
0x7b: {  	_ =	shalt  }
0x7c: {  	_ =	shalt  }
0x7d: {  	_ =	shalt  }
0x7e: {  	_ =	shalt  }
0x7f: {  	_ =	shalt  }
0x80: {  	_ =	shalt  }
0x81: {  	_ =	shalt  }
0x82: {  	_ =	shalt  }
0x83: {  	_ =	shalt  }
0x84: {  	_ =	shalt  }
0x85: {  	_ =	shalt  }
0x86: {  	_ =	shalt  }
0x87: {  	_ =	shalt  }
.Lfunc_end0:
.L_simem_size_0:
called_computation.2_lowered:
.L_overlay_start_0:
0x88: {  	s2 =	sld [smem:$0x3FD9]  }
0x89: {  	s3 =	sld [smem:$0x3FFE];
	_ =	sdelay $0x1  }
0x8a: {  	s1 =	srdreg.scid  }
0x8b: {  	s0 =	sand.u32 $0x1, s1  }
0x8c: {  	s17 =	sshll.u32 s0, $0xA;
	s2 =	sadd.s32 s3, s2  }
0x8d: {  	s2 =	sadd.s32 s2, s17  }
0x8e: {  	[smem:$0x3FBC] =	sst s2  }
0x8f: {  	_ = 	snop  }
0x90: {  	s2 =	sld [smem:$0x3FD0];
	(tm) =	ssettm $0x1  }
0x91: {  	s18 =	sld [smem:$0x3FFB];
	_ =	sdelay $0x3  }
0x92: {  	_ =	strace s18  }
0x93: {  	s3 =	sld [smem:$0x3FFC];
	_ =	sdelay $0x3  }
0x94: {  	_ =	strace s3  }
0x95: {  	s3 =	sld [smem:$0x3FFD];
	_ =	sdelay $0x3  }
0x96: {  	_ =	strace s3  }
0x97: {  	_ =	strace $0x8FFFFFFF  }
0x98: {  	s19 =	sld [smem:$0x3FDB];
	_ =	sdelay $0x1  }
0x99: {  	s4 =	simm.s32 $_scs_section_size  }
0x9a: {  	s5 =	simm.s32 $_size__tile_overlayer_lowered;
	s6 =	simm.s32 $_tile_overlayer_lowered  }
0x9b: {  	s22 =	simm.s32 $0x1BFF;
	s21 =	sshll.u32 s6, $0x1;
	s3 =	sadd.s32 s4, s19  }
0x9c: {  	s7 =	simm.s32 $0x0;
	s20 =	sshll.u32 s5, $0x1;
	s5 =	sadd.s32 s21, s3  }
0x9d: {  	[timem:s7], [sflag:s22] =	dma.local [hbm:s5], s20  }
0x9e: {  	_ =	swait.ge [sflag:s22], s20  }
0x9f: {  	s4 =	ssub.s32 $0x0, s20;
	[sflag:s22] =	ssyncset.done $0x0  }
0xa0: {  	[sflag:s22] =	ssyncadd.s32 s4;
	_ =	sdelay $0x1  }
0xa1: {  	s23 =	simm.s32 $0x1B8B  }
0xa2: {  	_ =	swait.ge [sflag:s23], $0x1  }
0xa3: {  	[sflag:s23] =	ssyncset.done $0x0  }
0xa4: {  	s25 =	simm.s32 $0x1B8E;
	s24 =	sld [smem:$0x3FFE];
	[sflag:s23] =	ssyncadd.s32 $0xFFFFFFFF  }
0xa5: {  	s26 =	simm.s32 $execute0_lowered;
	[smem:$0x3FD2] =	sst s25  }
0xa6: {  	s5 =	sshll.u32 s26, $0x1;
	_ =	strace $0x8000004C;
	[dreg:$0x1] =	wrdreg $0xFFFFFFFF  }
0xa7: {  	s28 =	simm.s32 $_size_execute0_lowered;
	s3 =	sadd.s32 s3, s5;
	[dreg:$0x0] =	wrdreg $0x0  }
0xa8: {  	s5 =	sshll.u32 s28, $0x1;
	[dreg:$0x2] =	wrdreg s3  }
0xa9: {  	[dreg:$0x3] =	wrdreg s5  }
0xaa: {  	[dreg:$0x4] =	wrdreg $0xC0  }
0xab: {  	_ =	task [dreg:s7], $0x5FFFF  }
0xac: {  	[dreg:$0x1] =	wrdreg $0xFFFFFFFF  }
0xad: {  	[dreg:$0x0] =	wrdreg $0x60  }
0xae: {  	[dreg:$0x2] =	wrdreg s24  }
0xaf: {  	[dreg:$0x3] =	wrdreg s2  }
0xb0: {  	[dreg:$0x4] =	wrdreg $0xCD000  }
0xb1: {  	[dreg:$0x5] =	wrdreg $0x9  }
0xb2: {  	_ =	task.clear_ibuf [dreg:s7], $0x6FFFF;
	_ =	strace $0x9000004C  }
0xb3: {  	s29 =	simm.s32 $0x9;
	_ =	strace $0x8000004E  }
0xb4: {  	_ =	swait.ge [sflag:s29], $0x1  }
0xb5: {  	[sflag:s29] =	ssyncadd.s32 $0xFFFFFFFF  }
0xb6: {  	_ =	strace $0x9000004E  }
0xb7: {  	_ =	sfence  }
0xb8: {  	s30 =	sld [smem:$0x0];
	_ =	sdelay $0x2  }
0xb9: {  	s31 =	sshll.u32 s1, $0xD;
	s1 =	sshrl.u32 s1, $0x2  }
0xba: {  	s3 =	sand.u32 $0x4000, s31;
	s1 =	sadd.s32 s1, s30  }
0xbb: {  	s0 =	sor.u32 s3, s0;
	s1 =	sshll.u32 s1, $0x11  }
0xbc: {  	s0 =	sor.u32 s1, s0  }
0xbd: {  	s0 =	sadd.s32 $0x8F2B, s0  }
0xbe: {  	[sflag:s0] =	ssyncadd.remote.s32 $0x1  }
0xbf: {  	_ =	sfence.sel $0xFFFF  }
0xc0: {  	[dreg:$0x0] =	wrdreg $0xFFFFFFFF;
	(pc) =	sbr.abs _section_cstart, $3  }
0xc1: {  	[dreg:$0x1] =	wrdreg $0xFFFFFFFF  }
0xc2: {  	_ =	task.clear_ibuf [dreg:s7], $0x2FFFF;
	_ =	strace $0x9FFFFFFF  }
0xc3: {  	(tm) =	ssettm $0x7FFFFFFF  }
tec
execute0_lowered:
.L_overlay_start_1:
0x0: {  	(tag) =	ssettag $0x1  }
0x1: {  	s6 =	rddreg [dreg:$0x0]  }
0x2: {  	s7 =	rddreg [dreg:$0x1];
	s1 =	srdreg.scid  }
0x3: {  	s0 =	stileid.u32;
	s2 =	rddreg [dreg:$0x2];
	s3 =	simm.s32 $0x0  }
0x4: {  	s15 =	simm.s32 $0xCA80;
	s16 =	simm.s32 $0x2800;
	s17 =	simm.s32 $0x80  }
0x5: {  	s18 =	simm.s32 $0x1;
	s19 =	simm.s32 $0x2;
	s20 =	simm.s32 $0x400  }
0x6: {  	s21 =	simm.s32 $0xA100;
	s22 =	simm.s32 $0x20;
	s23 =	simm.s32 $0x10  }
0x7: {  	s24 =	simm.s32 $0x0;
	s8 =	sand.u32 $0x1, s1;
	s4 =	sshll.u32 s0, $0x1  }
0x8: {  	[smem:$0x7FF] =	sst s3;
	s5 =	sshrl.u32 s0, $0x2;
	s12 =	smul.u32 $0x500, s0  }
0x9: {  	s29 =	smul.u32 $0xA00, s0;
	s4 =	sor.u32 s8, s4;
	_ =	strace $0x8000004D  }
0xa: {  	s10 =	smul.u32 $0x14400, s5;
	s5 =	sadd.s32 $0x33E00, s6;
	s28 =	sshll.u32 s8, $0x7  }
0xb: {  	s8 =	ssub.s32 $0x2, s8;
	s9 =	smul.u32 $0x510, s4;
	s26 =	sshll.u32 s4, $0x7  }
0xc: {  	s4 =	sadd.s32 $0x33800, s6;
	s30 =	sshrl.u32 s8, $0x1;
	s31 =	sshrl.u32 s29, $0x2  }
0xd: {  	s11 =	sand.u32 $0x380, s26;
	s14 =	ssub.s32 s8, s30;
	s8 =	sadd.s32 s31, s2  }
0xe: {  	s10 =	sor.u32 s10, s11;
	s13 =	sadd.s32 s9, s6;
	s11 =	sor.u32 s28, s12  }
0xf: {  	s12 =	simm.s32 $0x5000;
	s10 =	sshrl.u32 s10, $0x3;
	s11 =	sshrl.u32 s11, $0x3  }
0x10: {  	s10 =	sadd.s32 s10, s6;
	s11 =	sadd.s32 s11, s6;
	s6 =	sadd.s32 s7, s9  }
0x11: {  	s7 =	sadd.s32 $0x1600, s13;
	s13 =	simm.s32 $0x3;
	s9 =	sadd.s32 $0x34E00, s10  }
0x12: {  	v0 =	vimm.f32 $0.0e+00;
	s10 =	sadd.s32 $0x34400, s11;
	s11 =	smax.u32 s14, $0x1;
	s14 =	simm.s32 $0x7880  }
.LBB2_1:
0x13: {  	[tilespmem:s12], [sflag:$0x3] =	stream.linear.gather [hbm4b:s6+s3], $0x2880, $0x38;
	[tilespmem:$0xCF80] =	vst v63  }
0x14: {  	_ =	swait.ge [sflag:s13], $0x2880  }
0x15: {  	[sflag:s13] =	ssyncset.done $0x0  }
0x16: {  	[sflag:s13] =	ssyncadd.s32 $0xFFFFD780  }
0x17: {  	[tilespmem:s14], [sflag:$0x3] =	stream.linear.gather [hbm4b:s7+s3], $0x2880, $0x38;
	[tilespmem:$0xCF80] =	vst v63  }
0x18: {  	_ =	swait.ge [sflag:s13], $0x2880  }
0x19: {  	[sflag:s13] =	ssyncset.done $0x0  }
0x1a: {  	[sflag:s13] =	ssyncadd.s32 $0xFFFFD780  }
0x1b: {  	[tilespmem:$0xCA80] =	vst v0  }
0x1c: {  	[tilespmem:$0xCA90] =	vst v0  }
0x1d: {  	[tilespmem:$0xCAA0] =	vst v0  }
0x1e: {  	[tilespmem:$0xCAB0] =	vst v0  }
0x1f: {  	[tilespmem:$0xCAC0] =	vst v0  }
0x20: {  	[tilespmem:$0xCAD0] =	vst v0  }
0x21: {  	[tilespmem:$0xCAE0] =	vst v0  }
0x22: {  	[tilespmem:$0xCAF0] =	vst v0  }
0x23: {  	[tilespmem:$0xCB00] =	vst v0  }
0x24: {  	[tilespmem:$0xCB10] =	vst v0  }
0x25: {  	[tilespmem:$0xCB20] =	vst v0  }
0x26: {  	[tilespmem:$0xCB30] =	vst v0  }
0x27: {  	[tilespmem:$0xCB40] =	vst v0  }
0x28: {  	[tilespmem:$0xCB50] =	vst v0  }
0x29: {  	[tilespmem:$0xCB60] =	vst v0  }
0x2a: {  	[tilespmem:$0xCB70] =	vst v0  }
0x2b: {  	[tilespmem:$0xCB80] =	vst v0  }
0x2c: {  	[tilespmem:$0xCB90] =	vst v0  }
0x2d: {  	[tilespmem:$0xCBA0] =	vst v0  }
0x2e: {  	[tilespmem:$0xCBB0] =	vst v0  }
0x2f: {  	[tilespmem:$0xCBC0] =	vst v0  }
0x30: {  	[tilespmem:$0xCBD0] =	vst v0  }
0x31: {  	[tilespmem:$0xCBE0] =	vst v0  }
0x32: {  	[tilespmem:$0xCBF0] =	vst v0  }
0x33: {  	[tilespmem:$0xCC00] =	vst v0  }
0x34: {  	[tilespmem:$0xCC10] =	vst v0  }
0x35: {  	[tilespmem:$0xCC20] =	vst v0  }
0x36: {  	[tilespmem:$0xCC30] =	vst v0  }
0x37: {  	[tilespmem:$0xCC40] =	vst v0  }
0x38: {  	[tilespmem:$0xCC50] =	vst v0  }
0x39: {  	[tilespmem:$0xCC60] =	vst v0  }
0x3a: {  	[tilespmem:$0xCC70] =	vst v0  }
0x3b: {  	[tilespmem:$0xCC80] =	vst v0  }
0x3c: {  	[tilespmem:$0xCC90] =	vst v0  }
0x3d: {  	[tilespmem:$0xCCA0] =	vst v0  }
0x3e: {  	[tilespmem:$0xCCB0] =	vst v0  }
0x3f: {  	[tilespmem:$0xCCC0] =	vst v0  }
0x40: {  	[tilespmem:$0xCCD0] =	vst v0  }
0x41: {  	[tilespmem:$0xCCE0] =	vst v0  }
0x42: {  	[tilespmem:$0xCCF0] =	vst v0  }
0x43: {  	[spmem:s8] =	stream.linear.scatter [tilespmem:s15], [sflag:$0x3], $0x280, $0x38;
	[tilespmem:$0xCF80] =	vst v63  }
0x44: {  	_ =	swait.ge [sflag:s13], $0x280  }
0x45: {  	[sflag:s13] =	ssyncset.done $0x0  }
0x46: {  	[sflag:s13] =	ssyncadd.s32 $0xFFFFFD80  }
0x47: {  	[bflag:$0x0] =	sbarrier.arrive $0xFFFF  }
0x48: {  	[tilespmem:s3], [sflag:$0x3] =	stream.linear.gather [hbm4b:s4+s3], $0x2800, $0x38;
	[tilespmem:$0xCF80] =	vst v63  }
0x49: {  	_ =	swait.ge [sflag:s13], $0x2800  }
0x4a: {  	[sflag:s13] =	ssyncset.done $0x0  }
0x4b: {  	[sflag:s13] =	ssyncadd.s32 $0xFFFFD800  }
0x4c: {  	[tilespmem:s16], [sflag:$0x3] =	stream.linear.gather [hbm4b:s5+s3], $0x2800, $0x38;
	[tilespmem:$0xCF80] =	vst v63  }
0x4d: {  	_ =	swait.ge [sflag:s13], $0x2800  }
0x4e: {  	s25 =	simm.s32 $0x78C0;
	s26 =	simm.s32 $0x5040;
	[sflag:s13] =	ssyncset.done $0x0  }
0x4f: {  	s28 =	simm.s32 $0xA100;
	s29 =	simm.s32 $0x0;
	[sflag:s13] =	ssyncadd.s32 $0xFFFFD800  }
.LBB2_2:
0x50: {  	s30 =	sand.u32 $0x1, s29;
	p0 =	slt.u32 s29, $0x2  }
0x51: {  	s31 =	sadd.s32 @!p0 $0x1, s30  }
0x52: {  	_ =	swait.ge @!p0 [sflag:s31], $0x80  }
0x53: {  	[sflag:s31] =	ssyncset.done @!p0 $0x0  }
0x54: {  	[sflag:s31] =	ssyncadd.s32 @!p0 $0xFFFFFF80  }
0x55: {  	v1 =	vld [tilespmem:s26+$0xFFFFFFC0]  }
0x56: {  	v2 =	vld [tilespmem:s25+$0xFFFFFFC0];
	_ =	sdelay $0x6  }
0x57: {  	v1 =	vld.idx.msk [tilespmem:v1+s3+$0x0], $0xffff  }
0x58: {  	v3 =	vld.idx.msk [tilespmem:v2+s16+$0x0], $0xffff;
	_ =	sdelay $0x4  }
0x59: {  	v1 =	vadd.f32 v3, v1;
	_ =	sdelay $0x1  }
0x5a: {  	v3 =	vmul.f32 $2.000000030e-01, v1  }
0x5b: {  	vm0 =	vgt.f32 v1, $0.0e+00  }
0x5c: {  	v1 =	vsel vm0, v1, v3  }
0x5d: {  	v1 =	vmul.f32 $1.442695020e+00, v1;
	_ =	sdelay $0x1  }
0x5e: {  	(erf) = vpow2.f32 v1;
	_ =	sdelay $0x8  }
0x5f: {  	v1 =	vpop (erf)  }
0x60: {  	s31 =	sshll.u32 s30, $0x7;
	[tilespmem:s28+$0x0] =	vst v1  }
0x61: {  	[tilespmem:s31+$0xC980] =	vst v2  }
0x62: {  	v1 =	vld [tilespmem:s26+$0xFFFFFFD0]  }
0x63: {  	v2 =	vld [tilespmem:s25+$0xFFFFFFD0];
	_ =	sdelay $0x6  }
0x64: {  	v1 =	vld.idx.msk [tilespmem:v1+s3+$0x0], $0xffff  }
0x65: {  	v3 =	vld.idx.msk [tilespmem:v2+s16+$0x0], $0xffff;
	_ =	sdelay $0x4  }
0x66: {  	v1 =	vadd.f32 v3, v1;
	_ =	sdelay $0x1  }
0x67: {  	v3 =	vmul.f32 $2.000000030e-01, v1  }
0x68: {  	vm9 =	vgt.f32 v1, $0.0e+00  }
0x69: {  	v1 =	vsel vm9, v1, v3  }
0x6a: {  	v1 =	vmul.f32 $1.442695020e+00, v1;
	_ =	sdelay $0x1  }
0x6b: {  	(erf) = vpow2.f32 v1;
	_ =	sdelay $0x8  }
0x6c: {  	v1 =	vpop (erf)  }
0x6d: {  	[tilespmem:s28+$0x10] =	vst v1  }
0x6e: {  	[tilespmem:s31+$0xC990] =	vst v2  }
0x6f: {  	v1 =	vld [tilespmem:s26+$0xFFFFFFE0]  }
0x70: {  	v2 =	vld [tilespmem:s25+$0xFFFFFFE0];
	_ =	sdelay $0x6  }
0x71: {  	v1 =	vld.idx.msk [tilespmem:v1+s3+$0x0], $0xffff  }
0x72: {  	v3 =	vld.idx.msk [tilespmem:v2+s16+$0x0], $0xffff;
	_ =	sdelay $0x4  }
0x73: {  	v1 =	vadd.f32 v3, v1;
	_ =	sdelay $0x1  }
0x74: {  	v3 =	vmul.f32 $2.000000030e-01, v1  }
0x75: {  	vm10 =	vgt.f32 v1, $0.0e+00  }
0x76: {  	v1 =	vsel vm10, v1, v3  }
0x77: {  	v1 =	vmul.f32 $1.442695020e+00, v1;
	_ =	sdelay $0x1  }
0x78: {  	(erf) = vpow2.f32 v1;
	_ =	sdelay $0x8  }
0x79: {  	v1 =	vpop (erf)  }
0x7a: {  	[tilespmem:s28+$0x20] =	vst v1  }
0x7b: {  	[tilespmem:s31+$0xC9A0] =	vst v2  }
0x7c: {  	v1 =	vld [tilespmem:s26+$0xFFFFFFF0]  }
0x7d: {  	v2 =	vld [tilespmem:s25+$0xFFFFFFF0];
	_ =	sdelay $0x6  }
0x7e: {  	v1 =	vld.idx.msk [tilespmem:v1+s3+$0x0], $0xffff  }
0x7f: {  	v3 =	vld.idx.msk [tilespmem:v2+s16+$0x0], $0xffff;
	_ =	sdelay $0x4  }
0x80: {  	v1 =	vadd.f32 v3, v1;
	_ =	sdelay $0x1  }
0x81: {  	v3 =	vmul.f32 $2.000000030e-01, v1  }
0x82: {  	vm11 =	vgt.f32 v1, $0.0e+00  }
0x83: {  	v1 =	vsel vm11, v1, v3  }
0x84: {  	v1 =	vmul.f32 $1.442695020e+00, v1;
	_ =	sdelay $0x1  }
0x85: {  	(erf) = vpow2.f32 v1;
	_ =	sdelay $0x8  }
0x86: {  	v1 =	vpop (erf)  }
0x87: {  	[tilespmem:s28+$0x30] =	vst v1  }
0x88: {  	[tilespmem:s31+$0xC9B0] =	vst v2  }
0x89: {  	v1 =	vld [tilespmem:s26+$0x0]  }
0x8a: {  	v2 =	vld [tilespmem:s25+$0x0];
	_ =	sdelay $0x6  }
0x8b: {  	v1 =	vld.idx.msk [tilespmem:v1+s3+$0x0], $0xffff  }
0x8c: {  	v3 =	vld.idx.msk [tilespmem:v2+s16+$0x0], $0xffff;
	_ =	sdelay $0x4  }
0x8d: {  	v1 =	vadd.f32 v3, v1;
	_ =	sdelay $0x1  }
0x8e: {  	v3 =	vmul.f32 $2.000000030e-01, v1  }
0x8f: {  	vm12 =	vgt.f32 v1, $0.0e+00  }
0x90: {  	v1 =	vsel vm12, v1, v3  }
0x91: {  	v1 =	vmul.f32 $1.442695020e+00, v1;
	_ =	sdelay $0x1  }
0x92: {  	(erf) = vpow2.f32 v1;
	_ =	sdelay $0x8  }
0x93: {  	v1 =	vpop (erf)  }
0x94: {  	[tilespmem:s28+$0x40] =	vst v1  }
0x95: {  	[tilespmem:s31+$0xC9C0] =	vst v2  }
0x96: {  	v1 =	vld [tilespmem:s26+$0x10]  }
0x97: {  	v2 =	vld [tilespmem:s25+$0x10];
	_ =	sdelay $0x6  }
0x98: {  	v1 =	vld.idx.msk [tilespmem:v1+s3+$0x0], $0xffff  }
0x99: {  	v3 =	vld.idx.msk [tilespmem:v2+s16+$0x0], $0xffff;
	_ =	sdelay $0x4  }
0x9a: {  	v1 =	vadd.f32 v3, v1;
	_ =	sdelay $0x1  }
0x9b: {  	v3 =	vmul.f32 $2.000000030e-01, v1  }
0x9c: {  	vm13 =	vgt.f32 v1, $0.0e+00  }
0x9d: {  	v1 =	vsel vm13, v1, v3  }
0x9e: {  	v1 =	vmul.f32 $1.442695020e+00, v1;
	_ =	sdelay $0x1  }
0x9f: {  	(erf) = vpow2.f32 v1;
	_ =	sdelay $0x8  }
0xa0: {  	v1 =	vpop (erf)  }
0xa1: {  	[tilespmem:s28+$0x50] =	vst v1  }
0xa2: {  	[tilespmem:s31+$0xC9D0] =	vst v2  }
0xa3: {  	v1 =	vld [tilespmem:s26+$0x20]  }
0xa4: {  	v2 =	vld [tilespmem:s25+$0x20];
	_ =	sdelay $0x6  }
0xa5: {  	v1 =	vld.idx.msk [tilespmem:v1+s3+$0x0], $0xffff  }
0xa6: {  	v3 =	vld.idx.msk [tilespmem:v2+s16+$0x0], $0xffff;
	_ =	sdelay $0x4  }
0xa7: {  	v1 =	vadd.f32 v3, v1;
	_ =	sdelay $0x1  }
0xa8: {  	v3 =	vmul.f32 $2.000000030e-01, v1  }
0xa9: {  	vm14 =	vgt.f32 v1, $0.0e+00  }
0xaa: {  	v1 =	vsel vm14, v1, v3  }
0xab: {  	v1 =	vmul.f32 $1.442695020e+00, v1;
	_ =	sdelay $0x1  }
0xac: {  	(erf) = vpow2.f32 v1;
	_ =	sdelay $0x8  }
0xad: {  	v1 =	vpop (erf)  }
0xae: {  	[tilespmem:s28+$0x60] =	vst v1  }
0xaf: {  	[tilespmem:s31+$0xC9E0] =	vst v2  }
0xb0: {  	v1 =	vld [tilespmem:s26+$0x30]  }
0xb1: {  	v2 =	vld [tilespmem:s25+$0x30];
	_ =	sdelay $0x6  }
0xb2: {  	v1 =	vld.idx.msk [tilespmem:v1+s3+$0x0], $0xffff  }
0xb3: {  	v3 =	vld.idx.msk [tilespmem:v2+s16+$0x0], $0xffff;
	_ =	sdelay $0x4  }
0xb4: {  	v1 =	vadd.f32 v3, v1;
	_ =	sdelay $0x1  }
0xb5: {  	v3 =	vmul.f32 $2.000000030e-01, v1  }
0xb6: {  	vm15 =	vgt.f32 v1, $0.0e+00  }
0xb7: {  	v1 =	vsel vm15, v1, v3  }
0xb8: {  	v1 =	vmul.f32 $1.442695020e+00, v1;
	_ =	sdelay $0x1  }
0xb9: {  	(erf) = vpow2.f32 v1;
	_ =	sdelay $0x6  }
0xba: {  	s29 =	sadd.s32 $0x1, s29  }
0xbb: {  	p0 =	sne.s32 s29, $0x51  }
.Ltmp0:
0xbc: {  	v1 =	vpop (erf);
	(pc) =	sbr.rel @p0 .LBB2_2-.Ltmp0, $4  }
0xbd: {  	[tilespmem:s28+$0x70] =	vst v1  }
0xbe: {  	s30 =	sadd.s32 $0x1, s30;
	s1 =	sadd.s32 $0xC980, s31;
	[tilespmem:s31+$0xC9F0] =	vst v2  }
0xbf: {  	[spmem:s2] =	stream.indirect.scatter.add.f32 [tilespmem:s28], [sflag:s30], $0x1, s1, s17, $0xb8;
	[tilespmem:$0xCF80] =	vst v63  }
0xc0: {  	s25 =	sadd.s32 $0x80, s25;
	s26 =	sadd.s32 $0x80, s26;
	s28 =	sadd.s32 $0x80, s28  }
0xc1: {  	_ =	swait.ge [sflag:s18], $0x80  }
0xc2: {  	[sflag:s18] =	ssyncset.done $0x0  }
0xc3: {  	[sflag:s18] =	ssyncadd.s32 $0xFFFFFF80  }
0xc4: {  	_ =	swait.ge [sflag:s19], $0x80  }
0xc5: {  	[sflag:s19] =	ssyncset.done $0x0  }
0xc6: {  	[sflag:s19] =	ssyncadd.s32 $0xFFFFFF80  }
0xc7: {  	[hbm4b:s9+s17] =	stream.strided.scatter [tilespmem:s21], [sflag:$0x3], $0x2880, s20, s17, $0x38;
	[tilespmem:$0xCF80] =	vst v63  }
0xc8: {  	_ =	swait.ge [sflag:s13], $0x2880  }
0xc9: {  	s1 =	sshll.u32 s0, $0x6;
	s24 =	sadd.s32 $0x1, s24;
	[sflag:s13] =	ssyncset.done $0x0  }
0xca: {  	s25 =	sshrl.u32 s8, $0x3;
	p0 =	sne.s32 s24, s11;
	[sflag:s13] =	ssyncadd.s32 $0xFFFFD780  }
.Ltmp1:
0xcb: {  	s1 =	sor.u32 $0x1C03, s1;
	[bflag:$0x0] =	sbarrier.arrive $0xFFFF;
	(pc) =	sbr.rel @p0 .LBB2_1-.Ltmp1, $4  }
0xcc: {  	[hbm:s10@s22], [sflag:s1] =	dma.strided [spmem:s25@s23], $0x50, s18, $0x10   }
0xcd: {  	_ =	swait.ge [sflag:s13], $0x50  }
0xce: {  	[sflag:s13] =	ssyncset.done $0x0  }
0xcf: {  	[sflag:s13] =	ssyncadd.s32 $0xFFFFFFB0  }
0xd0: {  	_ =	sfence.sel $0x180000  }
0xd1: {  	[bflag:$0x0] =	sbarrier.arrive $0xFFFF  }
0xd2: {  	_ =	strace $0x9000004D  }
0xd3: {  	[bflag:$0x2] =	sbarrier.arrive $0xFFFF  }
0xd4: {  	p0 =	sne.s32 s0, $0x0;
	s0 =	rddreg [dreg:$0x3]  }
0xd5: {  	s0 =	sadd.s32 @!p0 $0x100000, s0  }
0xd6: {  	[sflag:s0] =	ssyncadd.tile.s32 @!p0 $0x1;
	_ =	shalt  }
.Lfunc_end2:
_tile_overlayer_lowered:
.L_overlay_start_2:
0xd7: {  	(tag) =	ssettag $0x2  }
0xd8: {  	s0 =	rddreg [dreg:$0x0];
	s2 =	stileid.u32  }
0xd9: {  	s1 =	rddreg [dreg:$0x1];
	p0 =	sne.s32 s2, $0x0  }
0xda: {  	s3 =	rddreg [dreg:$0x2];
	[bflag:$0x3] =	sbarrier.arrive $0xFFFF;
	s2 =	simm.s32 @!p0 $0x1C03  }
0xdb: {  	[timem:s3], [sflag:s2] =	dma.local @!p0 [hbm:s0], s1  }
0xdc: {  	s0 =	simm.s32 @!p0 $0x3  }
0xdd: {  	_ =	swait.ge @!p0 [sflag:s0], s1  }
0xde: {  	s1 =	ssub.s32 @!p0 $0x0, s1;
	[sflag:s0] =	ssyncset.done @!p0 $0x0  }
0xdf: {  	[sflag:s0] =	ssyncadd.s32 @!p0 s1  }
0xe0: {  	[bflag:$0x3] =	sbarrier.arrive $0xFFFF  }
0xe1: {  	_ =	shalt  }

// kernel: kernel.20.cloned.1.call-start
scs
__scs_entry_jumppad:
0x0: {  	(pc) =	sbr.rel $0x88, $3  }
0x1: {  	(tag) =	ssettag $0x0;
	lr =	simm.s32 $0x1  }
0x2: {  	[smem:$0x3F95] =	sst lr;
	_ =	strace $0xD0000000  }
0x3: {  	_ = 	snop  }
0x4: {  	_ = 	snop  }
0x5: {  	_ = 	snop  }
0x6: {  	_ = 	snop  }
0x7: {  	_ = 	snop  }
__scs_overlays_trampoline_lowered:
0x8: {  	[smem:$0x3FA4] =	sst s0  }
0x9: {  	[smem:$0x3FA5] =	sst s1  }
0xa: {  	[smem:$0x3FA6] =	sst s2  }
0xb: {  	[smem:$0x3FA7] =	sst s3  }
0xc: {  	[smem:$0x3FA8] =	sst s4  }
0xd: {  	[smem:$0x3FA9] =	sst s5  }
0xe: {  	[smem:$0x3FAA] =	sst s6  }
0xf: {  	[smem:$0x3FAB] =	sst s7  }
0x10: {  	[smem:$0x3FAC] =	sst s8  }
0x11: {  	[smem:$0x3FAD] =	sst s9;
	s0 =	simm.s32 @!p0 $0x0  }
0x12: {  	s1 =	sld [smem:$0x3F93];
	s0 =	simm.s32 @p0 $0x1  }
0x13: {  	[smem:$0x3FAE] =	sst s0;
	s0 =	simm.s32 @!p1 $0x0  }
0x14: {  	s2 =	sld [smem:$0x3F92];
	s0 =	simm.s32 @p1 $0x1  }
0x15: {  	[smem:$0x3FAF] =	sst s0;
	s0 =	simm.s32 @!p2 $0x0  }
0x16: {  	s3 =	sld [smem:$0x3FDB];
	s0 =	simm.s32 @p2 $0x1  }
0x17: {  	s4 =	simm.s32 $0x1BF5;
	[smem:$0x3FB1] =	sst s0  }
0x18: {  	s0 =	sld [smem:$0x3F94];
	_ =	swait.ge [sflag:s4], $0x0  }
0x19: {  	s7 =	sld [smem:$0x3F95]  }
0x1a: {  	s8 =	sadd.s32 $0xFFFFE003, lr  }
0x1b: {  	s9 =	sadd.s32 $0xFFFFFEF7, lr;
	s5 =	simm.s32 $0xFFFFFFFF;
	p2 =	slt.u32 s8, $0xFFFFF086  }
0x1c: {  	p1 =	slt.u32 s9, $0xF7A;
	s5 =	simm.s32 @!p2 $0x0  }
0x1d: {  	s5 =	simm.s32 @p1 $0x1;
	p0 =	seq.s32 s7, s2  }
0x1e: {  	s7 =	smul.u32 @!p0 $0xF7A, s2;
	p2 =	seq.s32 @!p0 s5, $0x0  }
0x1f: {  	s9 =	smul.u32 $0xF7A, s1;
	s8 =	simm.s32 @!p0 $0x1BF5;
	p2 =	por !p2, p0  }
0x20: {  	[sflag:s8] =	ssyncset.s32 @!p0 $0xFFFFF086;
	s6 =	sadd.s32 @!p0 s3, s7;
	s7 =	simm.s32 @!p0 $0x108  }
0x21: {  	s3 =	sadd.s32 s3, s9;
	s6 =	sadd.s32 @!p0 $0x88, s6;
	s7 =	simm.s32 @p2 $0x1082  }
0x22: {  	[simem:s7], [sflag:s8] =	dma.local @!p0 [hbm:s6], $0xF7A  }
0x23: {  	s9 =	sor.u32 $0xD0000000, s2;
	s6 =	simm.s32 $0x108;
	_ =	swait.ge @!p0 [sflag:s8], $0x0  }
0x24: {  	s3 =	sadd.s32 $0x88, s3;
	s6 =	simm.s32 @!p1 $0x1082;
	[sflag:s4] =	ssyncset.s32 $0xFFFFF086  }
0x25: {  	[simem:s6], [sflag:s4] =	dma.local [hbm:s3], $0xF7A  }
0x26: {  	[smem:$0x3F95] =	sst s1;
	(tag) =	ssettag s2;
	_ =	strace s9  }
0x27: {  	s1 =	sld [smem:$0x3FA5]  }
0x28: {  	s2 =	sld [smem:$0x3FA6]  }
0x29: {  	s4 =	sld [smem:$0x3FA8]  }
0x2a: {  	p0 =	seq.s32 s5, $0x0;
	s5 =	sld [smem:$0x3FA9]  }
0x2b: {  	s6 =	sld [smem:$0x3FAA]  }
0x2c: {  	s7 =	sld [smem:$0x3FAB]  }
0x2d: {  	s3 =	simm.s32 $0x108;
	s8 =	sld [smem:$0x3FAC]  }
0x2e: {  	s3 =	simm.s32 @!p0 $0x1082;
	s9 =	sld [smem:$0x3FAD]  }
0x2f: {  	lr =	sadd.s32 s0, s3;
	s0 =	sld [smem:$0x3FA4]  }
0x30: {  	s3 =	sld [smem:$0x3FA7]  }
0x31: {  	[smem:$0x3FB0] =	sst s10  }
0x32: {  	s10 =	sld [smem:$0x3FAE];
	_ =	sdelay $0x3  }
0x33: {  	p0 =	seq.s32 s10, $0x1;
	s10 =	sld [smem:$0x3FB0];
	_ =	sdelay $0x3  }
0x34: {  	[smem:$0x3FB0] =	sst s10  }
0x35: {  	s10 =	sld [smem:$0x3FAF];
	_ =	sdelay $0x3  }
0x36: {  	p1 =	seq.s32 s10, $0x1;
	s10 =	sld [smem:$0x3FB0];
	_ =	sdelay $0x3  }
0x37: {  	[smem:$0x3FB0] =	sst s10  }
0x38: {  	s10 =	sld [smem:$0x3FB1]  }
0x39: {  	_ = 	snop;
	(pc) =	sbr.ind lr, $3  }
0x3a: {  	_ = 	snop  }
0x3b: {  	_ = 	snop  }
0x3c: {  	p2 =	seq.s32 s10, $0x1;
	s10 =	sld [smem:$0x3FB0]  }
0x3d: {  	_ =	shalt  }
0x3e: {  	_ =	shalt  }
0x3f: {  	_ =	shalt  }
0x40: {  	_ =	shalt  }
0x41: {  	_ =	shalt  }
0x42: {  	_ =	shalt  }
0x43: {  	_ =	shalt  }
0x44: {  	_ =	shalt  }
0x45: {  	_ =	shalt  }
0x46: {  	_ =	shalt  }
0x47: {  	_ =	shalt  }
0x48: {  	_ =	shalt  }
0x49: {  	_ =	shalt  }
0x4a: {  	_ =	shalt  }
0x4b: {  	_ =	shalt  }
0x4c: {  	_ =	shalt  }
0x4d: {  	_ =	shalt  }
0x4e: {  	_ =	shalt  }
0x4f: {  	_ =	shalt  }
0x50: {  	_ =	shalt  }
0x51: {  	_ =	shalt  }
0x52: {  	_ =	shalt  }
0x53: {  	_ =	shalt  }
0x54: {  	_ =	shalt  }
0x55: {  	_ =	shalt  }
0x56: {  	_ =	shalt  }
0x57: {  	_ =	shalt  }
0x58: {  	_ =	shalt  }
0x59: {  	_ =	shalt  }
0x5a: {  	_ =	shalt  }
0x5b: {  	_ =	shalt  }
0x5c: {  	_ =	shalt  }
0x5d: {  	_ =	shalt  }
0x5e: {  	_ =	shalt  }
0x5f: {  	_ =	shalt  }
0x60: {  	_ =	shalt  }
0x61: {  	_ =	shalt  }
0x62: {  	_ =	shalt  }
0x63: {  	_ =	shalt  }
0x64: {  	_ =	shalt  }
0x65: {  	_ =	shalt  }
0x66: {  	_ =	shalt  }
0x67: {  	_ =	shalt  }
0x68: {  	_ =	shalt  }
0x69: {  	_ =	shalt  }
0x6a: {  	_ =	shalt  }
0x6b: {  	_ =	shalt  }
0x6c: {  	_ =	shalt  }
0x6d: {  	_ =	shalt  }
0x6e: {  	_ =	shalt  }
0x6f: {  	_ =	shalt  }
0x70: {  	_ =	shalt  }
0x71: {  	_ =	shalt  }
0x72: {  	_ =	shalt  }
0x73: {  	_ =	shalt  }
0x74: {  	_ =	shalt  }
0x75: {  	_ =	shalt  }
0x76: {  	_ =	shalt  }
0x77: {  	_ =	shalt  }
0x78: {  	_ =	shalt  }
0x79: {  	_ =	shalt  }
0x7a: {  	_ =	shalt  }
0x7b: {  	_ =	shalt  }
0x7c: {  	_ =	shalt  }
0x7d: {  	_ =	shalt  }
0x7e: {  	_ =	shalt  }
0x7f: {  	_ =	shalt  }
0x80: {  	_ =	shalt  }
0x81: {  	_ =	shalt  }
0x82: {  	_ =	shalt  }
0x83: {  	_ =	shalt  }
0x84: {  	_ =	shalt  }
0x85: {  	_ =	shalt  }
0x86: {  	_ =	shalt  }
0x87: {  	_ =	shalt  }
.Lfunc_end0:
.L_simem_size_0:
called_computation.3_lowered:
.L_overlay_start_0:
0x88: {  	s2 =	sld [smem:$0x3FD9]  }
0x89: {  	s3 =	sld [smem:$0x3FFE];
	_ =	sdelay $0x1  }
0x8a: {  	s1 =	srdreg.scid  }
0x8b: {  	s0 =	sand.u32 $0x1, s1  }
0x8c: {  	s17 =	sshll.u32 s0, $0xA;
	s2 =	sadd.s32 s3, s2  }
0x8d: {  	s2 =	sadd.s32 s2, s17  }
0x8e: {  	[smem:$0x3FBC] =	sst s2  }
0x8f: {  	_ = 	snop  }
0x90: {  	s2 =	sld [smem:$0x3FD0];
	(tm) =	ssettm $0x1  }
0x91: {  	s18 =	sld [smem:$0x3FFB];
	_ =	sdelay $0x3  }
0x92: {  	_ =	strace s18  }
0x93: {  	s3 =	sld [smem:$0x3FFC];
	_ =	sdelay $0x3  }
0x94: {  	_ =	strace s3  }
0x95: {  	s3 =	sld [smem:$0x3FFD];
	_ =	sdelay $0x3  }
0x96: {  	_ =	strace s3  }
0x97: {  	_ =	strace $0x8FFFFFFF  }
0x98: {  	s19 =	sld [smem:$0x3FDB];
	_ =	sdelay $0x1  }
0x99: {  	s4 =	simm.s32 $_scs_section_size  }
0x9a: {  	s5 =	simm.s32 $_size__tile_overlayer_lowered;
	s6 =	simm.s32 $_tile_overlayer_lowered  }
0x9b: {  	s22 =	simm.s32 $0x1BFF;
	s21 =	sshll.u32 s6, $0x1;
	s3 =	sadd.s32 s4, s19  }
0x9c: {  	s7 =	simm.s32 $0x0;
	s20 =	sshll.u32 s5, $0x1;
	s5 =	sadd.s32 s21, s3  }
0x9d: {  	[timem:s7], [sflag:s22] =	dma.local [hbm:s5], s20  }
0x9e: {  	_ =	swait.ge [sflag:s22], s20  }
0x9f: {  	s4 =	ssub.s32 $0x0, s20;
	[sflag:s22] =	ssyncset.done $0x0  }
0xa0: {  	[sflag:s22] =	ssyncadd.s32 s4;
	_ =	sdelay $0x1  }
0xa1: {  	s23 =	simm.s32 $0x1B8B  }
0xa2: {  	_ =	swait.ge [sflag:s23], $0x1  }
0xa3: {  	[sflag:s23] =	ssyncset.done $0x0  }
0xa4: {  	s25 =	simm.s32 $0x1B8E;
	s24 =	sld [smem:$0x3FFE];
	[sflag:s23] =	ssyncadd.s32 $0xFFFFFFFF  }
0xa5: {  	s26 =	simm.s32 $execute0_lowered;
	[smem:$0x3FD2] =	sst s25  }
0xa6: {  	s5 =	sshll.u32 s26, $0x1;
	_ =	strace $0x8000004F;
	[dreg:$0x1] =	wrdreg $0xFFFFFFFF  }
0xa7: {  	s28 =	simm.s32 $_size_execute0_lowered;
	s3 =	sadd.s32 s3, s5;
	[dreg:$0x0] =	wrdreg $0x0  }
0xa8: {  	s5 =	sshll.u32 s28, $0x1;
	[dreg:$0x2] =	wrdreg s3  }
0xa9: {  	[dreg:$0x3] =	wrdreg s5  }
0xaa: {  	[dreg:$0x4] =	wrdreg $0xC0  }
0xab: {  	_ =	task [dreg:s7], $0x5FFFF  }
0xac: {  	[dreg:$0x1] =	wrdreg $0xFFFFFFFF  }
0xad: {  	[dreg:$0x0] =	wrdreg $0x60  }
0xae: {  	[dreg:$0x2] =	wrdreg s24  }
0xaf: {  	[dreg:$0x3] =	wrdreg s2  }
0xb0: {  	[dreg:$0x4] =	wrdreg $0xB0000  }
0xb1: {  	[dreg:$0x5] =	wrdreg $0x9  }
0xb2: {  	_ =	task.clear_ibuf [dreg:s7], $0x6FFFF;
	_ =	strace $0x9000004F  }
0xb3: {  	s29 =	simm.s32 $0x9;
	_ =	strace $0x80000051  }
0xb4: {  	_ =	swait.ge [sflag:s29], $0x1  }
0xb5: {  	[sflag:s29] =	ssyncadd.s32 $0xFFFFFFFF  }
0xb6: {  	_ =	strace $0x90000051  }
0xb7: {  	_ =	sfence  }
0xb8: {  	s30 =	sld [smem:$0x0];
	_ =	sdelay $0x2  }
0xb9: {  	s31 =	sshll.u32 s1, $0xD;
	s1 =	sshrl.u32 s1, $0x2  }
0xba: {  	s3 =	sand.u32 $0x4000, s31;
	s1 =	sadd.s32 s1, s30  }
0xbb: {  	s0 =	sor.u32 s3, s0;
	s1 =	sshll.u32 s1, $0x11  }
0xbc: {  	s0 =	sor.u32 s1, s0  }
0xbd: {  	s0 =	sadd.s32 $0x8F2B, s0  }
0xbe: {  	[sflag:s0] =	ssyncadd.remote.s32 $0x1  }
0xbf: {  	_ =	sfence.sel $0xFFFF  }
0xc0: {  	[dreg:$0x0] =	wrdreg $0xFFFFFFFF;
	(pc) =	sbr.abs _section_cstart, $3  }
0xc1: {  	[dreg:$0x1] =	wrdreg $0xFFFFFFFF  }
0xc2: {  	_ =	task.clear_ibuf [dreg:s7], $0x2FFFF;
	_ =	strace $0x9FFFFFFF  }
0xc3: {  	(tm) =	ssettm $0x7FFFFFFF  }
tec
execute0_lowered:
.L_overlay_start_1:
0x0: {  	(tag) =	ssettag $0x1  }
0x1: {  	s0 =	rddreg [dreg:$0x0]  }
0x2: {  	s1 =	rddreg [dreg:$0x1]  }
0x3: {  	s2 =	rddreg [dreg:$0x2]  }
0x4: {  	s3 =	srdreg.scid;
	s12 =	stileid.u32  }
0x5: {  	s4 =	simm.s32 $0x0;
	s3 =	sand.u32 $0x1, s3;
	s9 =	smul.u32 $0x14000, s12  }
0x6: {  	[smem:$0x7FF] =	sst s4;
	s5 =	sadd.s32 $0xB800, s0;
	s8 =	smul.u32 $0x140000, s3  }
0x7: {  	s10 =	smul.u32 $0x50000, s12;
	s6 =	sadd.s32 $0x34E00, s0;
	s28 =	ssub.s32 $0x2, s3  }
0x8: {  	s7 =	sadd.s32 $0x1600, s0;
	s11 =	sshrl.u32 s28, $0x1;
	s8 =	sadd.s32 s9, s8  }
0x9: {  	s10 =	sshrl.u32 s10, $0x2;
	s9 =	ssub.s32 s28, s11;
	s8 =	sshrl.u32 s8, $0x3  }
0xa: {  	s25 =	smax.u32 s9, $0x1;
	s0 =	sadd.s32 s8, s0;
	s8 =	sadd.s32 s10, s2  }
0xb: {  	_ =	strace $0x80000050;
	[dreg:$0x10] =	wrdreg s25;
	s10 =	sadd.s32 $0x1400, s8  }
0xc: {  	s29 =	sadd.s32 $0x2800, s8;
	[dreg:$0x4] =	wrdreg s10  }
0xd: {  	s30 =	sadd.s32 $0x3C00, s8;
	[dreg:$0x5] =	wrdreg s29  }
0xe: {  	s13 =	sshll.u32 s12, $0x1;
	s11 =	sadd.s32 $0x5000, s8;
	[dreg:$0x6] =	wrdreg s30  }
0xf: {  	s15 =	sshrl.u32 s12, $0x2;
	s14 =	sadd.s32 $0x6400, s8;
	[dreg:$0x7] =	wrdreg s11  }
0x10: {  	s12 =	simm.s32 $0x3;
	s16 =	sadd.s32 $0x7800, s8;
	[dreg:$0x8] =	wrdreg s14  }
0x11: {  	s3 =	sor.u32 s3, s13;
	s18 =	sadd.s32 $0x8C00, s8;
	[dreg:$0x9] =	wrdreg s16  }
0x12: {  	s13 =	simm.s32 $0x4;
	s20 =	sadd.s32 $0xA000, s8;
	[dreg:$0xa] =	wrdreg s18  }
0x13: {  	s17 =	sshll.u32 s3, $0x7;
	s21 =	sadd.s32 $0xB400, s8;
	[dreg:$0xb] =	wrdreg s20  }
0x14: {  	s19 =	sand.u32 $0x380, s17;
	s22 =	sadd.s32 $0xC800, s8;
	[dreg:$0xc] =	wrdreg s21  }
0x15: {  	s9 =	simm.s32 $0x80;
	s0 =	sadd.s32 $0x3F000, s0;
	[dreg:$0xd] =	wrdreg s22  }
0x16: {  	s26 =	sadd.s32 $0xDC00, s8;
	s28 =	sadd.s32 $0xF000, s8;
	[dreg:$0xf] =	wrdreg s0  }
0x17: {  	s31 =	sadd.s32 $0x12C00, s8;
	s10 =	smul.u32 $0x14400, s15;
	[dreg:$0x11] =	wrdreg s26  }
0x18: {  	s16 =	smul.u32 $0x2880, s3;
	[dreg:$0x12] =	wrdreg s28;
	s29 =	sadd.s32 $0x10400, s8  }
0x19: {  	s30 =	sadd.s32 $0x11800, s8;
	s0 =	simm.s32 $0x9C00;
	s3 =	simm.s32 $0x7  }
0x1a: {  	s11 =	simm.s32 $0x9300;
	s14 =	simm.s32 $0x0;
	s19 =	sor.u32 s10, s19  }
0x1b: {  	[dreg:$0x13] =	wrdreg s29;
	s23 =	sshrl.u32 s16, $0x3;
	s10 =	sshrl.u32 s19, $0x3  }
0x1c: {  	[dreg:$0x14] =	wrdreg s30;
	s21 =	sadd.s32 s1, s23;
	s24 =	sadd.s32 s6, s10  }
0x1d: {  	v0 =	vimm.f32 $0.0e+00;
	s22 =	sadd.s32 s7, s23;
	s10 =	simm.s32 $0x400;
	[dreg:$0xe] =	wrdreg s24  }
.LBB2_1:
0x1e: {  	s15 =	simm.s32 $0x0;
	s17 =	simm.s32 $0x200  }
.LBB2_2:
0x1f: {  	p0 =	sne.s32 s17, $0x4E00;
	[tilespmem:s15+$0x9C70] =	vst v0  }
0x20: {  	[tilespmem:s15+$0x9C00] =	vst v0  }
0x21: {  	[tilespmem:s15+$0x9C10] =	vst v0  }
.Ltmp0:
0x22: {  	[tilespmem:s15+$0x9C20] =	vst v0;
	(pc) =	sbr.rel @p0 .LBB2_2-.Ltmp0, $4  }
0x23: {  	[tilespmem:s15+$0x9C30] =	vst v0  }
0x24: {  	[tilespmem:s15+$0x9C40] =	vst v0  }
0x25: {  	[tilespmem:s15+$0x9C50] =	vst v0  }
0x26: {  	[tilespmem:s15+$0x9C60] =	vst v0;
	s15 =	sshra.s32 s17, $0x2;
	s17 =	sadd.s32 $0x200, s17  }
0x27: {  	[tilespmem:s15+$0x9C70] =	vst v0  }
0x28: {  	[tilespmem:s15+$0x9C00] =	vst v0  }
0x29: {  	[tilespmem:s15+$0x9C10] =	vst v0  }
0x2a: {  	[tilespmem:s15+$0x9C20] =	vst v0  }
0x2b: {  	[tilespmem:s15+$0x9C30] =	vst v0  }
0x2c: {  	[tilespmem:s15+$0x9C40] =	vst v0  }
0x2d: {  	[tilespmem:s15+$0x9C50] =	vst v0  }
0x2e: {  	[tilespmem:s15+$0x9C60] =	vst v0  }
0x2f: {  	[spmem:s8] =	stream.linear.scatter [tilespmem:s0], [sflag:$0x7], $0x1400, $0x38;
	[tilespmem:$0x1F000] =	vst v63  }
0x30: {  	_ =	swait.ge [sflag:s3], $0x1400  }
0x31: {  	[sflag:s3] =	ssyncset.done $0x0  }
0x32: {  	s29 =	rddreg [dreg:$0x4];
	[sflag:s3] =	ssyncadd.s32 $0xFFFFEC00  }
0x33: {  	[spmem:s29] =	stream.linear.scatter [tilespmem:s0], [sflag:$0x7], $0x1400, $0x38;
	[tilespmem:$0x1F000] =	vst v63  }
0x34: {  	_ =	swait.ge [sflag:s3], $0x1400  }
0x35: {  	[sflag:s3] =	ssyncset.done $0x0  }
0x36: {  	s30 =	rddreg [dreg:$0x5];
	[sflag:s3] =	ssyncadd.s32 $0xFFFFEC00  }
0x37: {  	[spmem:s30] =	stream.linear.scatter [tilespmem:s0], [sflag:$0x7], $0x1400, $0x38;
	[tilespmem:$0x1F000] =	vst v63  }
0x38: {  	_ =	swait.ge [sflag:s3], $0x1400  }
0x39: {  	[sflag:s3] =	ssyncset.done $0x0  }
0x3a: {  	s17 =	rddreg [dreg:$0x6];
	[sflag:s3] =	ssyncadd.s32 $0xFFFFEC00  }
0x3b: {  	[spmem:s17] =	stream.linear.scatter [tilespmem:s0], [sflag:$0x7], $0x1400, $0x38;
	[tilespmem:$0x1F000] =	vst v63  }
0x3c: {  	_ =	swait.ge [sflag:s3], $0x1400  }
0x3d: {  	[sflag:s3] =	ssyncset.done $0x0  }
0x3e: {  	s18 =	rddreg [dreg:$0x7];
	[sflag:s3] =	ssyncadd.s32 $0xFFFFEC00  }
0x3f: {  	[spmem:s18] =	stream.linear.scatter [tilespmem:s0], [sflag:$0x7], $0x1400, $0x38;
	[tilespmem:$0x1F000] =	vst v63  }
0x40: {  	_ =	swait.ge [sflag:s3], $0x1400  }
0x41: {  	[sflag:s3] =	ssyncset.done $0x0  }
0x42: {  	s20 =	rddreg [dreg:$0x8];
	[sflag:s3] =	ssyncadd.s32 $0xFFFFEC00  }
0x43: {  	[spmem:s20] =	stream.linear.scatter [tilespmem:s0], [sflag:$0x7], $0x1400, $0x38;
	[tilespmem:$0x1F000] =	vst v63  }
0x44: {  	_ =	swait.ge [sflag:s3], $0x1400  }
0x45: {  	[sflag:s3] =	ssyncset.done $0x0  }
0x46: {  	s23 =	rddreg [dreg:$0x9];
	[sflag:s3] =	ssyncadd.s32 $0xFFFFEC00  }
0x47: {  	[spmem:s23] =	stream.linear.scatter [tilespmem:s0], [sflag:$0x7], $0x1400, $0x38;
	[tilespmem:$0x1F000] =	vst v63  }
0x48: {  	_ =	swait.ge [sflag:s3], $0x1400  }
0x49: {  	[sflag:s3] =	ssyncset.done $0x0  }
0x4a: {  	s24 =	rddreg [dreg:$0xa];
	[sflag:s3] =	ssyncadd.s32 $0xFFFFEC00  }
0x4b: {  	[spmem:s24] =	stream.linear.scatter [tilespmem:s0], [sflag:$0x7], $0x1400, $0x38;
	[tilespmem:$0x1F000] =	vst v63  }
0x4c: {  	_ =	swait.ge [sflag:s3], $0x1400  }
0x4d: {  	[sflag:s3] =	ssyncset.done $0x0  }
0x4e: {  	s25 =	rddreg [dreg:$0xb];
	[sflag:s3] =	ssyncadd.s32 $0xFFFFEC00  }
0x4f: {  	[spmem:s25] =	stream.linear.scatter [tilespmem:s0], [sflag:$0x7], $0x1400, $0x38;
	[tilespmem:$0x1F000] =	vst v63  }
0x50: {  	_ =	swait.ge [sflag:s3], $0x1400  }
0x51: {  	[sflag:s3] =	ssyncset.done $0x0  }
0x52: {  	s26 =	rddreg [dreg:$0xc];
	[sflag:s3] =	ssyncadd.s32 $0xFFFFEC00  }
0x53: {  	[spmem:s26] =	stream.linear.scatter [tilespmem:s0], [sflag:$0x7], $0x1400, $0x38;
	[tilespmem:$0x1F000] =	vst v63  }
0x54: {  	_ =	swait.ge [sflag:s3], $0x1400  }
0x55: {  	[sflag:s3] =	ssyncset.done $0x0  }
0x56: {  	s28 =	rddreg [dreg:$0xd];
	[sflag:s3] =	ssyncadd.s32 $0xFFFFEC00  }
0x57: {  	[spmem:s28] =	stream.linear.scatter [tilespmem:s0], [sflag:$0x7], $0x1400, $0x38;
	[tilespmem:$0x1F000] =	vst v63  }
0x58: {  	_ =	swait.ge [sflag:s3], $0x1400  }
0x59: {  	[sflag:s3] =	ssyncset.done $0x0  }
0x5a: {  	s29 =	rddreg [dreg:$0x11];
	[sflag:s3] =	ssyncadd.s32 $0xFFFFEC00  }
0x5b: {  	[spmem:s29] =	stream.linear.scatter [tilespmem:s0], [sflag:$0x7], $0x1400, $0x38;
	[tilespmem:$0x1F000] =	vst v63  }
0x5c: {  	_ =	swait.ge [sflag:s3], $0x1400  }
0x5d: {  	[sflag:s3] =	ssyncset.done $0x0  }
0x5e: {  	s30 =	rddreg [dreg:$0x12];
	[sflag:s3] =	ssyncadd.s32 $0xFFFFEC00  }
0x5f: {  	[spmem:s30] =	stream.linear.scatter [tilespmem:s0], [sflag:$0x7], $0x1400, $0x38;
	[tilespmem:$0x1F000] =	vst v63  }
0x60: {  	_ =	swait.ge [sflag:s3], $0x1400  }
0x61: {  	[sflag:s3] =	ssyncset.done $0x0  }
0x62: {  	s17 =	rddreg [dreg:$0x13];
	[sflag:s3] =	ssyncadd.s32 $0xFFFFEC00  }
0x63: {  	[spmem:s17] =	stream.linear.scatter [tilespmem:s0], [sflag:$0x7], $0x1400, $0x38;
	[tilespmem:$0x1F000] =	vst v63  }
0x64: {  	_ =	swait.ge [sflag:s3], $0x1400  }
0x65: {  	[sflag:s3] =	ssyncset.done $0x0  }
0x66: {  	s18 =	rddreg [dreg:$0x14];
	[sflag:s3] =	ssyncadd.s32 $0xFFFFEC00  }
0x67: {  	[spmem:s18] =	stream.linear.scatter [tilespmem:s0], [sflag:$0x7], $0x1400, $0x38;
	[tilespmem:$0x1F000] =	vst v63  }
0x68: {  	_ =	swait.ge [sflag:s3], $0x1400  }
0x69: {  	[sflag:s3] =	ssyncset.done $0x0  }
0x6a: {  	[sflag:s3] =	ssyncadd.s32 $0xFFFFEC00  }
0x6b: {  	[spmem:s31] =	stream.linear.scatter [tilespmem:s0], [sflag:$0x7], $0x1400, $0x38;
	[tilespmem:$0x1F000] =	vst v63  }
0x6c: {  	_ =	swait.ge [sflag:s3], $0x1400  }
0x6d: {  	[sflag:s3] =	ssyncset.done $0x0  }
0x6e: {  	[sflag:s3] =	ssyncadd.s32 $0xFFFFEC00  }
0x6f: {  	s20 =	simm.s32 $0x8000;
	s17 =	simm.s32 $0x0;
	[bflag:$0x0] =	sbarrier.arrive $0xFFFF  }
0x70: {  	[tilespmem:s20], [sflag:$0x5] =	stream.linear.gather [hbm4b:s21+s17], $0x80, $0x38;
	[tilespmem:$0x1F000] =	vst v63  }
0x71: {  	s23 =	sadd.s32 $0x10, s21;
	s18 =	simm.s32 $0x8100  }
0x72: {  	[tilespmem:s18], [sflag:$0x5] =	stream.linear.gather [hbm4b:s23+s17], $0x80, $0x38;
	[tilespmem:$0x1F000] =	vst v63  }
0x73: {  	s24 =	sadd.s32 $0x20, s21;
	s25 =	simm.s32 $0x8200  }
0x74: {  	[tilespmem:s25], [sflag:$0x5] =	stream.linear.gather [hbm4b:s24+s17], $0x80, $0x38;
	[tilespmem:$0x1F000] =	vst v63  }
0x75: {  	s26 =	sadd.s32 $0x30, s21;
	s28 =	simm.s32 $0x8300  }
0x76: {  	[tilespmem:s28], [sflag:$0x5] =	stream.linear.gather [hbm4b:s26+s17], $0x80, $0x38;
	[tilespmem:$0x1F000] =	vst v63  }
0x77: {  	s29 =	sadd.s32 $0x40, s21;
	s30 =	simm.s32 $0x8400  }
0x78: {  	[tilespmem:s30], [sflag:$0x5] =	stream.linear.gather [hbm4b:s29+s17], $0x80, $0x38;
	[tilespmem:$0x1F000] =	vst v63  }
0x79: {  	s20 =	sadd.s32 $0x50, s21;
	s23 =	simm.s32 $0x8500  }
0x7a: {  	[tilespmem:s23], [sflag:$0x5] =	stream.linear.gather [hbm4b:s20+s17], $0x80, $0x38;
	[tilespmem:$0x1F000] =	vst v63  }
0x7b: {  	s24 =	sadd.s32 $0x60, s21;
	s25 =	simm.s32 $0x8600  }
0x7c: {  	[tilespmem:s25], [sflag:$0x5] =	stream.linear.gather [hbm4b:s24+s17], $0x80, $0x38;
	[tilespmem:$0x1F000] =	vst v63  }
0x7d: {  	s26 =	sadd.s32 $0x70, s21;
	s28 =	simm.s32 $0x8700  }
0x7e: {  	[tilespmem:s28], [sflag:$0x5] =	stream.linear.gather [hbm4b:s26+s17], $0x80, $0x38;
	[tilespmem:$0x1F000] =	vst v63  }
0x7f: {  	s29 =	sadd.s32 $0x80, s21;
	s30 =	simm.s32 $0x8800  }
0x80: {  	[tilespmem:s30], [sflag:$0x5] =	stream.linear.gather [hbm4b:s29+s17], $0x80, $0x38;
	[tilespmem:$0x1F000] =	vst v63  }
0x81: {  	s18 =	simm.s32 $0x8900  }
0x82: {  	[tilespmem:s18], [sflag:$0x5] =	stream.linear.gather [hbm4b:s22+s17], $0x80, $0x38;
	[tilespmem:$0x1F000] =	vst v63  }
0x83: {  	s20 =	sadd.s32 $0x10, s22;
	s23 =	simm.s32 $0x8A00  }
0x84: {  	[tilespmem:s23], [sflag:$0x5] =	stream.linear.gather [hbm4b:s20+s17], $0x80, $0x38;
	[tilespmem:$0x1F000] =	vst v63  }
0x85: {  	s24 =	sadd.s32 $0x20, s22;
	s25 =	simm.s32 $0x8B00  }
0x86: {  	[tilespmem:s25], [sflag:$0x5] =	stream.linear.gather [hbm4b:s24+s17], $0x80, $0x38;
	[tilespmem:$0x1F000] =	vst v63  }
0x87: {  	s26 =	sadd.s32 $0x30, s22;
	s28 =	simm.s32 $0x8C00  }
0x88: {  	[tilespmem:s28], [sflag:$0x5] =	stream.linear.gather [hbm4b:s26+s17], $0x80, $0x38;
	[tilespmem:$0x1F000] =	vst v63  }
0x89: {  	s29 =	sadd.s32 $0x40, s22;
	s30 =	simm.s32 $0x8D00  }
0x8a: {  	[tilespmem:s30], [sflag:$0x5] =	stream.linear.gather [hbm4b:s29+s17], $0x80, $0x38;
	[tilespmem:$0x1F000] =	vst v63  }
0x8b: {  	s18 =	sadd.s32 $0x50, s22;
	s20 =	simm.s32 $0x8E00  }
0x8c: {  	[tilespmem:s20], [sflag:$0x5] =	stream.linear.gather [hbm4b:s18+s17], $0x80, $0x38;
	[tilespmem:$0x1F000] =	vst v63  }
0x8d: {  	s23 =	sadd.s32 $0x60, s22;
	s24 =	simm.s32 $0x8F00  }
0x8e: {  	[tilespmem:s24], [sflag:$0x5] =	stream.linear.gather [hbm4b:s23+s17], $0x80, $0x38;
	[tilespmem:$0x1F000] =	vst v63  }
0x8f: {  	s25 =	sadd.s32 $0x70, s22;
	s26 =	simm.s32 $0x9000  }
0x90: {  	[tilespmem:s26], [sflag:$0x5] =	stream.linear.gather [hbm4b:s25+s17], $0x80, $0x38;
	[tilespmem:$0x1F000] =	vst v63  }
0x91: {  	s28 =	sadd.s32 $0x80, s22;
	s29 =	simm.s32 $0x9100  }
0x92: {  	[tilespmem:s29], [sflag:$0x5] =	stream.linear.gather [hbm4b:s28+s17], $0x80, $0x38;
	[tilespmem:$0x1F000] =	vst v63  }
0x93: {  	s30 =	rddreg [dreg:$0xe]  }
0x94: {  	[tilespmem:s11], [sflag:$0x5] =	stream.strided.gather [hbm4b:s30+s9], $0x480, s10, s9, $0x38;
	[tilespmem:$0x1F000] =	vst v63  }
.LBB2_4:
0x95: {  	p0 =	seq.s32 s17, $0x8  }
.Ltmp1:
0x96: {  	_ = 	snop;
	(pc) =	sbr.rel @p0 .LBB2_6-.Ltmp1, $2  }
0x97: {  	_ =	sdelay $0x2  }
0x98: {  	s15 =	sadd.s32 $0x1, s17  }
0x99: {  	s18 =	smul.u32 $0x480, s15;
	_ =	sdelay $0x1  }
0x9a: {  	s20 =	sshll.u32 s15, $0x7;
	s18 =	sadd.s32 s16, s18  }
0x9b: {  	s23 =	sand.u32 $0x1, s15;
	s20 =	sand.u32 $0x80, s20;
	s18 =	sshrl.u32 s18, $0x3  }
0x9c: {  	s24 =	sadd.s32 $0x5, s23;
	s25 =	sor.u32 $0x8000, s20;
	s26 =	sadd.s32 s1, s18  }
0x9d: {  	[tilespmem:s25], [sflag:s24] =	stream.linear.gather [hbm4b:s26+s4], $0x80, $0x38;
	[tilespmem:$0x1F000] =	vst v63  }
0x9e: {  	s28 =	sor.u32 $0x8100, s20;
	s30 =	sadd.s32 $0x10, s26  }
0x9f: {  	[tilespmem:s28], [sflag:s24] =	stream.linear.gather [hbm4b:s30+s4], $0x80, $0x38;
	[tilespmem:$0x1F000] =	vst v63  }
0xa0: {  	s29 =	sadd.s32 $0x20, s26;
	s30 =	sor.u32 $0x8200, s20  }
0xa1: {  	[tilespmem:s30], [sflag:s24] =	stream.linear.gather [hbm4b:s29+s4], $0x80, $0x38;
	[tilespmem:$0x1F000] =	vst v63  }
0xa2: {  	s29 =	sadd.s32 $0x30, s26;
	s30 =	sor.u32 $0x8300, s20  }
0xa3: {  	[tilespmem:s30], [sflag:s24] =	stream.linear.gather [hbm4b:s29+s4], $0x80, $0x38;
	[tilespmem:$0x1F000] =	vst v63  }
0xa4: {  	s29 =	sadd.s32 $0x40, s26;
	s30 =	sor.u32 $0x8400, s20  }
0xa5: {  	[tilespmem:s30], [sflag:s24] =	stream.linear.gather [hbm4b:s29+s4], $0x80, $0x38;
	[tilespmem:$0x1F000] =	vst v63  }
0xa6: {  	s29 =	sadd.s32 $0x50, s26;
	s30 =	sor.u32 $0x8500, s20  }
0xa7: {  	[tilespmem:s30], [sflag:s24] =	stream.linear.gather [hbm4b:s29+s4], $0x80, $0x38;
	[tilespmem:$0x1F000] =	vst v63  }
0xa8: {  	s29 =	sadd.s32 $0x60, s26;
	s30 =	sor.u32 $0x8600, s20  }
0xa9: {  	[tilespmem:s30], [sflag:s24] =	stream.linear.gather [hbm4b:s29+s4], $0x80, $0x38;
	[tilespmem:$0x1F000] =	vst v63  }
0xaa: {  	s29 =	sadd.s32 $0x70, s26;
	s30 =	sor.u32 $0x8700, s20  }
0xab: {  	[tilespmem:s30], [sflag:s24] =	stream.linear.gather [hbm4b:s29+s4], $0x80, $0x38;
	[tilespmem:$0x1F000] =	vst v63  }
0xac: {  	s28 =	sadd.s32 $0x80, s26;
	s29 =	sor.u32 $0x8800, s20  }
0xad: {  	[tilespmem:s29], [sflag:s24] =	stream.linear.gather [hbm4b:s28+s4], $0x80, $0x38;
	[tilespmem:$0x1F000] =	vst v63  }
0xae: {  	s18 =	sadd.s32 s7, s18;
	s30 =	sor.u32 $0x8900, s20  }
0xaf: {  	[tilespmem:s30], [sflag:s24] =	stream.linear.gather [hbm4b:s18+s4], $0x80, $0x38;
	[tilespmem:$0x1F000] =	vst v63  }
0xb0: {  	s26 =	sadd.s32 $0x10, s18;
	s28 =	sor.u32 $0x8A00, s20  }
0xb1: {  	[tilespmem:s28], [sflag:s24] =	stream.linear.gather [hbm4b:s26+s4], $0x80, $0x38;
	[tilespmem:$0x1F000] =	vst v63  }
0xb2: {  	s29 =	sadd.s32 $0x20, s18;
	s30 =	sor.u32 $0x8B00, s20  }
0xb3: {  	[tilespmem:s30], [sflag:s24] =	stream.linear.gather [hbm4b:s29+s4], $0x80, $0x38;
	[tilespmem:$0x1F000] =	vst v63  }
0xb4: {  	s26 =	sadd.s32 $0x30, s18;
	s28 =	sor.u32 $0x8C00, s20  }
0xb5: {  	[tilespmem:s28], [sflag:s24] =	stream.linear.gather [hbm4b:s26+s4], $0x80, $0x38;
	[tilespmem:$0x1F000] =	vst v63  }
0xb6: {  	s29 =	sadd.s32 $0x40, s18;
	s30 =	sor.u32 $0x8D00, s20  }
0xb7: {  	[tilespmem:s30], [sflag:s24] =	stream.linear.gather [hbm4b:s29+s4], $0x80, $0x38;
	[tilespmem:$0x1F000] =	vst v63  }
0xb8: {  	s26 =	sadd.s32 $0x50, s18;
	s28 =	sor.u32 $0x8E00, s20  }
0xb9: {  	[tilespmem:s28], [sflag:s24] =	stream.linear.gather [hbm4b:s26+s4], $0x80, $0x38;
	[tilespmem:$0x1F000] =	vst v63  }
0xba: {  	s29 =	sadd.s32 $0x60, s18;
	s30 =	sor.u32 $0x8F00, s20  }
0xbb: {  	[tilespmem:s30], [sflag:s24] =	stream.linear.gather [hbm4b:s29+s4], $0x80, $0x38;
	[tilespmem:$0x1F000] =	vst v63  }
0xbc: {  	s26 =	sadd.s32 $0x70, s18;
	s28 =	sor.u32 $0x9000, s20;
	s29 =	smul.u32 $0x2400, s15  }
0xbd: {  	[tilespmem:s28], [sflag:s24] =	stream.linear.gather [hbm4b:s26+s4], $0x80, $0x38;
	[tilespmem:$0x1F000] =	vst v63  }
0xbe: {  	s18 =	sadd.s32 $0x80, s18;
	s20 =	sor.u32 $0x9100, s20;
	s30 =	smul.u32 $0x1200, s23  }
0xbf: {  	[tilespmem:s20], [sflag:s24] =	stream.linear.gather [hbm4b:s18+s4], $0x80, $0x38;
	[tilespmem:$0x1F000] =	vst v63  }
0xc0: {  	s18 =	sadd.s32 s19, s29  }
0xc1: {  	s20 =	sshrl.u32 s30, $0x2;
	s18 =	sshrl.u32 s18, $0x3  }
0xc2: {  	s20 =	sadd.s32 $0x9300, s20;
	s18 =	sadd.s32 s6, s18  }
0xc3: {  	[tilespmem:s20], [sflag:s24] =	stream.strided.gather [hbm4b:s18+s9], $0x480, s10, s9, $0x38;
	[tilespmem:$0x1F000] =	vst v63  }
.LBB2_6:
0xc4: {  	s18 =	sand.u32 $0x1, s17  }
0xc5: {  	s20 =	sadd.s32 $0x5, s18  }
0xc6: {  	_ =	swait.ge [sflag:s20], $0x480  }
0xc7: {  	[sflag:s20] =	ssyncset.done $0x0  }
0xc8: {  	[sflag:s20] =	ssyncadd.s32 $0xFFFFFB80  }
0xc9: {  	_ =	swait.ge [sflag:s20], $0x480  }
0xca: {  	[sflag:s20] =	ssyncset.done $0x0  }
0xcb: {  	s29 =	sshll.u32 s17, $0x7;
	[sflag:s20] =	ssyncadd.s32 $0xFFFFFB80  }
0xcc: {  	s24 =	simm.s32 $0x0;
	p0 =	por $0x0, $0x0;
	v1 =	vmov s18;
	_ =	swait.ge [sflag:s20], $0x480  }
0xcd: {  	s23 =	sand.u32 $0x80, s29;
	s18 =	simm.s32 $0x0;
	v1 =	vmul.u32 $0x480, v1;
	[sflag:s20] =	ssyncset.done $0x0  }
0xce: {  	s17 =	sor.u32 $0x8000, s23;
	s30 =	sor.u32 $0x8900, s23;
	[sflag:s20] =	ssyncadd.s32 $0xFFFFFB80  }
0xcf: {  	v2 =	vmov s30;
	v1 =	vbroadcast v1, $0x0;
	[tilespmem:s24], [sflag:$0x1] =	stream.indirect.gather [hbm4b:s5+s9], $0x80, s17, s9, $0xb8;
	[tilespmem:$0x1F000] =	vst v63  }
.LBB2_7:
0xd0: {  	p1 =	seq.s32 s24, $0x0  }
.Ltmp2:
0xd1: {  	_ = 	snop;
	(pc) =	sbr.rel @p1 .LBB2_10-.Ltmp2, $3  }
0xd2: {  	_ =	sdelay $0x1  }
0xd3: {  	s20 =	sadd.s32 $0x1, s24  }
0xd4: {  	s23 =	sand.u32 $0x1, s20  }
0xd5: {  	p1 =	seq.s32 s24, $0x8  }
.Ltmp3:
0xd6: {  	_ = 	snop;
	(pc) =	sbr.rel @p1 .LBB2_11-.Ltmp3, $1  }
0xd7: {  	_ =	sdelay $0x3  }
0xd8: {  	s25 =	sadd.s32 $0x3, s23  }
0xd9: {  	_ =	swait.ge [sflag:s25], $0x4000  }
0xda: {  	[sflag:s25] =	ssyncset.done $0x0  }
0xdb: {  	[sflag:s25] =	ssyncadd.s32 $0xFFFFC000  }
.LBB2_10:
0xdc: {  	s25 =	sshll.u32 s20, $0x8  }
0xdd: {  	s25 =	sand.u32 $0x3FFFFF00, s25  }
0xde: {  	s26 =	sshll.u32 s23, $0xE;
	s30 =	sadd.s32 $0x1, s23;
	s25 =	sadd.s32 s25, s17  }
0xdf: {  	[tilespmem:s26], [sflag:s30] =	stream.indirect.gather [hbm4b:s5+s9], $0x80, s25, s9, $0xb8;
	[tilespmem:$0x1F000] =	vst v63  }
.LBB2_11:
0xe0: {  	s23 =	sand.u32 $0x1, s24  }
0xe1: {  	s25 =	sadd.s32 $0x1, s23  }
0xe2: {  	_ =	swait.ge [sflag:s25], $0x4000  }
0xe3: {  	s26 =	sshll.u32 s24, $0x8;
	[sflag:s25] =	ssyncset.done $0x0  }
0xe4: {  	s24 =	sand.u32 $0x3FFFFF00, s26;
	[sflag:s25] =	ssyncadd.s32 $0xFFFFC000  }
0xe5: {  	v3 =	vld.idx.msk [tilespmem:v2+s24+$0x0 ss:$0x1], $0xffff;
	_ =	sdelay $0x3  }
0xe6: {  	s25 =	sshll.u32 s23, $0x7  }
0xe7: {  	[tilespmem:s25+$0x9200] =	vst v3  }
0xe8: {  	v3 =	vld.idx.msk [tilespmem:v2+s24+$0x10 ss:$0x1], $0xffff;
	_ =	sdelay $0x4  }
0xe9: {  	[tilespmem:s25+$0x9210] =	vst v3  }
0xea: {  	v3 =	vld.idx.msk [tilespmem:v2+s24+$0x20 ss:$0x1], $0xffff;
	_ =	sdelay $0x4  }
0xeb: {  	[tilespmem:s25+$0x9220] =	vst v3  }
0xec: {  	v3 =	vld.idx.msk [tilespmem:v2+s24+$0x30 ss:$0x1], $0xffff;
	_ =	sdelay $0x4  }
0xed: {  	[tilespmem:s25+$0x9230] =	vst v3  }
0xee: {  	v3 =	vld.idx.msk [tilespmem:v2+s24+$0x40 ss:$0x1], $0xffff;
	_ =	sdelay $0x4  }
0xef: {  	[tilespmem:s25+$0x9240] =	vst v3  }
0xf0: {  	v3 =	vld.idx.msk [tilespmem:v2+s24+$0x50 ss:$0x1], $0xffff;
	_ =	sdelay $0x4  }
0xf1: {  	[tilespmem:s25+$0x9250] =	vst v3  }
0xf2: {  	v3 =	vld.idx.msk [tilespmem:v2+s24+$0x60 ss:$0x1], $0xffff;
	_ =	sdelay $0x3  }
0xf3: {  	s30 =	sadd.s32 $0x0, s18  }
0xf4: {  	v4 =	vmov s30;
	[tilespmem:s25+$0x9260] =	vst v3  }
0xf5: {  	v5 =	vand.u32 $0x780, v4;
	v3 =	vld.idx.msk [tilespmem:v2+s24+$0x70 ss:$0x1], $0xffff  }
0xf6: {  	v4 =	vand.u32 $0x7E, v4;
	v5 =	vadd.s32 v1, v5  }
0xf7: {  	s26 =	simm.s32 $0x1;
	v5 =	vor.u32 v4, v5  }
0xf8: {  	s26 =	simm.s32 @!p0 $0x0  }
0xf9: {  	s26 =	sshll.u32 s26, $0xE  }
0xfa: {  	s29 =	sor.u32 $0x80, s26;
	[tilespmem:s25+$0x9270] =	vst v3  }
0xfb: {  	v7 =	vld [tilespmem:s29+$0xFFFFFFF0]  }
0xfc: {  	v5 =	vld.idx.msk [tilespmem:v5+s11+$0x0], $0xffff  }
0xfd: {  	v8 =	vld [tilespmem:s29+$0xFFFFFF80]  }
0xfe: {  	v9 =	vld [tilespmem:s29+$0xFFFFFFA0]  }
0xff: {  	v10 =	vld [tilespmem:s29+$0xFFFFFFB0]  }
0x100: {  	v6 =	vld [tilespmem:s29+$0xFFFFFFD0]  }
0x101: {  	v12 =	vld [tilespmem:s29+$0xFFFFFF90];
	v7 =	vmul.f32 v7, v5  }
0x102: {  	s24 =	sadd.s32 $0x1, s30;
	v11 =	vld [tilespmem:s29+$0xFFFFFFE0];
	v8 =	vmul.f32 v8, v5  }
0x103: {  	v14 =	vmov s24;
	v13 =	vld [tilespmem:s29+$0xFFFFFFC0];
	v9 =	vmul.f32 v9, v5;
	[tilespmem:s29+$0xFFFFFFF0] =	vst v7  }
0x104: {  	v10 =	vmul.f32 v10, v5;
	v7 =	vand.u32 $0x780, v14;
	[tilespmem:s29+$0xFFFFFF80] =	vst v8  }
0x105: {  	v6 =	vmul.f32 v6, v5;
	[tilespmem:s29+$0xFFFFFFA0] =	vst v9;
	v8 =	vand.u32 $0x7F, v14;
	v7 =	vadd.s32 v1, v7  }
0x106: {  	v63 =	vmul.f32 v12, v5;
	[tilespmem:s29+$0xFFFFFFB0] =	vst v10;
	v8 =	vor.u32 v8, v7  }
0x107: {  	v3 =	vld [tilespmem:s29+$0x0];
	[tilespmem:s29+$0xFFFFFFD0] =	vst v6;
	v7 =	vmul.f32 v11, v5  }
0x108: {  	v4 =	vld [tilespmem:s29+$0x10];
	[tilespmem:s29+$0xFFFFFF90] =	vst v63;
	v5 =	vmul.f32 v13, v5  }
0x109: {  	v6 =	vld [tilespmem:s29+$0x70];
	[tilespmem:s29+$0xFFFFFFE0] =	vst v7  }
0x10a: {  	s28 =	simm.s32 $0x2;
	v7 =	vld [tilespmem:s29+$0x20];
	[tilespmem:s29+$0xFFFFFFC0] =	vst v5  }
0x10b: {  	s26 =	sshll.u32 s23, $0xE;
	s24 =	smov.u32 s29;
	s25 =	sor.u32 $0x9200, s25;
	v5 =	vld.idx.msk [tilespmem:v8+s11+$0x0], $0xffff  }
.LBB2_12:
0x10c: {  	p1 =	sne.s32 s28, $0x7E  }
0x10d: {  	v8 =	vld [tilespmem:s29+$0x50];
	s24 =	sadd.s32 $0x100, s24;
	s30 =	smov.u32 s28;
	s28 =	sadd.s32 $0x2, s28  }
0x10e: {  	v9 =	vld [tilespmem:s29+$0x30]  }
0x10f: {  	v10 =	vld [tilespmem:s29+$0x40]  }
0x110: {  	v11 =	vld [tilespmem:s29+$0x60];
	_ =	sdelay $0x1  }
0x111: {  	v3 =	vmul.f32 v3, v5;
	v4 =	vmul.f32 v4, v5  }
0x112: {  	s30 =	sadd.s32 s30, s18;
	v7 =	vmul.f32 v7, v5;
	v9 =	vmul.f32 v9, v5  }
0x113: {  	v12 =	vmov s30;
	s30 =	sadd.s32 $0x1, s30;
	v8 =	vmul.f32 v8, v5;
	[tilespmem:s29+$0x0] =	vst v3;
	v10 =	vmul.f32 v10, v5  }
0x114: {  	v13 =	vand.u32 $0x780, v12;
	v3 =	vld [tilespmem:s24+$0x0];
	[tilespmem:s29+$0x20] =	vst v7;
	v7 =	vmul.f32 v11, v5;
	v5 =	vmul.f32 v6, v5  }
0x115: {  	v6 =	vand.u32 $0x7E, v12;
	v11 =	vadd.s32 v1, v13;
	v12 =	vmov s30;
	[tilespmem:s29+$0x10] =	vst v4  }
0x116: {  	v6 =	vor.u32 v6, v11;
	v11 =	vand.u32 $0x780, v12;
	v4 =	vld [tilespmem:s24+$0x10];
	[tilespmem:s29+$0x50] =	vst v8  }
0x117: {  	v11 =	vadd.s32 v1, v11;
	v8 =	vld [tilespmem:s24+$0xFFFFFFD0];
	[tilespmem:s29+$0x70] =	vst v5  }
0x118: {  	v5 =	vld [tilespmem:s24+$0xFFFFFFB0];
	[tilespmem:s29+$0x60] =	vst v7  }
0x119: {  	v7 =	vld [tilespmem:s24+$0xFFFFFFE0];
	[tilespmem:s29+$0x30] =	vst v9  }
0x11a: {  	v9 =	vld [tilespmem:s24+$0xFFFFFFF0];
	[tilespmem:s29+$0x40] =	vst v10;
	s29 =	smov.u32 s24  }
0x11b: {  	v6 =	vld.idx.msk [tilespmem:v6+s11+$0x0], $0xffff  }
0x11c: {  	v10 =	vld [tilespmem:s24+$0xFFFFFF80]  }
0x11d: {  	v13 =	vld [tilespmem:s24+$0xFFFFFFA0]  }
0x11e: {  	v14 =	vld [tilespmem:s24+$0xFFFFFF90]  }
0x11f: {  	v15 =	vld [tilespmem:s24+$0xFFFFFFC0];
	_ =	sdelay $0x1  }
0x120: {  	v9 =	vmul.f32 v9, v6;
	v10 =	vmul.f32 v10, v6  }
0x121: {  	v7 =	vmul.f32 v7, v6;
	v13 =	vmul.f32 v13, v6  }
0x122: {  	v5 =	vmul.f32 v5, v6;
	v14 =	vmul.f32 v14, v6;
	[tilespmem:s24+$0xFFFFFFF0] =	vst v9  }
0x123: {  	[tilespmem:s24+$0xFFFFFF80] =	vst v10;
	v9 =	vmul.f32 v15, v6;
	v6 =	vmul.f32 v8, v6  }
0x124: {  	v8 =	vand.u32 $0x7F, v12;
	[tilespmem:s24+$0xFFFFFFA0] =	vst v13  }
0x125: {  	[tilespmem:s24+$0xFFFFFFB0] =	vst v5;
	v5 =	vor.u32 v8, v11  }
.Ltmp4:
0x126: {  	[tilespmem:s24+$0xFFFFFFD0] =	vst v6;
	(pc) =	sbr.rel @p1 .LBB2_12-.Ltmp4, $4  }
0x127: {  	[tilespmem:s24+$0xFFFFFF90] =	vst v14  }
0x128: {  	[tilespmem:s24+$0xFFFFFFE0] =	vst v7;
	v7 =	vld [tilespmem:s24+$0x20]  }
0x129: {  	[tilespmem:s24+$0xFFFFFFC0] =	vst v9;
	v6 =	vld [tilespmem:s24+$0x70]  }
0x12a: {  	v5 =	vld.idx.msk [tilespmem:v5+s11+$0x0], $0xffff  }
0x12b: {  	_ =	sdelay $0x2  }
0x12c: {  	v9 =	vld [tilespmem:s29+$0x60]  }
0x12d: {  	v8 =	vld [tilespmem:s29+$0x50];
	v3 =	vmul.f32 v3, v5  }
0x12e: {  	v11 =	vld [tilespmem:s29+$0x40];
	v7 =	vmul.f32 v7, v5  }
0x12f: {  	v10 =	vld [tilespmem:s29+$0x30];
	v4 =	vmul.f32 v4, v5;
	[tilespmem:s29+$0x0] =	vst v3  }
0x130: {  	v6 =	vmul.f32 v6, v5;
	[tilespmem:s29+$0x20] =	vst v7  }
0x131: {  	v62 =	vmul.f32 v9, v5;
	[tilespmem:s29+$0x10] =	vst v4  }
0x132: {  	p1 =	sne.s32 s20, $0x9;
	v3 =	vmul.f32 v8, v5;
	[tilespmem:s29+$0x70] =	vst v6  }
.Ltmp5:
0x133: {  	v63 =	vmul.f32 v11, v5;
	[tilespmem:s29+$0x60] =	vst v62;
	(pc) =	sbr.rel @p1 .LBB2_7-.Ltmp5, $4  }
0x134: {  	[tilespmem:s29+$0x50] =	vst v3;
	v3 =	vmul.f32 v10, v5  }
0x135: {  	s23 =	sadd.s32 $0x3, s23;
	[tilespmem:s29+$0x40] =	vst v63  }
0x136: {  	s18 =	sadd.s32 $0x80, s18;
	p0 =	por !p0, !p0;
	s24 =	smov.u32 s20;
	[tilespmem:s29+$0x30] =	vst v3  }
0x137: {  	[spmem:s2] =	stream.indirect.scatter.add.f32 [tilespmem:s26], [sflag:s23], $0x80, s25, s9, $0xb8;
	[tilespmem:$0x1F000] =	vst v63  }
0x138: {  	_ =	swait.ge [sflag:s12], $0x4000;
	p0 =	sne.s32 s15, $0x9  }
.Ltmp6:
0x139: {  	[sflag:s12] =	ssyncset.done $0x0;
	(pc) =	sbr.rel @p0 .LBB2_4-.Ltmp6, $4  }
0x13a: {  	[sflag:s12] =	ssyncadd.s32 $0xFFFFC000  }
0x13b: {  	_ =	swait.ge [sflag:s13], $0x4000  }
0x13c: {  	[sflag:s13] =	ssyncset.done $0x0  }
0x13d: {  	s17 =	smov.u32 s15;
	[sflag:s13] =	ssyncadd.s32 $0xFFFFC000  }
0x13e: {  	s15 =	stileid.u32  }
0x13f: {  	[bflag:$0x0] =	sbarrier.arrive $0xFFFF;
	s15 =	sshll.u32 s15, $0x6  }
0x140: {  	s17 =	sshrl.u32 s8, $0x3;
	s18 =	rddreg [dreg:$0xf];
	s15 =	sor.u32 $0x1C07, s15  }
0x141: {  	[hbm:s18], [sflag:s15] =	dma.local [spmem:s17], $0x2800  }
0x142: {  	_ =	swait.ge [sflag:s3], $0x2800  }
0x143: {  	s14 =	sadd.s32 $0x1, s14;
	s30 =	rddreg [dreg:$0x10]  }
0x144: {  	p0 =	sne.s32 s14, s30  }
.Ltmp7:
0x145: {  	_ = 	snop;
	(pc) =	sbr.rel @p0 .LBB2_1-.Ltmp7, $3  }
0x146: {  	[sflag:s3] =	ssyncset.done $0x0  }
0x147: {  	[sflag:s3] =	ssyncadd.s32 $0xFFFFD800  }
0x148: {  	[bflag:$0x0] =	sbarrier.arrive $0xFFFF;
	_ =	sdelay $0x1  }
0x149: {  	_ =	sfence.sel $0x180000  }
0x14a: {  	[bflag:$0x0] =	sbarrier.arrive $0xFFFF  }
0x14b: {  	_ =	strace $0x90000050  }
0x14c: {  	s0 =	stileid.u32;
	[bflag:$0x2] =	sbarrier.arrive $0xFFFF  }
0x14d: {  	p0 =	sne.s32 s0, $0x0;
	s0 =	rddreg [dreg:$0x3]  }
0x14e: {  	s0 =	sadd.s32 @!p0 $0x100000, s0  }
0x14f: {  	[sflag:s0] =	ssyncadd.tile.s32 @!p0 $0x1;
	_ =	shalt  }
.Lfunc_end2:
_tile_overlayer_lowered:
.L_overlay_start_2:
0x150: {  	(tag) =	ssettag $0x2  }
0x151: {  	s0 =	rddreg [dreg:$0x0];
	s2 =	stileid.u32  }
0x152: {  	s1 =	rddreg [dreg:$0x1];
	p0 =	sne.s32 s2, $0x0  }
0x153: {  	s3 =	rddreg [dreg:$0x2];
	[bflag:$0x3] =	sbarrier.arrive $0xFFFF;
	s2 =	simm.s32 @!p0 $0x1C07  }
0x154: {  	[timem:s3], [sflag:s2] =	dma.local @!p0 [hbm:s0], s1  }
0x155: {  	s0 =	simm.s32 @!p0 $0x7  }
0x156: {  	_ =	swait.ge @!p0 [sflag:s0], s1  }
0x157: {  	s1 =	ssub.s32 @!p0 $0x0, s1;
	[sflag:s0] =	ssyncset.done @!p0 $0x0  }
0x158: {  	[sflag:s0] =	ssyncadd.s32 @!p0 s1  }
0x159: {  	[bflag:$0x3] =	sbarrier.arrive $0xFFFF  }
0x15a: {  	_ =	shalt  }

</sc_bundles>
